<compile_context>
chip_gen: v7x
topology: tpu7x:2x2x1
jax: 0.10.2.dev20260603
libtpu: 0.0.44.dev20260713+nightly
codegen_flags: <defaults>
</compile_context>

<pallas_src>
import functools
import jax
import jax.numpy as jnp
from jax import lax
from jax.experimental import pallas as pl
from jax.experimental.pallas import tpu as pltpu
from jax.experimental.pallas import tpu_sc as plsc

N = 10000
DIM = 128
H = 8
DH = DIM // H
NPAD = 10240
NT = 2 * NPAD
PADROW = 10100
CH = 128
HHALF = 4
VW = HHALF * DH
ACCW = VW + 16
NSUB = 16



def _mlp2_body(x_ref, w1_ref, b1_ref, w2_ref, b2_ref, o_ref):
    u = jnp.maximum(
        jnp.dot(x_ref[...], w1_ref[...], preferred_element_type=jnp.float32)
        + b1_ref[...], 0.0)
    o_ref[...] = (
        jnp.dot(u, w2_ref[...], preferred_element_type=jnp.float32)
        + b2_ref[...])


def _mlp2_pallas(x, w1, b1, w2, b2, block_rows):
    rows, k = x.shape
    d1 = w1.shape[1]
    d2 = w2.shape[1]
    return pl.pallas_call(
        _mlp2_body,
        grid=(rows // block_rows,),
        in_specs=[
            pl.BlockSpec((block_rows, k), lambda i: (i, 0)),
            pl.BlockSpec((k, d1), lambda i: (0, 0)),
            pl.BlockSpec((1, d1), lambda i: (0, 0)),
            pl.BlockSpec((d1, d2), lambda i: (0, 0)),
            pl.BlockSpec((1, d2), lambda i: (0, 0)),
        ],
        out_specs=pl.BlockSpec((block_rows, d2), lambda i: (i, 0)),
        out_shape=jax.ShapeDtypeStruct((rows, d2), jnp.float32),
    )(x, w1, b1, w2, b2)



def _proj_body(x_ref, wl_ref, wr_ref, la_ref, lb_ref, ra_ref, rb_ref):
    x = x_ref[...]
    xl = jnp.dot(x, wl_ref[...], preferred_element_type=jnp.float32)
    xr = jnp.dot(x, wr_ref[...], preferred_element_type=jnp.float32)
    la_ref[...] = xl[:, :VW]
    lb_ref[...] = xl[:, VW:]
    ra_ref[...] = xr[:, :VW]
    rb_ref[...] = xr[:, VW:]


def _proj_pallas(x, wl, wr, block_rows):
    rows = x.shape[0]
    half = jax.ShapeDtypeStruct((rows, VW), jnp.float32)
    return pl.pallas_call(
        _proj_body,
        grid=(rows // block_rows,),
        in_specs=[
            pl.BlockSpec((block_rows, DIM), lambda i: (i, 0)),
            pl.BlockSpec((DIM, DIM), lambda i: (0, 0)),
            pl.BlockSpec((DIM, DIM), lambda i: (0, 0)),
        ],
        out_specs=[pl.BlockSpec((block_rows, VW), lambda i: (i, 0))] * 4,
        out_shape=[half, half, half, half],
    )(x, wl, wr)



def _edge_kernel_body(xl_hbm, xr_hbm, src_hbm, dst_hbm, a_hbm, out_hbm,
                      sidx, didx, xlg, xrg, val, av, acc, sem, sem2):
    cid = lax.axis_index("c")
    sid = lax.axis_index("s")
    ept = src_hbm.shape[1] // NSUB
    nchunk = ept // CH
    tile_base = sid * ept
    goff = cid * NPAD

    pltpu.sync_copy(a_hbm, av)

    def zrow(r, _):
        for c in range(ACCW // 16):
            val[r, pl.ds(c * 16, 16)] = jnp.zeros((16,), jnp.float32)
        return 0
    lax.fori_loop(0, CH, zrow, 0)
    rows_per_tile = NPAD // NSUB
    for z in range(rows_per_tile // CH):
        pltpu.sync_copy(val, acc.at[pl.ds(sid * rows_per_tile + z * CH, CH)])
    plsc.subcore_barrier()

    lane = lax.iota(jnp.int32, 16)

    def chunk(k, _):
        base = tile_base + k * CH
        pltpu.sync_copy(src_hbm.at[cid, pl.ds(base, CH)], sidx)
        pltpu.sync_copy(dst_hbm.at[cid, pl.ds(base, CH)], didx)
        cp1 = pltpu.async_copy(xl_hbm.at[sidx], xlg, sem)
        cp2 = pltpu.async_copy(xr_hbm.at[didx], xrg, sem2)
        cp1.wait()
        cp2.wait()

        def edge(ed, _):
            wlanes = jnp.zeros((16,), jnp.float32)
            for h in range(HHALF):
                xlv = xlg[ed, pl.ds(h * DH, DH)]
                xrv = xrg[ed, pl.ds(h * DH, DH)]
                s = xlv + xrv
                m = jnp.where(s > 0, s, 0.2 * s)
                t = m * av[pl.ds(h * DH, DH)]
                e = jnp.sum(t)
                wv = jnp.exp(jnp.full((16,), e, jnp.float32))
                val[ed, pl.ds(h * DH, DH)] = wv * xlv
                wlanes = jnp.where(lane == h, wv, wlanes)
            val[ed, pl.ds(VW, 16)] = wlanes
            return 0
        lax.fori_loop(0, CH, edge, 0)

        for c in range(CH // 16):
            didx[pl.ds(c * 16, 16)] = didx[pl.ds(c * 16, 16)] - goff
        pltpu.sync_copy(val, acc.at[didx], add=True)
        return 0
    lax.fori_loop(0, nchunk, chunk, 0)

    plsc.subcore_barrier()
    for z in range(rows_per_tile // CH):
        r0 = sid * rows_per_tile + z * CH
        pltpu.sync_copy(acc.at[pl.ds(r0, CH)],
                        out_hbm.at[cid, pl.ds(r0, CH)])


def _edge_pass(xl, xr, srcp, dstp, a_half):
    mesh = plsc.VectorSubcoreMesh(core_axis_name="c", subcore_axis_name="s")
    kfn = functools.partial(
        pl.kernel,
        mesh=mesh,
        compiler_params=pltpu.CompilerParams(needs_layout_passes=False,
                                             use_tc_tiling_on_sc=False),
        out_type=jax.ShapeDtypeStruct((2, NPAD, ACCW), jnp.float32),
        scratch_types=[
            pltpu.VMEM((CH,), jnp.int32),
            pltpu.VMEM((CH,), jnp.int32),
            pltpu.VMEM((CH, VW), jnp.float32),
            pltpu.VMEM((CH, VW), jnp.float32),
            pltpu.VMEM((CH, ACCW), jnp.float32),
            pltpu.VMEM((VW,), jnp.float32),
            pltpu.VMEM_SHARED((NPAD, ACCW), jnp.float32),
            pltpu.SemaphoreType.DMA,
            pltpu.SemaphoreType.DMA,
        ],
    )(_edge_kernel_body)
    return kfn(xl, xr, srcp, dstp, a_half)



def _pair_gather_body(h_hbm, i0_hbm, i1_hbm, xs_hbm, xt_hbm,
                      idx0, idx1, b0, b1, sem, sem2):
    cid = lax.axis_index("c")
    sid = lax.axis_index("s")
    wid = sid * 2 + cid
    ept = i0_hbm.shape[0] // 32
    nchunk = ept // CH
    tile_base = wid * ept

    def chunk(k, _):
        base = tile_base + k * CH
        pltpu.sync_copy(i0_hbm.at[pl.ds(base, CH)], idx0)
        pltpu.sync_copy(i1_hbm.at[pl.ds(base, CH)], idx1)
        cp1 = pltpu.async_copy(h_hbm.at[idx0], b0, sem)
        cp2 = pltpu.async_copy(h_hbm.at[idx1], b1, sem2)
        cp1.wait()
        cp2.wait()
        pltpu.sync_copy(b0, xs_hbm.at[pl.ds(base, CH)])
        pltpu.sync_copy(b1, xt_hbm.at[pl.ds(base, CH)])
        return 0
    lax.fori_loop(0, nchunk, chunk, 0)


def _pair_gather(h_table, i0, i1):
    ejp = i0.shape[0]
    mesh = plsc.VectorSubcoreMesh(core_axis_name="c", subcore_axis_name="s")
    kfn = functools.partial(
        pl.kernel,
        mesh=mesh,
        compiler_params=pltpu.CompilerParams(needs_layout_passes=False,
                                             use_tc_tiling_on_sc=False),
        out_type=[jax.ShapeDtypeStruct((ejp, DIM), jnp.float32),
                  jax.ShapeDtypeStruct((ejp, DIM), jnp.float32)],
        scratch_types=[
            pltpu.VMEM((CH,), jnp.int32),
            pltpu.VMEM((CH,), jnp.int32),
            pltpu.VMEM((CH, DIM), jnp.float32),
            pltpu.VMEM((CH, DIM), jnp.float32),
            pltpu.SemaphoreType.DMA,
            pltpu.SemaphoreType.DMA,
        ],
    )(_pair_gather_body)
    return kfn(h_table, i0, i1)



def _half_norm(accs, expand_ref, gb_ref, lo):
    num = accs[:, :VW]
    den = accs[:, VW:VW + HHALF]
    denw = jnp.dot(den, expand_ref[...], preferred_element_type=jnp.float32)
    return num / (denw + 1e-16) + gb_ref[0, lo:lo + VW]


def _norm_body_bn(acca_ref, accb_ref, exp_ref, gb_ref, g_ref, b_ref, o_ref):
    for i, acc_ref in enumerate((acca_ref, accb_ref)):
        lo = i * VW
        x = _half_norm(acc_ref[0], exp_ref, gb_ref, lo)
        xr = x[:N, :]
        mu = jnp.mean(xr, axis=0, keepdims=True)
        var = jnp.mean(xr * xr, axis=0, keepdims=True) - mu * mu
        y = ((xr - mu) / jnp.sqrt(var + 1e-5) * g_ref[0, lo:lo + VW]
             + b_ref[0, lo:lo + VW])
        y = jnp.where(y > 0, y, jnp.exp(jnp.minimum(y, 0.0)) - 1.0)
        o_ref[0, :N, pl.ds(lo, VW)] = y
        o_ref[0, N:, pl.ds(lo, VW)] = jnp.zeros((NPAD - N, VW), jnp.float32)


def _norm_body(acca_ref, accb_ref, exp_ref, gb_ref, o_ref):
    for i, acc_ref in enumerate((acca_ref, accb_ref)):
        lo = i * VW
        x = _half_norm(acc_ref[0], exp_ref, gb_ref, lo)
        o_ref[0, :N, pl.ds(lo, VW)] = x[:N, :]
        o_ref[0, N:, pl.ds(lo, VW)] = jnp.zeros((NPAD - N, VW), jnp.float32)


def _norm_pallas(acca, accb, expand, gbias, bn_g=None, bn_b=None):
    acc_spec = pl.BlockSpec((1, NPAD, ACCW), lambda g: (g, 0, 0))
    full_spec = pl.BlockSpec((1, DIM), lambda g: (0, 0))
    if bn_g is not None:
        body = _norm_body_bn
        args = (acca, accb, expand, gbias, bn_g, bn_b)
        in_specs = [acc_spec, acc_spec,
                    pl.BlockSpec((HHALF, VW), lambda g: (0, 0)),
                    full_spec, full_spec, full_spec]
    else:
        body = _norm_body
        args = (acca, accb, expand, gbias)
        in_specs = [acc_spec, acc_spec,
                    pl.BlockSpec((HHALF, VW), lambda g: (0, 0)),
                    full_spec]
    out = pl.pallas_call(
        body,
        grid=(2,),
        in_specs=in_specs,
        out_specs=pl.BlockSpec((1, NPAD, DIM), lambda g: (g, 0, 0)),
        out_shape=jax.ShapeDtypeStruct((2, NPAD, DIM), jnp.float32),
    )(*args)
    return out.reshape(NT, DIM)



def _pair_body(s_ref, t_ref, w1a_ref, w1b_ref, b1_ref, w2_ref, b2_ref,
               w3_ref, b3_ref, o_ref):
    h = jnp.maximum(
        jnp.dot(s_ref[...], w1a_ref[...], preferred_element_type=jnp.float32)
        + jnp.dot(t_ref[...], w1b_ref[...],
                  preferred_element_type=jnp.float32)
        + b1_ref[...], 0.0)
    h = jnp.maximum(
        jnp.dot(h, w2_ref[...], preferred_element_type=jnp.float32)
        + b2_ref[...], 0.0)
    o_ref[...] = (
        jnp.dot(h, w3_ref[...], preferred_element_type=jnp.float32)
        + b3_ref[...])


def _pair_pallas(xs, xt, w1a, w1b, b1, w2, b2, w3, b3, block_rows):
    rows = xs.shape[0]
    return pl.pallas_call(
        _pair_body,
        grid=(rows // block_rows,),
        in_specs=[
            pl.BlockSpec((block_rows, DIM), lambda i: (i, 0)),
            pl.BlockSpec((block_rows, DIM), lambda i: (i, 0)),
            pl.BlockSpec((DIM, DIM), lambda i: (0, 0)),
            pl.BlockSpec((DIM, DIM), lambda i: (0, 0)),
            pl.BlockSpec((1, DIM), lambda i: (0, 0)),
            pl.BlockSpec((DIM, DIM), lambda i: (0, 0)),
            pl.BlockSpec((1, DIM), lambda i: (0, 0)),
            pl.BlockSpec((DIM, 1), lambda i: (0, 0)),
            pl.BlockSpec((1, 1), lambda i: (0, 0)),
        ],
        out_specs=pl.BlockSpec((block_rows, 1), lambda i: (i, 0)),
        out_shape=jax.ShapeDtypeStruct((rows, 1), jnp.float32),
    )(xs, xt, w1a, w1b, b1, w2, b2, w3, b3)



def _pad_edges(ei, n, goff):
    loop = jnp.arange(n, dtype=ei.dtype)
    s = jnp.concatenate([ei[0], loop])
    d = jnp.concatenate([ei[1], loop])
    etot = s.shape[0]
    ep = -(-etot // (NSUB * CH)) * (NSUB * CH)
    pad = ep - etot
    srcp = jnp.concatenate(
        [s + goff, jnp.full((pad,), goff + PADROW, ei.dtype)])
    dstp = jnp.concatenate(
        [d + goff, jnp.full((pad,), goff + PADROW, ei.dtype)])
    return srcp, dstp


def _gat_layer(h, srcp, dstp, wl, wr, a, expand, gbias, bn_g=None, bn_b=None):
    xla, xlb, xra, xrb = _proj_pallas(h, wl, wr, block_rows=512)
    af = a.reshape(DIM)
    acca = _edge_pass(xla, xra, srcp, dstp, af[:VW])
    accb = _edge_pass(xlb, xrb, srcp, dstp, af[VW:])
    return _norm_pallas(acca, accb, expand, gbias, bn_g=bn_g, bn_b=bn_b)



def kernel(x1, x2, params, edge_index1, edge_index2, jg_edge_index):
    p = params
    n = x1.shape[0]

    zpad = jnp.zeros((NPAD - n, x1.shape[1]), jnp.float32)
    xcat = jnp.concatenate([x1, zpad, x2, zpad], axis=0)

    s1, d1 = _pad_edges(edge_index1, n, 0)
    s2, d2 = _pad_edges(edge_index2, n, NPAD)
    srcp = jnp.stack([s1, s2])
    dstp = jnp.stack([d1, d2])

    w1c = jnp.concatenate([p['fW1'], p['eW1']], axis=1)
    b1c = jnp.concatenate([p['fb1'], p['eb1']])[None, :]
    w2s = jnp.concatenate([p['fW2'], p['eW2']], axis=0)
    b2s = (p['fb2'] + p['eb2'])[None, :]
    h = _mlp2_pallas(xcat, w1c, b1c, w2s, b2s, block_rows=512)

    expand = jnp.repeat(jnp.eye(HHALF, dtype=jnp.float32), DH, axis=1)

    h = _gat_layer(h, srcp, dstp, p['g1Wl'], p['g1Wr'], p['g1a'], expand,
                   p['g1b'][None, :], bn_g=p['bng'][None, :],
                   bn_b=p['bnb'][None, :])
    h = _gat_layer(h, srcp, dstp, p['g2Wl'], p['g2Wr'], p['g2a'], expand,
                   p['g2b'][None, :])

    ej = jg_edge_index.shape[1]
    ejp = -(-ej // (32 * CH)) * (32 * CH)
    i0 = jnp.concatenate([jg_edge_index[0],
                          jnp.zeros((ejp - ej,), jg_edge_index.dtype)])
    i1 = jnp.concatenate([jg_edge_index[1] + NPAD,
                          jnp.full((ejp - ej,), NPAD, jg_edge_index.dtype)])
    xs, xt = _pair_gather(h, i0, i1)
    out = _pair_pallas(xs, xt,
                       p['pW1'][:DIM], p['pW1'][DIM:], p['pb1'][None, :],
                       p['pW2'], p['pb2'][None, :],
                       p['pW3'], p['pb3'][None, :], block_rows=1024)
    return out[:ej]

# --- scband reference (transcript-rebuilt; emitter-appended) ---
"""Pipeline reference for scband-join-able-18442589570219 (READ-ONLY COPY).

The authoritative reference and input builder live on the scoring server;
editing this copy changes nothing except your own understanding.
"""

import jax, jax.numpy as jnp
import numpy as np

N = 10000
E = 320000
EJ = 100000
GRID = 700
DIM = 128
H = 8
DH = DIM // H


def _p(key, shape, scale=0.05):
    return scale * jax.random.normal(key, shape, dtype=jnp.float32)


def setup_inputs(seed: int = 0):
    key = jax.random.key(seed)
    ks = jax.random.split(key, 32)
    x1 = jax.random.normal(ks[0], (N, GRID), dtype=jnp.float32)
    x2 = jax.random.normal(ks[1], (N, GRID), dtype=jnp.float32)
    edge_index1 = jax.random.randint(ks[2], (2, E), 0, N, dtype=jnp.int32)
    edge_index2 = jax.random.randint(ks[3], (2, E), 0, N, dtype=jnp.int32)
    jg_edge_index = jax.random.randint(ks[4], (2, EJ), 0, N, dtype=jnp.int32)
    z = lambda *s: jnp.zeros(s, jnp.float32)
    params = {
        'fW1': _p(ks[5], (GRID, DIM)), 'fb1': z(DIM),
        'fW2': _p(ks[6], (DIM, DIM)), 'fb2': z(DIM),
        'eW1': _p(ks[7], (GRID, DIM)), 'eb1': z(DIM),
        'eW2': _p(ks[8], (DIM, DIM)), 'eb2': z(DIM),
        'g1Wl': _p(ks[9], (DIM, DIM)), 'g1Wr': _p(ks[10], (DIM, DIM)),
        'g1a': _p(ks[11], (H, DH)), 'g1b': z(DIM),
        'bng': jnp.ones((DIM,), jnp.float32), 'bnb': z(DIM),
        'g2Wl': _p(ks[12], (DIM, DIM)), 'g2Wr': _p(ks[13], (DIM, DIM)),
        'g2a': _p(ks[14], (H, DH)), 'g2b': z(DIM),
        'pW1': _p(ks[15], (2 * DIM, DIM)), 'pb1': z(DIM),
        'pW2': _p(ks[16], (DIM, DIM)), 'pb2': z(DIM),
        'pW3': _p(ks[17], (DIM, 1)), 'pb3': z(1),
    }
    return {'x1': x1, 'x2': x2, 'params': params,
            'edge_index1': edge_index1, 'edge_index2': edge_index2,
            'jg_edge_index': jg_edge_index}


def _mlp2(x, W1, b1, W2, b2):
    return jax.nn.relu(x @ W1 + b1) @ W2 + b2


def _pre(x, p):
    f = _mlp2(x, p['fW1'], p['fb1'], p['fW2'], p['fb2'])
    e = _mlp2(x, p['eW1'], p['eb1'], p['eW2'], p['eb2'])
    return f + e


def _gatv2(x, src, dst, Wl, Wr, a, b):
    n = x.shape[0]
    xl = (x @ Wl).reshape(n, H, DH)
    xr = (x @ Wr).reshape(n, H, DH)
    m = jax.nn.leaky_relu(xl[src] + xr[dst], 0.2)
    e = (m * a[None, :, :]).sum(-1)  # [E, H]
    emax = jax.ops.segment_max(e, dst, num_segments=n)
    ee = jnp.exp(e - emax[dst])
    denom = jax.ops.segment_sum(ee, dst, num_segments=n)
    alpha = ee / (denom[dst] + 1e-16)
    out = jax.ops.segment_sum(alpha[:, :, None] * xl[src], dst, num_segments=n)
    return out.reshape(n, H * DH) + b


def _bn(x, g, b):
    mu = x.mean(0)
    var = x.var(0)
    return (x - mu) / jnp.sqrt(var + 1e-5) * g + b


def _gnn(x, src, dst, p):
    x = _gatv2(x, src, dst, p['g1Wl'], p['g1Wr'], p['g1a'], p['g1b'])
    x = _bn(x, p['bng'], p['bnb'])
    x = jax.nn.elu(x)
    x = _gatv2(x, src, dst, p['g2Wl'], p['g2Wr'], p['g2a'], p['g2b'])
    return x


def _forward(x1, x2, params, ei1, ei2, jei):
    n = x1.shape[0]
    loop = jnp.arange(n, dtype=ei1.dtype)
    s1 = jnp.concatenate([ei1[0], loop]); d1 = jnp.concatenate([ei1[1], loop])
    s2 = jnp.concatenate([ei2[0], loop]); d2 = jnp.concatenate([ei2[1], loop])
    h1 = _pre(x1, params)
    h2 = _pre(x2, params)
    h1 = _gnn(h1, s1, d1, params)
    h2 = _gnn(h2, s2, d2, params)
    xs = h1[jei[0]]
    xt = h2[jei[1]]
    pair = jnp.concatenate([xs, xt], axis=-1)
    h = jax.nn.relu(pair @ params['pW1'] + params['pb1'])
    h = jax.nn.relu(h @ params['pW2'] + params['pb2'])
    return h @ params['pW3'] + params['pb3']


def reference(x1, x2, params, edge_index1, edge_index2, jg_edge_index):
    return _forward(x1, x2, params, edge_index1, edge_index2, jg_edge_index)

if __name__ == "__main__":
    import jax
    _d = setup_inputs()
    print(jax.jit(kernel)(*tuple(_d.values())))

</pallas_src>

<mosaic_0001>
#map = affine_map<(d0, d1) -> (0, 0)>
#map1 = affine_map<(d0, d1) -> (0)>
#map2 = affine_map<(d0, d1) -> (0, 0, 0)>
module attributes {stable_mosaic.version = 14 : i64} {
  func.func @_edge_kernel_body(%arg0: i32, %arg1: i32, %arg2: memref<20480x64xf32, #tpu.memory_space<hbm>>, %arg3: memref<20480x64xf32, #tpu.memory_space<hbm>>, %arg4: memref<2x331776xi32, #tpu.memory_space<hbm>>, %arg5: memref<2x331776xi32, #tpu.memory_space<hbm>>, %arg6: memref<64xf32, #tpu.memory_space<hbm>>, %arg7: memref<2x10240x80xf32, #tpu.memory_space<hbm>>, %arg8: memref<128xi32, #tpu.memory_space<vmem>>, %arg9: memref<128xi32, #tpu.memory_space<vmem>>, %arg10: memref<128x64xf32, #tpu.memory_space<vmem>>, %arg11: memref<128x64xf32, #tpu.memory_space<vmem>>, %arg12: memref<128x80xf32, #tpu.memory_space<vmem>>, %arg13: memref<64xf32, #tpu.memory_space<vmem>>, %arg14: memref<10240x80xf32, #tpu.memory_space<vmem_shared>>, %arg15: memref<!tpu.dma_semaphore, #tpu.memory_space<semaphore_mem>>, %arg16: memref<!tpu.dma_semaphore, #tpu.memory_space<semaphore_mem>>) attributes {dimension_semantics = [#tpu.dimension_semantics<core_parallel>, #tpu.dimension_semantics<subcore_parallel>], iteration_bounds = array<i64: 2, 16>, scalar_prefetch = 0 : i64, scratch_operands = 9 : i64, tpu.core_type = #tpu.core_type<sc_vector_subcore>, window_params = [{transform_indices = #map}, {transform_indices = #map}, {transform_indices = #map}, {transform_indices = #map}, {transform_indices = #map1}, {transform_indices = #map2}]} {
    %mul3A = arith.constant 20736 : i32
    %mul3A_0 = arith.muli %arg1, %mul3A : i32
    %mul3A_1 = arith.constant 10240 : i32
    %mul3A_2 = arith.muli %arg0, %mul3A_1 : i32
    "tpu.region"() ({
      %run_scoped3A = tpu.sem_alloc : memref<!tpu.dma_semaphore, #tpu.memory_space<semaphore_mem>>
      tpu.enqueue_dma source(%arg6 : memref<64xf32, #tpu.memory_space<hbm>>) target(%arg13 : memref<64xf32, #tpu.memory_space<vmem>>) target_semaphore(%run_scoped3A : memref<!tpu.dma_semaphore, #tpu.memory_space<semaphore_mem>>)
      tpu.wait_dma2 semaphore(%run_scoped3A : memref<!tpu.dma_semaphore, #tpu.memory_space<semaphore_mem>>) src(%arg6 : memref<64xf32, #tpu.memory_space<hbm>>) dst(%arg13 : memref<64xf32, #tpu.memory_space<vmem>>)
      tpu.yield
    }) : () -> ()
    %scan3A = arith.constant 0 : i32
    %scan3A_3 = arith.constant 0 : i32
    %scan3A_4 = arith.constant 128 : i32
    %scan3A_5 = arith.addi %scan3A_3, %scan3A_4 : i32
    %scan3A_6 = arith.constant 1 : i32
    %scan3A_7 = scf.for %scan3A_56 = %scan3A_3 to %scan3A_5 step %scan3A_6 iter_args(%scan3A_57 = %scan3A) -> (i32)  : i32 {
      %broadcast_in_dim3A = arith.constant 0.000000e+00 : f32
      %broadcast_in_dim3A_58 = vector.broadcast %broadcast_in_dim3A : f32 to vector<16xf32>
      %swap3A = arith.index_cast %scan3A_56 : i32 to index
      %swap3A_59 = arith.constant 0 : index
      %swap3A_60 = tpu.vector_load %arg12[%swap3A, %swap3A_59] {strides = array<i32>} : memref<128x80xf32, #tpu.memory_space<vmem>>, vector<16xf32>,
      tpu.vector_store %arg12[%swap3A, %swap3A_59], %broadcast_in_dim3A_58 {strides = array<i32>} : memref<128x80xf32, #tpu.memory_space<vmem>>, vector<16xf32>,
      %broadcast_in_dim3A_61 = arith.constant 0.000000e+00 : f32
      %broadcast_in_dim3A_62 = vector.broadcast %broadcast_in_dim3A_61 : f32 to vector<16xf32>
      %swap3A_63 = arith.index_cast %scan3A_56 : i32 to index
      %swap3A_64 = arith.constant 16 : index
      %swap3A_65 = tpu.vector_load %arg12[%swap3A_63, %swap3A_64] {strides = array<i32>} : memref<128x80xf32, #tpu.memory_space<vmem>>, vector<16xf32>,
      tpu.vector_store %arg12[%swap3A_63, %swap3A_64], %broadcast_in_dim3A_62 {strides = array<i32>} : memref<128x80xf32, #tpu.memory_space<vmem>>, vector<16xf32>,
      %broadcast_in_dim3A_66 = arith.constant 0.000000e+00 : f32
      %broadcast_in_dim3A_67 = vector.broadcast %broadcast_in_dim3A_66 : f32 to vector<16xf32>
      %swap3A_68 = arith.index_cast %scan3A_56 : i32 to index
      %swap3A_69 = arith.constant 32 : index
      %swap3A_70 = tpu.vector_load %arg12[%swap3A_68, %swap3A_69] {strides = array<i32>} : memref<128x80xf32, #tpu.memory_space<vmem>>, vector<16xf32>,
      tpu.vector_store %arg12[%swap3A_68, %swap3A_69], %broadcast_in_dim3A_67 {strides = array<i32>} : memref<128x80xf32, #tpu.memory_space<vmem>>, vector<16xf32>,
      %broadcast_in_dim3A_71 = arith.constant 0.000000e+00 : f32
      %broadcast_in_dim3A_72 = vector.broadcast %broadcast_in_dim3A_71 : f32 to vector<16xf32>
      %swap3A_73 = arith.index_cast %scan3A_56 : i32 to index
      %swap3A_74 = arith.constant 48 : index
      %swap3A_75 = tpu.vector_load %arg12[%swap3A_73, %swap3A_74] {strides = array<i32>} : memref<128x80xf32, #tpu.memory_space<vmem>>, vector<16xf32>,
      tpu.vector_store %arg12[%swap3A_73, %swap3A_74], %broadcast_in_dim3A_72 {strides = array<i32>} : memref<128x80xf32, #tpu.memory_space<vmem>>, vector<16xf32>,
      %broadcast_in_dim3A_76 = arith.constant 0.000000e+00 : f32
      %broadcast_in_dim3A_77 = vector.broadcast %broadcast_in_dim3A_76 : f32 to vector<16xf32>
      %swap3A_78 = arith.index_cast %scan3A_56 : i32 to index
      %swap3A_79 = arith.constant 64 : index
      %swap3A_80 = tpu.vector_load %arg12[%swap3A_78, %swap3A_79] {strides = array<i32>} : memref<128x80xf32, #tpu.memory_space<vmem>>, vector<16xf32>,
      tpu.vector_store %arg12[%swap3A_78, %swap3A_79], %broadcast_in_dim3A_77 {strides = array<i32>} : memref<128x80xf32, #tpu.memory_space<vmem>>, vector<16xf32>,
      %scan3A_81 = arith.constant 0 : i32
      scf.yield %scan3A_81 : i32
    }
    %scan3A_8 = arith.constant 128 : i32
    %mul3A_9 = arith.constant 640 : i32
    %mul3A_10 = arith.muli %arg1, %mul3A_9 : i32
    %add3A = arith.constant 0 : i32
    %add3A_11 = arith.addi %mul3A_10, %add3A : i32
    "tpu.region"() ({
      %run_scoped3A = tpu.sem_alloc : memref<!tpu.dma_semaphore, #tpu.memory_space<semaphore_mem>>
      %dma_start3A = arith.constant 0 : i32
      %dma_start3A_56 = tpu.memref_slice %arg14[%add3A_11, %dma_start3A] : memref<10240x80xf32, #tpu.memory_space<vmem_shared>> -> memref<128x80xf32, #tpu.memory_space<vmem_shared>>
      %dma_start3A_57 = arith.constant 0 : i32
      %dma_start3A_58 = tpu.memref_slice %arg14[%add3A_11, %dma_start3A_57] : memref<10240x80xf32, #tpu.memory_space<vmem_shared>> -> memref<128x80xf32, #tpu.memory_space<vmem_shared>>
      tpu.enqueue_dma source(%arg12 : memref<128x80xf32, #tpu.memory_space<vmem>>) target(%dma_start3A_58 : memref<128x80xf32, #tpu.memory_space<vmem_shared>>) target_semaphore(%run_scoped3A : memref<!tpu.dma_semaphore, #tpu.memory_space<semaphore_mem>>)
      %dma_wait3A = arith.constant 0 : i32
      %dma_wait3A_59 = tpu.memref_slice %arg14[%add3A_11, %dma_wait3A] : memref<10240x80xf32, #tpu.memory_space<vmem_shared>> -> memref<128x80xf32, #tpu.memory_space<vmem_shared>>
      %dma_wait3A_60 = arith.constant 0 : i32
      %dma_wait3A_61 = tpu.memref_slice %arg14[%add3A_11, %dma_wait3A_60] : memref<10240x80xf32, #tpu.memory_space<vmem_shared>> -> memref<128x80xf32, #tpu.memory_space<vmem_shared>>
      tpu.wait_dma2 semaphore(%run_scoped3A : memref<!tpu.dma_semaphore, #tpu.memory_space<semaphore_mem>>) src(%arg12 : memref<128x80xf32, #tpu.memory_space<vmem>>) dst(%dma_wait3A_61 : memref<128x80xf32, #tpu.memory_space<vmem_shared>>)
      tpu.yield
    }) : () -> ()
    %mul3A_12 = arith.constant 640 : i32
    %mul3A_13 = arith.muli %arg1, %mul3A_12 : i32
    %add3A_14 = arith.constant 128 : i32
    %add3A_15 = arith.addi %mul3A_13, %add3A_14 : i32
    "tpu.region"() ({
      %run_scoped3A = tpu.sem_alloc : memref<!tpu.dma_semaphore, #tpu.memory_space<semaphore_mem>>
      %dma_start3A = arith.constant 0 : i32
      %dma_start3A_56 = tpu.memref_slice %arg14[%add3A_15, %dma_start3A] : memref<10240x80xf32, #tpu.memory_space<vmem_shared>> -> memref<128x80xf32, #tpu.memory_space<vmem_shared>>
      %dma_start3A_57 = arith.constant 0 : i32
      %dma_start3A_58 = tpu.memref_slice %arg14[%add3A_15, %dma_start3A_57] : memref<10240x80xf32, #tpu.memory_space<vmem_shared>> -> memref<128x80xf32, #tpu.memory_space<vmem_shared>>
      tpu.enqueue_dma source(%arg12 : memref<128x80xf32, #tpu.memory_space<vmem>>) target(%dma_start3A_58 : memref<128x80xf32, #tpu.memory_space<vmem_shared>>) target_semaphore(%run_scoped3A : memref<!tpu.dma_semaphore, #tpu.memory_space<semaphore_mem>>)
      %dma_wait3A = arith.constant 0 : i32
      %dma_wait3A_59 = tpu.memref_slice %arg14[%add3A_15, %dma_wait3A] : memref<10240x80xf32, #tpu.memory_space<vmem_shared>> -> memref<128x80xf32, #tpu.memory_space<vmem_shared>>
      %dma_wait3A_60 = arith.constant 0 : i32
      %dma_wait3A_61 = tpu.memref_slice %arg14[%add3A_15, %dma_wait3A_60] : memref<10240x80xf32, #tpu.memory_space<vmem_shared>> -> memref<128x80xf32, #tpu.memory_space<vmem_shared>>
      tpu.wait_dma2 semaphore(%run_scoped3A : memref<!tpu.dma_semaphore, #tpu.memory_space<semaphore_mem>>) src(%arg12 : memref<128x80xf32, #tpu.memory_space<vmem>>) dst(%dma_wait3A_61 : memref<128x80xf32, #tpu.memory_space<vmem_shared>>)
      tpu.yield
    }) : () -> ()
    %mul3A_16 = arith.constant 640 : i32
    %mul3A_17 = arith.muli %arg1, %mul3A_16 : i32
    %add3A_18 = arith.constant 256 : i32
    %add3A_19 = arith.addi %mul3A_17, %add3A_18 : i32
    "tpu.region"() ({
      %run_scoped3A = tpu.sem_alloc : memref<!tpu.dma_semaphore, #tpu.memory_space<semaphore_mem>>
      %dma_start3A = arith.constant 0 : i32
      %dma_start3A_56 = tpu.memref_slice %arg14[%add3A_19, %dma_start3A] : memref<10240x80xf32, #tpu.memory_space<vmem_shared>> -> memref<128x80xf32, #tpu.memory_space<vmem_shared>>
      %dma_start3A_57 = arith.constant 0 : i32
      %dma_start3A_58 = tpu.memref_slice %arg14[%add3A_19, %dma_start3A_57] : memref<10240x80xf32, #tpu.memory_space<vmem_shared>> -> memref<128x80xf32, #tpu.memory_space<vmem_shared>>
      tpu.enqueue_dma source(%arg12 : memref<128x80xf32, #tpu.memory_space<vmem>>) target(%dma_start3A_58 : memref<128x80xf32, #tpu.memory_space<vmem_shared>>) target_semaphore(%run_scoped3A : memref<!tpu.dma_semaphore, #tpu.memory_space<semaphore_mem>>)
      %dma_wait3A = arith.constant 0 : i32
      %dma_wait3A_59 = tpu.memref_slice %arg14[%add3A_19, %dma_wait3A] : memref<10240x80xf32, #tpu.memory_space<vmem_shared>> -> memref<128x80xf32, #tpu.memory_space<vmem_shared>>
      %dma_wait3A_60 = arith.constant 0 : i32
      %dma_wait3A_61 = tpu.memref_slice %arg14[%add3A_19, %dma_wait3A_60] : memref<10240x80xf32, #tpu.memory_space<vmem_shared>> -> memref<128x80xf32, #tpu.memory_space<vmem_shared>>
      tpu.wait_dma2 semaphore(%run_scoped3A : memref<!tpu.dma_semaphore, #tpu.memory_space<semaphore_mem>>) src(%arg12 : memref<128x80xf32, #tpu.memory_space<vmem>>) dst(%dma_wait3A_61 : memref<128x80xf32, #tpu.memory_space<vmem_shared>>)
      tpu.yield
    }) : () -> ()
    %mul3A_20 = arith.constant 640 : i32
    %mul3A_21 = arith.muli %arg1, %mul3A_20 : i32
    %add3A_22 = arith.constant 384 : i32
    %add3A_23 = arith.addi %mul3A_21, %add3A_22 : i32
    "tpu.region"() ({
      %run_scoped3A = tpu.sem_alloc : memref<!tpu.dma_semaphore, #tpu.memory_space<semaphore_mem>>
      %dma_start3A = arith.constant 0 : i32
      %dma_start3A_56 = tpu.memref_slice %arg14[%add3A_23, %dma_start3A] : memref<10240x80xf32, #tpu.memory_space<vmem_shared>> -> memref<128x80xf32, #tpu.memory_space<vmem_shared>>
      %dma_start3A_57 = arith.constant 0 : i32
      %dma_start3A_58 = tpu.memref_slice %arg14[%add3A_23, %dma_start3A_57] : memref<10240x80xf32, #tpu.memory_space<vmem_shared>> -> memref<128x80xf32, #tpu.memory_space<vmem_shared>>
      tpu.enqueue_dma source(%arg12 : memref<128x80xf32, #tpu.memory_space<vmem>>) target(%dma_start3A_58 : memref<128x80xf32, #tpu.memory_space<vmem_shared>>) target_semaphore(%run_scoped3A : memref<!tpu.dma_semaphore, #tpu.memory_space<semaphore_mem>>)
      %dma_wait3A = arith.constant 0 : i32
      %dma_wait3A_59 = tpu.memref_slice %arg14[%add3A_23, %dma_wait3A] : memref<10240x80xf32, #tpu.memory_space<vmem_shared>> -> memref<128x80xf32, #tpu.memory_space<vmem_shared>>
      %dma_wait3A_60 = arith.constant 0 : i32
      %dma_wait3A_61 = tpu.memref_slice %arg14[%add3A_23, %dma_wait3A_60] : memref<10240x80xf32, #tpu.memory_space<vmem_shared>> -> memref<128x80xf32, #tpu.memory_space<vmem_shared>>
      tpu.wait_dma2 semaphore(%run_scoped3A : memref<!tpu.dma_semaphore, #tpu.memory_space<semaphore_mem>>) src(%arg12 : memref<128x80xf32, #tpu.memory_space<vmem>>) dst(%dma_wait3A_61 : memref<128x80xf32, #tpu.memory_space<vmem_shared>>)
      tpu.yield
    }) : () -> ()
    %mul3A_24 = arith.constant 640 : i32
    %mul3A_25 = arith.muli %arg1, %mul3A_24 : i32
    %add3A_26 = arith.constant 512 : i32
    %add3A_27 = arith.addi %mul3A_25, %add3A_26 : i32
    "tpu.region"() ({
      %run_scoped3A = tpu.sem_alloc : memref<!tpu.dma_semaphore, #tpu.memory_space<semaphore_mem>>
      %dma_start3A = arith.constant 0 : i32
      %dma_start3A_56 = tpu.memref_slice %arg14[%add3A_27, %dma_start3A] : memref<10240x80xf32, #tpu.memory_space<vmem_shared>> -> memref<128x80xf32, #tpu.memory_space<vmem_shared>>
      %dma_start3A_57 = arith.constant 0 : i32
      %dma_start3A_58 = tpu.memref_slice %arg14[%add3A_27, %dma_start3A_57] : memref<10240x80xf32, #tpu.memory_space<vmem_shared>> -> memref<128x80xf32, #tpu.memory_space<vmem_shared>>
      tpu.enqueue_dma source(%arg12 : memref<128x80xf32, #tpu.memory_space<vmem>>) target(%dma_start3A_58 : memref<128x80xf32, #tpu.memory_space<vmem_shared>>) target_semaphore(%run_scoped3A : memref<!tpu.dma_semaphore, #tpu.memory_space<semaphore_mem>>)
      %dma_wait3A = arith.constant 0 : i32
      %dma_wait3A_59 = tpu.memref_slice %arg14[%add3A_27, %dma_wait3A] : memref<10240x80xf32, #tpu.memory_space<vmem_shared>> -> memref<128x80xf32, #tpu.memory_space<vmem_shared>>
      %dma_wait3A_60 = arith.constant 0 : i32
      %dma_wait3A_61 = tpu.memref_slice %arg14[%add3A_27, %dma_wait3A_60] : memref<10240x80xf32, #tpu.memory_space<vmem_shared>> -> memref<128x80xf32, #tpu.memory_space<vmem_shared>>
      tpu.wait_dma2 semaphore(%run_scoped3A : memref<!tpu.dma_semaphore, #tpu.memory_space<semaphore_mem>>) src(%arg12 : memref<128x80xf32, #tpu.memory_space<vmem>>) dst(%dma_wait3A_61 : memref<128x80xf32, #tpu.memory_space<vmem_shared>>)
      tpu.yield
    }) : () -> ()
    %barrier3A = arith.constant 0 : index
    tpu.barrier barrier_id(%barrier3A)
    %iota3A = tpu.iota {dimensions = array<i32: 0>} : vector<16xi32>
    %scan3A_28 = arith.constant 0 : i32
    %scan3A_29 = arith.constant 0 : i32
    %scan3A_30 = arith.constant 162 : i32
    %scan3A_31 = arith.addi %scan3A_29, %scan3A_30 : i32
    %scan3A_32 = arith.constant 1 : i32
    %scan3A_33 = scf.for %scan3A_56 = %scan3A_29 to %scan3A_31 step %scan3A_32 iter_args(%scan3A_57 = %scan3A_28) -> (i32)  : i32 {
      %mul3A_58 = arith.constant 128 : i32
      %mul3A_59 = arith.muli %scan3A_56, %mul3A_58 : i32
      %add3A_60 = arith.addi %mul3A_0, %mul3A_59 : i32
      "tpu.region"() ({
        %run_scoped3A = tpu.sem_alloc : memref<!tpu.dma_semaphore, #tpu.memory_space<semaphore_mem>>
        %dma_start3A_124 = tpu.memref_slice %arg4[%arg0, %add3A_60] : memref<2x331776xi32, #tpu.memory_space<hbm>> -> memref<1x128xi32, #tpu.memory_space<hbm>>
        %dma_start3A_125 = tpu.memref_squeeze %dma_start3A_124 : memref<1x128xi32, #tpu.memory_space<hbm>> -> memref<128xi32, #tpu.memory_space<hbm>>
        %dma_start3A_126 = tpu.memref_slice %arg4[%arg0, %add3A_60] : memref<2x331776xi32, #tpu.memory_space<hbm>> -> memref<1x128xi32, #tpu.memory_space<hbm>>
        %dma_start3A_127 = tpu.memref_squeeze %dma_start3A_126 : memref<1x128xi32, #tpu.memory_space<hbm>> -> memref<128xi32, #tpu.memory_space<hbm>>
        tpu.enqueue_dma source(%dma_start3A_127 : memref<128xi32, #tpu.memory_space<hbm>>) target(%arg8 : memref<128xi32, #tpu.memory_space<vmem>>) target_semaphore(%run_scoped3A : memref<!tpu.dma_semaphore, #tpu.memory_space<semaphore_mem>>)
        %dma_wait3A_128 = tpu.memref_slice %arg4[%arg0, %add3A_60] : memref<2x331776xi32, #tpu.memory_space<hbm>> -> memref<1x128xi32, #tpu.memory_space<hbm>>
        %dma_wait3A_129 = tpu.memref_squeeze %dma_wait3A_128 : memref<1x128xi32, #tpu.memory_space<hbm>> -> memref<128xi32, #tpu.memory_space<hbm>>
        %dma_wait3A_130 = tpu.memref_slice %arg4[%arg0, %add3A_60] : memref<2x331776xi32, #tpu.memory_space<hbm>> -> memref<1x128xi32, #tpu.memory_space<hbm>>
        %dma_wait3A_131 = tpu.memref_squeeze %dma_wait3A_130 : memref<1x128xi32, #tpu.memory_space<hbm>> -> memref<128xi32, #tpu.memory_space<hbm>>
        tpu.wait_dma2 semaphore(%run_scoped3A : memref<!tpu.dma_semaphore, #tpu.memory_space<semaphore_mem>>) src(%dma_wait3A_131 : memref<128xi32, #tpu.memory_space<hbm>>) dst(%arg8 : memref<128xi32, #tpu.memory_space<vmem>>)
        tpu.yield
      }) : () -> ()
      "tpu.region"() ({
        %run_scoped3A = tpu.sem_alloc : memref<!tpu.dma_semaphore, #tpu.memory_space<semaphore_mem>>
        %dma_start3A_124 = tpu.memref_slice %arg5[%arg0, %add3A_60] : memref<2x331776xi32, #tpu.memory_space<hbm>> -> memref<1x128xi32, #tpu.memory_space<hbm>>
        %dma_start3A_125 = tpu.memref_squeeze %dma_start3A_124 : memref<1x128xi32, #tpu.memory_space<hbm>> -> memref<128xi32, #tpu.memory_space<hbm>>
        %dma_start3A_126 = tpu.memref_slice %arg5[%arg0, %add3A_60] : memref<2x331776xi32, #tpu.memory_space<hbm>> -> memref<1x128xi32, #tpu.memory_space<hbm>>
        %dma_start3A_127 = tpu.memref_squeeze %dma_start3A_126 : memref<1x128xi32, #tpu.memory_space<hbm>> -> memref<128xi32, #tpu.memory_space<hbm>>
        tpu.enqueue_dma source(%dma_start3A_127 : memref<128xi32, #tpu.memory_space<hbm>>) target(%arg9 : memref<128xi32, #tpu.memory_space<vmem>>) target_semaphore(%run_scoped3A : memref<!tpu.dma_semaphore, #tpu.memory_space<semaphore_mem>>)
        %dma_wait3A_128 = tpu.memref_slice %arg5[%arg0, %add3A_60] : memref<2x331776xi32, #tpu.memory_space<hbm>> -> memref<1x128xi32, #tpu.memory_space<hbm>>
        %dma_wait3A_129 = tpu.memref_squeeze %dma_wait3A_128 : memref<1x128xi32, #tpu.memory_space<hbm>> -> memref<128xi32, #tpu.memory_space<hbm>>
        %dma_wait3A_130 = tpu.memref_slice %arg5[%arg0, %add3A_60] : memref<2x331776xi32, #tpu.memory_space<hbm>> -> memref<1x128xi32, #tpu.memory_space<hbm>>
        %dma_wait3A_131 = tpu.memref_squeeze %dma_wait3A_130 : memref<1x128xi32, #tpu.memory_space<hbm>> -> memref<128xi32, #tpu.memory_space<hbm>>
        tpu.wait_dma2 semaphore(%run_scoped3A : memref<!tpu.dma_semaphore, #tpu.memory_space<semaphore_mem>>) src(%dma_wait3A_131 : memref<128xi32, #tpu.memory_space<hbm>>) dst(%arg9 : memref<128xi32, #tpu.memory_space<vmem>>)
        tpu.yield
      }) : () -> ()
      %dma_start3A = arith.constant 0 : i32
      %dma_start3A_61 = arith.constant 0 : i32
      %dma_start3A_62 = tpu.memref_slice %arg2[%dma_start3A, %dma_start3A_61] : memref<20480x64xf32, #tpu.memory_space<hbm>> -> memref<20480x64xf32, #tpu.memory_space<hbm>>
      tpu.enqueue_indirect_dma source(%dma_start3A_62 : memref<20480x64xf32, #tpu.memory_space<hbm>>) target(%arg10 : memref<128x64xf32, #tpu.memory_space<vmem>>) offsets(%arg8 : memref<128xi32, #tpu.memory_space<vmem>>) semaphore(%arg15 : memref<!tpu.dma_semaphore, #tpu.memory_space<semaphore_mem>>)
      %dma_start3A_63 = arith.constant 0 : i32
      %dma_start3A_64 = arith.constant 0 : i32
      %dma_start3A_65 = tpu.memref_slice %arg3[%dma_start3A_63, %dma_start3A_64] : memref<20480x64xf32, #tpu.memory_space<hbm>> -> memref<20480x64xf32, #tpu.memory_space<hbm>>
      tpu.enqueue_indirect_dma source(%dma_start3A_65 : memref<20480x64xf32, #tpu.memory_space<hbm>>) target(%arg11 : memref<128x64xf32, #tpu.memory_space<vmem>>) offsets(%arg9 : memref<128xi32, #tpu.memory_space<vmem>>) semaphore(%arg16 : memref<!tpu.dma_semaphore, #tpu.memory_space<semaphore_mem>>)
      %dma_wait3A = arith.constant 0 : i32
      %dma_wait3A_66 = arith.constant 0 : i32
      %dma_wait3A_67 = tpu.memref_slice %arg2[%dma_wait3A, %dma_wait3A_66] : memref<20480x64xf32, #tpu.memory_space<hbm>> -> memref<20480x64xf32, #tpu.memory_space<hbm>>
      tpu.wait_indirect_dma semaphore(%arg15 : memref<!tpu.dma_semaphore, #tpu.memory_space<semaphore_mem>>) src(%dma_wait3A_67 : memref<20480x64xf32, #tpu.memory_space<hbm>>) dst(%arg10 : memref<128x64xf32, #tpu.memory_space<vmem>>)
      %dma_wait3A_68 = arith.constant 0 : i32
      %dma_wait3A_69 = arith.constant 0 : i32
      %dma_wait3A_70 = tpu.memref_slice %arg3[%dma_wait3A_68, %dma_wait3A_69] : memref<20480x64xf32, #tpu.memory_space<hbm>> -> memref<20480x64xf32, #tpu.memory_space<hbm>>
      tpu.wait_indirect_dma semaphore(%arg16 : memref<!tpu.dma_semaphore, #tpu.memory_space<semaphore_mem>>) src(%dma_wait3A_70 : memref<20480x64xf32, #tpu.memory_space<hbm>>) dst(%arg11 : memref<128x64xf32, #tpu.memory_space<vmem>>)
      %scan3A_71 = arith.constant 0 : i32
      %scan3A_72 = arith.constant 0 : i32
      %scan3A_73 = arith.constant 128 : i32
      %scan3A_74 = arith.addi %scan3A_72, %scan3A_73 : i32
      %scan3A_75 = arith.constant 1 : i32
      %scan3A_76 = scf.for %scan3A_124 = %scan3A_72 to %scan3A_74 step %scan3A_75 iter_args(%scan3A_125 = %scan3A_71) -> (i32)  : i32 {
        %broadcast_in_dim3A = arith.constant 0.000000e+00 : f32
        %broadcast_in_dim3A_126 = vector.broadcast %broadcast_in_dim3A : f32 to vector<16xf32>
        %get3A_127 = arith.index_cast %scan3A_124 : i32 to index
        %get3A_128 = arith.constant 0 : index
        %get3A_129 = tpu.vector_load %arg10[%get3A_127, %get3A_128] {strides = array<i32>} : memref<128x64xf32, #tpu.memory_space<vmem>>, vector<16xf32>,
        %get3A_130 = arith.index_cast %scan3A_124 : i32 to index
        %get3A_131 = arith.constant 0 : index
        %get3A_132 = tpu.vector_load %arg11[%get3A_130, %get3A_131] {strides = array<i32>} : memref<128x64xf32, #tpu.memory_space<vmem>>, vector<16xf32>,
        %add3A_133 = arith.addf %get3A_129, %get3A_132 : vector<16xf32>
        %gt3A = arith.constant 0.000000e+00 : f32
        %gt3A_134 = vector.broadcast %gt3A : f32 to vector<16xf32>
        %gt3A_135 = arith.cmpf ogt, %add3A_133, %gt3A_134 : vector<16xf32>
        %mul3A_136 = arith.constant 2.000000e-01 : f32
        %mul3A_137 = vector.broadcast %mul3A_136 : f32 to vector<16xf32>
        %mul3A_138 = arith.mulf %mul3A_137, %add3A_133 : vector<16xf32>
        %select_n3A = arith.select %gt3A_135, %add3A_133, %mul3A_138 : vector<16xi1>, vector<16xf32>
        %get3A_139 = arith.constant 0 : index
        %get3A_140 = tpu.vector_load %arg13[%get3A_139] {strides = array<i32>} : memref<64xf32, #tpu.memory_space<vmem>>, vector<16xf32>,
        %mul3A_141 = arith.mulf %select_n3A, %get3A_140 : vector<16xf32>
        %reduce_sum3A = arith.constant true
        %reduce_sum3A_142 = vector.broadcast %reduce_sum3A : i1 to vector<16xi1>
        %reduce_sum3A_143 = tpu.scan <sum>, %mul3A_141 masked %reduce_sum3A_142 : vector<16xf32>, vector<16xi1> -> vector<16xf32>
        %reduce_sum3A_144 = vector.extract %reduce_sum3A_143[15] : f32 from vector<16xf32>
        %broadcast_in_dim3A_145 = vector.broadcast %reduce_sum3A_144 : f32 to vector<16xf32>
        %exp3A = math.exp %broadcast_in_dim3A_145 : vector<16xf32>
        %mul3A_146 = arith.mulf %exp3A, %get3A_129 : vector<16xf32>
        %swap3A_147 = arith.index_cast %scan3A_124 : i32 to index
        %swap3A_148 = arith.constant 0 : index
        %swap3A_149 = tpu.vector_load %arg12[%swap3A_147, %swap3A_148] {strides = array<i32>} : memref<128x80xf32, #tpu.memory_space<vmem>>, vector<16xf32>,
        tpu.vector_store %arg12[%swap3A_147, %swap3A_148], %mul3A_146 {strides = array<i32>} : memref<128x80xf32, #tpu.memory_space<vmem>>, vector<16xf32>,
        %eq3A = arith.constant 0 : i32
        %eq3A_150 = vector.broadcast %eq3A : i32 to vector<16xi32>
        %eq3A_151 = arith.cmpi eq, %iota3A, %eq3A_150 : vector<16xi32>
        %select_n3A_152 = arith.select %eq3A_151, %exp3A, %broadcast_in_dim3A_126 : vector<16xi1>, vector<16xf32>
        %get3A_153 = arith.index_cast %scan3A_124 : i32 to index
        %get3A_154 = arith.constant 16 : index
        %get3A_155 = tpu.vector_load %arg10[%get3A_153, %get3A_154] {strides = array<i32>} : memref<128x64xf32, #tpu.memory_space<vmem>>, vector<16xf32>,
        %get3A_156 = arith.index_cast %scan3A_124 : i32 to index
        %get3A_157 = arith.constant 16 : index
        %get3A_158 = tpu.vector_load %arg11[%get3A_156, %get3A_157] {strides = array<i32>} : memref<128x64xf32, #tpu.memory_space<vmem>>, vector<16xf32>,
        %add3A_159 = arith.addf %get3A_155, %get3A_158 : vector<16xf32>
        %gt3A_160 = arith.constant 0.000000e+00 : f32
        %gt3A_161 = vector.broadcast %gt3A_160 : f32 to vector<16xf32>
        %gt3A_162 = arith.cmpf ogt, %add3A_159, %gt3A_161 : vector<16xf32>
        %mul3A_163 = arith.constant 2.000000e-01 : f32
        %mul3A_164 = vector.broadcast %mul3A_163 : f32 to vector<16xf32>
        %mul3A_165 = arith.mulf %mul3A_164, %add3A_159 : vector<16xf32>
        %select_n3A_166 = arith.select %gt3A_162, %add3A_159, %mul3A_165 : vector<16xi1>, vector<16xf32>
        %get3A_167 = arith.constant 16 : index
        %get3A_168 = tpu.vector_load %arg13[%get3A_167] {strides = array<i32>} : memref<64xf32, #tpu.memory_space<vmem>>, vector<16xf32>,
        %mul3A_169 = arith.mulf %select_n3A_166, %get3A_168 : vector<16xf32>
        %reduce_sum3A_170 = arith.constant true
        %reduce_sum3A_171 = vector.broadcast %reduce_sum3A_170 : i1 to vector<16xi1>
        %reduce_sum3A_172 = tpu.scan <sum>, %mul3A_169 masked %reduce_sum3A_171 : vector<16xf32>, vector<16xi1> -> vector<16xf32>
        %reduce_sum3A_173 = vector.extract %reduce_sum3A_172[15] : f32 from vector<16xf32>
        %broadcast_in_dim3A_174 = vector.broadcast %reduce_sum3A_173 : f32 to vector<16xf32>
        %exp3A_175 = math.exp %broadcast_in_dim3A_174 : vector<16xf32>
        %mul3A_176 = arith.mulf %exp3A_175, %get3A_155 : vector<16xf32>
        %swap3A_177 = arith.index_cast %scan3A_124 : i32 to index
        %swap3A_178 = arith.constant 16 : index
        %swap3A_179 = tpu.vector_load %arg12[%swap3A_177, %swap3A_178] {strides = array<i32>} : memref<128x80xf32, #tpu.memory_space<vmem>>, vector<16xf32>,
        tpu.vector_store %arg12[%swap3A_177, %swap3A_178], %mul3A_176 {strides = array<i32>} : memref<128x80xf32, #tpu.memory_space<vmem>>, vector<16xf32>,
        %eq3A_180 = arith.constant 1 : i32
        %eq3A_181 = vector.broadcast %eq3A_180 : i32 to vector<16xi32>
        %eq3A_182 = arith.cmpi eq, %iota3A, %eq3A_181 : vector<16xi32>
        %select_n3A_183 = arith.select %eq3A_182, %exp3A_175, %select_n3A_152 : vector<16xi1>, vector<16xf32>
        %get3A_184 = arith.index_cast %scan3A_124 : i32 to index
        %get3A_185 = arith.constant 32 : index
        %get3A_186 = tpu.vector_load %arg10[%get3A_184, %get3A_185] {strides = array<i32>} : memref<128x64xf32, #tpu.memory_space<vmem>>, vector<16xf32>,
        %get3A_187 = arith.index_cast %scan3A_124 : i32 to index
        %get3A_188 = arith.constant 32 : index
        %get3A_189 = tpu.vector_load %arg11[%get3A_187, %get3A_188] {strides = array<i32>} : memref<128x64xf32, #tpu.memory_space<vmem>>, vector<16xf32>,
        %add3A_190 = arith.addf %get3A_186, %get3A_189 : vector<16xf32>
        %gt3A_191 = arith.constant 0.000000e+00 : f32
        %gt3A_192 = vector.broadcast %gt3A_191 : f32 to vector<16xf32>
        %gt3A_193 = arith.cmpf ogt, %add3A_190, %gt3A_192 : vector<16xf32>
        %mul3A_194 = arith.constant 2.000000e-01 : f32
        %mul3A_195 = vector.broadcast %mul3A_194 : f32 to vector<16xf32>
        %mul3A_196 = arith.mulf %mul3A_195, %add3A_190 : vector<16xf32>
        %select_n3A_197 = arith.select %gt3A_193, %add3A_190, %mul3A_196 : vector<16xi1>, vector<16xf32>
        %get3A_198 = arith.constant 32 : index
        %get3A_199 = tpu.vector_load %arg13[%get3A_198] {strides = array<i32>} : memref<64xf32, #tpu.memory_space<vmem>>, vector<16xf32>,
        %mul3A_200 = arith.mulf %select_n3A_197, %get3A_199 : vector<16xf32>
        %reduce_sum3A_201 = arith.constant true
        %reduce_sum3A_202 = vector.broadcast %reduce_sum3A_201 : i1 to vector<16xi1>
        %reduce_sum3A_203 = tpu.scan <sum>, %mul3A_200 masked %reduce_sum3A_202 : vector<16xf32>, vector<16xi1> -> vector<16xf32>
        %reduce_sum3A_204 = vector.extract %reduce_sum3A_203[15] : f32 from vector<16xf32>
        %broadcast_in_dim3A_205 = vector.broadcast %reduce_sum3A_204 : f32 to vector<16xf32>
        %exp3A_206 = math.exp %broadcast_in_dim3A_205 : vector<16xf32>
        %mul3A_207 = arith.mulf %exp3A_206, %get3A_186 : vector<16xf32>
        %swap3A_208 = arith.index_cast %scan3A_124 : i32 to index
        %swap3A_209 = arith.constant 32 : index
        %swap3A_210 = tpu.vector_load %arg12[%swap3A_208, %swap3A_209] {strides = array<i32>} : memref<128x80xf32, #tpu.memory_space<vmem>>, vector<16xf32>,
        tpu.vector_store %arg12[%swap3A_208, %swap3A_209], %mul3A_207 {strides = array<i32>} : memref<128x80xf32, #tpu.memory_space<vmem>>, vector<16xf32>,
        %eq3A_211 = arith.constant 2 : i32
        %eq3A_212 = vector.broadcast %eq3A_211 : i32 to vector<16xi32>
        %eq3A_213 = arith.cmpi eq, %iota3A, %eq3A_212 : vector<16xi32>
        %select_n3A_214 = arith.select %eq3A_213, %exp3A_206, %select_n3A_183 : vector<16xi1>, vector<16xf32>
        %get3A_215 = arith.index_cast %scan3A_124 : i32 to index
        %get3A_216 = arith.constant 48 : index
        %get3A_217 = tpu.vector_load %arg10[%get3A_215, %get3A_216] {strides = array<i32>} : memref<128x64xf32, #tpu.memory_space<vmem>>, vector<16xf32>,
        %get3A_218 = arith.index_cast %scan3A_124 : i32 to index
        %get3A_219 = arith.constant 48 : index
        %get3A_220 = tpu.vector_load %arg11[%get3A_218, %get3A_219] {strides = array<i32>} : memref<128x64xf32, #tpu.memory_space<vmem>>, vector<16xf32>,
        %add3A_221 = arith.addf %get3A_217, %get3A_220 : vector<16xf32>
        %gt3A_222 = arith.constant 0.000000e+00 : f32
        %gt3A_223 = vector.broadcast %gt3A_222 : f32 to vector<16xf32>
        %gt3A_224 = arith.cmpf ogt, %add3A_221, %gt3A_223 : vector<16xf32>
        %mul3A_225 = arith.constant 2.000000e-01 : f32
        %mul3A_226 = vector.broadcast %mul3A_225 : f32 to vector<16xf32>
        %mul3A_227 = arith.mulf %mul3A_226, %add3A_221 : vector<16xf32>
        %select_n3A_228 = arith.select %gt3A_224, %add3A_221, %mul3A_227 : vector<16xi1>, vector<16xf32>
        %get3A_229 = arith.constant 48 : index
        %get3A_230 = tpu.vector_load %arg13[%get3A_229] {strides = array<i32>} : memref<64xf32, #tpu.memory_space<vmem>>, vector<16xf32>,
        %mul3A_231 = arith.mulf %select_n3A_228, %get3A_230 : vector<16xf32>
        %reduce_sum3A_232 = arith.constant true
        %reduce_sum3A_233 = vector.broadcast %reduce_sum3A_232 : i1 to vector<16xi1>
        %reduce_sum3A_234 = tpu.scan <sum>, %mul3A_231 masked %reduce_sum3A_233 : vector<16xf32>, vector<16xi1> -> vector<16xf32>
        %reduce_sum3A_235 = vector.extract %reduce_sum3A_234[15] : f32 from vector<16xf32>
        %broadcast_in_dim3A_236 = vector.broadcast %reduce_sum3A_235 : f32 to vector<16xf32>
        %exp3A_237 = math.exp %broadcast_in_dim3A_236 : vector<16xf32>
        %mul3A_238 = arith.mulf %exp3A_237, %get3A_217 : vector<16xf32>
        %swap3A_239 = arith.index_cast %scan3A_124 : i32 to index
        %swap3A_240 = arith.constant 48 : index
        %swap3A_241 = tpu.vector_load %arg12[%swap3A_239, %swap3A_240] {strides = array<i32>} : memref<128x80xf32, #tpu.memory_space<vmem>>, vector<16xf32>,
        tpu.vector_store %arg12[%swap3A_239, %swap3A_240], %mul3A_238 {strides = array<i32>} : memref<128x80xf32, #tpu.memory_space<vmem>>, vector<16xf32>,
        %eq3A_242 = arith.constant 3 : i32
        %eq3A_243 = vector.broadcast %eq3A_242 : i32 to vector<16xi32>
        %eq3A_244 = arith.cmpi eq, %iota3A, %eq3A_243 : vector<16xi32>
        %select_n3A_245 = arith.select %eq3A_244, %exp3A_237, %select_n3A_214 : vector<16xi1>, vector<16xf32>
        %swap3A_246 = arith.index_cast %scan3A_124 : i32 to index
        %swap3A_247 = arith.constant 64 : index
        %swap3A_248 = tpu.vector_load %arg12[%swap3A_246, %swap3A_247] {strides = array<i32>} : memref<128x80xf32, #tpu.memory_space<vmem>>, vector<16xf32>,
        tpu.vector_store %arg12[%swap3A_246, %swap3A_247], %select_n3A_245 {strides = array<i32>} : memref<128x80xf32, #tpu.memory_space<vmem>>, vector<16xf32>,
        %scan3A_249 = arith.constant 0 : i32
        scf.yield %scan3A_249 : i32
      }
      %scan3A_77 = arith.constant 128 : i32
      %get3A = arith.constant 0 : index
      %get3A_78 = tpu.vector_load %arg9[%get3A] {strides = array<i32>} : memref<128xi32, #tpu.memory_space<vmem>>, vector<16xi32>,
      %sub3A = vector.broadcast %mul3A_2 : i32 to vector<16xi32>
      %sub3A_79 = arith.subi %get3A_78, %sub3A : vector<16xi32>
      %swap3A = arith.constant 0 : index
      %swap3A_80 = tpu.vector_load %arg9[%swap3A] {strides = array<i32>} : memref<128xi32, #tpu.memory_space<vmem>>, vector<16xi32>,
      tpu.vector_store %arg9[%swap3A], %sub3A_79 {strides = array<i32>} : memref<128xi32, #tpu.memory_space<vmem>>, vector<16xi32>,
      %get3A_81 = arith.constant 16 : index
      %get3A_82 = tpu.vector_load %arg9[%get3A_81] {strides = array<i32>} : memref<128xi32, #tpu.memory_space<vmem>>, vector<16xi32>,
      %sub3A_83 = vector.broadcast %mul3A_2 : i32 to vector<16xi32>
      %sub3A_84 = arith.subi %get3A_82, %sub3A_83 : vector<16xi32>
      %swap3A_85 = arith.constant 16 : index
      %swap3A_86 = tpu.vector_load %arg9[%swap3A_85] {strides = array<i32>} : memref<128xi32, #tpu.memory_space<vmem>>, vector<16xi32>,
      tpu.vector_store %arg9[%swap3A_85], %sub3A_84 {strides = array<i32>} : memref<128xi32, #tpu.memory_space<vmem>>, vector<16xi32>,
      %get3A_87 = arith.constant 32 : index
      %get3A_88 = tpu.vector_load %arg9[%get3A_87] {strides = array<i32>} : memref<128xi32, #tpu.memory_space<vmem>>, vector<16xi32>,
      %sub3A_89 = vector.broadcast %mul3A_2 : i32 to vector<16xi32>
      %sub3A_90 = arith.subi %get3A_88, %sub3A_89 : vector<16xi32>
      %swap3A_91 = arith.constant 32 : index
      %swap3A_92 = tpu.vector_load %arg9[%swap3A_91] {strides = array<i32>} : memref<128xi32, #tpu.memory_space<vmem>>, vector<16xi32>,
      tpu.vector_store %arg9[%swap3A_91], %sub3A_90 {strides = array<i32>} : memref<128xi32, #tpu.memory_space<vmem>>, vector<16xi32>,
      %get3A_93 = arith.constant 48 : index
      %get3A_94 = tpu.vector_load %arg9[%get3A_93] {strides = array<i32>} : memref<128xi32, #tpu.memory_space<vmem>>, vector<16xi32>,
      %sub3A_95 = vector.broadcast %mul3A_2 : i32 to vector<16xi32>
      %sub3A_96 = arith.subi %get3A_94, %sub3A_95 : vector<16xi32>
      %swap3A_97 = arith.constant 48 : index
      %swap3A_98 = tpu.vector_load %arg9[%swap3A_97] {strides = array<i32>} : memref<128xi32, #tpu.memory_space<vmem>>, vector<16xi32>,
      tpu.vector_store %arg9[%swap3A_97], %sub3A_96 {strides = array<i32>} : memref<128xi32, #tpu.memory_space<vmem>>, vector<16xi32>,
      %get3A_99 = arith.constant 64 : index
      %get3A_100 = tpu.vector_load %arg9[%get3A_99] {strides = array<i32>} : memref<128xi32, #tpu.memory_space<vmem>>, vector<16xi32>,
      %sub3A_101 = vector.broadcast %mul3A_2 : i32 to vector<16xi32>
      %sub3A_102 = arith.subi %get3A_100, %sub3A_101 : vector<16xi32>
      %swap3A_103 = arith.constant 64 : index
      %swap3A_104 = tpu.vector_load %arg9[%swap3A_103] {strides = array<i32>} : memref<128xi32, #tpu.memory_space<vmem>>, vector<16xi32>,
      tpu.vector_store %arg9[%swap3A_103], %sub3A_102 {strides = array<i32>} : memref<128xi32, #tpu.memory_space<vmem>>, vector<16xi32>,
      %get3A_105 = arith.constant 80 : index
      %get3A_106 = tpu.vector_load %arg9[%get3A_105] {strides = array<i32>} : memref<128xi32, #tpu.memory_space<vmem>>, vector<16xi32>,
      %sub3A_107 = vector.broadcast %mul3A_2 : i32 to vector<16xi32>
      %sub3A_108 = arith.subi %get3A_106, %sub3A_107 : vector<16xi32>
      %swap3A_109 = arith.constant 80 : index
      %swap3A_110 = tpu.vector_load %arg9[%swap3A_109] {strides = array<i32>} : memref<128xi32, #tpu.memory_space<vmem>>, vector<16xi32>,
      tpu.vector_store %arg9[%swap3A_109], %sub3A_108 {strides = array<i32>} : memref<128xi32, #tpu.memory_space<vmem>>, vector<16xi32>,
      %get3A_111 = arith.constant 96 : index
      %get3A_112 = tpu.vector_load %arg9[%get3A_111] {strides = array<i32>} : memref<128xi32, #tpu.memory_space<vmem>>, vector<16xi32>,
      %sub3A_113 = vector.broadcast %mul3A_2 : i32 to vector<16xi32>
      %sub3A_114 = arith.subi %get3A_112, %sub3A_113 : vector<16xi32>
      %swap3A_115 = arith.constant 96 : index
      %swap3A_116 = tpu.vector_load %arg9[%swap3A_115] {strides = array<i32>} : memref<128xi32, #tpu.memory_space<vmem>>, vector<16xi32>,
      tpu.vector_store %arg9[%swap3A_115], %sub3A_114 {strides = array<i32>} : memref<128xi32, #tpu.memory_space<vmem>>, vector<16xi32>,
      %get3A_117 = arith.constant 112 : index
      %get3A_118 = tpu.vector_load %arg9[%get3A_117] {strides = array<i32>} : memref<128xi32, #tpu.memory_space<vmem>>, vector<16xi32>,
      %sub3A_119 = vector.broadcast %mul3A_2 : i32 to vector<16xi32>
      %sub3A_120 = arith.subi %get3A_118, %sub3A_119 : vector<16xi32>
      %swap3A_121 = arith.constant 112 : index
      %swap3A_122 = tpu.vector_load %arg9[%swap3A_121] {strides = array<i32>} : memref<128xi32, #tpu.memory_space<vmem>>, vector<16xi32>,
      tpu.vector_store %arg9[%swap3A_121], %sub3A_120 {strides = array<i32>} : memref<128xi32, #tpu.memory_space<vmem>>, vector<16xi32>,
      "tpu.region"() ({
        %run_scoped3A = tpu.sem_alloc : memref<!tpu.dma_semaphore, #tpu.memory_space<semaphore_mem>>
        %dma_start3A_124 = arith.constant 0 : i32
        %dma_start3A_125 = arith.constant 0 : i32
        %dma_start3A_126 = tpu.memref_slice %arg14[%dma_start3A_124, %dma_start3A_125] : memref<10240x80xf32, #tpu.memory_space<vmem_shared>> -> memref<10240x80xf32, #tpu.memory_space<vmem_shared>>
        tpu.enqueue_indirect_dma source(%arg12 : memref<128x80xf32, #tpu.memory_space<vmem>>) target(%dma_start3A_126 : memref<10240x80xf32, #tpu.memory_space<vmem_shared>>) offsets(%arg9 : memref<128xi32, #tpu.memory_space<vmem>>) semaphore(%run_scoped3A : memref<!tpu.dma_semaphore, #tpu.memory_space<semaphore_mem>>) {add = true}
        %dma_wait3A_127 = arith.constant 0 : i32
        %dma_wait3A_128 = arith.constant 0 : i32
        %dma_wait3A_129 = tpu.memref_slice %arg14[%dma_wait3A_127, %dma_wait3A_128] : memref<10240x80xf32, #tpu.memory_space<vmem_shared>> -> memref<10240x80xf32, #tpu.memory_space<vmem_shared>>
        tpu.wait_indirect_dma semaphore(%run_scoped3A : memref<!tpu.dma_semaphore, #tpu.memory_space<semaphore_mem>>) src(%arg12 : memref<128x80xf32, #tpu.memory_space<vmem>>) dst(%dma_wait3A_129 : memref<10240x80xf32, #tpu.memory_space<vmem_shared>>)
        tpu.yield
      }) : () -> ()
      %scan3A_123 = arith.constant 0 : i32
      scf.yield %scan3A_123 : i32
    }
    %scan3A_34 = arith.constant 162 : i32
    %barrier3A_35 = arith.constant 0 : index
    tpu.barrier barrier_id(%barrier3A_35)
    %mul3A_36 = arith.constant 640 : i32
    %mul3A_37 = arith.muli %arg1, %mul3A_36 : i32
    %add3A_38 = arith.constant 0 : i32
    %add3A_39 = arith.addi %mul3A_37, %add3A_38 : i32
    "tpu.region"() ({
      %run_scoped3A = tpu.sem_alloc : memref<!tpu.dma_semaphore, #tpu.memory_space<semaphore_mem>>
      %dma_start3A = arith.constant 0 : i32
      %dma_start3A_56 = tpu.memref_slice %arg7[%arg0, %add3A_39, %dma_start3A] : memref<2x10240x80xf32, #tpu.memory_space<hbm>> -> memref<1x128x80xf32, #tpu.memory_space<hbm>>
      %dma_start3A_57 = tpu.memref_squeeze %dma_start3A_56 : memref<1x128x80xf32, #tpu.memory_space<hbm>> -> memref<128x80xf32, #tpu.memory_space<hbm>>
      %dma_start3A_58 = arith.constant 0 : i32
      %dma_start3A_59 = tpu.memref_slice %arg14[%add3A_39, %dma_start3A_58] : memref<10240x80xf32, #tpu.memory_space<vmem_shared>> -> memref<128x80xf32, #tpu.memory_space<vmem_shared>>
      tpu.enqueue_dma source(%dma_start3A_59 : memref<128x80xf32, #tpu.memory_space<vmem_shared>>) target(%dma_start3A_57 : memref<128x80xf32, #tpu.memory_space<hbm>>) target_semaphore(%run_scoped3A : memref<!tpu.dma_semaphore, #tpu.memory_space<semaphore_mem>>)
      %dma_wait3A = arith.constant 0 : i32
      %dma_wait3A_60 = tpu.memref_slice %arg7[%arg0, %add3A_39, %dma_wait3A] : memref<2x10240x80xf32, #tpu.memory_space<hbm>> -> memref<1x128x80xf32, #tpu.memory_space<hbm>>
      %dma_wait3A_61 = tpu.memref_squeeze %dma_wait3A_60 : memref<1x128x80xf32, #tpu.memory_space<hbm>> -> memref<128x80xf32, #tpu.memory_space<hbm>>
      %dma_wait3A_62 = arith.constant 0 : i32
      %dma_wait3A_63 = tpu.memref_slice %arg14[%add3A_39, %dma_wait3A_62] : memref<10240x80xf32, #tpu.memory_space<vmem_shared>> -> memref<128x80xf32, #tpu.memory_space<vmem_shared>>
      tpu.wait_dma2 semaphore(%run_scoped3A : memref<!tpu.dma_semaphore, #tpu.memory_space<semaphore_mem>>) src(%dma_wait3A_63 : memref<128x80xf32, #tpu.memory_space<vmem_shared>>) dst(%dma_wait3A_61 : memref<128x80xf32, #tpu.memory_space<hbm>>)
      tpu.yield
    }) : () -> ()
    %mul3A_40 = arith.constant 640 : i32
    %mul3A_41 = arith.muli %arg1, %mul3A_40 : i32
    %add3A_42 = arith.constant 128 : i32
    %add3A_43 = arith.addi %mul3A_41, %add3A_42 : i32
    "tpu.region"() ({
      %run_scoped3A = tpu.sem_alloc : memref<!tpu.dma_semaphore, #tpu.memory_space<semaphore_mem>>
      %dma_start3A = arith.constant 0 : i32
      %dma_start3A_56 = tpu.memref_slice %arg7[%arg0, %add3A_43, %dma_start3A] : memref<2x10240x80xf32, #tpu.memory_space<hbm>> -> memref<1x128x80xf32, #tpu.memory_space<hbm>>
      %dma_start3A_57 = tpu.memref_squeeze %dma_start3A_56 : memref<1x128x80xf32, #tpu.memory_space<hbm>> -> memref<128x80xf32, #tpu.memory_space<hbm>>
      %dma_start3A_58 = arith.constant 0 : i32
      %dma_start3A_59 = tpu.memref_slice %arg14[%add3A_43, %dma_start3A_58] : memref<10240x80xf32, #tpu.memory_space<vmem_shared>> -> memref<128x80xf32, #tpu.memory_space<vmem_shared>>
      tpu.enqueue_dma source(%dma_start3A_59 : memref<128x80xf32, #tpu.memory_space<vmem_shared>>) target(%dma_start3A_57 : memref<128x80xf32, #tpu.memory_space<hbm>>) target_semaphore(%run_scoped3A : memref<!tpu.dma_semaphore, #tpu.memory_space<semaphore_mem>>)
      %dma_wait3A = arith.constant 0 : i32
      %dma_wait3A_60 = tpu.memref_slice %arg7[%arg0, %add3A_43, %dma_wait3A] : memref<2x10240x80xf32, #tpu.memory_space<hbm>> -> memref<1x128x80xf32, #tpu.memory_space<hbm>>
      %dma_wait3A_61 = tpu.memref_squeeze %dma_wait3A_60 : memref<1x128x80xf32, #tpu.memory_space<hbm>> -> memref<128x80xf32, #tpu.memory_space<hbm>>
      %dma_wait3A_62 = arith.constant 0 : i32
      %dma_wait3A_63 = tpu.memref_slice %arg14[%add3A_43, %dma_wait3A_62] : memref<10240x80xf32, #tpu.memory_space<vmem_shared>> -> memref<128x80xf32, #tpu.memory_space<vmem_shared>>
      tpu.wait_dma2 semaphore(%run_scoped3A : memref<!tpu.dma_semaphore, #tpu.memory_space<semaphore_mem>>) src(%dma_wait3A_63 : memref<128x80xf32, #tpu.memory_space<vmem_shared>>) dst(%dma_wait3A_61 : memref<128x80xf32, #tpu.memory_space<hbm>>)
      tpu.yield
    }) : () -> ()
    %mul3A_44 = arith.constant 640 : i32
    %mul3A_45 = arith.muli %arg1, %mul3A_44 : i32
    %add3A_46 = arith.constant 256 : i32
    %add3A_47 = arith.addi %mul3A_45, %add3A_46 : i32
    "tpu.region"() ({
      %run_scoped3A = tpu.sem_alloc : memref<!tpu.dma_semaphore, #tpu.memory_space<semaphore_mem>>
      %dma_start3A = arith.constant 0 : i32
      %dma_start3A_56 = tpu.memref_slice %arg7[%arg0, %add3A_47, %dma_start3A] : memref<2x10240x80xf32, #tpu.memory_space<hbm>> -> memref<1x128x80xf32, #tpu.memory_space<hbm>>
      %dma_start3A_57 = tpu.memref_squeeze %dma_start3A_56 : memref<1x128x80xf32, #tpu.memory_space<hbm>> -> memref<128x80xf32, #tpu.memory_space<hbm>>
      %dma_start3A_58 = arith.constant 0 : i32
      %dma_start3A_59 = tpu.memref_slice %arg14[%add3A_47, %dma_start3A_58] : memref<10240x80xf32, #tpu.memory_space<vmem_shared>> -> memref<128x80xf32, #tpu.memory_space<vmem_shared>>
      tpu.enqueue_dma source(%dma_start3A_59 : memref<128x80xf32, #tpu.memory_space<vmem_shared>>) target(%dma_start3A_57 : memref<128x80xf32, #tpu.memory_space<hbm>>) target_semaphore(%run_scoped3A : memref<!tpu.dma_semaphore, #tpu.memory_space<semaphore_mem>>)
      %dma_wait3A = arith.constant 0 : i32
      %dma_wait3A_60 = tpu.memref_slice %arg7[%arg0, %add3A_47, %dma_wait3A] : memref<2x10240x80xf32, #tpu.memory_space<hbm>> -> memref<1x128x80xf32, #tpu.memory_space<hbm>>
      %dma_wait3A_61 = tpu.memref_squeeze %dma_wait3A_60 : memref<1x128x80xf32, #tpu.memory_space<hbm>> -> memref<128x80xf32, #tpu.memory_space<hbm>>
      %dma_wait3A_62 = arith.constant 0 : i32
      %dma_wait3A_63 = tpu.memref_slice %arg14[%add3A_47, %dma_wait3A_62] : memref<10240x80xf32, #tpu.memory_space<vmem_shared>> -> memref<128x80xf32, #tpu.memory_space<vmem_shared>>
      tpu.wait_dma2 semaphore(%run_scoped3A : memref<!tpu.dma_semaphore, #tpu.memory_space<semaphore_mem>>) src(%dma_wait3A_63 : memref<128x80xf32, #tpu.memory_space<vmem_shared>>) dst(%dma_wait3A_61 : memref<128x80xf32, #tpu.memory_space<hbm>>)
      tpu.yield
    }) : () -> ()
    %mul3A_48 = arith.constant 640 : i32
    %mul3A_49 = arith.muli %arg1, %mul3A_48 : i32
    %add3A_50 = arith.constant 384 : i32
    %add3A_51 = arith.addi %mul3A_49, %add3A_50 : i32
    "tpu.region"() ({
      %run_scoped3A = tpu.sem_alloc : memref<!tpu.dma_semaphore, #tpu.memory_space<semaphore_mem>>
      %dma_start3A = arith.constant 0 : i32
      %dma_start3A_56 = tpu.memref_slice %arg7[%arg0, %add3A_51, %dma_start3A] : memref<2x10240x80xf32, #tpu.memory_space<hbm>> -> memref<1x128x80xf32, #tpu.memory_space<hbm>>
      %dma_start3A_57 = tpu.memref_squeeze %dma_start3A_56 : memref<1x128x80xf32, #tpu.memory_space<hbm>> -> memref<128x80xf32, #tpu.memory_space<hbm>>
      %dma_start3A_58 = arith.constant 0 : i32
      %dma_start3A_59 = tpu.memref_slice %arg14[%add3A_51, %dma_start3A_58] : memref<10240x80xf32, #tpu.memory_space<vmem_shared>> -> memref<128x80xf32, #tpu.memory_space<vmem_shared>>
      tpu.enqueue_dma source(%dma_start3A_59 : memref<128x80xf32, #tpu.memory_space<vmem_shared>>) target(%dma_start3A_57 : memref<128x80xf32, #tpu.memory_space<hbm>>) target_semaphore(%run_scoped3A : memref<!tpu.dma_semaphore, #tpu.memory_space<semaphore_mem>>)
      %dma_wait3A = arith.constant 0 : i32
      %dma_wait3A_60 = tpu.memref_slice %arg7[%arg0, %add3A_51, %dma_wait3A] : memref<2x10240x80xf32, #tpu.memory_space<hbm>> -> memref<1x128x80xf32, #tpu.memory_space<hbm>>
      %dma_wait3A_61 = tpu.memref_squeeze %dma_wait3A_60 : memref<1x128x80xf32, #tpu.memory_space<hbm>> -> memref<128x80xf32, #tpu.memory_space<hbm>>
      %dma_wait3A_62 = arith.constant 0 : i32
      %dma_wait3A_63 = tpu.memref_slice %arg14[%add3A_51, %dma_wait3A_62] : memref<10240x80xf32, #tpu.memory_space<vmem_shared>> -> memref<128x80xf32, #tpu.memory_space<vmem_shared>>
      tpu.wait_dma2 semaphore(%run_scoped3A : memref<!tpu.dma_semaphore, #tpu.memory_space<semaphore_mem>>) src(%dma_wait3A_63 : memref<128x80xf32, #tpu.memory_space<vmem_shared>>) dst(%dma_wait3A_61 : memref<128x80xf32, #tpu.memory_space<hbm>>)
      tpu.yield
    }) : () -> ()
    %mul3A_52 = arith.constant 640 : i32
    %mul3A_53 = arith.muli %arg1, %mul3A_52 : i32
    %add3A_54 = arith.constant 512 : i32
    %add3A_55 = arith.addi %mul3A_53, %add3A_54 : i32
    "tpu.region"() ({
      %run_scoped3A = tpu.sem_alloc : memref<!tpu.dma_semaphore, #tpu.memory_space<semaphore_mem>>
      %dma_start3A = arith.constant 0 : i32
      %dma_start3A_56 = tpu.memref_slice %arg7[%arg0, %add3A_55, %dma_start3A] : memref<2x10240x80xf32, #tpu.memory_space<hbm>> -> memref<1x128x80xf32, #tpu.memory_space<hbm>>
      %dma_start3A_57 = tpu.memref_squeeze %dma_start3A_56 : memref<1x128x80xf32, #tpu.memory_space<hbm>> -> memref<128x80xf32, #tpu.memory_space<hbm>>
      %dma_start3A_58 = arith.constant 0 : i32
      %dma_start3A_59 = tpu.memref_slice %arg14[%add3A_55, %dma_start3A_58] : memref<10240x80xf32, #tpu.memory_space<vmem_shared>> -> memref<128x80xf32, #tpu.memory_space<vmem_shared>>
      tpu.enqueue_dma source(%dma_start3A_59 : memref<128x80xf32, #tpu.memory_space<vmem_shared>>) target(%dma_start3A_57 : memref<128x80xf32, #tpu.memory_space<hbm>>) target_semaphore(%run_scoped3A : memref<!tpu.dma_semaphore, #tpu.memory_space<semaphore_mem>>)
      %dma_wait3A = arith.constant 0 : i32
      %dma_wait3A_60 = tpu.memref_slice %arg7[%arg0, %add3A_55, %dma_wait3A] : memref<2x10240x80xf32, #tpu.memory_space<hbm>> -> memref<1x128x80xf32, #tpu.memory_space<hbm>>
      %dma_wait3A_61 = tpu.memref_squeeze %dma_wait3A_60 : memref<1x128x80xf32, #tpu.memory_space<hbm>> -> memref<128x80xf32, #tpu.memory_space<hbm>>
      %dma_wait3A_62 = arith.constant 0 : i32
      %dma_wait3A_63 = tpu.memref_slice %arg14[%add3A_55, %dma_wait3A_62] : memref<10240x80xf32, #tpu.memory_space<vmem_shared>> -> memref<128x80xf32, #tpu.memory_space<vmem_shared>>
      tpu.wait_dma2 semaphore(%run_scoped3A : memref<!tpu.dma_semaphore, #tpu.memory_space<semaphore_mem>>) src(%dma_wait3A_63 : memref<128x80xf32, #tpu.memory_space<vmem_shared>>) dst(%dma_wait3A_61 : memref<128x80xf32, #tpu.memory_space<hbm>>)
      tpu.yield
    }) : () -> ()
    return
  }
}

#map = affine_map<(d0, d1) -> (0, 0)>
#map1 = affine_map<(d0, d1) -> (0)>
#map2 = affine_map<(d0, d1) -> (0, 0, 0)>
module attributes {stable_mosaic.version = 14 : i64} {
  func.func @_edge_kernel_body(%arg0: i32, %arg1: i32, %arg2: memref<20480x64xf32, #tpu.memory_space<hbm>>, %arg3: memref<20480x64xf32, #tpu.memory_space<hbm>>, %arg4: memref<2x331776xi32, #tpu.memory_space<hbm>>, %arg5: memref<2x331776xi32, #tpu.memory_space<hbm>>, %arg6: memref<64xf32, #tpu.memory_space<hbm>>, %arg7: memref<2x10240x80xf32, #tpu.memory_space<hbm>>, %arg8: memref<128xi32, #tpu.memory_space<vmem>>, %arg9: memref<128xi32, #tpu.memory_space<vmem>>, %arg10: memref<128x64xf32, #tpu.memory_space<vmem>>, %arg11: memref<128x64xf32, #tpu.memory_space<vmem>>, %arg12: memref<128x80xf32, #tpu.memory_space<vmem>>, %arg13: memref<64xf32, #tpu.memory_space<vmem>>, %arg14: memref<10240x80xf32, #tpu.memory_space<vmem_shared>>, %arg15: memref<!tpu.dma_semaphore, #tpu.memory_space<semaphore_mem>>, %arg16: memref<!tpu.dma_semaphore, #tpu.memory_space<semaphore_mem>>) attributes {dimension_semantics = [#tpu.dimension_semantics<core_parallel>, #tpu.dimension_semantics<subcore_parallel>], iteration_bounds = array<i64: 2, 16>, scalar_prefetch = 0 : i64, scratch_operands = 9 : i64, tpu.core_type = #tpu.core_type<sc_vector_subcore>, window_params = [{transform_indices = #map}, {transform_indices = #map}, {transform_indices = #map}, {transform_indices = #map}, {transform_indices = #map1}, {transform_indices = #map2}]} {
    %mul3A = arith.constant 20736 : i32
    %mul3A_0 = arith.muli %arg1, %mul3A : i32
    %mul3A_1 = arith.constant 10240 : i32
    %mul3A_2 = arith.muli %arg0, %mul3A_1 : i32
    "tpu.region"() ({
      %run_scoped3A = tpu.sem_alloc : memref<!tpu.dma_semaphore, #tpu.memory_space<semaphore_mem>>
      tpu.enqueue_dma source(%arg6 : memref<64xf32, #tpu.memory_space<hbm>>) target(%arg13 : memref<64xf32, #tpu.memory_space<vmem>>) target_semaphore(%run_scoped3A : memref<!tpu.dma_semaphore, #tpu.memory_space<semaphore_mem>>)
      tpu.wait_dma2 semaphore(%run_scoped3A : memref<!tpu.dma_semaphore, #tpu.memory_space<semaphore_mem>>) src(%arg6 : memref<64xf32, #tpu.memory_space<hbm>>) dst(%arg13 : memref<64xf32, #tpu.memory_space<vmem>>)
      tpu.yield
    }) : () -> ()
    %scan3A = arith.constant 0 : i32
    %scan3A_3 = arith.constant 0 : i32
    %scan3A_4 = arith.constant 128 : i32
    %scan3A_5 = arith.addi %scan3A_3, %scan3A_4 : i32
    %scan3A_6 = arith.constant 1 : i32
    %scan3A_7 = scf.for %scan3A_56 = %scan3A_3 to %scan3A_5 step %scan3A_6 iter_args(%scan3A_57 = %scan3A) -> (i32)  : i32 {
      %broadcast_in_dim3A = arith.constant 0.000000e+00 : f32
      %broadcast_in_dim3A_58 = vector.broadcast %broadcast_in_dim3A : f32 to vector<16xf32>
      %swap3A = arith.index_cast %scan3A_56 : i32 to index
      %swap3A_59 = arith.constant 0 : index
      %swap3A_60 = tpu.vector_load %arg12[%swap3A, %swap3A_59] {strides = array<i32>} : memref<128x80xf32, #tpu.memory_space<vmem>>, vector<16xf32>,
      tpu.vector_store %arg12[%swap3A, %swap3A_59], %broadcast_in_dim3A_58 {strides = array<i32>} : memref<128x80xf32, #tpu.memory_space<vmem>>, vector<16xf32>,
      %broadcast_in_dim3A_61 = arith.constant 0.000000e+00 : f32
      %broadcast_in_dim3A_62 = vector.broadcast %broadcast_in_dim3A_61 : f32 to vector<16xf32>
      %swap3A_63 = arith.index_cast %scan3A_56 : i32 to index
      %swap3A_64 = arith.constant 16 : index
      %swap3A_65 = tpu.vector_load %arg12[%swap3A_63, %swap3A_64] {strides = array<i32>} : memref<128x80xf32, #tpu.memory_space<vmem>>, vector<16xf32>,
      tpu.vector_store %arg12[%swap3A_63, %swap3A_64], %broadcast_in_dim3A_62 {strides = array<i32>} : memref<128x80xf32, #tpu.memory_space<vmem>>, vector<16xf32>,
      %broadcast_in_dim3A_66 = arith.constant 0.000000e+00 : f32
      %broadcast_in_dim3A_67 = vector.broadcast %broadcast_in_dim3A_66 : f32 to vector<16xf32>
      %swap3A_68 = arith.index_cast %scan3A_56 : i32 to index
      %swap3A_69 = arith.constant 32 : index
      %swap3A_70 = tpu.vector_load %arg12[%swap3A_68, %swap3A_69] {strides = array<i32>} : memref<128x80xf32, #tpu.memory_space<vmem>>, vector<16xf32>,
      tpu.vector_store %arg12[%swap3A_68, %swap3A_69], %broadcast_in_dim3A_67 {strides = array<i32>} : memref<128x80xf32, #tpu.memory_space<vmem>>, vector<16xf32>,
      %broadcast_in_dim3A_71 = arith.constant 0.000000e+00 : f32
      %broadcast_in_dim3A_72 = vector.broadcast %broadcast_in_dim3A_71 : f32 to vector<16xf32>
      %swap3A_73 = arith.index_cast %scan3A_56 : i32 to index
      %swap3A_74 = arith.constant 48 : index
      %swap3A_75 = tpu.vector_load %arg12[%swap3A_73, %swap3A_74] {strides = array<i32>} : memref<128x80xf32, #tpu.memory_space<vmem>>, vector<16xf32>,
      tpu.vector_store %arg12[%swap3A_73, %swap3A_74], %broadcast_in_dim3A_72 {strides = array<i32>} : memref<128x80xf32, #tpu.memory_space<vmem>>, vector<16xf32>,
      %broadcast_in_dim3A_76 = arith.constant 0.000000e+00 : f32
      %broadcast_in_dim3A_77 = vector.broadcast %broadcast_in_dim3A_76 : f32 to vector<16xf32>
      %swap3A_78 = arith.index_cast %scan3A_56 : i32 to index
      %swap3A_79 = arith.constant 64 : index
      %swap3A_80 = tpu.vector_load %arg12[%swap3A_78, %swap3A_79] {strides = array<i32>} : memref<128x80xf32, #tpu.memory_space<vmem>>, vector<16xf32>,
      tpu.vector_store %arg12[%swap3A_78, %swap3A_79], %broadcast_in_dim3A_77 {strides = array<i32>} : memref<128x80xf32, #tpu.memory_space<vmem>>, vector<16xf32>,
      %scan3A_81 = arith.constant 0 : i32
      scf.yield %scan3A_81 : i32
    }
    %scan3A_8 = arith.constant 128 : i32
    %mul3A_9 = arith.constant 640 : i32
    %mul3A_10 = arith.muli %arg1, %mul3A_9 : i32
    %add3A = arith.constant 0 : i32
    %add3A_11 = arith.addi %mul3A_10, %add3A : i32
    "tpu.region"() ({
      %run_scoped3A = tpu.sem_alloc : memref<!tpu.dma_semaphore, #tpu.memory_space<semaphore_mem>>
      %dma_start3A = arith.constant 0 : i32
      %dma_start3A_56 = tpu.memref_slice %arg14[%add3A_11, %dma_start3A] : memref<10240x80xf32, #tpu.memory_space<vmem_shared>> -> memref<128x80xf32, #tpu.memory_space<vmem_shared>>
      %dma_start3A_57 = arith.constant 0 : i32
      %dma_start3A_58 = tpu.memref_slice %arg14[%add3A_11, %dma_start3A_57] : memref<10240x80xf32, #tpu.memory_space<vmem_shared>> -> memref<128x80xf32, #tpu.memory_space<vmem_shared>>
      tpu.enqueue_dma source(%arg12 : memref<128x80xf32, #tpu.memory_space<vmem>>) target(%dma_start3A_58 : memref<128x80xf32, #tpu.memory_space<vmem_shared>>) target_semaphore(%run_scoped3A : memref<!tpu.dma_semaphore, #tpu.memory_space<semaphore_mem>>)
      %dma_wait3A = arith.constant 0 : i32
      %dma_wait3A_59 = tpu.memref_slice %arg14[%add3A_11, %dma_wait3A] : memref<10240x80xf32, #tpu.memory_space<vmem_shared>> -> memref<128x80xf32, #tpu.memory_space<vmem_shared>>
      %dma_wait3A_60 = arith.constant 0 : i32
      %dma_wait3A_61 = tpu.memref_slice %arg14[%add3A_11, %dma_wait3A_60] : memref<10240x80xf32, #tpu.memory_space<vmem_shared>> -> memref<128x80xf32, #tpu.memory_space<vmem_shared>>
      tpu.wait_dma2 semaphore(%run_scoped3A : memref<!tpu.dma_semaphore, #tpu.memory_space<semaphore_mem>>) src(%arg12 : memref<128x80xf32, #tpu.memory_space<vmem>>) dst(%dma_wait3A_61 : memref<128x80xf32, #tpu.memory_space<vmem_shared>>)
      tpu.yield
    }) : () -> ()
    %mul3A_12 = arith.constant 640 : i32
    %mul3A_13 = arith.muli %arg1, %mul3A_12 : i32
    %add3A_14 = arith.constant 128 : i32
    %add3A_15 = arith.addi %mul3A_13, %add3A_14 : i32
    "tpu.region"() ({
      %run_scoped3A = tpu.sem_alloc : memref<!tpu.dma_semaphore, #tpu.memory_space<semaphore_mem>>
      %dma_start3A = arith.constant 0 : i32
      %dma_start3A_56 = tpu.memref_slice %arg14[%add3A_15, %dma_start3A] : memref<10240x80xf32, #tpu.memory_space<vmem_shared>> -> memref<128x80xf32, #tpu.memory_space<vmem_shared>>
      %dma_start3A_57 = arith.constant 0 : i32
      %dma_start3A_58 = tpu.memref_slice %arg14[%add3A_15, %dma_start3A_57] : memref<10240x80xf32, #tpu.memory_space<vmem_shared>> -> memref<128x80xf32, #tpu.memory_space<vmem_shared>>
      tpu.enqueue_dma source(%arg12 : memref<128x80xf32, #tpu.memory_space<vmem>>) target(%dma_start3A_58 : memref<128x80xf32, #tpu.memory_space<vmem_shared>>) target_semaphore(%run_scoped3A : memref<!tpu.dma_semaphore, #tpu.memory_space<semaphore_mem>>)
      %dma_wait3A = arith.constant 0 : i32
      %dma_wait3A_59 = tpu.memref_slice %arg14[%add3A_15, %dma_wait3A] : memref<10240x80xf32, #tpu.memory_space<vmem_shared>> -> memref<128x80xf32, #tpu.memory_space<vmem_shared>>
      %dma_wait3A_60 = arith.constant 0 : i32
      %dma_wait3A_61 = tpu.memref_slice %arg14[%add3A_15, %dma_wait3A_60] : memref<10240x80xf32, #tpu.memory_space<vmem_shared>> -> memref<128x80xf32, #tpu.memory_space<vmem_shared>>
      tpu.wait_dma2 semaphore(%run_scoped3A : memref<!tpu.dma_semaphore, #tpu.memory_space<semaphore_mem>>) src(%arg12 : memref<128x80xf32, #tpu.memory_space<vmem>>) dst(%dma_wait3A_61 : memref<128x80xf32, #tpu.memory_space<vmem_shared>>)
      tpu.yield
    }) : () -> ()
    %mul3A_16 = arith.constant 640 : i32
    %mul3A_17 = arith.muli %arg1, %mul3A_16 : i32
    %add3A_18 = arith.constant 256 : i32
    %add3A_19 = arith.addi %mul3A_17, %add3A_18 : i32
    "tpu.region"() ({
      %run_scoped3A = tpu.sem_alloc : memref<!tpu.dma_semaphore, #tpu.memory_space<semaphore_mem>>
      %dma_start3A = arith.constant 0 : i32
      %dma_start3A_56 = tpu.memref_slice %arg14[%add3A_19, %dma_start3A] : memref<10240x80xf32, #tpu.memory_space<vmem_shared>> -> memref<128x80xf32, #tpu.memory_space<vmem_shared>>
      %dma_start3A_57 = arith.constant 0 : i32
      %dma_start3A_58 = tpu.memref_slice %arg14[%add3A_19, %dma_start3A_57] : memref<10240x80xf32, #tpu.memory_space<vmem_shared>> -> memref<128x80xf32, #tpu.memory_space<vmem_shared>>
      tpu.enqueue_dma source(%arg12 : memref<128x80xf32, #tpu.memory_space<vmem>>) target(%dma_start3A_58 : memref<128x80xf32, #tpu.memory_space<vmem_shared>>) target_semaphore(%run_scoped3A : memref<!tpu.dma_semaphore, #tpu.memory_space<semaphore_mem>>)
      %dma_wait3A = arith.constant 0 : i32
      %dma_wait3A_59 = tpu.memref_slice %arg14[%add3A_19, %dma_wait3A] : memref<10240x80xf32, #tpu.memory_space<vmem_shared>> -> memref<128x80xf32, #tpu.memory_space<vmem_shared>>
      %dma_wait3A_60 = arith.constant 0 : i32
      %dma_wait3A_61 = tpu.memref_slice %arg14[%add3A_19, %dma_wait3A_60] : memref<10240x80xf32, #tpu.memory_space<vmem_shared>> -> memref<128x80xf32, #tpu.memory_space<vmem_shared>>
      tpu.wait_dma2 semaphore(%run_scoped3A : memref<!tpu.dma_semaphore, #tpu.memory_space<semaphore_mem>>) src(%arg12 : memref<128x80xf32, #tpu.memory_space<vmem>>) dst(%dma_wait3A_61 : memref<128x80xf32, #tpu.memory_space<vmem_shared>>)
      tpu.yield
    }) : () -> ()
    %mul3A_20 = arith.constant 640 : i32
    %mul3A_21 = arith.muli %arg1, %mul3A_20 : i32
    %add3A_22 = arith.constant 384 : i32
    %add3A_23 = arith.addi %mul3A_21, %add3A_22 : i32
    "tpu.region"() ({
      %run_scoped3A = tpu.sem_alloc : memref<!tpu.dma_semaphore, #tpu.memory_space<semaphore_mem>>
      %dma_start3A = arith.constant 0 : i32
      %dma_start3A_56 = tpu.memref_slice %arg14[%add3A_23, %dma_start3A] : memref<10240x80xf32, #tpu.memory_space<vmem_shared>> -> memref<128x80xf32, #tpu.memory_space<vmem_shared>>
      %dma_start3A_57 = arith.constant 0 : i32
      %dma_start3A_58 = tpu.memref_slice %arg14[%add3A_23, %dma_start3A_57] : memref<10240x80xf32, #tpu.memory_space<vmem_shared>> -> memref<128x80xf32, #tpu.memory_space<vmem_shared>>
      tpu.enqueue_dma source(%arg12 : memref<128x80xf32, #tpu.memory_space<vmem>>) target(%dma_start3A_58 : memref<128x80xf32, #tpu.memory_space<vmem_shared>>) target_semaphore(%run_scoped3A : memref<!tpu.dma_semaphore, #tpu.memory_space<semaphore_mem>>)
      %dma_wait3A = arith.constant 0 : i32
      %dma_wait3A_59 = tpu.memref_slice %arg14[%add3A_23, %dma_wait3A] : memref<10240x80xf32, #tpu.memory_space<vmem_shared>> -> memref<128x80xf32, #tpu.memory_space<vmem_shared>>
      %dma_wait3A_60 = arith.constant 0 : i32
      %dma_wait3A_61 = tpu.memref_slice %arg14[%add3A_23, %dma_wait3A_60] : memref<10240x80xf32, #tpu.memory_space<vmem_shared>> -> memref<128x80xf32, #tpu.memory_space<vmem_shared>>
      tpu.wait_dma2 semaphore(%run_scoped3A : memref<!tpu.dma_semaphore, #tpu.memory_space<semaphore_mem>>) src(%arg12 : memref<128x80xf32, #tpu.memory_space<vmem>>) dst(%dma_wait3A_61 : memref<128x80xf32, #tpu.memory_space<vmem_shared>>)
      tpu.yield
    }) : () -> ()
    %mul3A_24 = arith.constant 640 : i32
    %mul3A_25 = arith.muli %arg1, %mul3A_24 : i32
    %add3A_26 = arith.constant 512 : i32
    %add3A_27 = arith.addi %mul3A_25, %add3A_26 : i32
    "tpu.region"() ({
      %run_scoped3A = tpu.sem_alloc : memref<!tpu.dma_semaphore, #tpu.memory_space<semaphore_mem>>
      %dma_start3A = arith.constant 0 : i32
      %dma_start3A_56 = tpu.memref_slice %arg14[%add3A_27, %dma_start3A] : memref<10240x80xf32, #tpu.memory_space<vmem_shared>> -> memref<128x80xf32, #tpu.memory_space<vmem_shared>>
      %dma_start3A_57 = arith.constant 0 : i32
      %dma_start3A_58 = tpu.memref_slice %arg14[%add3A_27, %dma_start3A_57] : memref<10240x80xf32, #tpu.memory_space<vmem_shared>> -> memref<128x80xf32, #tpu.memory_space<vmem_shared>>
      tpu.enqueue_dma source(%arg12 : memref<128x80xf32, #tpu.memory_space<vmem>>) target(%dma_start3A_58 : memref<128x80xf32, #tpu.memory_space<vmem_shared>>) target_semaphore(%run_scoped3A : memref<!tpu.dma_semaphore, #tpu.memory_space<semaphore_mem>>)
      %dma_wait3A = arith.constant 0 : i32
      %dma_wait3A_59 = tpu.memref_slice %arg14[%add3A_27, %dma_wait3A] : memref<10240x80xf32, #tpu.memory_space<vmem_shared>> -> memref<128x80xf32, #tpu.memory_space<vmem_shared>>
      %dma_wait3A_60 = arith.constant 0 : i32
      %dma_wait3A_61 = tpu.memref_slice %arg14[%add3A_27, %dma_wait3A_60] : memref<10240x80xf32, #tpu.memory_space<vmem_shared>> -> memref<128x80xf32, #tpu.memory_space<vmem_shared>>
      tpu.wait_dma2 semaphore(%run_scoped3A : memref<!tpu.dma_semaphore, #tpu.memory_space<semaphore_mem>>) src(%arg12 : memref<128x80xf32, #tpu.memory_space<vmem>>) dst(%dma_wait3A_61 : memref<128x80xf32, #tpu.memory_space<vmem_shared>>)
      tpu.yield
    }) : () -> ()
    %barrier3A = arith.constant 0 : index
    tpu.barrier barrier_id(%barrier3A)
    %iota3A = tpu.iota {dimensions = array<i32: 0>} : vector<16xi32>
    %scan3A_28 = arith.constant 0 : i32
    %scan3A_29 = arith.constant 0 : i32
    %scan3A_30 = arith.constant 162 : i32
    %scan3A_31 = arith.addi %scan3A_29, %scan3A_30 : i32
    %scan3A_32 = arith.constant 1 : i32
    %scan3A_33 = scf.for %scan3A_56 = %scan3A_29 to %scan3A_31 step %scan3A_32 iter_args(%scan3A_57 = %scan3A_28) -> (i32)  : i32 {
      %mul3A_58 = arith.constant 128 : i32
      %mul3A_59 = arith.muli %scan3A_56, %mul3A_58 : i32
      %add3A_60 = arith.addi %mul3A_0, %mul3A_59 : i32
      "tpu.region"() ({
        %run_scoped3A = tpu.sem_alloc : memref<!tpu.dma_semaphore, #tpu.memory_space<semaphore_mem>>
        %dma_start3A_124 = tpu.memref_slice %arg4[%arg0, %add3A_60] : memref<2x331776xi32, #tpu.memory_space<hbm>> -> memref<1x128xi32, #tpu.memory_space<hbm>>
        %dma_start3A_125 = tpu.memref_squeeze %dma_start3A_124 : memref<1x128xi32, #tpu.memory_space<hbm>> -> memref<128xi32, #tpu.memory_space<hbm>>
        %dma_start3A_126 = tpu.memref_slice %arg4[%arg0, %add3A_60] : memref<2x331776xi32, #tpu.memory_space<hbm>> -> memref<1x128xi32, #tpu.memory_space<hbm>>
        %dma_start3A_127 = tpu.memref_squeeze %dma_start3A_126 : memref<1x128xi32, #tpu.memory_space<hbm>> -> memref<128xi32, #tpu.memory_space<hbm>>
        tpu.enqueue_dma source(%dma_start3A_127 : memref<128xi32, #tpu.memory_space<hbm>>) target(%arg8 : memref<128xi32, #tpu.memory_space<vmem>>) target_semaphore(%run_scoped3A : memref<!tpu.dma_semaphore, #tpu.memory_space<semaphore_mem>>)
        %dma_wait3A_128 = tpu.memref_slice %arg4[%arg0, %add3A_60] : memref<2x331776xi32, #tpu.memory_space<hbm>> -> memref<1x128xi32, #tpu.memory_space<hbm>>
        %dma_wait3A_129 = tpu.memref_squeeze %dma_wait3A_128 : memref<1x128xi32, #tpu.memory_space<hbm>> -> memref<128xi32, #tpu.memory_space<hbm>>
        %dma_wait3A_130 = tpu.memref_slice %arg4[%arg0, %add3A_60] : memref<2x331776xi32, #tpu.memory_space<hbm>> -> memref<1x128xi32, #tpu.memory_space<hbm>>
        %dma_wait3A_131 = tpu.memref_squeeze %dma_wait3A_130 : memref<1x128xi32, #tpu.memory_space<hbm>> -> memref<128xi32, #tpu.memory_space<hbm>>
        tpu.wait_dma2 semaphore(%run_scoped3A : memref<!tpu.dma_semaphore, #tpu.memory_space<semaphore_mem>>) src(%dma_wait3A_131 : memref<128xi32, #tpu.memory_space<hbm>>) dst(%arg8 : memref<128xi32, #tpu.memory_space<vmem>>)
        tpu.yield
      }) : () -> ()
      "tpu.region"() ({
        %run_scoped3A = tpu.sem_alloc : memref<!tpu.dma_semaphore, #tpu.memory_space<semaphore_mem>>
        %dma_start3A_124 = tpu.memref_slice %arg5[%arg0, %add3A_60] : memref<2x331776xi32, #tpu.memory_space<hbm>> -> memref<1x128xi32, #tpu.memory_space<hbm>>
        %dma_start3A_125 = tpu.memref_squeeze %dma_start3A_124 : memref<1x128xi32, #tpu.memory_space<hbm>> -> memref<128xi32, #tpu.memory_space<hbm>>
        %dma_start3A_126 = tpu.memref_slice %arg5[%arg0, %add3A_60] : memref<2x331776xi32, #tpu.memory_space<hbm>> -> memref<1x128xi32, #tpu.memory_space<hbm>>
        %dma_start3A_127 = tpu.memref_squeeze %dma_start3A_126 : memref<1x128xi32, #tpu.memory_space<hbm>> -> memref<128xi32, #tpu.memory_space<hbm>>
        tpu.enqueue_dma source(%dma_start3A_127 : memref<128xi32, #tpu.memory_space<hbm>>) target(%arg9 : memref<128xi32, #tpu.memory_space<vmem>>) target_semaphore(%run_scoped3A : memref<!tpu.dma_semaphore, #tpu.memory_space<semaphore_mem>>)
        %dma_wait3A_128 = tpu.memref_slice %arg5[%arg0, %add3A_60] : memref<2x331776xi32, #tpu.memory_space<hbm>> -> memref<1x128xi32, #tpu.memory_space<hbm>>
        %dma_wait3A_129 = tpu.memref_squeeze %dma_wait3A_128 : memref<1x128xi32, #tpu.memory_space<hbm>> -> memref<128xi32, #tpu.memory_space<hbm>>
        %dma_wait3A_130 = tpu.memref_slice %arg5[%arg0, %add3A_60] : memref<2x331776xi32, #tpu.memory_space<hbm>> -> memref<1x128xi32, #tpu.memory_space<hbm>>
        %dma_wait3A_131 = tpu.memref_squeeze %dma_wait3A_130 : memref<1x128xi32, #tpu.memory_space<hbm>> -> memref<128xi32, #tpu.memory_space<hbm>>
        tpu.wait_dma2 semaphore(%run_scoped3A : memref<!tpu.dma_semaphore, #tpu.memory_space<semaphore_mem>>) src(%dma_wait3A_131 : memref<128xi32, #tpu.memory_space<hbm>>) dst(%arg9 : memref<128xi32, #tpu.memory_space<vmem>>)
        tpu.yield
      }) : () -> ()
      %dma_start3A = arith.constant 0 : i32
      %dma_start3A_61 = arith.constant 0 : i32
      %dma_start3A_62 = tpu.memref_slice %arg2[%dma_start3A, %dma_start3A_61] : memref<20480x64xf32, #tpu.memory_space<hbm>> -> memref<20480x64xf32, #tpu.memory_space<hbm>>
      tpu.enqueue_indirect_dma source(%dma_start3A_62 : memref<20480x64xf32, #tpu.memory_space<hbm>>) target(%arg10 : memref<128x64xf32, #tpu.memory_space<vmem>>) offsets(%arg8 : memref<128xi32, #tpu.memory_space<vmem>>) semaphore(%arg15 : memref<!tpu.dma_semaphore, #tpu.memory_space<semaphore_mem>>)
      %dma_start3A_63 = arith.constant 0 : i32
      %dma_start3A_64 = arith.constant 0 : i32
      %dma_start3A_65 = tpu.memref_slice %arg3[%dma_start3A_63, %dma_start3A_64] : memref<20480x64xf32, #tpu.memory_space<hbm>> -> memref<20480x64xf32, #tpu.memory_space<hbm>>
      tpu.enqueue_indirect_dma source(%dma_start3A_65 : memref<20480x64xf32, #tpu.memory_space<hbm>>) target(%arg11 : memref<128x64xf32, #tpu.memory_space<vmem>>) offsets(%arg9 : memref<128xi32, #tpu.memory_space<vmem>>) semaphore(%arg16 : memref<!tpu.dma_semaphore, #tpu.memory_space<semaphore_mem>>)
      %dma_wait3A = arith.constant 0 : i32
      %dma_wait3A_66 = arith.constant 0 : i32
      %dma_wait3A_67 = tpu.memref_slice %arg2[%dma_wait3A, %dma_wait3A_66] : memref<20480x64xf32, #tpu.memory_space<hbm>> -> memref<20480x64xf32, #tpu.memory_space<hbm>>
      tpu.wait_indirect_dma semaphore(%arg15 : memref<!tpu.dma_semaphore, #tpu.memory_space<semaphore_mem>>) src(%dma_wait3A_67 : memref<20480x64xf32, #tpu.memory_space<hbm>>) dst(%arg10 : memref<128x64xf32, #tpu.memory_space<vmem>>)
      %dma_wait3A_68 = arith.constant 0 : i32
      %dma_wait3A_69 = arith.constant 0 : i32
      %dma_wait3A_70 = tpu.memref_slice %arg3[%dma_wait3A_68, %dma_wait3A_69] : memref<20480x64xf32, #tpu.memory_space<hbm>> -> memref<20480x64xf32, #tpu.memory_space<hbm>>
      tpu.wait_indirect_dma semaphore(%arg16 : memref<!tpu.dma_semaphore, #tpu.memory_space<semaphore_mem>>) src(%dma_wait3A_70 : memref<20480x64xf32, #tpu.memory_space<hbm>>) dst(%arg11 : memref<128x64xf32, #tpu.memory_space<vmem>>)
      %scan3A_71 = arith.constant 0 : i32
      %scan3A_72 = arith.constant 0 : i32
      %scan3A_73 = arith.constant 128 : i32
      %scan3A_74 = arith.addi %scan3A_72, %scan3A_73 : i32
      %scan3A_75 = arith.constant 1 : i32
      %scan3A_76 = scf.for %scan3A_124 = %scan3A_72 to %scan3A_74 step %scan3A_75 iter_args(%scan3A_125 = %scan3A_71) -> (i32)  : i32 {
        %broadcast_in_dim3A = arith.constant 0.000000e+00 : f32
        %broadcast_in_dim3A_126 = vector.broadcast %broadcast_in_dim3A : f32 to vector<16xf32>
        %get3A_127 = arith.index_cast %scan3A_124 : i32 to index
        %get3A_128 = arith.constant 0 : index
        %get3A_129 = tpu.vector_load %arg10[%get3A_127, %get3A_128] {strides = array<i32>} : memref<128x64xf32, #tpu.memory_space<vmem>>, vector<16xf32>,
        %get3A_130 = arith.index_cast %scan3A_124 : i32 to index
        %get3A_131 = arith.constant 0 : index
        %get3A_132 = tpu.vector_load %arg11[%get3A_130, %get3A_131] {strides = array<i32>} : memref<128x64xf32, #tpu.memory_space<vmem>>, vector<16xf32>,
        %add3A_133 = arith.addf %get3A_129, %get3A_132 : vector<16xf32>
        %gt3A = arith.constant 0.000000e+00 : f32
        %gt3A_134 = vector.broadcast %gt3A : f32 to vector<16xf32>
        %gt3A_135 = arith.cmpf ogt, %add3A_133, %gt3A_134 : vector<16xf32>
        %mul3A_136 = arith.constant 2.000000e-01 : f32
        %mul3A_137 = vector.broadcast %mul3A_136 : f32 to vector<16xf32>
        %mul3A_138 = arith.mulf %mul3A_137, %add3A_133 : vector<16xf32>
        %select_n3A = arith.select %gt3A_135, %add3A_133, %mul3A_138 : vector<16xi1>, vector<16xf32>
        %get3A_139 = arith.constant 0 : index
        %get3A_140 = tpu.vector_load %arg13[%get3A_139] {strides = array<i32>} : memref<64xf32, #tpu.memory_space<vmem>>, vector<16xf32>,
        %mul3A_141 = arith.mulf %select_n3A, %get3A_140 : vector<16xf32>
        %reduce_sum3A = arith.constant true
        %reduce_sum3A_142 = vector.broadcast %reduce_sum3A : i1 to vector<16xi1>
        %reduce_sum3A_143 = tpu.scan <sum>, %mul3A_141 masked %reduce_sum3A_142 : vector<16xf32>, vector<16xi1> -> vector<16xf32>
        %reduce_sum3A_144 = vector.extract %reduce_sum3A_143[15] : f32 from vector<16xf32>
        %broadcast_in_dim3A_145 = vector.broadcast %reduce_sum3A_144 : f32 to vector<16xf32>
        %exp3A = math.exp %broadcast_in_dim3A_145 : vector<16xf32>
        %mul3A_146 = arith.mulf %exp3A, %get3A_129 : vector<16xf32>
        %swap3A_147 = arith.index_cast %scan3A_124 : i32 to index
        %swap3A_148 = arith.constant 0 : index
        %swap3A_149 = tpu.vector_load %arg12[%swap3A_147, %swap3A_148] {strides = array<i32>} : memref<128x80xf32, #tpu.memory_space<vmem>>, vector<16xf32>,
        tpu.vector_store %arg12[%swap3A_147, %swap3A_148], %mul3A_146 {strides = array<i32>} : memref<128x80xf32, #tpu.memory_space<vmem>>, vector<16xf32>,
        %eq3A = arith.constant 0 : i32
        %eq3A_150 = vector.broadcast %eq3A : i32 to vector<16xi32>
        %eq3A_151 = arith.cmpi eq, %iota3A, %eq3A_150 : vector<16xi32>
        %select_n3A_152 = arith.select %eq3A_151, %exp3A, %broadcast_in_dim3A_126 : vector<16xi1>, vector<16xf32>
        %get3A_153 = arith.index_cast %scan3A_124 : i32 to index
        %get3A_154 = arith.constant 16 : index
        %get3A_155 = tpu.vector_load %arg10[%get3A_153, %get3A_154] {strides = array<i32>} : memref<128x64xf32, #tpu.memory_space<vmem>>, vector<16xf32>,
        %get3A_156 = arith.index_cast %scan3A_124 : i32 to index
        %get3A_157 = arith.constant 16 : index
        %get3A_158 = tpu.vector_load %arg11[%get3A_156, %get3A_157] {strides = array<i32>} : memref<128x64xf32, #tpu.memory_space<vmem>>, vector<16xf32>,
        %add3A_159 = arith.addf %get3A_155, %get3A_158 : vector<16xf32>
        %gt3A_160 = arith.constant 0.000000e+00 : f32
        %gt3A_161 = vector.broadcast %gt3A_160 : f32 to vector<16xf32>
        %gt3A_162 = arith.cmpf ogt, %add3A_159, %gt3A_161 : vector<16xf32>
        %mul3A_163 = arith.constant 2.000000e-01 : f32
        %mul3A_164 = vector.broadcast %mul3A_163 : f32 to vector<16xf32>
        %mul3A_165 = arith.mulf %mul3A_164, %add3A_159 : vector<16xf32>
        %select_n3A_166 = arith.select %gt3A_162, %add3A_159, %mul3A_165 : vector<16xi1>, vector<16xf32>
        %get3A_167 = arith.constant 16 : index
        %get3A_168 = tpu.vector_load %arg13[%get3A_167] {strides = array<i32>} : memref<64xf32, #tpu.memory_space<vmem>>, vector<16xf32>,
        %mul3A_169 = arith.mulf %select_n3A_166, %get3A_168 : vector<16xf32>
        %reduce_sum3A_170 = arith.constant true
        %reduce_sum3A_171 = vector.broadcast %reduce_sum3A_170 : i1 to vector<16xi1>
        %reduce_sum3A_172 = tpu.scan <sum>, %mul3A_169 masked %reduce_sum3A_171 : vector<16xf32>, vector<16xi1> -> vector<16xf32>
        %reduce_sum3A_173 = vector.extract %reduce_sum3A_172[15] : f32 from vector<16xf32>
        %broadcast_in_dim3A_174 = vector.broadcast %reduce_sum3A_173 : f32 to vector<16xf32>
        %exp3A_175 = math.exp %broadcast_in_dim3A_174 : vector<16xf32>
        %mul3A_176 = arith.mulf %exp3A_175, %get3A_155 : vector<16xf32>
        %swap3A_177 = arith.index_cast %scan3A_124 : i32 to index
        %swap3A_178 = arith.constant 16 : index
        %swap3A_179 = tpu.vector_load %arg12[%swap3A_177, %swap3A_178] {strides = array<i32>} : memref<128x80xf32, #tpu.memory_space<vmem>>, vector<16xf32>,
        tpu.vector_store %arg12[%swap3A_177, %swap3A_178], %mul3A_176 {strides = array<i32>} : memref<128x80xf32, #tpu.memory_space<vmem>>, vector<16xf32>,
        %eq3A_180 = arith.constant 1 : i32
        %eq3A_181 = vector.broadcast %eq3A_180 : i32 to vector<16xi32>
        %eq3A_182 = arith.cmpi eq, %iota3A, %eq3A_181 : vector<16xi32>
        %select_n3A_183 = arith.select %eq3A_182, %exp3A_175, %select_n3A_152 : vector<16xi1>, vector<16xf32>
        %get3A_184 = arith.index_cast %scan3A_124 : i32 to index
        %get3A_185 = arith.constant 32 : index
        %get3A_186 = tpu.vector_load %arg10[%get3A_184, %get3A_185] {strides = array<i32>} : memref<128x64xf32, #tpu.memory_space<vmem>>, vector<16xf32>,
        %get3A_187 = arith.index_cast %scan3A_124 : i32 to index
        %get3A_188 = arith.constant 32 : index
        %get3A_189 = tpu.vector_load %arg11[%get3A_187, %get3A_188] {strides = array<i32>} : memref<128x64xf32, #tpu.memory_space<vmem>>, vector<16xf32>,
        %add3A_190 = arith.addf %get3A_186, %get3A_189 : vector<16xf32>
        %gt3A_191 = arith.constant 0.000000e+00 : f32
        %gt3A_192 = vector.broadcast %gt3A_191 : f32 to vector<16xf32>
        %gt3A_193 = arith.cmpf ogt, %add3A_190, %gt3A_192 : vector<16xf32>
        %mul3A_194 = arith.constant 2.000000e-01 : f32
        %mul3A_195 = vector.broadcast %mul3A_194 : f32 to vector<16xf32>
        %mul3A_196 = arith.mulf %mul3A_195, %add3A_190 : vector<16xf32>
        %select_n3A_197 = arith.select %gt3A_193, %add3A_190, %mul3A_196 : vector<16xi1>, vector<16xf32>
        %get3A_198 = arith.constant 32 : index
        %get3A_199 = tpu.vector_load %arg13[%get3A_198] {strides = array<i32>} : memref<64xf32, #tpu.memory_space<vmem>>, vector<16xf32>,
        %mul3A_200 = arith.mulf %select_n3A_197, %get3A_199 : vector<16xf32>
        %reduce_sum3A_201 = arith.constant true
        %reduce_sum3A_202 = vector.broadcast %reduce_sum3A_201 : i1 to vector<16xi1>
        %reduce_sum3A_203 = tpu.scan <sum>, %mul3A_200 masked %reduce_sum3A_202 : vector<16xf32>, vector<16xi1> -> vector<16xf32>
        %reduce_sum3A_204 = vector.extract %reduce_sum3A_203[15] : f32 from vector<16xf32>
        %broadcast_in_dim3A_205 = vector.broadcast %reduce_sum3A_204 : f32 to vector<16xf32>
        %exp3A_206 = math.exp %broadcast_in_dim3A_205 : vector<16xf32>
        %mul3A_207 = arith.mulf %exp3A_206, %get3A_186 : vector<16xf32>
        %swap3A_208 = arith.index_cast %scan3A_124 : i32 to index
        %swap3A_209 = arith.constant 32 : index
        %swap3A_210 = tpu.vector_load %arg12[%swap3A_208, %swap3A_209] {strides = array<i32>} : memref<128x80xf32, #tpu.memory_space<vmem>>, vector<16xf32>,
        tpu.vector_store %arg12[%swap3A_208, %swap3A_209], %mul3A_207 {strides = array<i32>} : memref<128x80xf32, #tpu.memory_space<vmem>>, vector<16xf32>,
        %eq3A_211 = arith.constant 2 : i32
        %eq3A_212 = vector.broadcast %eq3A_211 : i32 to vector<16xi32>
        %eq3A_213 = arith.cmpi eq, %iota3A, %eq3A_212 : vector<16xi32>
        %select_n3A_214 = arith.select %eq3A_213, %exp3A_206, %select_n3A_183 : vector<16xi1>, vector<16xf32>
        %get3A_215 = arith.index_cast %scan3A_124 : i32 to index
        %get3A_216 = arith.constant 48 : index
        %get3A_217 = tpu.vector_load %arg10[%get3A_215, %get3A_216] {strides = array<i32>} : memref<128x64xf32, #tpu.memory_space<vmem>>, vector<16xf32>,
        %get3A_218 = arith.index_cast %scan3A_124 : i32 to index
        %get3A_219 = arith.constant 48 : index
        %get3A_220 = tpu.vector_load %arg11[%get3A_218, %get3A_219] {strides = array<i32>} : memref<128x64xf32, #tpu.memory_space<vmem>>, vector<16xf32>,
        %add3A_221 = arith.addf %get3A_217, %get3A_220 : vector<16xf32>
        %gt3A_222 = arith.constant 0.000000e+00 : f32
        %gt3A_223 = vector.broadcast %gt3A_222 : f32 to vector<16xf32>
        %gt3A_224 = arith.cmpf ogt, %add3A_221, %gt3A_223 : vector<16xf32>
        %mul3A_225 = arith.constant 2.000000e-01 : f32
        %mul3A_226 = vector.broadcast %mul3A_225 : f32 to vector<16xf32>
        %mul3A_227 = arith.mulf %mul3A_226, %add3A_221 : vector<16xf32>
        %select_n3A_228 = arith.select %gt3A_224, %add3A_221, %mul3A_227 : vector<16xi1>, vector<16xf32>
        %get3A_229 = arith.constant 48 : index
        %get3A_230 = tpu.vector_load %arg13[%get3A_229] {strides = array<i32>} : memref<64xf32, #tpu.memory_space<vmem>>, vector<16xf32>,
        %mul3A_231 = arith.mulf %select_n3A_228, %get3A_230 : vector<16xf32>
        %reduce_sum3A_232 = arith.constant true
        %reduce_sum3A_233 = vector.broadcast %reduce_sum3A_232 : i1 to vector<16xi1>
        %reduce_sum3A_234 = tpu.scan <sum>, %mul3A_231 masked %reduce_sum3A_233 : vector<16xf32>, vector<16xi1> -> vector<16xf32>
        %reduce_sum3A_235 = vector.extract %reduce_sum3A_234[15] : f32 from vector<16xf32>
        %broadcast_in_dim3A_236 = vector.broadcast %reduce_sum3A_235 : f32 to vector<16xf32>
        %exp3A_237 = math.exp %broadcast_in_dim3A_236 : vector<16xf32>
        %mul3A_238 = arith.mulf %exp3A_237, %get3A_217 : vector<16xf32>
        %swap3A_239 = arith.index_cast %scan3A_124 : i32 to index
        %swap3A_240 = arith.constant 48 : index
        %swap3A_241 = tpu.vector_load %arg12[%swap3A_239, %swap3A_240] {strides = array<i32>} : memref<128x80xf32, #tpu.memory_space<vmem>>, vector<16xf32>,
        tpu.vector_store %arg12[%swap3A_239, %swap3A_240], %mul3A_238 {strides = array<i32>} : memref<128x80xf32, #tpu.memory_space<vmem>>, vector<16xf32>,
        %eq3A_242 = arith.constant 3 : i32
        %eq3A_243 = vector.broadcast %eq3A_242 : i32 to vector<16xi32>
        %eq3A_244 = arith.cmpi eq, %iota3A, %eq3A_243 : vector<16xi32>
        %select_n3A_245 = arith.select %eq3A_244, %exp3A_237, %select_n3A_214 : vector<16xi1>, vector<16xf32>
        %swap3A_246 = arith.index_cast %scan3A_124 : i32 to index
        %swap3A_247 = arith.constant 64 : index
        %swap3A_248 = tpu.vector_load %arg12[%swap3A_246, %swap3A_247] {strides = array<i32>} : memref<128x80xf32, #tpu.memory_space<vmem>>, vector<16xf32>,
        tpu.vector_store %arg12[%swap3A_246, %swap3A_247], %select_n3A_245 {strides = array<i32>} : memref<128x80xf32, #tpu.memory_space<vmem>>, vector<16xf32>,
        %scan3A_249 = arith.constant 0 : i32
        scf.yield %scan3A_249 : i32
      }
      %scan3A_77 = arith.constant 128 : i32
      %get3A = arith.constant 0 : index
      %get3A_78 = tpu.vector_load %arg9[%get3A] {strides = array<i32>} : memref<128xi32, #tpu.memory_space<vmem>>, vector<16xi32>,
      %sub3A = vector.broadcast %mul3A_2 : i32 to vector<16xi32>
      %sub3A_79 = arith.subi %get3A_78, %sub3A : vector<16xi32>
      %swap3A = arith.constant 0 : index
      %swap3A_80 = tpu.vector_load %arg9[%swap3A] {strides = array<i32>} : memref<128xi32, #tpu.memory_space<vmem>>, vector<16xi32>,
      tpu.vector_store %arg9[%swap3A], %sub3A_79 {strides = array<i32>} : memref<128xi32, #tpu.memory_space<vmem>>, vector<16xi32>,
      %get3A_81 = arith.constant 16 : index
      %get3A_82 = tpu.vector_load %arg9[%get3A_81] {strides = array<i32>} : memref<128xi32, #tpu.memory_space<vmem>>, vector<16xi32>,
      %sub3A_83 = vector.broadcast %mul3A_2 : i32 to vector<16xi32>
      %sub3A_84 = arith.subi %get3A_82, %sub3A_83 : vector<16xi32>
      %swap3A_85 = arith.constant 16 : index
      %swap3A_86 = tpu.vector_load %arg9[%swap3A_85] {strides = array<i32>} : memref<128xi32, #tpu.memory_space<vmem>>, vector<16xi32>,
      tpu.vector_store %arg9[%swap3A_85], %sub3A_84 {strides = array<i32>} : memref<128xi32, #tpu.memory_space<vmem>>, vector<16xi32>,
      %get3A_87 = arith.constant 32 : index
      %get3A_88 = tpu.vector_load %arg9[%get3A_87] {strides = array<i32>} : memref<128xi32, #tpu.memory_space<vmem>>, vector<16xi32>,
      %sub3A_89 = vector.broadcast %mul3A_2 : i32 to vector<16xi32>
      %sub3A_90 = arith.subi %get3A_88, %sub3A_89 : vector<16xi32>
      %swap3A_91 = arith.constant 32 : index
      %swap3A_92 = tpu.vector_load %arg9[%swap3A_91] {strides = array<i32>} : memref<128xi32, #tpu.memory_space<vmem>>, vector<16xi32>,
      tpu.vector_store %arg9[%swap3A_91], %sub3A_90 {strides = array<i32>} : memref<128xi32, #tpu.memory_space<vmem>>, vector<16xi32>,
      %get3A_93 = arith.constant 48 : index
      %get3A_94 = tpu.vector_load %arg9[%get3A_93] {strides = array<i32>} : memref<128xi32, #tpu.memory_space<vmem>>, vector<16xi32>,
      %sub3A_95 = vector.broadcast %mul3A_2 : i32 to vector<16xi32>
      %sub3A_96 = arith.subi %get3A_94, %sub3A_95 : vector<16xi32>
      %swap3A_97 = arith.constant 48 : index
      %swap3A_98 = tpu.vector_load %arg9[%swap3A_97] {strides = array<i32>} : memref<128xi32, #tpu.memory_space<vmem>>, vector<16xi32>,
      tpu.vector_store %arg9[%swap3A_97], %sub3A_96 {strides = array<i32>} : memref<128xi32, #tpu.memory_space<vmem>>, vector<16xi32>,
      %get3A_99 = arith.constant 64 : index
      %get3A_100 = tpu.vector_load %arg9[%get3A_99] {strides = array<i32>} : memref<128xi32, #tpu.memory_space<vmem>>, vector<16xi32>,
      %sub3A_101 = vector.broadcast %mul3A_2 : i32 to vector<16xi32>
      %sub3A_102 = arith.subi %get3A_100, %sub3A_101 : vector<16xi32>
      %swap3A_103 = arith.constant 64 : index
      %swap3A_104 = tpu.vector_load %arg9[%swap3A_103] {strides = array<i32>} : memref<128xi32, #tpu.memory_space<vmem>>, vector<16xi32>,
      tpu.vector_store %arg9[%swap3A_103], %sub3A_102 {strides = array<i32>} : memref<128xi32, #tpu.memory_space<vmem>>, vector<16xi32>,
      %get3A_105 = arith.constant 80 : index
      %get3A_106 = tpu.vector_load %arg9[%get3A_105] {strides = array<i32>} : memref<128xi32, #tpu.memory_space<vmem>>, vector<16xi32>,
      %sub3A_107 = vector.broadcast %mul3A_2 : i32 to vector<16xi32>
      %sub3A_108 = arith.subi %get3A_106, %sub3A_107 : vector<16xi32>
      %swap3A_109 = arith.constant 80 : index
      %swap3A_110 = tpu.vector_load %arg9[%swap3A_109] {strides = array<i32>} : memref<128xi32, #tpu.memory_space<vmem>>, vector<16xi32>,
      tpu.vector_store %arg9[%swap3A_109], %sub3A_108 {strides = array<i32>} : memref<128xi32, #tpu.memory_space<vmem>>, vector<16xi32>,
      %get3A_111 = arith.constant 96 : index
      %get3A_112 = tpu.vector_load %arg9[%get3A_111] {strides = array<i32>} : memref<128xi32, #tpu.memory_space<vmem>>, vector<16xi32>,
      %sub3A_113 = vector.broadcast %mul3A_2 : i32 to vector<16xi32>
      %sub3A_114 = arith.subi %get3A_112, %sub3A_113 : vector<16xi32>
      %swap3A_115 = arith.constant 96 : index
      %swap3A_116 = tpu.vector_load %arg9[%swap3A_115] {strides = array<i32>} : memref<128xi32, #tpu.memory_space<vmem>>, vector<16xi32>,
      tpu.vector_store %arg9[%swap3A_115], %sub3A_114 {strides = array<i32>} : memref<128xi32, #tpu.memory_space<vmem>>, vector<16xi32>,
      %get3A_117 = arith.constant 112 : index
      %get3A_118 = tpu.vector_load %arg9[%get3A_117] {strides = array<i32>} : memref<128xi32, #tpu.memory_space<vmem>>, vector<16xi32>,
      %sub3A_119 = vector.broadcast %mul3A_2 : i32 to vector<16xi32>
      %sub3A_120 = arith.subi %get3A_118, %sub3A_119 : vector<16xi32>
      %swap3A_121 = arith.constant 112 : index
      %swap3A_122 = tpu.vector_load %arg9[%swap3A_121] {strides = array<i32>} : memref<128xi32, #tpu.memory_space<vmem>>, vector<16xi32>,
      tpu.vector_store %arg9[%swap3A_121], %sub3A_120 {strides = array<i32>} : memref<128xi32, #tpu.memory_space<vmem>>, vector<16xi32>,
      "tpu.region"() ({
        %run_scoped3A = tpu.sem_alloc : memref<!tpu.dma_semaphore, #tpu.memory_space<semaphore_mem>>
        %dma_start3A_124 = arith.constant 0 : i32
        %dma_start3A_125 = arith.constant 0 : i32
        %dma_start3A_126 = tpu.memref_slice %arg14[%dma_start3A_124, %dma_start3A_125] : memref<10240x80xf32, #tpu.memory_space<vmem_shared>> -> memref<10240x80xf32, #tpu.memory_space<vmem_shared>>
        tpu.enqueue_indirect_dma source(%arg12 : memref<128x80xf32, #tpu.memory_space<vmem>>) target(%dma_start3A_126 : memref<10240x80xf32, #tpu.memory_space<vmem_shared>>) offsets(%arg9 : memref<128xi32, #tpu.memory_space<vmem>>) semaphore(%run_scoped3A : memref<!tpu.dma_semaphore, #tpu.memory_space<semaphore_mem>>) {add = true}
        %dma_wait3A_127 = arith.constant 0 : i32
        %dma_wait3A_128 = arith.constant 0 : i32
        %dma_wait3A_129 = tpu.memref_slice %arg14[%dma_wait3A_127, %dma_wait3A_128] : memref<10240x80xf32, #tpu.memory_space<vmem_shared>> -> memref<10240x80xf32, #tpu.memory_space<vmem_shared>>
        tpu.wait_indirect_dma semaphore(%run_scoped3A : memref<!tpu.dma_semaphore, #tpu.memory_space<semaphore_mem>>) src(%arg12 : memref<128x80xf32, #tpu.memory_space<vmem>>) dst(%dma_wait3A_129 : memref<10240x80xf32, #tpu.memory_space<vmem_shared>>)
        tpu.yield
      }) : () -> ()
      %scan3A_123 = arith.constant 0 : i32
      scf.yield %scan3A_123 : i32
    }
    %scan3A_34 = arith.constant 162 : i32
    %barrier3A_35 = arith.constant 0 : index
    tpu.barrier barrier_id(%barrier3A_35)
    %mul3A_36 = arith.constant 640 : i32
    %mul3A_37 = arith.muli %arg1, %mul3A_36 : i32
    %add3A_38 = arith.constant 0 : i32
    %add3A_39 = arith.addi %mul3A_37, %add3A_38 : i32
    "tpu.region"() ({
      %run_scoped3A = tpu.sem_alloc : memref<!tpu.dma_semaphore, #tpu.memory_space<semaphore_mem>>
      %dma_start3A = arith.constant 0 : i32
      %dma_start3A_56 = tpu.memref_slice %arg7[%arg0, %add3A_39, %dma_start3A] : memref<2x10240x80xf32, #tpu.memory_space<hbm>> -> memref<1x128x80xf32, #tpu.memory_space<hbm>>
      %dma_start3A_57 = tpu.memref_squeeze %dma_start3A_56 : memref<1x128x80xf32, #tpu.memory_space<hbm>> -> memref<128x80xf32, #tpu.memory_space<hbm>>
      %dma_start3A_58 = arith.constant 0 : i32
      %dma_start3A_59 = tpu.memref_slice %arg14[%add3A_39, %dma_start3A_58] : memref<10240x80xf32, #tpu.memory_space<vmem_shared>> -> memref<128x80xf32, #tpu.memory_space<vmem_shared>>
      tpu.enqueue_dma source(%dma_start3A_59 : memref<128x80xf32, #tpu.memory_space<vmem_shared>>) target(%dma_start3A_57 : memref<128x80xf32, #tpu.memory_space<hbm>>) target_semaphore(%run_scoped3A : memref<!tpu.dma_semaphore, #tpu.memory_space<semaphore_mem>>)
      %dma_wait3A = arith.constant 0 : i32
      %dma_wait3A_60 = tpu.memref_slice %arg7[%arg0, %add3A_39, %dma_wait3A] : memref<2x10240x80xf32, #tpu.memory_space<hbm>> -> memref<1x128x80xf32, #tpu.memory_space<hbm>>
      %dma_wait3A_61 = tpu.memref_squeeze %dma_wait3A_60 : memref<1x128x80xf32, #tpu.memory_space<hbm>> -> memref<128x80xf32, #tpu.memory_space<hbm>>
      %dma_wait3A_62 = arith.constant 0 : i32
      %dma_wait3A_63 = tpu.memref_slice %arg14[%add3A_39, %dma_wait3A_62] : memref<10240x80xf32, #tpu.memory_space<vmem_shared>> -> memref<128x80xf32, #tpu.memory_space<vmem_shared>>
      tpu.wait_dma2 semaphore(%run_scoped3A : memref<!tpu.dma_semaphore, #tpu.memory_space<semaphore_mem>>) src(%dma_wait3A_63 : memref<128x80xf32, #tpu.memory_space<vmem_shared>>) dst(%dma_wait3A_61 : memref<128x80xf32, #tpu.memory_space<hbm>>)
      tpu.yield
    }) : () -> ()
    %mul3A_40 = arith.constant 640 : i32
    %mul3A_41 = arith.muli %arg1, %mul3A_40 : i32
    %add3A_42 = arith.constant 128 : i32
    %add3A_43 = arith.addi %mul3A_41, %add3A_42 : i32
    "tpu.region"() ({
      %run_scoped3A = tpu.sem_alloc : memref<!tpu.dma_semaphore, #tpu.memory_space<semaphore_mem>>
      %dma_start3A = arith.constant 0 : i32
      %dma_start3A_56 = tpu.memref_slice %arg7[%arg0, %add3A_43, %dma_start3A] : memref<2x10240x80xf32, #tpu.memory_space<hbm>> -> memref<1x128x80xf32, #tpu.memory_space<hbm>>
      %dma_start3A_57 = tpu.memref_squeeze %dma_start3A_56 : memref<1x128x80xf32, #tpu.memory_space<hbm>> -> memref<128x80xf32, #tpu.memory_space<hbm>>
      %dma_start3A_58 = arith.constant 0 : i32
      %dma_start3A_59 = tpu.memref_slice %arg14[%add3A_43, %dma_start3A_58] : memref<10240x80xf32, #tpu.memory_space<vmem_shared>> -> memref<128x80xf32, #tpu.memory_space<vmem_shared>>
      tpu.enqueue_dma source(%dma_start3A_59 : memref<128x80xf32, #tpu.memory_space<vmem_shared>>) target(%dma_start3A_57 : memref<128x80xf32, #tpu.memory_space<hbm>>) target_semaphore(%run_scoped3A : memref<!tpu.dma_semaphore, #tpu.memory_space<semaphore_mem>>)
      %dma_wait3A = arith.constant 0 : i32
      %dma_wait3A_60 = tpu.memref_slice %arg7[%arg0, %add3A_43, %dma_wait3A] : memref<2x10240x80xf32, #tpu.memory_space<hbm>> -> memref<1x128x80xf32, #tpu.memory_space<hbm>>
      %dma_wait3A_61 = tpu.memref_squeeze %dma_wait3A_60 : memref<1x128x80xf32, #tpu.memory_space<hbm>> -> memref<128x80xf32, #tpu.memory_space<hbm>>
      %dma_wait3A_62 = arith.constant 0 : i32
      %dma_wait3A_63 = tpu.memref_slice %arg14[%add3A_43, %dma_wait3A_62] : memref<10240x80xf32, #tpu.memory_space<vmem_shared>> -> memref<128x80xf32, #tpu.memory_space<vmem_shared>>
      tpu.wait_dma2 semaphore(%run_scoped3A : memref<!tpu.dma_semaphore, #tpu.memory_space<semaphore_mem>>) src(%dma_wait3A_63 : memref<128x80xf32, #tpu.memory_space<vmem_shared>>) dst(%dma_wait3A_61 : memref<128x80xf32, #tpu.memory_space<hbm>>)
      tpu.yield
    }) : () -> ()
    %mul3A_44 = arith.constant 640 : i32
    %mul3A_45 = arith.muli %arg1, %mul3A_44 : i32
    %add3A_46 = arith.constant 256 : i32
    %add3A_47 = arith.addi %mul3A_45, %add3A_46 : i32
    "tpu.region"() ({
      %run_scoped3A = tpu.sem_alloc : memref<!tpu.dma_semaphore, #tpu.memory_space<semaphore_mem>>
      %dma_start3A = arith.constant 0 : i32
      %dma_start3A_56 = tpu.memref_slice %arg7[%arg0, %add3A_47, %dma_start3A] : memref<2x10240x80xf32, #tpu.memory_space<hbm>> -> memref<1x128x80xf32, #tpu.memory_space<hbm>>
      %dma_start3A_57 = tpu.memref_squeeze %dma_start3A_56 : memref<1x128x80xf32, #tpu.memory_space<hbm>> -> memref<128x80xf32, #tpu.memory_space<hbm>>
      %dma_start3A_58 = arith.constant 0 : i32
      %dma_start3A_59 = tpu.memref_slice %arg14[%add3A_47, %dma_start3A_58] : memref<10240x80xf32, #tpu.memory_space<vmem_shared>> -> memref<128x80xf32, #tpu.memory_space<vmem_shared>>
      tpu.enqueue_dma source(%dma_start3A_59 : memref<128x80xf32, #tpu.memory_space<vmem_shared>>) target(%dma_start3A_57 : memref<128x80xf32, #tpu.memory_space<hbm>>) target_semaphore(%run_scoped3A : memref<!tpu.dma_semaphore, #tpu.memory_space<semaphore_mem>>)
      %dma_wait3A = arith.constant 0 : i32
      %dma_wait3A_60 = tpu.memref_slice %arg7[%arg0, %add3A_47, %dma_wait3A] : memref<2x10240x80xf32, #tpu.memory_space<hbm>> -> memref<1x128x80xf32, #tpu.memory_space<hbm>>
      %dma_wait3A_61 = tpu.memref_squeeze %dma_wait3A_60 : memref<1x128x80xf32, #tpu.memory_space<hbm>> -> memref<128x80xf32, #tpu.memory_space<hbm>>
      %dma_wait3A_62 = arith.constant 0 : i32
      %dma_wait3A_63 = tpu.memref_slice %arg14[%add3A_47, %dma_wait3A_62] : memref<10240x80xf32, #tpu.memory_space<vmem_shared>> -> memref<128x80xf32, #tpu.memory_space<vmem_shared>>
      tpu.wait_dma2 semaphore(%run_scoped3A : memref<!tpu.dma_semaphore, #tpu.memory_space<semaphore_mem>>) src(%dma_wait3A_63 : memref<128x80xf32, #tpu.memory_space<vmem_shared>>) dst(%dma_wait3A_61 : memref<128x80xf32, #tpu.memory_space<hbm>>)
      tpu.yield
    }) : () -> ()
    %mul3A_48 = arith.constant 640 : i32
    %mul3A_49 = arith.muli %arg1, %mul3A_48 : i32
    %add3A_50 = arith.constant 384 : i32
    %add3A_51 = arith.addi %mul3A_49, %add3A_50 : i32
    "tpu.region"() ({
      %run_scoped3A = tpu.sem_alloc : memref<!tpu.dma_semaphore, #tpu.memory_space<semaphore_mem>>
      %dma_start3A = arith.constant 0 : i32
      %dma_start3A_56 = tpu.memref_slice %arg7[%arg0, %add3A_51, %dma_start3A] : memref<2x10240x80xf32, #tpu.memory_space<hbm>> -> memref<1x128x80xf32, #tpu.memory_space<hbm>>
      %dma_start3A_57 = tpu.memref_squeeze %dma_start3A_56 : memref<1x128x80xf32, #tpu.memory_space<hbm>> -> memref<128x80xf32, #tpu.memory_space<hbm>>
      %dma_start3A_58 = arith.constant 0 : i32
      %dma_start3A_59 = tpu.memref_slice %arg14[%add3A_51, %dma_start3A_58] : memref<10240x80xf32, #tpu.memory_space<vmem_shared>> -> memref<128x80xf32, #tpu.memory_space<vmem_shared>>
      tpu.enqueue_dma source(%dma_start3A_59 : memref<128x80xf32, #tpu.memory_space<vmem_shared>>) target(%dma_start3A_57 : memref<128x80xf32, #tpu.memory_space<hbm>>) target_semaphore(%run_scoped3A : memref<!tpu.dma_semaphore, #tpu.memory_space<semaphore_mem>>)
      %dma_wait3A = arith.constant 0 : i32
      %dma_wait3A_60 = tpu.memref_slice %arg7[%arg0, %add3A_51, %dma_wait3A] : memref<2x10240x80xf32, #tpu.memory_space<hbm>> -> memref<1x128x80xf32, #tpu.memory_space<hbm>>
      %dma_wait3A_61 = tpu.memref_squeeze %dma_wait3A_60 : memref<1x128x80xf32, #tpu.memory_space<hbm>> -> memref<128x80xf32, #tpu.memory_space<hbm>>
      %dma_wait3A_62 = arith.constant 0 : i32
      %dma_wait3A_63 = tpu.memref_slice %arg14[%add3A_51, %dma_wait3A_62] : memref<10240x80xf32, #tpu.memory_space<vmem_shared>> -> memref<128x80xf32, #tpu.memory_space<vmem_shared>>
      tpu.wait_dma2 semaphore(%run_scoped3A : memref<!tpu.dma_semaphore, #tpu.memory_space<semaphore_mem>>) src(%dma_wait3A_63 : memref<128x80xf32, #tpu.memory_space<vmem_shared>>) dst(%dma_wait3A_61 : memref<128x80xf32, #tpu.memory_space<hbm>>)
      tpu.yield
    }) : () -> ()
    %mul3A_52 = arith.constant 640 : i32
    %mul3A_53 = arith.muli %arg1, %mul3A_52 : i32
    %add3A_54 = arith.constant 512 : i32
    %add3A_55 = arith.addi %mul3A_53, %add3A_54 : i32
    "tpu.region"() ({
      %run_scoped3A = tpu.sem_alloc : memref<!tpu.dma_semaphore, #tpu.memory_space<semaphore_mem>>
      %dma_start3A = arith.constant 0 : i32
      %dma_start3A_56 = tpu.memref_slice %arg7[%arg0, %add3A_55, %dma_start3A] : memref<2x10240x80xf32, #tpu.memory_space<hbm>> -> memref<1x128x80xf32, #tpu.memory_space<hbm>>
      %dma_start3A_57 = tpu.memref_squeeze %dma_start3A_56 : memref<1x128x80xf32, #tpu.memory_space<hbm>> -> memref<128x80xf32, #tpu.memory_space<hbm>>
      %dma_start3A_58 = arith.constant 0 : i32
      %dma_start3A_59 = tpu.memref_slice %arg14[%add3A_55, %dma_start3A_58] : memref<10240x80xf32, #tpu.memory_space<vmem_shared>> -> memref<128x80xf32, #tpu.memory_space<vmem_shared>>
      tpu.enqueue_dma source(%dma_start3A_59 : memref<128x80xf32, #tpu.memory_space<vmem_shared>>) target(%dma_start3A_57 : memref<128x80xf32, #tpu.memory_space<hbm>>) target_semaphore(%run_scoped3A : memref<!tpu.dma_semaphore, #tpu.memory_space<semaphore_mem>>)
      %dma_wait3A = arith.constant 0 : i32
      %dma_wait3A_60 = tpu.memref_slice %arg7[%arg0, %add3A_55, %dma_wait3A] : memref<2x10240x80xf32, #tpu.memory_space<hbm>> -> memref<1x128x80xf32, #tpu.memory_space<hbm>>
      %dma_wait3A_61 = tpu.memref_squeeze %dma_wait3A_60 : memref<1x128x80xf32, #tpu.memory_space<hbm>> -> memref<128x80xf32, #tpu.memory_space<hbm>>
      %dma_wait3A_62 = arith.constant 0 : i32
      %dma_wait3A_63 = tpu.memref_slice %arg14[%add3A_55, %dma_wait3A_62] : memref<10240x80xf32, #tpu.memory_space<vmem_shared>> -> memref<128x80xf32, #tpu.memory_space<vmem_shared>>
      tpu.wait_dma2 semaphore(%run_scoped3A : memref<!tpu.dma_semaphore, #tpu.memory_space<semaphore_mem>>) src(%dma_wait3A_63 : memref<128x80xf32, #tpu.memory_space<vmem_shared>>) dst(%dma_wait3A_61 : memref<128x80xf32, #tpu.memory_space<hbm>>)
      tpu.yield
    }) : () -> ()
    return
  }
}

#map = affine_map<(d0, d1) -> (0, 0)>
#map1 = affine_map<(d0, d1) -> (0)>
#map2 = affine_map<(d0, d1) -> (0, 0, 0)>
module attributes {stable_mosaic.version = 14 : i64} {
  func.func @_edge_kernel_body(%arg0: i32, %arg1: i32, %arg2: memref<20480x64xf32, #tpu.memory_space<hbm>>, %arg3: memref<20480x64xf32, #tpu.memory_space<hbm>>, %arg4: memref<2x331776xi32, #tpu.memory_space<hbm>>, %arg5: memref<2x331776xi32, #tpu.memory_space<hbm>>, %arg6: memref<64xf32, #tpu.memory_space<hbm>>, %arg7: memref<2x10240x80xf32, #tpu.memory_space<hbm>>, %arg8: memref<128xi32, #tpu.memory_space<vmem>>, %arg9: memref<128xi32, #tpu.memory_space<vmem>>, %arg10: memref<128x64xf32, #tpu.memory_space<vmem>>, %arg11: memref<128x64xf32, #tpu.memory_space<vmem>>, %arg12: memref<128x80xf32, #tpu.memory_space<vmem>>, %arg13: memref<64xf32, #tpu.memory_space<vmem>>, %arg14: memref<10240x80xf32, #tpu.memory_space<vmem_shared>>, %arg15: memref<!tpu.dma_semaphore, #tpu.memory_space<semaphore_mem>>, %arg16: memref<!tpu.dma_semaphore, #tpu.memory_space<semaphore_mem>>) attributes {dimension_semantics = [#tpu.dimension_semantics<core_parallel>, #tpu.dimension_semantics<subcore_parallel>], iteration_bounds = array<i64: 2, 16>, scalar_prefetch = 0 : i64, scratch_operands = 9 : i64, tpu.core_type = #tpu.core_type<sc_vector_subcore>, window_params = [{transform_indices = #map}, {transform_indices = #map}, {transform_indices = #map}, {transform_indices = #map}, {transform_indices = #map1}, {transform_indices = #map2}]} {
    %mul3A = arith.constant 20736 : i32
    %mul3A_0 = arith.muli %arg1, %mul3A : i32
    %mul3A_1 = arith.constant 10240 : i32
    %mul3A_2 = arith.muli %arg0, %mul3A_1 : i32
    "tpu.region"() ({
      %run_scoped3A = tpu.sem_alloc : memref<!tpu.dma_semaphore, #tpu.memory_space<semaphore_mem>>
      tpu.enqueue_dma source(%arg6 : memref<64xf32, #tpu.memory_space<hbm>>) target(%arg13 : memref<64xf32, #tpu.memory_space<vmem>>) target_semaphore(%run_scoped3A : memref<!tpu.dma_semaphore, #tpu.memory_space<semaphore_mem>>)
      tpu.wait_dma2 semaphore(%run_scoped3A : memref<!tpu.dma_semaphore, #tpu.memory_space<semaphore_mem>>) src(%arg6 : memref<64xf32, #tpu.memory_space<hbm>>) dst(%arg13 : memref<64xf32, #tpu.memory_space<vmem>>)
      tpu.yield
    }) : () -> ()
    %scan3A = arith.constant 0 : i32
    %scan3A_3 = arith.constant 0 : i32
    %scan3A_4 = arith.constant 128 : i32
    %scan3A_5 = arith.addi %scan3A_3, %scan3A_4 : i32
    %scan3A_6 = arith.constant 1 : i32
    %scan3A_7 = scf.for %scan3A_56 = %scan3A_3 to %scan3A_5 step %scan3A_6 iter_args(%scan3A_57 = %scan3A) -> (i32)  : i32 {
      %broadcast_in_dim3A = arith.constant 0.000000e+00 : f32
      %broadcast_in_dim3A_58 = vector.broadcast %broadcast_in_dim3A : f32 to vector<16xf32>
      %swap3A = arith.index_cast %scan3A_56 : i32 to index
      %swap3A_59 = arith.constant 0 : index
      %swap3A_60 = tpu.vector_load %arg12[%swap3A, %swap3A_59] {strides = array<i32>} : memref<128x80xf32, #tpu.memory_space<vmem>>, vector<16xf32>,
      tpu.vector_store %arg12[%swap3A, %swap3A_59], %broadcast_in_dim3A_58 {strides = array<i32>} : memref<128x80xf32, #tpu.memory_space<vmem>>, vector<16xf32>,
      %broadcast_in_dim3A_61 = arith.constant 0.000000e+00 : f32
      %broadcast_in_dim3A_62 = vector.broadcast %broadcast_in_dim3A_61 : f32 to vector<16xf32>
      %swap3A_63 = arith.index_cast %scan3A_56 : i32 to index
      %swap3A_64 = arith.constant 16 : index
      %swap3A_65 = tpu.vector_load %arg12[%swap3A_63, %swap3A_64] {strides = array<i32>} : memref<128x80xf32, #tpu.memory_space<vmem>>, vector<16xf32>,
      tpu.vector_store %arg12[%swap3A_63, %swap3A_64], %broadcast_in_dim3A_62 {strides = array<i32>} : memref<128x80xf32, #tpu.memory_space<vmem>>, vector<16xf32>,
      %broadcast_in_dim3A_66 = arith.constant 0.000000e+00 : f32
      %broadcast_in_dim3A_67 = vector.broadcast %broadcast_in_dim3A_66 : f32 to vector<16xf32>
      %swap3A_68 = arith.index_cast %scan3A_56 : i32 to index
      %swap3A_69 = arith.constant 32 : index
      %swap3A_70 = tpu.vector_load %arg12[%swap3A_68, %swap3A_69] {strides = array<i32>} : memref<128x80xf32, #tpu.memory_space<vmem>>, vector<16xf32>,
      tpu.vector_store %arg12[%swap3A_68, %swap3A_69], %broadcast_in_dim3A_67 {strides = array<i32>} : memref<128x80xf32, #tpu.memory_space<vmem>>, vector<16xf32>,
      %broadcast_in_dim3A_71 = arith.constant 0.000000e+00 : f32
      %broadcast_in_dim3A_72 = vector.broadcast %broadcast_in_dim3A_71 : f32 to vector<16xf32>
      %swap3A_73 = arith.index_cast %scan3A_56 : i32 to index
      %swap3A_74 = arith.constant 48 : index
      %swap3A_75 = tpu.vector_load %arg12[%swap3A_73, %swap3A_74] {strides = array<i32>} : memref<128x80xf32, #tpu.memory_space<vmem>>, vector<16xf32>,
      tpu.vector_store %arg12[%swap3A_73, %swap3A_74], %broadcast_in_dim3A_72 {strides = array<i32>} : memref<128x80xf32, #tpu.memory_space<vmem>>, vector<16xf32>,
      %broadcast_in_dim3A_76 = arith.constant 0.000000e+00 : f32
      %broadcast_in_dim3A_77 = vector.broadcast %broadcast_in_dim3A_76 : f32 to vector<16xf32>
      %swap3A_78 = arith.index_cast %scan3A_56 : i32 to index
      %swap3A_79 = arith.constant 64 : index
      %swap3A_80 = tpu.vector_load %arg12[%swap3A_78, %swap3A_79] {strides = array<i32>} : memref<128x80xf32, #tpu.memory_space<vmem>>, vector<16xf32>,
      tpu.vector_store %arg12[%swap3A_78, %swap3A_79], %broadcast_in_dim3A_77 {strides = array<i32>} : memref<128x80xf32, #tpu.memory_space<vmem>>, vector<16xf32>,
      %scan3A_81 = arith.constant 0 : i32
      scf.yield %scan3A_81 : i32
    }
    %scan3A_8 = arith.constant 128 : i32
    %mul3A_9 = arith.constant 640 : i32
    %mul3A_10 = arith.muli %arg1, %mul3A_9 : i32
    %add3A = arith.constant 0 : i32
    %add3A_11 = arith.addi %mul3A_10, %add3A : i32
    "tpu.region"() ({
      %run_scoped3A = tpu.sem_alloc : memref<!tpu.dma_semaphore, #tpu.memory_space<semaphore_mem>>
      %dma_start3A = arith.constant 0 : i32
      %dma_start3A_56 = tpu.memref_slice %arg14[%add3A_11, %dma_start3A] : memref<10240x80xf32, #tpu.memory_space<vmem_shared>> -> memref<128x80xf32, #tpu.memory_space<vmem_shared>>
      %dma_start3A_57 = arith.constant 0 : i32
      %dma_start3A_58 = tpu.memref_slice %arg14[%add3A_11, %dma_start3A_57] : memref<10240x80xf32, #tpu.memory_space<vmem_shared>> -> memref<128x80xf32, #tpu.memory_space<vmem_shared>>
      tpu.enqueue_dma source(%arg12 : memref<128x80xf32, #tpu.memory_space<vmem>>) target(%dma_start3A_58 : memref<128x80xf32, #tpu.memory_space<vmem_shared>>) target_semaphore(%run_scoped3A : memref<!tpu.dma_semaphore, #tpu.memory_space<semaphore_mem>>)
      %dma_wait3A = arith.constant 0 : i32
      %dma_wait3A_59 = tpu.memref_slice %arg14[%add3A_11, %dma_wait3A] : memref<10240x80xf32, #tpu.memory_space<vmem_shared>> -> memref<128x80xf32, #tpu.memory_space<vmem_shared>>
      %dma_wait3A_60 = arith.constant 0 : i32
      %dma_wait3A_61 = tpu.memref_slice %arg14[%add3A_11, %dma_wait3A_60] : memref<10240x80xf32, #tpu.memory_space<vmem_shared>> -> memref<128x80xf32, #tpu.memory_space<vmem_shared>>
      tpu.wait_dma2 semaphore(%run_scoped3A : memref<!tpu.dma_semaphore, #tpu.memory_space<semaphore_mem>>) src(%arg12 : memref<128x80xf32, #tpu.memory_space<vmem>>) dst(%dma_wait3A_61 : memref<128x80xf32, #tpu.memory_space<vmem_shared>>)
      tpu.yield
    }) : () -> ()
    %mul3A_12 = arith.constant 640 : i32
    %mul3A_13 = arith.muli %arg1, %mul3A_12 : i32
    %add3A_14 = arith.constant 128 : i32
    %add3A_15 = arith.addi %mul3A_13, %add3A_14 : i32
    "tpu.region"() ({
      %run_scoped3A = tpu.sem_alloc : memref<!tpu.dma_semaphore, #tpu.memory_space<semaphore_mem>>
      %dma_start3A = arith.constant 0 : i32
      %dma_start3A_56 = tpu.memref_slice %arg14[%add3A_15, %dma_start3A] : memref<10240x80xf32, #tpu.memory_space<vmem_shared>> -> memref<128x80xf32, #tpu.memory_space<vmem_shared>>
      %dma_start3A_57 = arith.constant 0 : i32
      %dma_start3A_58 = tpu.memref_slice %arg14[%add3A_15, %dma_start3A_57] : memref<10240x80xf32, #tpu.memory_space<vmem_shared>> -> memref<128x80xf32, #tpu.memory_space<vmem_shared>>
      tpu.enqueue_dma source(%arg12 : memref<128x80xf32, #tpu.memory_space<vmem>>) target(%dma_start3A_58 : memref<128x80xf32, #tpu.memory_space<vmem_shared>>) target_semaphore(%run_scoped3A : memref<!tpu.dma_semaphore, #tpu.memory_space<semaphore_mem>>)
      %dma_wait3A = arith.constant 0 : i32
      %dma_wait3A_59 = tpu.memref_slice %arg14[%add3A_15, %dma_wait3A] : memref<10240x80xf32, #tpu.memory_space<vmem_shared>> -> memref<128x80xf32, #tpu.memory_space<vmem_shared>>
      %dma_wait3A_60 = arith.constant 0 : i32
      %dma_wait3A_61 = tpu.memref_slice %arg14[%add3A_15, %dma_wait3A_60] : memref<10240x80xf32, #tpu.memory_space<vmem_shared>> -> memref<128x80xf32, #tpu.memory_space<vmem_shared>>
      tpu.wait_dma2 semaphore(%run_scoped3A : memref<!tpu.dma_semaphore, #tpu.memory_space<semaphore_mem>>) src(%arg12 : memref<128x80xf32, #tpu.memory_space<vmem>>) dst(%dma_wait3A_61 : memref<128x80xf32, #tpu.memory_space<vmem_shared>>)
      tpu.yield
    }) : () -> ()
    %mul3A_16 = arith.constant 640 : i32
    %mul3A_17 = arith.muli %arg1, %mul3A_16 : i32
    %add3A_18 = arith.constant 256 : i32
    %add3A_19 = arith.addi %mul3A_17, %add3A_18 : i32
    "tpu.region"() ({
      %run_scoped3A = tpu.sem_alloc : memref<!tpu.dma_semaphore, #tpu.memory_space<semaphore_mem>>
      %dma_start3A = arith.constant 0 : i32
      %dma_start3A_56 = tpu.memref_slice %arg14[%add3A_19, %dma_start3A] : memref<10240x80xf32, #tpu.memory_space<vmem_shared>> -> memref<128x80xf32, #tpu.memory_space<vmem_shared>>
      %dma_start3A_57 = arith.constant 0 : i32
      %dma_start3A_58 = tpu.memref_slice %arg14[%add3A_19, %dma_start3A_57] : memref<10240x80xf32, #tpu.memory_space<vmem_shared>> -> memref<128x80xf32, #tpu.memory_space<vmem_shared>>
      tpu.enqueue_dma source(%arg12 : memref<128x80xf32, #tpu.memory_space<vmem>>) target(%dma_start3A_58 : memref<128x80xf32, #tpu.memory_space<vmem_shared>>) target_semaphore(%run_scoped3A : memref<!tpu.dma_semaphore, #tpu.memory_space<semaphore_mem>>)
      %dma_wait3A = arith.constant 0 : i32
      %dma_wait3A_59 = tpu.memref_slice %arg14[%add3A_19, %dma_wait3A] : memref<10240x80xf32, #tpu.memory_space<vmem_shared>> -> memref<128x80xf32, #tpu.memory_space<vmem_shared>>
      %dma_wait3A_60 = arith.constant 0 : i32
      %dma_wait3A_61 = tpu.memref_slice %arg14[%add3A_19, %dma_wait3A_60] : memref<10240x80xf32, #tpu.memory_space<vmem_shared>> -> memref<128x80xf32, #tpu.memory_space<vmem_shared>>
      tpu.wait_dma2 semaphore(%run_scoped3A : memref<!tpu.dma_semaphore, #tpu.memory_space<semaphore_mem>>) src(%arg12 : memref<128x80xf32, #tpu.memory_space<vmem>>) dst(%dma_wait3A_61 : memref<128x80xf32, #tpu.memory_space<vmem_shared>>)
      tpu.yield
    }) : () -> ()
    %mul3A_20 = arith.constant 640 : i32
    %mul3A_21 = arith.muli %arg1, %mul3A_20 : i32
    %add3A_22 = arith.constant 384 : i32
    %add3A_23 = arith.addi %mul3A_21, %add3A_22 : i32
    "tpu.region"() ({
      %run_scoped3A = tpu.sem_alloc : memref<!tpu.dma_semaphore, #tpu.memory_space<semaphore_mem>>
      %dma_start3A = arith.constant 0 : i32
      %dma_start3A_56 = tpu.memref_slice %arg14[%add3A_23, %dma_start3A] : memref<10240x80xf32, #tpu.memory_space<vmem_shared>> -> memref<128x80xf32, #tpu.memory_space<vmem_shared>>
      %dma_start3A_57 = arith.constant 0 : i32
      %dma_start3A_58 = tpu.memref_slice %arg14[%add3A_23, %dma_start3A_57] : memref<10240x80xf32, #tpu.memory_space<vmem_shared>> -> memref<128x80xf32, #tpu.memory_space<vmem_shared>>
      tpu.enqueue_dma source(%arg12 : memref<128x80xf32, #tpu.memory_space<vmem>>) target(%dma_start3A_58 : memref<128x80xf32, #tpu.memory_space<vmem_shared>>) target_semaphore(%run_scoped3A : memref<!tpu.dma_semaphore, #tpu.memory_space<semaphore_mem>>)
      %dma_wait3A = arith.constant 0 : i32
      %dma_wait3A_59 = tpu.memref_slice %arg14[%add3A_23, %dma_wait3A] : memref<10240x80xf32, #tpu.memory_space<vmem_shared>> -> memref<128x80xf32, #tpu.memory_space<vmem_shared>>
      %dma_wait3A_60 = arith.constant 0 : i32
      %dma_wait3A_61 = tpu.memref_slice %arg14[%add3A_23, %dma_wait3A_60] : memref<10240x80xf32, #tpu.memory_space<vmem_shared>> -> memref<128x80xf32, #tpu.memory_space<vmem_shared>>
      tpu.wait_dma2 semaphore(%run_scoped3A : memref<!tpu.dma_semaphore, #tpu.memory_space<semaphore_mem>>) src(%arg12 : memref<128x80xf32, #tpu.memory_space<vmem>>) dst(%dma_wait3A_61 : memref<128x80xf32, #tpu.memory_space<vmem_shared>>)
      tpu.yield
    }) : () -> ()
    %mul3A_24 = arith.constant 640 : i32
    %mul3A_25 = arith.muli %arg1, %mul3A_24 : i32
    %add3A_26 = arith.constant 512 : i32
    %add3A_27 = arith.addi %mul3A_25, %add3A_26 : i32
    "tpu.region"() ({
      %run_scoped3A = tpu.sem_alloc : memref<!tpu.dma_semaphore, #tpu.memory_space<semaphore_mem>>
      %dma_start3A = arith.constant 0 : i32
      %dma_start3A_56 = tpu.memref_slice %arg14[%add3A_27, %dma_start3A] : memref<10240x80xf32, #tpu.memory_space<vmem_shared>> -> memref<128x80xf32, #tpu.memory_space<vmem_shared>>
      %dma_start3A_57 = arith.constant 0 : i32
      %dma_start3A_58 = tpu.memref_slice %arg14[%add3A_27, %dma_start3A_57] : memref<10240x80xf32, #tpu.memory_space<vmem_shared>> -> memref<128x80xf32, #tpu.memory_space<vmem_shared>>
      tpu.enqueue_dma source(%arg12 : memref<128x80xf32, #tpu.memory_space<vmem>>) target(%dma_start3A_58 : memref<128x80xf32, #tpu.memory_space<vmem_shared>>) target_semaphore(%run_scoped3A : memref<!tpu.dma_semaphore, #tpu.memory_space<semaphore_mem>>)
      %dma_wait3A = arith.constant 0 : i32
      %dma_wait3A_59 = tpu.memref_slice %arg14[%add3A_27, %dma_wait3A] : memref<10240x80xf32, #tpu.memory_space<vmem_shared>> -> memref<128x80xf32, #tpu.memory_space<vmem_shared>>
      %dma_wait3A_60 = arith.constant 0 : i32
      %dma_wait3A_61 = tpu.memref_slice %arg14[%add3A_27, %dma_wait3A_60] : memref<10240x80xf32, #tpu.memory_space<vmem_shared>> -> memref<128x80xf32, #tpu.memory_space<vmem_shared>>
      tpu.wait_dma2 semaphore(%run_scoped3A : memref<!tpu.dma_semaphore, #tpu.memory_space<semaphore_mem>>) src(%arg12 : memref<128x80xf32, #tpu.memory_space<vmem>>) dst(%dma_wait3A_61 : memref<128x80xf32, #tpu.memory_space<vmem_shared>>)
      tpu.yield
    }) : () -> ()
    %barrier3A = arith.constant 0 : index
    tpu.barrier barrier_id(%barrier3A)
    %iota3A = tpu.iota {dimensions = array<i32: 0>} : vector<16xi32>
    %scan3A_28 = arith.constant 0 : i32
    %scan3A_29 = arith.constant 0 : i32
    %scan3A_30 = arith.constant 162 : i32
    %scan3A_31 = arith.addi %scan3A_29, %scan3A_30 : i32
    %scan3A_32 = arith.constant 1 : i32
    %scan3A_33 = scf.for %scan3A_56 = %scan3A_29 to %scan3A_31 step %scan3A_32 iter_args(%scan3A_57 = %scan3A_28) -> (i32)  : i32 {
      %mul3A_58 = arith.constant 128 : i32
      %mul3A_59 = arith.muli %scan3A_56, %mul3A_58 : i32
      %add3A_60 = arith.addi %mul3A_0, %mul3A_59 : i32
      "tpu.region"() ({
        %run_scoped3A = tpu.sem_alloc : memref<!tpu.dma_semaphore, #tpu.memory_space<semaphore_mem>>
        %dma_start3A_124 = tpu.memref_slice %arg4[%arg0, %add3A_60] : memref<2x331776xi32, #tpu.memory_space<hbm>> -> memref<1x128xi32, #tpu.memory_space<hbm>>
        %dma_start3A_125 = tpu.memref_squeeze %dma_start3A_124 : memref<1x128xi32, #tpu.memory_space<hbm>> -> memref<128xi32, #tpu.memory_space<hbm>>
        %dma_start3A_126 = tpu.memref_slice %arg4[%arg0, %add3A_60] : memref<2x331776xi32, #tpu.memory_space<hbm>> -> memref<1x128xi32, #tpu.memory_space<hbm>>
        %dma_start3A_127 = tpu.memref_squeeze %dma_start3A_126 : memref<1x128xi32, #tpu.memory_space<hbm>> -> memref<128xi32, #tpu.memory_space<hbm>>
        tpu.enqueue_dma source(%dma_start3A_127 : memref<128xi32, #tpu.memory_space<hbm>>) target(%arg8 : memref<128xi32, #tpu.memory_space<vmem>>) target_semaphore(%run_scoped3A : memref<!tpu.dma_semaphore, #tpu.memory_space<semaphore_mem>>)
        %dma_wait3A_128 = tpu.memref_slice %arg4[%arg0, %add3A_60] : memref<2x331776xi32, #tpu.memory_space<hbm>> -> memref<1x128xi32, #tpu.memory_space<hbm>>
        %dma_wait3A_129 = tpu.memref_squeeze %dma_wait3A_128 : memref<1x128xi32, #tpu.memory_space<hbm>> -> memref<128xi32, #tpu.memory_space<hbm>>
        %dma_wait3A_130 = tpu.memref_slice %arg4[%arg0, %add3A_60] : memref<2x331776xi32, #tpu.memory_space<hbm>> -> memref<1x128xi32, #tpu.memory_space<hbm>>
        %dma_wait3A_131 = tpu.memref_squeeze %dma_wait3A_130 : memref<1x128xi32, #tpu.memory_space<hbm>> -> memref<128xi32, #tpu.memory_space<hbm>>
        tpu.wait_dma2 semaphore(%run_scoped3A : memref<!tpu.dma_semaphore, #tpu.memory_space<semaphore_mem>>) src(%dma_wait3A_131 : memref<128xi32, #tpu.memory_space<hbm>>) dst(%arg8 : memref<128xi32, #tpu.memory_space<vmem>>)
        tpu.yield
      }) : () -> ()
      "tpu.region"() ({
        %run_scoped3A = tpu.sem_alloc : memref<!tpu.dma_semaphore, #tpu.memory_space<semaphore_mem>>
        %dma_start3A_124 = tpu.memref_slice %arg5[%arg0, %add3A_60] : memref<2x331776xi32, #tpu.memory_space<hbm>> -> memref<1x128xi32, #tpu.memory_space<hbm>>
        %dma_start3A_125 = tpu.memref_squeeze %dma_start3A_124 : memref<1x128xi32, #tpu.memory_space<hbm>> -> memref<128xi32, #tpu.memory_space<hbm>>
        %dma_start3A_126 = tpu.memref_slice %arg5[%arg0, %add3A_60] : memref<2x331776xi32, #tpu.memory_space<hbm>> -> memref<1x128xi32, #tpu.memory_space<hbm>>
        %dma_start3A_127 = tpu.memref_squeeze %dma_start3A_126 : memref<1x128xi32, #tpu.memory_space<hbm>> -> memref<128xi32, #tpu.memory_space<hbm>>
        tpu.enqueue_dma source(%dma_start3A_127 : memref<128xi32, #tpu.memory_space<hbm>>) target(%arg9 : memref<128xi32, #tpu.memory_space<vmem>>) target_semaphore(%run_scoped3A : memref<!tpu.dma_semaphore, #tpu.memory_space<semaphore_mem>>)
        %dma_wait3A_128 = tpu.memref_slice %arg5[%arg0, %add3A_60] : memref<2x331776xi32, #tpu.memory_space<hbm>> -> memref<1x128xi32, #tpu.memory_space<hbm>>
        %dma_wait3A_129 = tpu.memref_squeeze %dma_wait3A_128 : memref<1x128xi32, #tpu.memory_space<hbm>> -> memref<128xi32, #tpu.memory_space<hbm>>
        %dma_wait3A_130 = tpu.memref_slice %arg5[%arg0, %add3A_60] : memref<2x331776xi32, #tpu.memory_space<hbm>> -> memref<1x128xi32, #tpu.memory_space<hbm>>
        %dma_wait3A_131 = tpu.memref_squeeze %dma_wait3A_130 : memref<1x128xi32, #tpu.memory_space<hbm>> -> memref<128xi32, #tpu.memory_space<hbm>>
        tpu.wait_dma2 semaphore(%run_scoped3A : memref<!tpu.dma_semaphore, #tpu.memory_space<semaphore_mem>>) src(%dma_wait3A_131 : memref<128xi32, #tpu.memory_space<hbm>>) dst(%arg9 : memref<128xi32, #tpu.memory_space<vmem>>)
        tpu.yield
      }) : () -> ()
      %dma_start3A = arith.constant 0 : i32
      %dma_start3A_61 = arith.constant 0 : i32
      %dma_start3A_62 = tpu.memref_slice %arg2[%dma_start3A, %dma_start3A_61] : memref<20480x64xf32, #tpu.memory_space<hbm>> -> memref<20480x64xf32, #tpu.memory_space<hbm>>
      tpu.enqueue_indirect_dma source(%dma_start3A_62 : memref<20480x64xf32, #tpu.memory_space<hbm>>) target(%arg10 : memref<128x64xf32, #tpu.memory_space<vmem>>) offsets(%arg8 : memref<128xi32, #tpu.memory_space<vmem>>) semaphore(%arg15 : memref<!tpu.dma_semaphore, #tpu.memory_space<semaphore_mem>>)
      %dma_start3A_63 = arith.constant 0 : i32
      %dma_start3A_64 = arith.constant 0 : i32
      %dma_start3A_65 = tpu.memref_slice %arg3[%dma_start3A_63, %dma_start3A_64] : memref<20480x64xf32, #tpu.memory_space<hbm>> -> memref<20480x64xf32, #tpu.memory_space<hbm>>
      tpu.enqueue_indirect_dma source(%dma_start3A_65 : memref<20480x64xf32, #tpu.memory_space<hbm>>) target(%arg11 : memref<128x64xf32, #tpu.memory_space<vmem>>) offsets(%arg9 : memref<128xi32, #tpu.memory_space<vmem>>) semaphore(%arg16 : memref<!tpu.dma_semaphore, #tpu.memory_space<semaphore_mem>>)
      %dma_wait3A = arith.constant 0 : i32
      %dma_wait3A_66 = arith.constant 0 : i32
      %dma_wait3A_67 = tpu.memref_slice %arg2[%dma_wait3A, %dma_wait3A_66] : memref<20480x64xf32, #tpu.memory_space<hbm>> -> memref<20480x64xf32, #tpu.memory_space<hbm>>
      tpu.wait_indirect_dma semaphore(%arg15 : memref<!tpu.dma_semaphore, #tpu.memory_space<semaphore_mem>>) src(%dma_wait3A_67 : memref<20480x64xf32, #tpu.memory_space<hbm>>) dst(%arg10 : memref<128x64xf32, #tpu.memory_space<vmem>>)
      %dma_wait3A_68 = arith.constant 0 : i32
      %dma_wait3A_69 = arith.constant 0 : i32
      %dma_wait3A_70 = tpu.memref_slice %arg3[%dma_wait3A_68, %dma_wait3A_69] : memref<20480x64xf32, #tpu.memory_space<hbm>> -> memref<20480x64xf32, #tpu.memory_space<hbm>>
      tpu.wait_indirect_dma semaphore(%arg16 : memref<!tpu.dma_semaphore, #tpu.memory_space<semaphore_mem>>) src(%dma_wait3A_70 : memref<20480x64xf32, #tpu.memory_space<hbm>>) dst(%arg11 : memref<128x64xf32, #tpu.memory_space<vmem>>)
      %scan3A_71 = arith.constant 0 : i32
      %scan3A_72 = arith.constant 0 : i32
      %scan3A_73 = arith.constant 128 : i32
      %scan3A_74 = arith.addi %scan3A_72, %scan3A_73 : i32
      %scan3A_75 = arith.constant 1 : i32
      %scan3A_76 = scf.for %scan3A_124 = %scan3A_72 to %scan3A_74 step %scan3A_75 iter_args(%scan3A_125 = %scan3A_71) -> (i32)  : i32 {
        %broadcast_in_dim3A = arith.constant 0.000000e+00 : f32
        %broadcast_in_dim3A_126 = vector.broadcast %broadcast_in_dim3A : f32 to vector<16xf32>
        %get3A_127 = arith.index_cast %scan3A_124 : i32 to index
        %get3A_128 = arith.constant 0 : index
        %get3A_129 = tpu.vector_load %arg10[%get3A_127, %get3A_128] {strides = array<i32>} : memref<128x64xf32, #tpu.memory_space<vmem>>, vector<16xf32>,
        %get3A_130 = arith.index_cast %scan3A_124 : i32 to index
        %get3A_131 = arith.constant 0 : index
        %get3A_132 = tpu.vector_load %arg11[%get3A_130, %get3A_131] {strides = array<i32>} : memref<128x64xf32, #tpu.memory_space<vmem>>, vector<16xf32>,
        %add3A_133 = arith.addf %get3A_129, %get3A_132 : vector<16xf32>
        %gt3A = arith.constant 0.000000e+00 : f32
        %gt3A_134 = vector.broadcast %gt3A : f32 to vector<16xf32>
        %gt3A_135 = arith.cmpf ogt, %add3A_133, %gt3A_134 : vector<16xf32>
        %mul3A_136 = arith.constant 2.000000e-01 : f32
        %mul3A_137 = vector.broadcast %mul3A_136 : f32 to vector<16xf32>
        %mul3A_138 = arith.mulf %mul3A_137, %add3A_133 : vector<16xf32>
        %select_n3A = arith.select %gt3A_135, %add3A_133, %mul3A_138 : vector<16xi1>, vector<16xf32>
        %get3A_139 = arith.constant 0 : index
        %get3A_140 = tpu.vector_load %arg13[%get3A_139] {strides = array<i32>} : memref<64xf32, #tpu.memory_space<vmem>>, vector<16xf32>,
        %mul3A_141 = arith.mulf %select_n3A, %get3A_140 : vector<16xf32>
        %reduce_sum3A = arith.constant true
        %reduce_sum3A_142 = vector.broadcast %reduce_sum3A : i1 to vector<16xi1>
        %reduce_sum3A_143 = tpu.scan <sum>, %mul3A_141 masked %reduce_sum3A_142 : vector<16xf32>, vector<16xi1> -> vector<16xf32>
        %reduce_sum3A_144 = vector.extract %reduce_sum3A_143[15] : f32 from vector<16xf32>
        %broadcast_in_dim3A_145 = vector.broadcast %reduce_sum3A_144 : f32 to vector<16xf32>
        %exp3A = math.exp %broadcast_in_dim3A_145 : vector<16xf32>
        %mul3A_146 = arith.mulf %exp3A, %get3A_129 : vector<16xf32>
        %swap3A_147 = arith.index_cast %scan3A_124 : i32 to index
        %swap3A_148 = arith.constant 0 : index
        %swap3A_149 = tpu.vector_load %arg12[%swap3A_147, %swap3A_148] {strides = array<i32>} : memref<128x80xf32, #tpu.memory_space<vmem>>, vector<16xf32>,
        tpu.vector_store %arg12[%swap3A_147, %swap3A_148], %mul3A_146 {strides = array<i32>} : memref<128x80xf32, #tpu.memory_space<vmem>>, vector<16xf32>,
        %eq3A = arith.constant 0 : i32
        %eq3A_150 = vector.broadcast %eq3A : i32 to vector<16xi32>
        %eq3A_151 = arith.cmpi eq, %iota3A, %eq3A_150 : vector<16xi32>
        %select_n3A_152 = arith.select %eq3A_151, %exp3A, %broadcast_in_dim3A_126 : vector<16xi1>, vector<16xf32>
        %get3A_153 = arith.index_cast %scan3A_124 : i32 to index
        %get3A_154 = arith.constant 16 : index
        %get3A_155 = tpu.vector_load %arg10[%get3A_153, %get3A_154] {strides = array<i32>} : memref<128x64xf32, #tpu.memory_space<vmem>>, vector<16xf32>,
        %get3A_156 = arith.index_cast %scan3A_124 : i32 to index
        %get3A_157 = arith.constant 16 : index
        %get3A_158 = tpu.vector_load %arg11[%get3A_156, %get3A_157] {strides = array<i32>} : memref<128x64xf32, #tpu.memory_space<vmem>>, vector<16xf32>,
        %add3A_159 = arith.addf %get3A_155, %get3A_158 : vector<16xf32>
        %gt3A_160 = arith.constant 0.000000e+00 : f32
        %gt3A_161 = vector.broadcast %gt3A_160 : f32 to vector<16xf32>
        %gt3A_162 = arith.cmpf ogt, %add3A_159, %gt3A_161 : vector<16xf32>
        %mul3A_163 = arith.constant 2.000000e-01 : f32
        %mul3A_164 = vector.broadcast %mul3A_163 : f32 to vector<16xf32>
        %mul3A_165 = arith.mulf %mul3A_164, %add3A_159 : vector<16xf32>
        %select_n3A_166 = arith.select %gt3A_162, %add3A_159, %mul3A_165 : vector<16xi1>, vector<16xf32>
        %get3A_167 = arith.constant 16 : index
        %get3A_168 = tpu.vector_load %arg13[%get3A_167] {strides = array<i32>} : memref<64xf32, #tpu.memory_space<vmem>>, vector<16xf32>,
        %mul3A_169 = arith.mulf %select_n3A_166, %get3A_168 : vector<16xf32>
        %reduce_sum3A_170 = arith.constant true
        %reduce_sum3A_171 = vector.broadcast %reduce_sum3A_170 : i1 to vector<16xi1>
        %reduce_sum3A_172 = tpu.scan <sum>, %mul3A_169 masked %reduce_sum3A_171 : vector<16xf32>, vector<16xi1> -> vector<16xf32>
        %reduce_sum3A_173 = vector.extract %reduce_sum3A_172[15] : f32 from vector<16xf32>
        %broadcast_in_dim3A_174 = vector.broadcast %reduce_sum3A_173 : f32 to vector<16xf32>
        %exp3A_175 = math.exp %broadcast_in_dim3A_174 : vector<16xf32>
        %mul3A_176 = arith.mulf %exp3A_175, %get3A_155 : vector<16xf32>
        %swap3A_177 = arith.index_cast %scan3A_124 : i32 to index
        %swap3A_178 = arith.constant 16 : index
        %swap3A_179 = tpu.vector_load %arg12[%swap3A_177, %swap3A_178] {strides = array<i32>} : memref<128x80xf32, #tpu.memory_space<vmem>>, vector<16xf32>,
        tpu.vector_store %arg12[%swap3A_177, %swap3A_178], %mul3A_176 {strides = array<i32>} : memref<128x80xf32, #tpu.memory_space<vmem>>, vector<16xf32>,
        %eq3A_180 = arith.constant 1 : i32
        %eq3A_181 = vector.broadcast %eq3A_180 : i32 to vector<16xi32>
        %eq3A_182 = arith.cmpi eq, %iota3A, %eq3A_181 : vector<16xi32>
        %select_n3A_183 = arith.select %eq3A_182, %exp3A_175, %select_n3A_152 : vector<16xi1>, vector<16xf32>
        %get3A_184 = arith.index_cast %scan3A_124 : i32 to index
        %get3A_185 = arith.constant 32 : index
        %get3A_186 = tpu.vector_load %arg10[%get3A_184, %get3A_185] {strides = array<i32>} : memref<128x64xf32, #tpu.memory_space<vmem>>, vector<16xf32>,
        %get3A_187 = arith.index_cast %scan3A_124 : i32 to index
        %get3A_188 = arith.constant 32 : index
        %get3A_189 = tpu.vector_load %arg11[%get3A_187, %get3A_188] {strides = array<i32>} : memref<128x64xf32, #tpu.memory_space<vmem>>, vector<16xf32>,
        %add3A_190 = arith.addf %get3A_186, %get3A_189 : vector<16xf32>
        %gt3A_191 = arith.constant 0.000000e+00 : f32
        %gt3A_192 = vector.broadcast %gt3A_191 : f32 to vector<16xf32>
        %gt3A_193 = arith.cmpf ogt, %add3A_190, %gt3A_192 : vector<16xf32>
        %mul3A_194 = arith.constant 2.000000e-01 : f32
        %mul3A_195 = vector.broadcast %mul3A_194 : f32 to vector<16xf32>
        %mul3A_196 = arith.mulf %mul3A_195, %add3A_190 : vector<16xf32>
        %select_n3A_197 = arith.select %gt3A_193, %add3A_190, %mul3A_196 : vector<16xi1>, vector<16xf32>
        %get3A_198 = arith.constant 32 : index
        %get3A_199 = tpu.vector_load %arg13[%get3A_198] {strides = array<i32>} : memref<64xf32, #tpu.memory_space<vmem>>, vector<16xf32>,
        %mul3A_200 = arith.mulf %select_n3A_197, %get3A_199 : vector<16xf32>
        %reduce_sum3A_201 = arith.constant true
        %reduce_sum3A_202 = vector.broadcast %reduce_sum3A_201 : i1 to vector<16xi1>
        %reduce_sum3A_203 = tpu.scan <sum>, %mul3A_200 masked %reduce_sum3A_202 : vector<16xf32>, vector<16xi1> -> vector<16xf32>
        %reduce_sum3A_204 = vector.extract %reduce_sum3A_203[15] : f32 from vector<16xf32>
        %broadcast_in_dim3A_205 = vector.broadcast %reduce_sum3A_204 : f32 to vector<16xf32>
        %exp3A_206 = math.exp %broadcast_in_dim3A_205 : vector<16xf32>
        %mul3A_207 = arith.mulf %exp3A_206, %get3A_186 : vector<16xf32>
        %swap3A_208 = arith.index_cast %scan3A_124 : i32 to index
        %swap3A_209 = arith.constant 32 : index
        %swap3A_210 = tpu.vector_load %arg12[%swap3A_208, %swap3A_209] {strides = array<i32>} : memref<128x80xf32, #tpu.memory_space<vmem>>, vector<16xf32>,
        tpu.vector_store %arg12[%swap3A_208, %swap3A_209], %mul3A_207 {strides = array<i32>} : memref<128x80xf32, #tpu.memory_space<vmem>>, vector<16xf32>,
        %eq3A_211 = arith.constant 2 : i32
        %eq3A_212 = vector.broadcast %eq3A_211 : i32 to vector<16xi32>
        %eq3A_213 = arith.cmpi eq, %iota3A, %eq3A_212 : vector<16xi32>
        %select_n3A_214 = arith.select %eq3A_213, %exp3A_206, %select_n3A_183 : vector<16xi1>, vector<16xf32>
        %get3A_215 = arith.index_cast %scan3A_124 : i32 to index
        %get3A_216 = arith.constant 48 : index
        %get3A_217 = tpu.vector_load %arg10[%get3A_215, %get3A_216] {strides = array<i32>} : memref<128x64xf32, #tpu.memory_space<vmem>>, vector<16xf32>,
        %get3A_218 = arith.index_cast %scan3A_124 : i32 to index
        %get3A_219 = arith.constant 48 : index
        %get3A_220 = tpu.vector_load %arg11[%get3A_218, %get3A_219] {strides = array<i32>} : memref<128x64xf32, #tpu.memory_space<vmem>>, vector<16xf32>,
        %add3A_221 = arith.addf %get3A_217, %get3A_220 : vector<16xf32>
        %gt3A_222 = arith.constant 0.000000e+00 : f32
        %gt3A_223 = vector.broadcast %gt3A_222 : f32 to vector<16xf32>
        %gt3A_224 = arith.cmpf ogt, %add3A_221, %gt3A_223 : vector<16xf32>
        %mul3A_225 = arith.constant 2.000000e-01 : f32
        %mul3A_226 = vector.broadcast %mul3A_225 : f32 to vector<16xf32>
        %mul3A_227 = arith.mulf %mul3A_226, %add3A_221 : vector<16xf32>
        %select_n3A_228 = arith.select %gt3A_224, %add3A_221, %mul3A_227 : vector<16xi1>, vector<16xf32>
        %get3A_229 = arith.constant 48 : index
        %get3A_230 = tpu.vector_load %arg13[%get3A_229] {strides = array<i32>} : memref<64xf32, #tpu.memory_space<vmem>>, vector<16xf32>,
        %mul3A_231 = arith.mulf %select_n3A_228, %get3A_230 : vector<16xf32>
        %reduce_sum3A_232 = arith.constant true
        %reduce_sum3A_233 = vector.broadcast %reduce_sum3A_232 : i1 to vector<16xi1>
        %reduce_sum3A_234 = tpu.scan <sum>, %mul3A_231 masked %reduce_sum3A_233 : vector<16xf32>, vector<16xi1> -> vector<16xf32>
        %reduce_sum3A_235 = vector.extract %reduce_sum3A_234[15] : f32 from vector<16xf32>
        %broadcast_in_dim3A_236 = vector.broadcast %reduce_sum3A_235 : f32 to vector<16xf32>
        %exp3A_237 = math.exp %broadcast_in_dim3A_236 : vector<16xf32>
        %mul3A_238 = arith.mulf %exp3A_237, %get3A_217 : vector<16xf32>
        %swap3A_239 = arith.index_cast %scan3A_124 : i32 to index
        %swap3A_240 = arith.constant 48 : index
        %swap3A_241 = tpu.vector_load %arg12[%swap3A_239, %swap3A_240] {strides = array<i32>} : memref<128x80xf32, #tpu.memory_space<vmem>>, vector<16xf32>,
        tpu.vector_store %arg12[%swap3A_239, %swap3A_240], %mul3A_238 {strides = array<i32>} : memref<128x80xf32, #tpu.memory_space<vmem>>, vector<16xf32>,
        %eq3A_242 = arith.constant 3 : i32
        %eq3A_243 = vector.broadcast %eq3A_242 : i32 to vector<16xi32>
        %eq3A_244 = arith.cmpi eq, %iota3A, %eq3A_243 : vector<16xi32>
        %select_n3A_245 = arith.select %eq3A_244, %exp3A_237, %select_n3A_214 : vector<16xi1>, vector<16xf32>
        %swap3A_246 = arith.index_cast %scan3A_124 : i32 to index
        %swap3A_247 = arith.constant 64 : index
        %swap3A_248 = tpu.vector_load %arg12[%swap3A_246, %swap3A_247] {strides = array<i32>} : memref<128x80xf32, #tpu.memory_space<vmem>>, vector<16xf32>,
        tpu.vector_store %arg12[%swap3A_246, %swap3A_247], %select_n3A_245 {strides = array<i32>} : memref<128x80xf32, #tpu.memory_space<vmem>>, vector<16xf32>,
        %scan3A_249 = arith.constant 0 : i32
        scf.yield %scan3A_249 : i32
      }
      %scan3A_77 = arith.constant 128 : i32
      %get3A = arith.constant 0 : index
      %get3A_78 = tpu.vector_load %arg9[%get3A] {strides = array<i32>} : memref<128xi32, #tpu.memory_space<vmem>>, vector<16xi32>,
      %sub3A = vector.broadcast %mul3A_2 : i32 to vector<16xi32>
      %sub3A_79 = arith.subi %get3A_78, %sub3A : vector<16xi32>
      %swap3A = arith.constant 0 : index
      %swap3A_80 = tpu.vector_load %arg9[%swap3A] {strides = array<i32>} : memref<128xi32, #tpu.memory_space<vmem>>, vector<16xi32>,
      tpu.vector_store %arg9[%swap3A], %sub3A_79 {strides = array<i32>} : memref<128xi32, #tpu.memory_space<vmem>>, vector<16xi32>,
      %get3A_81 = arith.constant 16 : index
      %get3A_82 = tpu.vector_load %arg9[%get3A_81] {strides = array<i32>} : memref<128xi32, #tpu.memory_space<vmem>>, vector<16xi32>,
      %sub3A_83 = vector.broadcast %mul3A_2 : i32 to vector<16xi32>
      %sub3A_84 = arith.subi %get3A_82, %sub3A_83 : vector<16xi32>
      %swap3A_85 = arith.constant 16 : index
      %swap3A_86 = tpu.vector_load %arg9[%swap3A_85] {strides = array<i32>} : memref<128xi32, #tpu.memory_space<vmem>>, vector<16xi32>,
      tpu.vector_store %arg9[%swap3A_85], %sub3A_84 {strides = array<i32>} : memref<128xi32, #tpu.memory_space<vmem>>, vector<16xi32>,
      %get3A_87 = arith.constant 32 : index
      %get3A_88 = tpu.vector_load %arg9[%get3A_87] {strides = array<i32>} : memref<128xi32, #tpu.memory_space<vmem>>, vector<16xi32>,
      %sub3A_89 = vector.broadcast %mul3A_2 : i32 to vector<16xi32>
      %sub3A_90 = arith.subi %get3A_88, %sub3A_89 : vector<16xi32>
      %swap3A_91 = arith.constant 32 : index
      %swap3A_92 = tpu.vector_load %arg9[%swap3A_91] {strides = array<i32>} : memref<128xi32, #tpu.memory_space<vmem>>, vector<16xi32>,
      tpu.vector_store %arg9[%swap3A_91], %sub3A_90 {strides = array<i32>} : memref<128xi32, #tpu.memory_space<vmem>>, vector<16xi32>,
      %get3A_93 = arith.constant 48 : index
      %get3A_94 = tpu.vector_load %arg9[%get3A_93] {strides = array<i32>} : memref<128xi32, #tpu.memory_space<vmem>>, vector<16xi32>,
      %sub3A_95 = vector.broadcast %mul3A_2 : i32 to vector<16xi32>
      %sub3A_96 = arith.subi %get3A_94, %sub3A_95 : vector<16xi32>
      %swap3A_97 = arith.constant 48 : index
      %swap3A_98 = tpu.vector_load %arg9[%swap3A_97] {strides = array<i32>} : memref<128xi32, #tpu.memory_space<vmem>>, vector<16xi32>,
      tpu.vector_store %arg9[%swap3A_97], %sub3A_96 {strides = array<i32>} : memref<128xi32, #tpu.memory_space<vmem>>, vector<16xi32>,
      %get3A_99 = arith.constant 64 : index
      %get3A_100 = tpu.vector_load %arg9[%get3A_99] {strides = array<i32>} : memref<128xi32, #tpu.memory_space<vmem>>, vector<16xi32>,
      %sub3A_101 = vector.broadcast %mul3A_2 : i32 to vector<16xi32>
      %sub3A_102 = arith.subi %get3A_100, %sub3A_101 : vector<16xi32>
      %swap3A_103 = arith.constant 64 : index
      %swap3A_104 = tpu.vector_load %arg9[%swap3A_103] {strides = array<i32>} : memref<128xi32, #tpu.memory_space<vmem>>, vector<16xi32>,
      tpu.vector_store %arg9[%swap3A_103], %sub3A_102 {strides = array<i32>} : memref<128xi32, #tpu.memory_space<vmem>>, vector<16xi32>,
      %get3A_105 = arith.constant 80 : index
      %get3A_106 = tpu.vector_load %arg9[%get3A_105] {strides = array<i32>} : memref<128xi32, #tpu.memory_space<vmem>>, vector<16xi32>,
      %sub3A_107 = vector.broadcast %mul3A_2 : i32 to vector<16xi32>
      %sub3A_108 = arith.subi %get3A_106, %sub3A_107 : vector<16xi32>
      %swap3A_109 = arith.constant 80 : index
      %swap3A_110 = tpu.vector_load %arg9[%swap3A_109] {strides = array<i32>} : memref<128xi32, #tpu.memory_space<vmem>>, vector<16xi32>,
      tpu.vector_store %arg9[%swap3A_109], %sub3A_108 {strides = array<i32>} : memref<128xi32, #tpu.memory_space<vmem>>, vector<16xi32>,
      %get3A_111 = arith.constant 96 : index
      %get3A_112 = tpu.vector_load %arg9[%get3A_111] {strides = array<i32>} : memref<128xi32, #tpu.memory_space<vmem>>, vector<16xi32>,
      %sub3A_113 = vector.broadcast %mul3A_2 : i32 to vector<16xi32>
      %sub3A_114 = arith.subi %get3A_112, %sub3A_113 : vector<16xi32>
      %swap3A_115 = arith.constant 96 : index
      %swap3A_116 = tpu.vector_load %arg9[%swap3A_115] {strides = array<i32>} : memref<128xi32, #tpu.memory_space<vmem>>, vector<16xi32>,
      tpu.vector_store %arg9[%swap3A_115], %sub3A_114 {strides = array<i32>} : memref<128xi32, #tpu.memory_space<vmem>>, vector<16xi32>,
      %get3A_117 = arith.constant 112 : index
      %get3A_118 = tpu.vector_load %arg9[%get3A_117] {strides = array<i32>} : memref<128xi32, #tpu.memory_space<vmem>>, vector<16xi32>,
      %sub3A_119 = vector.broadcast %mul3A_2 : i32 to vector<16xi32>
      %sub3A_120 = arith.subi %get3A_118, %sub3A_119 : vector<16xi32>
      %swap3A_121 = arith.constant 112 : index
      %swap3A_122 = tpu.vector_load %arg9[%swap3A_121] {strides = array<i32>} : memref<128xi32, #tpu.memory_space<vmem>>, vector<16xi32>,
      tpu.vector_store %arg9[%swap3A_121], %sub3A_120 {strides = array<i32>} : memref<128xi32, #tpu.memory_space<vmem>>, vector<16xi32>,
      "tpu.region"() ({
        %run_scoped3A = tpu.sem_alloc : memref<!tpu.dma_semaphore, #tpu.memory_space<semaphore_mem>>
        %dma_start3A_124 = arith.constant 0 : i32
        %dma_start3A_125 = arith.constant 0 : i32
        %dma_start3A_126 = tpu.memref_slice %arg14[%dma_start3A_124, %dma_start3A_125] : memref<10240x80xf32, #tpu.memory_space<vmem_shared>> -> memref<10240x80xf32, #tpu.memory_space<vmem_shared>>
        tpu.enqueue_indirect_dma source(%arg12 : memref<128x80xf32, #tpu.memory_space<vmem>>) target(%dma_start3A_126 : memref<10240x80xf32, #tpu.memory_space<vmem_shared>>) offsets(%arg9 : memref<128xi32, #tpu.memory_space<vmem>>) semaphore(%run_scoped3A : memref<!tpu.dma_semaphore, #tpu.memory_space<semaphore_mem>>) {add = true}
        %dma_wait3A_127 = arith.constant 0 : i32
        %dma_wait3A_128 = arith.constant 0 : i32
        %dma_wait3A_129 = tpu.memref_slice %arg14[%dma_wait3A_127, %dma_wait3A_128] : memref<10240x80xf32, #tpu.memory_space<vmem_shared>> -> memref<10240x80xf32, #tpu.memory_space<vmem_shared>>
        tpu.wait_indirect_dma semaphore(%run_scoped3A : memref<!tpu.dma_semaphore, #tpu.memory_space<semaphore_mem>>) src(%arg12 : memref<128x80xf32, #tpu.memory_space<vmem>>) dst(%dma_wait3A_129 : memref<10240x80xf32, #tpu.memory_space<vmem_shared>>)
        tpu.yield
      }) : () -> ()
      %scan3A_123 = arith.constant 0 : i32
      scf.yield %scan3A_123 : i32
    }
    %scan3A_34 = arith.constant 162 : i32
    %barrier3A_35 = arith.constant 0 : index
    tpu.barrier barrier_id(%barrier3A_35)
    %mul3A_36 = arith.constant 640 : i32
    %mul3A_37 = arith.muli %arg1, %mul3A_36 : i32
    %add3A_38 = arith.constant 0 : i32
    %add3A_39 = arith.addi %mul3A_37, %add3A_38 : i32
    "tpu.region"() ({
      %run_scoped3A = tpu.sem_alloc : memref<!tpu.dma_semaphore, #tpu.memory_space<semaphore_mem>>
      %dma_start3A = arith.constant 0 : i32
      %dma_start3A_56 = tpu.memref_slice %arg7[%arg0, %add3A_39, %dma_start3A] : memref<2x10240x80xf32, #tpu.memory_space<hbm>> -> memref<1x128x80xf32, #tpu.memory_space<hbm>>
      %dma_start3A_57 = tpu.memref_squeeze %dma_start3A_56 : memref<1x128x80xf32, #tpu.memory_space<hbm>> -> memref<128x80xf32, #tpu.memory_space<hbm>>
      %dma_start3A_58 = arith.constant 0 : i32
      %dma_start3A_59 = tpu.memref_slice %arg14[%add3A_39, %dma_start3A_58] : memref<10240x80xf32, #tpu.memory_space<vmem_shared>> -> memref<128x80xf32, #tpu.memory_space<vmem_shared>>
      tpu.enqueue_dma source(%dma_start3A_59 : memref<128x80xf32, #tpu.memory_space<vmem_shared>>) target(%dma_start3A_57 : memref<128x80xf32, #tpu.memory_space<hbm>>) target_semaphore(%run_scoped3A : memref<!tpu.dma_semaphore, #tpu.memory_space<semaphore_mem>>)
      %dma_wait3A = arith.constant 0 : i32
      %dma_wait3A_60 = tpu.memref_slice %arg7[%arg0, %add3A_39, %dma_wait3A] : memref<2x10240x80xf32, #tpu.memory_space<hbm>> -> memref<1x128x80xf32, #tpu.memory_space<hbm>>
      %dma_wait3A_61 = tpu.memref_squeeze %dma_wait3A_60 : memref<1x128x80xf32, #tpu.memory_space<hbm>> -> memref<128x80xf32, #tpu.memory_space<hbm>>
      %dma_wait3A_62 = arith.constant 0 : i32
      %dma_wait3A_63 = tpu.memref_slice %arg14[%add3A_39, %dma_wait3A_62] : memref<10240x80xf32, #tpu.memory_space<vmem_shared>> -> memref<128x80xf32, #tpu.memory_space<vmem_shared>>
      tpu.wait_dma2 semaphore(%run_scoped3A : memref<!tpu.dma_semaphore, #tpu.memory_space<semaphore_mem>>) src(%dma_wait3A_63 : memref<128x80xf32, #tpu.memory_space<vmem_shared>>) dst(%dma_wait3A_61 : memref<128x80xf32, #tpu.memory_space<hbm>>)
      tpu.yield
    }) : () -> ()
    %mul3A_40 = arith.constant 640 : i32
    %mul3A_41 = arith.muli %arg1, %mul3A_40 : i32
    %add3A_42 = arith.constant 128 : i32
    %add3A_43 = arith.addi %mul3A_41, %add3A_42 : i32
    "tpu.region"() ({
      %run_scoped3A = tpu.sem_alloc : memref<!tpu.dma_semaphore, #tpu.memory_space<semaphore_mem>>
      %dma_start3A = arith.constant 0 : i32
      %dma_start3A_56 = tpu.memref_slice %arg7[%arg0, %add3A_43, %dma_start3A] : memref<2x10240x80xf32, #tpu.memory_space<hbm>> -> memref<1x128x80xf32, #tpu.memory_space<hbm>>
      %dma_start3A_57 = tpu.memref_squeeze %dma_start3A_56 : memref<1x128x80xf32, #tpu.memory_space<hbm>> -> memref<128x80xf32, #tpu.memory_space<hbm>>
      %dma_start3A_58 = arith.constant 0 : i32
      %dma_start3A_59 = tpu.memref_slice %arg14[%add3A_43, %dma_start3A_58] : memref<10240x80xf32, #tpu.memory_space<vmem_shared>> -> memref<128x80xf32, #tpu.memory_space<vmem_shared>>
      tpu.enqueue_dma source(%dma_start3A_59 : memref<128x80xf32, #tpu.memory_space<vmem_shared>>) target(%dma_start3A_57 : memref<128x80xf32, #tpu.memory_space<hbm>>) target_semaphore(%run_scoped3A : memref<!tpu.dma_semaphore, #tpu.memory_space<semaphore_mem>>)
      %dma_wait3A = arith.constant 0 : i32
      %dma_wait3A_60 = tpu.memref_slice %arg7[%arg0, %add3A_43, %dma_wait3A] : memref<2x10240x80xf32, #tpu.memory_space<hbm>> -> memref<1x128x80xf32, #tpu.memory_space<hbm>>
      %dma_wait3A_61 = tpu.memref_squeeze %dma_wait3A_60 : memref<1x128x80xf32, #tpu.memory_space<hbm>> -> memref<128x80xf32, #tpu.memory_space<hbm>>
      %dma_wait3A_62 = arith.constant 0 : i32
      %dma_wait3A_63 = tpu.memref_slice %arg14[%add3A_43, %dma_wait3A_62] : memref<10240x80xf32, #tpu.memory_space<vmem_shared>> -> memref<128x80xf32, #tpu.memory_space<vmem_shared>>
      tpu.wait_dma2 semaphore(%run_scoped3A : memref<!tpu.dma_semaphore, #tpu.memory_space<semaphore_mem>>) src(%dma_wait3A_63 : memref<128x80xf32, #tpu.memory_space<vmem_shared>>) dst(%dma_wait3A_61 : memref<128x80xf32, #tpu.memory_space<hbm>>)
      tpu.yield
    }) : () -> ()
    %mul3A_44 = arith.constant 640 : i32
    %mul3A_45 = arith.muli %arg1, %mul3A_44 : i32
    %add3A_46 = arith.constant 256 : i32
    %add3A_47 = arith.addi %mul3A_45, %add3A_46 : i32
    "tpu.region"() ({
      %run_scoped3A = tpu.sem_alloc : memref<!tpu.dma_semaphore, #tpu.memory_space<semaphore_mem>>
      %dma_start3A = arith.constant 0 : i32
      %dma_start3A_56 = tpu.memref_slice %arg7[%arg0, %add3A_47, %dma_start3A] : memref<2x10240x80xf32, #tpu.memory_space<hbm>> -> memref<1x128x80xf32, #tpu.memory_space<hbm>>
      %dma_start3A_57 = tpu.memref_squeeze %dma_start3A_56 : memref<1x128x80xf32, #tpu.memory_space<hbm>> -> memref<128x80xf32, #tpu.memory_space<hbm>>
      %dma_start3A_58 = arith.constant 0 : i32
      %dma_start3A_59 = tpu.memref_slice %arg14[%add3A_47, %dma_start3A_58] : memref<10240x80xf32, #tpu.memory_space<vmem_shared>> -> memref<128x80xf32, #tpu.memory_space<vmem_shared>>
      tpu.enqueue_dma source(%dma_start3A_59 : memref<128x80xf32, #tpu.memory_space<vmem_shared>>) target(%dma_start3A_57 : memref<128x80xf32, #tpu.memory_space<hbm>>) target_semaphore(%run_scoped3A : memref<!tpu.dma_semaphore, #tpu.memory_space<semaphore_mem>>)
      %dma_wait3A = arith.constant 0 : i32
      %dma_wait3A_60 = tpu.memref_slice %arg7[%arg0, %add3A_47, %dma_wait3A] : memref<2x10240x80xf32, #tpu.memory_space<hbm>> -> memref<1x128x80xf32, #tpu.memory_space<hbm>>
      %dma_wait3A_61 = tpu.memref_squeeze %dma_wait3A_60 : memref<1x128x80xf32, #tpu.memory_space<hbm>> -> memref<128x80xf32, #tpu.memory_space<hbm>>
      %dma_wait3A_62 = arith.constant 0 : i32
      %dma_wait3A_63 = tpu.memref_slice %arg14[%add3A_47, %dma_wait3A_62] : memref<10240x80xf32, #tpu.memory_space<vmem_shared>> -> memref<128x80xf32, #tpu.memory_space<vmem_shared>>
      tpu.wait_dma2 semaphore(%run_scoped3A : memref<!tpu.dma_semaphore, #tpu.memory_space<semaphore_mem>>) src(%dma_wait3A_63 : memref<128x80xf32, #tpu.memory_space<vmem_shared>>) dst(%dma_wait3A_61 : memref<128x80xf32, #tpu.memory_space<hbm>>)
      tpu.yield
    }) : () -> ()
    %mul3A_48 = arith.constant 640 : i32
    %mul3A_49 = arith.muli %arg1, %mul3A_48 : i32
    %add3A_50 = arith.constant 384 : i32
    %add3A_51 = arith.addi %mul3A_49, %add3A_50 : i32
    "tpu.region"() ({
      %run_scoped3A = tpu.sem_alloc : memref<!tpu.dma_semaphore, #tpu.memory_space<semaphore_mem>>
      %dma_start3A = arith.constant 0 : i32
      %dma_start3A_56 = tpu.memref_slice %arg7[%arg0, %add3A_51, %dma_start3A] : memref<2x10240x80xf32, #tpu.memory_space<hbm>> -> memref<1x128x80xf32, #tpu.memory_space<hbm>>
      %dma_start3A_57 = tpu.memref_squeeze %dma_start3A_56 : memref<1x128x80xf32, #tpu.memory_space<hbm>> -> memref<128x80xf32, #tpu.memory_space<hbm>>
      %dma_start3A_58 = arith.constant 0 : i32
      %dma_start3A_59 = tpu.memref_slice %arg14[%add3A_51, %dma_start3A_58] : memref<10240x80xf32, #tpu.memory_space<vmem_shared>> -> memref<128x80xf32, #tpu.memory_space<vmem_shared>>
      tpu.enqueue_dma source(%dma_start3A_59 : memref<128x80xf32, #tpu.memory_space<vmem_shared>>) target(%dma_start3A_57 : memref<128x80xf32, #tpu.memory_space<hbm>>) target_semaphore(%run_scoped3A : memref<!tpu.dma_semaphore, #tpu.memory_space<semaphore_mem>>)
      %dma_wait3A = arith.constant 0 : i32
      %dma_wait3A_60 = tpu.memref_slice %arg7[%arg0, %add3A_51, %dma_wait3A] : memref<2x10240x80xf32, #tpu.memory_space<hbm>> -> memref<1x128x80xf32, #tpu.memory_space<hbm>>
      %dma_wait3A_61 = tpu.memref_squeeze %dma_wait3A_60 : memref<1x128x80xf32, #tpu.memory_space<hbm>> -> memref<128x80xf32, #tpu.memory_space<hbm>>
      %dma_wait3A_62 = arith.constant 0 : i32
      %dma_wait3A_63 = tpu.memref_slice %arg14[%add3A_51, %dma_wait3A_62] : memref<10240x80xf32, #tpu.memory_space<vmem_shared>> -> memref<128x80xf32, #tpu.memory_space<vmem_shared>>
      tpu.wait_dma2 semaphore(%run_scoped3A : memref<!tpu.dma_semaphore, #tpu.memory_space<semaphore_mem>>) src(%dma_wait3A_63 : memref<128x80xf32, #tpu.memory_space<vmem_shared>>) dst(%dma_wait3A_61 : memref<128x80xf32, #tpu.memory_space<hbm>>)
      tpu.yield
    }) : () -> ()
    %mul3A_52 = arith.constant 640 : i32
    %mul3A_53 = arith.muli %arg1, %mul3A_52 : i32
    %add3A_54 = arith.constant 512 : i32
    %add3A_55 = arith.addi %mul3A_53, %add3A_54 : i32
    "tpu.region"() ({
      %run_scoped3A = tpu.sem_alloc : memref<!tpu.dma_semaphore, #tpu.memory_space<semaphore_mem>>
      %dma_start3A = arith.constant 0 : i32
      %dma_start3A_56 = tpu.memref_slice %arg7[%arg0, %add3A_55, %dma_start3A] : memref<2x10240x80xf32, #tpu.memory_space<hbm>> -> memref<1x128x80xf32, #tpu.memory_space<hbm>>
      %dma_start3A_57 = tpu.memref_squeeze %dma_start3A_56 : memref<1x128x80xf32, #tpu.memory_space<hbm>> -> memref<128x80xf32, #tpu.memory_space<hbm>>
      %dma_start3A_58 = arith.constant 0 : i32
      %dma_start3A_59 = tpu.memref_slice %arg14[%add3A_55, %dma_start3A_58] : memref<10240x80xf32, #tpu.memory_space<vmem_shared>> -> memref<128x80xf32, #tpu.memory_space<vmem_shared>>
      tpu.enqueue_dma source(%dma_start3A_59 : memref<128x80xf32, #tpu.memory_space<vmem_shared>>) target(%dma_start3A_57 : memref<128x80xf32, #tpu.memory_space<hbm>>) target_semaphore(%run_scoped3A : memref<!tpu.dma_semaphore, #tpu.memory_space<semaphore_mem>>)
      %dma_wait3A = arith.constant 0 : i32
      %dma_wait3A_60 = tpu.memref_slice %arg7[%arg0, %add3A_55, %dma_wait3A] : memref<2x10240x80xf32, #tpu.memory_space<hbm>> -> memref<1x128x80xf32, #tpu.memory_space<hbm>>
      %dma_wait3A_61 = tpu.memref_squeeze %dma_wait3A_60 : memref<1x128x80xf32, #tpu.memory_space<hbm>> -> memref<128x80xf32, #tpu.memory_space<hbm>>
      %dma_wait3A_62 = arith.constant 0 : i32
      %dma_wait3A_63 = tpu.memref_slice %arg14[%add3A_55, %dma_wait3A_62] : memref<10240x80xf32, #tpu.memory_space<vmem_shared>> -> memref<128x80xf32, #tpu.memory_space<vmem_shared>>
      tpu.wait_dma2 semaphore(%run_scoped3A : memref<!tpu.dma_semaphore, #tpu.memory_space<semaphore_mem>>) src(%dma_wait3A_63 : memref<128x80xf32, #tpu.memory_space<vmem_shared>>) dst(%dma_wait3A_61 : memref<128x80xf32, #tpu.memory_space<hbm>>)
      tpu.yield
    }) : () -> ()
    return
  }
}

#map = affine_map<(d0, d1) -> (0, 0)>
#map1 = affine_map<(d0, d1) -> (0)>
#map2 = affine_map<(d0, d1) -> (0, 0, 0)>
module attributes {stable_mosaic.version = 14 : i64} {
  func.func @_edge_kernel_body(%arg0: i32, %arg1: i32, %arg2: memref<20480x64xf32, #tpu.memory_space<hbm>>, %arg3: memref<20480x64xf32, #tpu.memory_space<hbm>>, %arg4: memref<2x331776xi32, #tpu.memory_space<hbm>>, %arg5: memref<2x331776xi32, #tpu.memory_space<hbm>>, %arg6: memref<64xf32, #tpu.memory_space<hbm>>, %arg7: memref<2x10240x80xf32, #tpu.memory_space<hbm>>, %arg8: memref<128xi32, #tpu.memory_space<vmem>>, %arg9: memref<128xi32, #tpu.memory_space<vmem>>, %arg10: memref<128x64xf32, #tpu.memory_space<vmem>>, %arg11: memref<128x64xf32, #tpu.memory_space<vmem>>, %arg12: memref<128x80xf32, #tpu.memory_space<vmem>>, %arg13: memref<64xf32, #tpu.memory_space<vmem>>, %arg14: memref<10240x80xf32, #tpu.memory_space<vmem_shared>>, %arg15: memref<!tpu.dma_semaphore, #tpu.memory_space<semaphore_mem>>, %arg16: memref<!tpu.dma_semaphore, #tpu.memory_space<semaphore_mem>>) attributes {dimension_semantics = [#tpu.dimension_semantics<core_parallel>, #tpu.dimension_semantics<subcore_parallel>], iteration_bounds = array<i64: 2, 16>, scalar_prefetch = 0 : i64, scratch_operands = 9 : i64, tpu.core_type = #tpu.core_type<sc_vector_subcore>, window_params = [{transform_indices = #map}, {transform_indices = #map}, {transform_indices = #map}, {transform_indices = #map}, {transform_indices = #map1}, {transform_indices = #map2}]} {
    %mul3A = arith.constant 20736 : i32
    %mul3A_0 = arith.muli %arg1, %mul3A : i32
    %mul3A_1 = arith.constant 10240 : i32
    %mul3A_2 = arith.muli %arg0, %mul3A_1 : i32
    "tpu.region"() ({
      %run_scoped3A = tpu.sem_alloc : memref<!tpu.dma_semaphore, #tpu.memory_space<semaphore_mem>>
      tpu.enqueue_dma source(%arg6 : memref<64xf32, #tpu.memory_space<hbm>>) target(%arg13 : memref<64xf32, #tpu.memory_space<vmem>>) target_semaphore(%run_scoped3A : memref<!tpu.dma_semaphore, #tpu.memory_space<semaphore_mem>>)
      tpu.wait_dma2 semaphore(%run_scoped3A : memref<!tpu.dma_semaphore, #tpu.memory_space<semaphore_mem>>) src(%arg6 : memref<64xf32, #tpu.memory_space<hbm>>) dst(%arg13 : memref<64xf32, #tpu.memory_space<vmem>>)
      tpu.yield
    }) : () -> ()
    %scan3A = arith.constant 0 : i32
    %scan3A_3 = arith.constant 0 : i32
    %scan3A_4 = arith.constant 128 : i32
    %scan3A_5 = arith.addi %scan3A_3, %scan3A_4 : i32
    %scan3A_6 = arith.constant 1 : i32
    %scan3A_7 = scf.for %scan3A_56 = %scan3A_3 to %scan3A_5 step %scan3A_6 iter_args(%scan3A_57 = %scan3A) -> (i32)  : i32 {
      %broadcast_in_dim3A = arith.constant 0.000000e+00 : f32
      %broadcast_in_dim3A_58 = vector.broadcast %broadcast_in_dim3A : f32 to vector<16xf32>
      %swap3A = arith.index_cast %scan3A_56 : i32 to index
      %swap3A_59 = arith.constant 0 : index
      %swap3A_60 = tpu.vector_load %arg12[%swap3A, %swap3A_59] {strides = array<i32>} : memref<128x80xf32, #tpu.memory_space<vmem>>, vector<16xf32>,
      tpu.vector_store %arg12[%swap3A, %swap3A_59], %broadcast_in_dim3A_58 {strides = array<i32>} : memref<128x80xf32, #tpu.memory_space<vmem>>, vector<16xf32>,
      %broadcast_in_dim3A_61 = arith.constant 0.000000e+00 : f32
      %broadcast_in_dim3A_62 = vector.broadcast %broadcast_in_dim3A_61 : f32 to vector<16xf32>
      %swap3A_63 = arith.index_cast %scan3A_56 : i32 to index
      %swap3A_64 = arith.constant 16 : index
      %swap3A_65 = tpu.vector_load %arg12[%swap3A_63, %swap3A_64] {strides = array<i32>} : memref<128x80xf32, #tpu.memory_space<vmem>>, vector<16xf32>,
      tpu.vector_store %arg12[%swap3A_63, %swap3A_64], %broadcast_in_dim3A_62 {strides = array<i32>} : memref<128x80xf32, #tpu.memory_space<vmem>>, vector<16xf32>,
      %broadcast_in_dim3A_66 = arith.constant 0.000000e+00 : f32
      %broadcast_in_dim3A_67 = vector.broadcast %broadcast_in_dim3A_66 : f32 to vector<16xf32>
      %swap3A_68 = arith.index_cast %scan3A_56 : i32 to index
      %swap3A_69 = arith.constant 32 : index
      %swap3A_70 = tpu.vector_load %arg12[%swap3A_68, %swap3A_69] {strides = array<i32>} : memref<128x80xf32, #tpu.memory_space<vmem>>, vector<16xf32>,
      tpu.vector_store %arg12[%swap3A_68, %swap3A_69], %broadcast_in_dim3A_67 {strides = array<i32>} : memref<128x80xf32, #tpu.memory_space<vmem>>, vector<16xf32>,
      %broadcast_in_dim3A_71 = arith.constant 0.000000e+00 : f32
      %broadcast_in_dim3A_72 = vector.broadcast %broadcast_in_dim3A_71 : f32 to vector<16xf32>
      %swap3A_73 = arith.index_cast %scan3A_56 : i32 to index
      %swap3A_74 = arith.constant 48 : index
      %swap3A_75 = tpu.vector_load %arg12[%swap3A_73, %swap3A_74] {strides = array<i32>} : memref<128x80xf32, #tpu.memory_space<vmem>>, vector<16xf32>,
      tpu.vector_store %arg12[%swap3A_73, %swap3A_74], %broadcast_in_dim3A_72 {strides = array<i32>} : memref<128x80xf32, #tpu.memory_space<vmem>>, vector<16xf32>,
      %broadcast_in_dim3A_76 = arith.constant 0.000000e+00 : f32
      %broadcast_in_dim3A_77 = vector.broadcast %broadcast_in_dim3A_76 : f32 to vector<16xf32>
      %swap3A_78 = arith.index_cast %scan3A_56 : i32 to index
      %swap3A_79 = arith.constant 64 : index
      %swap3A_80 = tpu.vector_load %arg12[%swap3A_78, %swap3A_79] {strides = array<i32>} : memref<128x80xf32, #tpu.memory_space<vmem>>, vector<16xf32>,
      tpu.vector_store %arg12[%swap3A_78, %swap3A_79], %broadcast_in_dim3A_77 {strides = array<i32>} : memref<128x80xf32, #tpu.memory_space<vmem>>, vector<16xf32>,
      %scan3A_81 = arith.constant 0 : i32
      scf.yield %scan3A_81 : i32
    }
    %scan3A_8 = arith.constant 128 : i32
    %mul3A_9 = arith.constant 640 : i32
    %mul3A_10 = arith.muli %arg1, %mul3A_9 : i32
    %add3A = arith.constant 0 : i32
    %add3A_11 = arith.addi %mul3A_10, %add3A : i32
    "tpu.region"() ({
      %run_scoped3A = tpu.sem_alloc : memref<!tpu.dma_semaphore, #tpu.memory_space<semaphore_mem>>
      %dma_start3A = arith.constant 0 : i32
      %dma_start3A_56 = tpu.memref_slice %arg14[%add3A_11, %dma_start3A] : memref<10240x80xf32, #tpu.memory_space<vmem_shared>> -> memref<128x80xf32, #tpu.memory_space<vmem_shared>>
      %dma_start3A_57 = arith.constant 0 : i32
      %dma_start3A_58 = tpu.memref_slice %arg14[%add3A_11, %dma_start3A_57] : memref<10240x80xf32, #tpu.memory_space<vmem_shared>> -> memref<128x80xf32, #tpu.memory_space<vmem_shared>>
      tpu.enqueue_dma source(%arg12 : memref<128x80xf32, #tpu.memory_space<vmem>>) target(%dma_start3A_58 : memref<128x80xf32, #tpu.memory_space<vmem_shared>>) target_semaphore(%run_scoped3A : memref<!tpu.dma_semaphore, #tpu.memory_space<semaphore_mem>>)
      %dma_wait3A = arith.constant 0 : i32
      %dma_wait3A_59 = tpu.memref_slice %arg14[%add3A_11, %dma_wait3A] : memref<10240x80xf32, #tpu.memory_space<vmem_shared>> -> memref<128x80xf32, #tpu.memory_space<vmem_shared>>
      %dma_wait3A_60 = arith.constant 0 : i32
      %dma_wait3A_61 = tpu.memref_slice %arg14[%add3A_11, %dma_wait3A_60] : memref<10240x80xf32, #tpu.memory_space<vmem_shared>> -> memref<128x80xf32, #tpu.memory_space<vmem_shared>>
      tpu.wait_dma2 semaphore(%run_scoped3A : memref<!tpu.dma_semaphore, #tpu.memory_space<semaphore_mem>>) src(%arg12 : memref<128x80xf32, #tpu.memory_space<vmem>>) dst(%dma_wait3A_61 : memref<128x80xf32, #tpu.memory_space<vmem_shared>>)
      tpu.yield
    }) : () -> ()
    %mul3A_12 = arith.constant 640 : i32
    %mul3A_13 = arith.muli %arg1, %mul3A_12 : i32
    %add3A_14 = arith.constant 128 : i32
    %add3A_15 = arith.addi %mul3A_13, %add3A_14 : i32
    "tpu.region"() ({
      %run_scoped3A = tpu.sem_alloc : memref<!tpu.dma_semaphore, #tpu.memory_space<semaphore_mem>>
      %dma_start3A = arith.constant 0 : i32
      %dma_start3A_56 = tpu.memref_slice %arg14[%add3A_15, %dma_start3A] : memref<10240x80xf32, #tpu.memory_space<vmem_shared>> -> memref<128x80xf32, #tpu.memory_space<vmem_shared>>
      %dma_start3A_57 = arith.constant 0 : i32
      %dma_start3A_58 = tpu.memref_slice %arg14[%add3A_15, %dma_start3A_57] : memref<10240x80xf32, #tpu.memory_space<vmem_shared>> -> memref<128x80xf32, #tpu.memory_space<vmem_shared>>
      tpu.enqueue_dma source(%arg12 : memref<128x80xf32, #tpu.memory_space<vmem>>) target(%dma_start3A_58 : memref<128x80xf32, #tpu.memory_space<vmem_shared>>) target_semaphore(%run_scoped3A : memref<!tpu.dma_semaphore, #tpu.memory_space<semaphore_mem>>)
      %dma_wait3A = arith.constant 0 : i32
      %dma_wait3A_59 = tpu.memref_slice %arg14[%add3A_15, %dma_wait3A] : memref<10240x80xf32, #tpu.memory_space<vmem_shared>> -> memref<128x80xf32, #tpu.memory_space<vmem_shared>>
      %dma_wait3A_60 = arith.constant 0 : i32
      %dma_wait3A_61 = tpu.memref_slice %arg14[%add3A_15, %dma_wait3A_60] : memref<10240x80xf32, #tpu.memory_space<vmem_shared>> -> memref<128x80xf32, #tpu.memory_space<vmem_shared>>
      tpu.wait_dma2 semaphore(%run_scoped3A : memref<!tpu.dma_semaphore, #tpu.memory_space<semaphore_mem>>) src(%arg12 : memref<128x80xf32, #tpu.memory_space<vmem>>) dst(%dma_wait3A_61 : memref<128x80xf32, #tpu.memory_space<vmem_shared>>)
      tpu.yield
    }) : () -> ()
    %mul3A_16 = arith.constant 640 : i32
    %mul3A_17 = arith.muli %arg1, %mul3A_16 : i32
    %add3A_18 = arith.constant 256 : i32
    %add3A_19 = arith.addi %mul3A_17, %add3A_18 : i32
    "tpu.region"() ({
      %run_scoped3A = tpu.sem_alloc : memref<!tpu.dma_semaphore, #tpu.memory_space<semaphore_mem>>
      %dma_start3A = arith.constant 0 : i32
      %dma_start3A_56 = tpu.memref_slice %arg14[%add3A_19, %dma_start3A] : memref<10240x80xf32, #tpu.memory_space<vmem_shared>> -> memref<128x80xf32, #tpu.memory_space<vmem_shared>>
      %dma_start3A_57 = arith.constant 0 : i32
      %dma_start3A_58 = tpu.memref_slice %arg14[%add3A_19, %dma_start3A_57] : memref<10240x80xf32, #tpu.memory_space<vmem_shared>> -> memref<128x80xf32, #tpu.memory_space<vmem_shared>>
      tpu.enqueue_dma source(%arg12 : memref<128x80xf32, #tpu.memory_space<vmem>>) target(%dma_start3A_58 : memref<128x80xf32, #tpu.memory_space<vmem_shared>>) target_semaphore(%run_scoped3A : memref<!tpu.dma_semaphore, #tpu.memory_space<semaphore_mem>>)
      %dma_wait3A = arith.constant 0 : i32
      %dma_wait3A_59 = tpu.memref_slice %arg14[%add3A_19, %dma_wait3A] : memref<10240x80xf32, #tpu.memory_space<vmem_shared>> -> memref<128x80xf32, #tpu.memory_space<vmem_shared>>
      %dma_wait3A_60 = arith.constant 0 : i32
      %dma_wait3A_61 = tpu.memref_slice %arg14[%add3A_19, %dma_wait3A_60] : memref<10240x80xf32, #tpu.memory_space<vmem_shared>> -> memref<128x80xf32, #tpu.memory_space<vmem_shared>>
      tpu.wait_dma2 semaphore(%run_scoped3A : memref<!tpu.dma_semaphore, #tpu.memory_space<semaphore_mem>>) src(%arg12 : memref<128x80xf32, #tpu.memory_space<vmem>>) dst(%dma_wait3A_61 : memref<128x80xf32, #tpu.memory_space<vmem_shared>>)
      tpu.yield
    }) : () -> ()
    %mul3A_20 = arith.constant 640 : i32
    %mul3A_21 = arith.muli %arg1, %mul3A_20 : i32
    %add3A_22 = arith.constant 384 : i32
    %add3A_23 = arith.addi %mul3A_21, %add3A_22 : i32
    "tpu.region"() ({
      %run_scoped3A = tpu.sem_alloc : memref<!tpu.dma_semaphore, #tpu.memory_space<semaphore_mem>>
      %dma_start3A = arith.constant 0 : i32
      %dma_start3A_56 = tpu.memref_slice %arg14[%add3A_23, %dma_start3A] : memref<10240x80xf32, #tpu.memory_space<vmem_shared>> -> memref<128x80xf32, #tpu.memory_space<vmem_shared>>
      %dma_start3A_57 = arith.constant 0 : i32
      %dma_start3A_58 = tpu.memref_slice %arg14[%add3A_23, %dma_start3A_57] : memref<10240x80xf32, #tpu.memory_space<vmem_shared>> -> memref<128x80xf32, #tpu.memory_space<vmem_shared>>
      tpu.enqueue_dma source(%arg12 : memref<128x80xf32, #tpu.memory_space<vmem>>) target(%dma_start3A_58 : memref<128x80xf32, #tpu.memory_space<vmem_shared>>) target_semaphore(%run_scoped3A : memref<!tpu.dma_semaphore, #tpu.memory_space<semaphore_mem>>)
      %dma_wait3A = arith.constant 0 : i32
      %dma_wait3A_59 = tpu.memref_slice %arg14[%add3A_23, %dma_wait3A] : memref<10240x80xf32, #tpu.memory_space<vmem_shared>> -> memref<128x80xf32, #tpu.memory_space<vmem_shared>>
      %dma_wait3A_60 = arith.constant 0 : i32
      %dma_wait3A_61 = tpu.memref_slice %arg14[%add3A_23, %dma_wait3A_60] : memref<10240x80xf32, #tpu.memory_space<vmem_shared>> -> memref<128x80xf32, #tpu.memory_space<vmem_shared>>
      tpu.wait_dma2 semaphore(%run_scoped3A : memref<!tpu.dma_semaphore, #tpu.memory_space<semaphore_mem>>) src(%arg12 : memref<128x80xf32, #tpu.memory_space<vmem>>) dst(%dma_wait3A_61 : memref<128x80xf32, #tpu.memory_space<vmem_shared>>)
      tpu.yield
    }) : () -> ()
    %mul3A_24 = arith.constant 640 : i32
    %mul3A_25 = arith.muli %arg1, %mul3A_24 : i32
    %add3A_26 = arith.constant 512 : i32
    %add3A_27 = arith.addi %mul3A_25, %add3A_26 : i32
    "tpu.region"() ({
      %run_scoped3A = tpu.sem_alloc : memref<!tpu.dma_semaphore, #tpu.memory_space<semaphore_mem>>
      %dma_start3A = arith.constant 0 : i32
      %dma_start3A_56 = tpu.memref_slice %arg14[%add3A_27, %dma_start3A] : memref<10240x80xf32, #tpu.memory_space<vmem_shared>> -> memref<128x80xf32, #tpu.memory_space<vmem_shared>>
      %dma_start3A_57 = arith.constant 0 : i32
      %dma_start3A_58 = tpu.memref_slice %arg14[%add3A_27, %dma_start3A_57] : memref<10240x80xf32, #tpu.memory_space<vmem_shared>> -> memref<128x80xf32, #tpu.memory_space<vmem_shared>>
      tpu.enqueue_dma source(%arg12 : memref<128x80xf32, #tpu.memory_space<vmem>>) target(%dma_start3A_58 : memref<128x80xf32, #tpu.memory_space<vmem_shared>>) target_semaphore(%run_scoped3A : memref<!tpu.dma_semaphore, #tpu.memory_space<semaphore_mem>>)
      %dma_wait3A = arith.constant 0 : i32
      %dma_wait3A_59 = tpu.memref_slice %arg14[%add3A_27, %dma_wait3A] : memref<10240x80xf32, #tpu.memory_space<vmem_shared>> -> memref<128x80xf32, #tpu.memory_space<vmem_shared>>
      %dma_wait3A_60 = arith.constant 0 : i32
      %dma_wait3A_61 = tpu.memref_slice %arg14[%add3A_27, %dma_wait3A_60] : memref<10240x80xf32, #tpu.memory_space<vmem_shared>> -> memref<128x80xf32, #tpu.memory_space<vmem_shared>>
      tpu.wait_dma2 semaphore(%run_scoped3A : memref<!tpu.dma_semaphore, #tpu.memory_space<semaphore_mem>>) src(%arg12 : memref<128x80xf32, #tpu.memory_space<vmem>>) dst(%dma_wait3A_61 : memref<128x80xf32, #tpu.memory_space<vmem_shared>>)
      tpu.yield
    }) : () -> ()
    %barrier3A = arith.constant 0 : index
    tpu.barrier barrier_id(%barrier3A)
    %iota3A = tpu.iota {dimensions = array<i32: 0>} : vector<16xi32>
    %scan3A_28 = arith.constant 0 : i32
    %scan3A_29 = arith.constant 0 : i32
    %scan3A_30 = arith.constant 162 : i32
    %scan3A_31 = arith.addi %scan3A_29, %scan3A_30 : i32
    %scan3A_32 = arith.constant 1 : i32
    %scan3A_33 = scf.for %scan3A_56 = %scan3A_29 to %scan3A_31 step %scan3A_32 iter_args(%scan3A_57 = %scan3A_28) -> (i32)  : i32 {
      %mul3A_58 = arith.constant 128 : i32
      %mul3A_59 = arith.muli %scan3A_56, %mul3A_58 : i32
      %add3A_60 = arith.addi %mul3A_0, %mul3A_59 : i32
      "tpu.region"() ({
        %run_scoped3A = tpu.sem_alloc : memref<!tpu.dma_semaphore, #tpu.memory_space<semaphore_mem>>
        %dma_start3A_124 = tpu.memref_slice %arg4[%arg0, %add3A_60] : memref<2x331776xi32, #tpu.memory_space<hbm>> -> memref<1x128xi32, #tpu.memory_space<hbm>>
        %dma_start3A_125 = tpu.memref_squeeze %dma_start3A_124 : memref<1x128xi32, #tpu.memory_space<hbm>> -> memref<128xi32, #tpu.memory_space<hbm>>
        %dma_start3A_126 = tpu.memref_slice %arg4[%arg0, %add3A_60] : memref<2x331776xi32, #tpu.memory_space<hbm>> -> memref<1x128xi32, #tpu.memory_space<hbm>>
        %dma_start3A_127 = tpu.memref_squeeze %dma_start3A_126 : memref<1x128xi32, #tpu.memory_space<hbm>> -> memref<128xi32, #tpu.memory_space<hbm>>
        tpu.enqueue_dma source(%dma_start3A_127 : memref<128xi32, #tpu.memory_space<hbm>>) target(%arg8 : memref<128xi32, #tpu.memory_space<vmem>>) target_semaphore(%run_scoped3A : memref<!tpu.dma_semaphore, #tpu.memory_space<semaphore_mem>>)
        %dma_wait3A_128 = tpu.memref_slice %arg4[%arg0, %add3A_60] : memref<2x331776xi32, #tpu.memory_space<hbm>> -> memref<1x128xi32, #tpu.memory_space<hbm>>
        %dma_wait3A_129 = tpu.memref_squeeze %dma_wait3A_128 : memref<1x128xi32, #tpu.memory_space<hbm>> -> memref<128xi32, #tpu.memory_space<hbm>>
        %dma_wait3A_130 = tpu.memref_slice %arg4[%arg0, %add3A_60] : memref<2x331776xi32, #tpu.memory_space<hbm>> -> memref<1x128xi32, #tpu.memory_space<hbm>>
        %dma_wait3A_131 = tpu.memref_squeeze %dma_wait3A_130 : memref<1x128xi32, #tpu.memory_space<hbm>> -> memref<128xi32, #tpu.memory_space<hbm>>
        tpu.wait_dma2 semaphore(%run_scoped3A : memref<!tpu.dma_semaphore, #tpu.memory_space<semaphore_mem>>) src(%dma_wait3A_131 : memref<128xi32, #tpu.memory_space<hbm>>) dst(%arg8 : memref<128xi32, #tpu.memory_space<vmem>>)
        tpu.yield
      }) : () -> ()
      "tpu.region"() ({
        %run_scoped3A = tpu.sem_alloc : memref<!tpu.dma_semaphore, #tpu.memory_space<semaphore_mem>>
        %dma_start3A_124 = tpu.memref_slice %arg5[%arg0, %add3A_60] : memref<2x331776xi32, #tpu.memory_space<hbm>> -> memref<1x128xi32, #tpu.memory_space<hbm>>
        %dma_start3A_125 = tpu.memref_squeeze %dma_start3A_124 : memref<1x128xi32, #tpu.memory_space<hbm>> -> memref<128xi32, #tpu.memory_space<hbm>>
        %dma_start3A_126 = tpu.memref_slice %arg5[%arg0, %add3A_60] : memref<2x331776xi32, #tpu.memory_space<hbm>> -> memref<1x128xi32, #tpu.memory_space<hbm>>
        %dma_start3A_127 = tpu.memref_squeeze %dma_start3A_126 : memref<1x128xi32, #tpu.memory_space<hbm>> -> memref<128xi32, #tpu.memory_space<hbm>>
        tpu.enqueue_dma source(%dma_start3A_127 : memref<128xi32, #tpu.memory_space<hbm>>) target(%arg9 : memref<128xi32, #tpu.memory_space<vmem>>) target_semaphore(%run_scoped3A : memref<!tpu.dma_semaphore, #tpu.memory_space<semaphore_mem>>)
        %dma_wait3A_128 = tpu.memref_slice %arg5[%arg0, %add3A_60] : memref<2x331776xi32, #tpu.memory_space<hbm>> -> memref<1x128xi32, #tpu.memory_space<hbm>>
        %dma_wait3A_129 = tpu.memref_squeeze %dma_wait3A_128 : memref<1x128xi32, #tpu.memory_space<hbm>> -> memref<128xi32, #tpu.memory_space<hbm>>
        %dma_wait3A_130 = tpu.memref_slice %arg5[%arg0, %add3A_60] : memref<2x331776xi32, #tpu.memory_space<hbm>> -> memref<1x128xi32, #tpu.memory_space<hbm>>
        %dma_wait3A_131 = tpu.memref_squeeze %dma_wait3A_130 : memref<1x128xi32, #tpu.memory_space<hbm>> -> memref<128xi32, #tpu.memory_space<hbm>>
        tpu.wait_dma2 semaphore(%run_scoped3A : memref<!tpu.dma_semaphore, #tpu.memory_space<semaphore_mem>>) src(%dma_wait3A_131 : memref<128xi32, #tpu.memory_space<hbm>>) dst(%arg9 : memref<128xi32, #tpu.memory_space<vmem>>)
        tpu.yield
      }) : () -> ()
      %dma_start3A = arith.constant 0 : i32
      %dma_start3A_61 = arith.constant 0 : i32
      %dma_start3A_62 = tpu.memref_slice %arg2[%dma_start3A, %dma_start3A_61] : memref<20480x64xf32, #tpu.memory_space<hbm>> -> memref<20480x64xf32, #tpu.memory_space<hbm>>
      tpu.enqueue_indirect_dma source(%dma_start3A_62 : memref<20480x64xf32, #tpu.memory_space<hbm>>) target(%arg10 : memref<128x64xf32, #tpu.memory_space<vmem>>) offsets(%arg8 : memref<128xi32, #tpu.memory_space<vmem>>) semaphore(%arg15 : memref<!tpu.dma_semaphore, #tpu.memory_space<semaphore_mem>>)
      %dma_start3A_63 = arith.constant 0 : i32
      %dma_start3A_64 = arith.constant 0 : i32
      %dma_start3A_65 = tpu.memref_slice %arg3[%dma_start3A_63, %dma_start3A_64] : memref<20480x64xf32, #tpu.memory_space<hbm>> -> memref<20480x64xf32, #tpu.memory_space<hbm>>
      tpu.enqueue_indirect_dma source(%dma_start3A_65 : memref<20480x64xf32, #tpu.memory_space<hbm>>) target(%arg11 : memref<128x64xf32, #tpu.memory_space<vmem>>) offsets(%arg9 : memref<128xi32, #tpu.memory_space<vmem>>) semaphore(%arg16 : memref<!tpu.dma_semaphore, #tpu.memory_space<semaphore_mem>>)
      %dma_wait3A = arith.constant 0 : i32
      %dma_wait3A_66 = arith.constant 0 : i32
      %dma_wait3A_67 = tpu.memref_slice %arg2[%dma_wait3A, %dma_wait3A_66] : memref<20480x64xf32, #tpu.memory_space<hbm>> -> memref<20480x64xf32, #tpu.memory_space<hbm>>
      tpu.wait_indirect_dma semaphore(%arg15 : memref<!tpu.dma_semaphore, #tpu.memory_space<semaphore_mem>>) src(%dma_wait3A_67 : memref<20480x64xf32, #tpu.memory_space<hbm>>) dst(%arg10 : memref<128x64xf32, #tpu.memory_space<vmem>>)
      %dma_wait3A_68 = arith.constant 0 : i32
      %dma_wait3A_69 = arith.constant 0 : i32
      %dma_wait3A_70 = tpu.memref_slice %arg3[%dma_wait3A_68, %dma_wait3A_69] : memref<20480x64xf32, #tpu.memory_space<hbm>> -> memref<20480x64xf32, #tpu.memory_space<hbm>>
      tpu.wait_indirect_dma semaphore(%arg16 : memref<!tpu.dma_semaphore, #tpu.memory_space<semaphore_mem>>) src(%dma_wait3A_70 : memref<20480x64xf32, #tpu.memory_space<hbm>>) dst(%arg11 : memref<128x64xf32, #tpu.memory_space<vmem>>)
      %scan3A_71 = arith.constant 0 : i32
      %scan3A_72 = arith.constant 0 : i32
      %scan3A_73 = arith.constant 128 : i32
      %scan3A_74 = arith.addi %scan3A_72, %scan3A_73 : i32
      %scan3A_75 = arith.constant 1 : i32
      %scan3A_76 = scf.for %scan3A_124 = %scan3A_72 to %scan3A_74 step %scan3A_75 iter_args(%scan3A_125 = %scan3A_71) -> (i32)  : i32 {
        %broadcast_in_dim3A = arith.constant 0.000000e+00 : f32
        %broadcast_in_dim3A_126 = vector.broadcast %broadcast_in_dim3A : f32 to vector<16xf32>
        %get3A_127 = arith.index_cast %scan3A_124 : i32 to index
        %get3A_128 = arith.constant 0 : index
        %get3A_129 = tpu.vector_load %arg10[%get3A_127, %get3A_128] {strides = array<i32>} : memref<128x64xf32, #tpu.memory_space<vmem>>, vector<16xf32>,
        %get3A_130 = arith.index_cast %scan3A_124 : i32 to index
        %get3A_131 = arith.constant 0 : index
        %get3A_132 = tpu.vector_load %arg11[%get3A_130, %get3A_131] {strides = array<i32>} : memref<128x64xf32, #tpu.memory_space<vmem>>, vector<16xf32>,
        %add3A_133 = arith.addf %get3A_129, %get3A_132 : vector<16xf32>
        %gt3A = arith.constant 0.000000e+00 : f32
        %gt3A_134 = vector.broadcast %gt3A : f32 to vector<16xf32>
        %gt3A_135 = arith.cmpf ogt, %add3A_133, %gt3A_134 : vector<16xf32>
        %mul3A_136 = arith.constant 2.000000e-01 : f32
        %mul3A_137 = vector.broadcast %mul3A_136 : f32 to vector<16xf32>
        %mul3A_138 = arith.mulf %mul3A_137, %add3A_133 : vector<16xf32>
        %select_n3A = arith.select %gt3A_135, %add3A_133, %mul3A_138 : vector<16xi1>, vector<16xf32>
        %get3A_139 = arith.constant 0 : index
        %get3A_140 = tpu.vector_load %arg13[%get3A_139] {strides = array<i32>} : memref<64xf32, #tpu.memory_space<vmem>>, vector<16xf32>,
        %mul3A_141 = arith.mulf %select_n3A, %get3A_140 : vector<16xf32>
        %reduce_sum3A = arith.constant true
        %reduce_sum3A_142 = vector.broadcast %reduce_sum3A : i1 to vector<16xi1>
        %reduce_sum3A_143 = tpu.scan <sum>, %mul3A_141 masked %reduce_sum3A_142 : vector<16xf32>, vector<16xi1> -> vector<16xf32>
        %reduce_sum3A_144 = vector.extract %reduce_sum3A_143[15] : f32 from vector<16xf32>
        %broadcast_in_dim3A_145 = vector.broadcast %reduce_sum3A_144 : f32 to vector<16xf32>
        %exp3A = math.exp %broadcast_in_dim3A_145 : vector<16xf32>
        %mul3A_146 = arith.mulf %exp3A, %get3A_129 : vector<16xf32>
        %swap3A_147 = arith.index_cast %scan3A_124 : i32 to index
        %swap3A_148 = arith.constant 0 : index
        %swap3A_149 = tpu.vector_load %arg12[%swap3A_147, %swap3A_148] {strides = array<i32>} : memref<128x80xf32, #tpu.memory_space<vmem>>, vector<16xf32>,
        tpu.vector_store %arg12[%swap3A_147, %swap3A_148], %mul3A_146 {strides = array<i32>} : memref<128x80xf32, #tpu.memory_space<vmem>>, vector<16xf32>,
        %eq3A = arith.constant 0 : i32
        %eq3A_150 = vector.broadcast %eq3A : i32 to vector<16xi32>
        %eq3A_151 = arith.cmpi eq, %iota3A, %eq3A_150 : vector<16xi32>
        %select_n3A_152 = arith.select %eq3A_151, %exp3A, %broadcast_in_dim3A_126 : vector<16xi1>, vector<16xf32>
        %get3A_153 = arith.index_cast %scan3A_124 : i32 to index
        %get3A_154 = arith.constant 16 : index
        %get3A_155 = tpu.vector_load %arg10[%get3A_153, %get3A_154] {strides = array<i32>} : memref<128x64xf32, #tpu.memory_space<vmem>>, vector<16xf32>,
        %get3A_156 = arith.index_cast %scan3A_124 : i32 to index
        %get3A_157 = arith.constant 16 : index
        %get3A_158 = tpu.vector_load %arg11[%get3A_156, %get3A_157] {strides = array<i32>} : memref<128x64xf32, #tpu.memory_space<vmem>>, vector<16xf32>,
        %add3A_159 = arith.addf %get3A_155, %get3A_158 : vector<16xf32>
        %gt3A_160 = arith.constant 0.000000e+00 : f32
        %gt3A_161 = vector.broadcast %gt3A_160 : f32 to vector<16xf32>
        %gt3A_162 = arith.cmpf ogt, %add3A_159, %gt3A_161 : vector<16xf32>
        %mul3A_163 = arith.constant 2.000000e-01 : f32
        %mul3A_164 = vector.broadcast %mul3A_163 : f32 to vector<16xf32>
        %mul3A_165 = arith.mulf %mul3A_164, %add3A_159 : vector<16xf32>
        %select_n3A_166 = arith.select %gt3A_162, %add3A_159, %mul3A_165 : vector<16xi1>, vector<16xf32>
        %get3A_167 = arith.constant 16 : index
        %get3A_168 = tpu.vector_load %arg13[%get3A_167] {strides = array<i32>} : memref<64xf32, #tpu.memory_space<vmem>>, vector<16xf32>,
        %mul3A_169 = arith.mulf %select_n3A_166, %get3A_168 : vector<16xf32>
        %reduce_sum3A_170 = arith.constant true
        %reduce_sum3A_171 = vector.broadcast %reduce_sum3A_170 : i1 to vector<16xi1>
        %reduce_sum3A_172 = tpu.scan <sum>, %mul3A_169 masked %reduce_sum3A_171 : vector<16xf32>, vector<16xi1> -> vector<16xf32>
        %reduce_sum3A_173 = vector.extract %reduce_sum3A_172[15] : f32 from vector<16xf32>
        %broadcast_in_dim3A_174 = vector.broadcast %reduce_sum3A_173 : f32 to vector<16xf32>
        %exp3A_175 = math.exp %broadcast_in_dim3A_174 : vector<16xf32>
        %mul3A_176 = arith.mulf %exp3A_175, %get3A_155 : vector<16xf32>
        %swap3A_177 = arith.index_cast %scan3A_124 : i32 to index
        %swap3A_178 = arith.constant 16 : index
        %swap3A_179 = tpu.vector_load %arg12[%swap3A_177, %swap3A_178] {strides = array<i32>} : memref<128x80xf32, #tpu.memory_space<vmem>>, vector<16xf32>,
        tpu.vector_store %arg12[%swap3A_177, %swap3A_178], %mul3A_176 {strides = array<i32>} : memref<128x80xf32, #tpu.memory_space<vmem>>, vector<16xf32>,
        %eq3A_180 = arith.constant 1 : i32
        %eq3A_181 = vector.broadcast %eq3A_180 : i32 to vector<16xi32>
        %eq3A_182 = arith.cmpi eq, %iota3A, %eq3A_181 : vector<16xi32>
        %select_n3A_183 = arith.select %eq3A_182, %exp3A_175, %select_n3A_152 : vector<16xi1>, vector<16xf32>
        %get3A_184 = arith.index_cast %scan3A_124 : i32 to index
        %get3A_185 = arith.constant 32 : index
        %get3A_186 = tpu.vector_load %arg10[%get3A_184, %get3A_185] {strides = array<i32>} : memref<128x64xf32, #tpu.memory_space<vmem>>, vector<16xf32>,
        %get3A_187 = arith.index_cast %scan3A_124 : i32 to index
        %get3A_188 = arith.constant 32 : index
        %get3A_189 = tpu.vector_load %arg11[%get3A_187, %get3A_188] {strides = array<i32>} : memref<128x64xf32, #tpu.memory_space<vmem>>, vector<16xf32>,
        %add3A_190 = arith.addf %get3A_186, %get3A_189 : vector<16xf32>
        %gt3A_191 = arith.constant 0.000000e+00 : f32
        %gt3A_192 = vector.broadcast %gt3A_191 : f32 to vector<16xf32>
        %gt3A_193 = arith.cmpf ogt, %add3A_190, %gt3A_192 : vector<16xf32>
        %mul3A_194 = arith.constant 2.000000e-01 : f32
        %mul3A_195 = vector.broadcast %mul3A_194 : f32 to vector<16xf32>
        %mul3A_196 = arith.mulf %mul3A_195, %add3A_190 : vector<16xf32>
        %select_n3A_197 = arith.select %gt3A_193, %add3A_190, %mul3A_196 : vector<16xi1>, vector<16xf32>
        %get3A_198 = arith.constant 32 : index
        %get3A_199 = tpu.vector_load %arg13[%get3A_198] {strides = array<i32>} : memref<64xf32, #tpu.memory_space<vmem>>, vector<16xf32>,
        %mul3A_200 = arith.mulf %select_n3A_197, %get3A_199 : vector<16xf32>
        %reduce_sum3A_201 = arith.constant true
        %reduce_sum3A_202 = vector.broadcast %reduce_sum3A_201 : i1 to vector<16xi1>
        %reduce_sum3A_203 = tpu.scan <sum>, %mul3A_200 masked %reduce_sum3A_202 : vector<16xf32>, vector<16xi1> -> vector<16xf32>
        %reduce_sum3A_204 = vector.extract %reduce_sum3A_203[15] : f32 from vector<16xf32>
        %broadcast_in_dim3A_205 = vector.broadcast %reduce_sum3A_204 : f32 to vector<16xf32>
        %exp3A_206 = math.exp %broadcast_in_dim3A_205 : vector<16xf32>
        %mul3A_207 = arith.mulf %exp3A_206, %get3A_186 : vector<16xf32>
        %swap3A_208 = arith.index_cast %scan3A_124 : i32 to index
        %swap3A_209 = arith.constant 32 : index
        %swap3A_210 = tpu.vector_load %arg12[%swap3A_208, %swap3A_209] {strides = array<i32>} : memref<128x80xf32, #tpu.memory_space<vmem>>, vector<16xf32>,
        tpu.vector_store %arg12[%swap3A_208, %swap3A_209], %mul3A_207 {strides = array<i32>} : memref<128x80xf32, #tpu.memory_space<vmem>>, vector<16xf32>,
        %eq3A_211 = arith.constant 2 : i32
        %eq3A_212 = vector.broadcast %eq3A_211 : i32 to vector<16xi32>
        %eq3A_213 = arith.cmpi eq, %iota3A, %eq3A_212 : vector<16xi32>
        %select_n3A_214 = arith.select %eq3A_213, %exp3A_206, %select_n3A_183 : vector<16xi1>, vector<16xf32>
        %get3A_215 = arith.index_cast %scan3A_124 : i32 to index
        %get3A_216 = arith.constant 48 : index
        %get3A_217 = tpu.vector_load %arg10[%get3A_215, %get3A_216] {strides = array<i32>} : memref<128x64xf32, #tpu.memory_space<vmem>>, vector<16xf32>,
        %get3A_218 = arith.index_cast %scan3A_124 : i32 to index
        %get3A_219 = arith.constant 48 : index
        %get3A_220 = tpu.vector_load %arg11[%get3A_218, %get3A_219] {strides = array<i32>} : memref<128x64xf32, #tpu.memory_space<vmem>>, vector<16xf32>,
        %add3A_221 = arith.addf %get3A_217, %get3A_220 : vector<16xf32>
        %gt3A_222 = arith.constant 0.000000e+00 : f32
        %gt3A_223 = vector.broadcast %gt3A_222 : f32 to vector<16xf32>
        %gt3A_224 = arith.cmpf ogt, %add3A_221, %gt3A_223 : vector<16xf32>
        %mul3A_225 = arith.constant 2.000000e-01 : f32
        %mul3A_226 = vector.broadcast %mul3A_225 : f32 to vector<16xf32>
        %mul3A_227 = arith.mulf %mul3A_226, %add3A_221 : vector<16xf32>
        %select_n3A_228 = arith.select %gt3A_224, %add3A_221, %mul3A_227 : vector<16xi1>, vector<16xf32>
        %get3A_229 = arith.constant 48 : index
        %get3A_230 = tpu.vector_load %arg13[%get3A_229] {strides = array<i32>} : memref<64xf32, #tpu.memory_space<vmem>>, vector<16xf32>,
        %mul3A_231 = arith.mulf %select_n3A_228, %get3A_230 : vector<16xf32>
        %reduce_sum3A_232 = arith.constant true
        %reduce_sum3A_233 = vector.broadcast %reduce_sum3A_232 : i1 to vector<16xi1>
        %reduce_sum3A_234 = tpu.scan <sum>, %mul3A_231 masked %reduce_sum3A_233 : vector<16xf32>, vector<16xi1> -> vector<16xf32>
        %reduce_sum3A_235 = vector.extract %reduce_sum3A_234[15] : f32 from vector<16xf32>
        %broadcast_in_dim3A_236 = vector.broadcast %reduce_sum3A_235 : f32 to vector<16xf32>
        %exp3A_237 = math.exp %broadcast_in_dim3A_236 : vector<16xf32>
        %mul3A_238 = arith.mulf %exp3A_237, %get3A_217 : vector<16xf32>
        %swap3A_239 = arith.index_cast %scan3A_124 : i32 to index
        %swap3A_240 = arith.constant 48 : index
        %swap3A_241 = tpu.vector_load %arg12[%swap3A_239, %swap3A_240] {strides = array<i32>} : memref<128x80xf32, #tpu.memory_space<vmem>>, vector<16xf32>,
        tpu.vector_store %arg12[%swap3A_239, %swap3A_240], %mul3A_238 {strides = array<i32>} : memref<128x80xf32, #tpu.memory_space<vmem>>, vector<16xf32>,
        %eq3A_242 = arith.constant 3 : i32
        %eq3A_243 = vector.broadcast %eq3A_242 : i32 to vector<16xi32>
        %eq3A_244 = arith.cmpi eq, %iota3A, %eq3A_243 : vector<16xi32>
        %select_n3A_245 = arith.select %eq3A_244, %exp3A_237, %select_n3A_214 : vector<16xi1>, vector<16xf32>
        %swap3A_246 = arith.index_cast %scan3A_124 : i32 to index
        %swap3A_247 = arith.constant 64 : index
        %swap3A_248 = tpu.vector_load %arg12[%swap3A_246, %swap3A_247] {strides = array<i32>} : memref<128x80xf32, #tpu.memory_space<vmem>>, vector<16xf32>,
        tpu.vector_store %arg12[%swap3A_246, %swap3A_247], %select_n3A_245 {strides = array<i32>} : memref<128x80xf32, #tpu.memory_space<vmem>>, vector<16xf32>,
        %scan3A_249 = arith.constant 0 : i32
        scf.yield %scan3A_249 : i32
      }
      %scan3A_77 = arith.constant 128 : i32
      %get3A = arith.constant 0 : index
      %get3A_78 = tpu.vector_load %arg9[%get3A] {strides = array<i32>} : memref<128xi32, #tpu.memory_space<vmem>>, vector<16xi32>,
      %sub3A = vector.broadcast %mul3A_2 : i32 to vector<16xi32>
      %sub3A_79 = arith.subi %get3A_78, %sub3A : vector<16xi32>
      %swap3A = arith.constant 0 : index
      %swap3A_80 = tpu.vector_load %arg9[%swap3A] {strides = array<i32>} : memref<128xi32, #tpu.memory_space<vmem>>, vector<16xi32>,
      tpu.vector_store %arg9[%swap3A], %sub3A_79 {strides = array<i32>} : memref<128xi32, #tpu.memory_space<vmem>>, vector<16xi32>,
      %get3A_81 = arith.constant 16 : index
      %get3A_82 = tpu.vector_load %arg9[%get3A_81] {strides = array<i32>} : memref<128xi32, #tpu.memory_space<vmem>>, vector<16xi32>,
      %sub3A_83 = vector.broadcast %mul3A_2 : i32 to vector<16xi32>
      %sub3A_84 = arith.subi %get3A_82, %sub3A_83 : vector<16xi32>
      %swap3A_85 = arith.constant 16 : index
      %swap3A_86 = tpu.vector_load %arg9[%swap3A_85] {strides = array<i32>} : memref<128xi32, #tpu.memory_space<vmem>>, vector<16xi32>,
      tpu.vector_store %arg9[%swap3A_85], %sub3A_84 {strides = array<i32>} : memref<128xi32, #tpu.memory_space<vmem>>, vector<16xi32>,
      %get3A_87 = arith.constant 32 : index
      %get3A_88 = tpu.vector_load %arg9[%get3A_87] {strides = array<i32>} : memref<128xi32, #tpu.memory_space<vmem>>, vector<16xi32>,
      %sub3A_89 = vector.broadcast %mul3A_2 : i32 to vector<16xi32>
      %sub3A_90 = arith.subi %get3A_88, %sub3A_89 : vector<16xi32>
      %swap3A_91 = arith.constant 32 : index
      %swap3A_92 = tpu.vector_load %arg9[%swap3A_91] {strides = array<i32>} : memref<128xi32, #tpu.memory_space<vmem>>, vector<16xi32>,
      tpu.vector_store %arg9[%swap3A_91], %sub3A_90 {strides = array<i32>} : memref<128xi32, #tpu.memory_space<vmem>>, vector<16xi32>,
      %get3A_93 = arith.constant 48 : index
      %get3A_94 = tpu.vector_load %arg9[%get3A_93] {strides = array<i32>} : memref<128xi32, #tpu.memory_space<vmem>>, vector<16xi32>,
      %sub3A_95 = vector.broadcast %mul3A_2 : i32 to vector<16xi32>
      %sub3A_96 = arith.subi %get3A_94, %sub3A_95 : vector<16xi32>
      %swap3A_97 = arith.constant 48 : index
      %swap3A_98 = tpu.vector_load %arg9[%swap3A_97] {strides = array<i32>} : memref<128xi32, #tpu.memory_space<vmem>>, vector<16xi32>,
      tpu.vector_store %arg9[%swap3A_97], %sub3A_96 {strides = array<i32>} : memref<128xi32, #tpu.memory_space<vmem>>, vector<16xi32>,
      %get3A_99 = arith.constant 64 : index
      %get3A_100 = tpu.vector_load %arg9[%get3A_99] {strides = array<i32>} : memref<128xi32, #tpu.memory_space<vmem>>, vector<16xi32>,
      %sub3A_101 = vector.broadcast %mul3A_2 : i32 to vector<16xi32>
      %sub3A_102 = arith.subi %get3A_100, %sub3A_101 : vector<16xi32>
      %swap3A_103 = arith.constant 64 : index
      %swap3A_104 = tpu.vector_load %arg9[%swap3A_103] {strides = array<i32>} : memref<128xi32, #tpu.memory_space<vmem>>, vector<16xi32>,
      tpu.vector_store %arg9[%swap3A_103], %sub3A_102 {strides = array<i32>} : memref<128xi32, #tpu.memory_space<vmem>>, vector<16xi32>,
      %get3A_105 = arith.constant 80 : index
      %get3A_106 = tpu.vector_load %arg9[%get3A_105] {strides = array<i32>} : memref<128xi32, #tpu.memory_space<vmem>>, vector<16xi32>,
      %sub3A_107 = vector.broadcast %mul3A_2 : i32 to vector<16xi32>
      %sub3A_108 = arith.subi %get3A_106, %sub3A_107 : vector<16xi32>
      %swap3A_109 = arith.constant 80 : index
      %swap3A_110 = tpu.vector_load %arg9[%swap3A_109] {strides = array<i32>} : memref<128xi32, #tpu.memory_space<vmem>>, vector<16xi32>,
      tpu.vector_store %arg9[%swap3A_109], %sub3A_108 {strides = array<i32>} : memref<128xi32, #tpu.memory_space<vmem>>, vector<16xi32>,
      %get3A_111 = arith.constant 96 : index
      %get3A_112 = tpu.vector_load %arg9[%get3A_111] {strides = array<i32>} : memref<128xi32, #tpu.memory_space<vmem>>, vector<16xi32>,
      %sub3A_113 = vector.broadcast %mul3A_2 : i32 to vector<16xi32>
      %sub3A_114 = arith.subi %get3A_112, %sub3A_113 : vector<16xi32>
      %swap3A_115 = arith.constant 96 : index
      %swap3A_116 = tpu.vector_load %arg9[%swap3A_115] {strides = array<i32>} : memref<128xi32, #tpu.memory_space<vmem>>, vector<16xi32>,
      tpu.vector_store %arg9[%swap3A_115], %sub3A_114 {strides = array<i32>} : memref<128xi32, #tpu.memory_space<vmem>>, vector<16xi32>,
      %get3A_117 = arith.constant 112 : index
      %get3A_118 = tpu.vector_load %arg9[%get3A_117] {strides = array<i32>} : memref<128xi32, #tpu.memory_space<vmem>>, vector<16xi32>,
      %sub3A_119 = vector.broadcast %mul3A_2 : i32 to vector<16xi32>
      %sub3A_120 = arith.subi %get3A_118, %sub3A_119 : vector<16xi32>
      %swap3A_121 = arith.constant 112 : index
      %swap3A_122 = tpu.vector_load %arg9[%swap3A_121] {strides = array<i32>} : memref<128xi32, #tpu.memory_space<vmem>>, vector<16xi32>,
      tpu.vector_store %arg9[%swap3A_121], %sub3A_120 {strides = array<i32>} : memref<128xi32, #tpu.memory_space<vmem>>, vector<16xi32>,
      "tpu.region"() ({
        %run_scoped3A = tpu.sem_alloc : memref<!tpu.dma_semaphore, #tpu.memory_space<semaphore_mem>>
        %dma_start3A_124 = arith.constant 0 : i32
        %dma_start3A_125 = arith.constant 0 : i32
        %dma_start3A_126 = tpu.memref_slice %arg14[%dma_start3A_124, %dma_start3A_125] : memref<10240x80xf32, #tpu.memory_space<vmem_shared>> -> memref<10240x80xf32, #tpu.memory_space<vmem_shared>>
        tpu.enqueue_indirect_dma source(%arg12 : memref<128x80xf32, #tpu.memory_space<vmem>>) target(%dma_start3A_126 : memref<10240x80xf32, #tpu.memory_space<vmem_shared>>) offsets(%arg9 : memref<128xi32, #tpu.memory_space<vmem>>) semaphore(%run_scoped3A : memref<!tpu.dma_semaphore, #tpu.memory_space<semaphore_mem>>) {add = true}
        %dma_wait3A_127 = arith.constant 0 : i32
        %dma_wait3A_128 = arith.constant 0 : i32
        %dma_wait3A_129 = tpu.memref_slice %arg14[%dma_wait3A_127, %dma_wait3A_128] : memref<10240x80xf32, #tpu.memory_space<vmem_shared>> -> memref<10240x80xf32, #tpu.memory_space<vmem_shared>>
        tpu.wait_indirect_dma semaphore(%run_scoped3A : memref<!tpu.dma_semaphore, #tpu.memory_space<semaphore_mem>>) src(%arg12 : memref<128x80xf32, #tpu.memory_space<vmem>>) dst(%dma_wait3A_129 : memref<10240x80xf32, #tpu.memory_space<vmem_shared>>)
        tpu.yield
      }) : () -> ()
      %scan3A_123 = arith.constant 0 : i32
      scf.yield %scan3A_123 : i32
    }
    %scan3A_34 = arith.constant 162 : i32
    %barrier3A_35 = arith.constant 0 : index
    tpu.barrier barrier_id(%barrier3A_35)
    %mul3A_36 = arith.constant 640 : i32
    %mul3A_37 = arith.muli %arg1, %mul3A_36 : i32
    %add3A_38 = arith.constant 0 : i32
    %add3A_39 = arith.addi %mul3A_37, %add3A_38 : i32
    "tpu.region"() ({
      %run_scoped3A = tpu.sem_alloc : memref<!tpu.dma_semaphore, #tpu.memory_space<semaphore_mem>>
      %dma_start3A = arith.constant 0 : i32
      %dma_start3A_56 = tpu.memref_slice %arg7[%arg0, %add3A_39, %dma_start3A] : memref<2x10240x80xf32, #tpu.memory_space<hbm>> -> memref<1x128x80xf32, #tpu.memory_space<hbm>>
      %dma_start3A_57 = tpu.memref_squeeze %dma_start3A_56 : memref<1x128x80xf32, #tpu.memory_space<hbm>> -> memref<128x80xf32, #tpu.memory_space<hbm>>
      %dma_start3A_58 = arith.constant 0 : i32
      %dma_start3A_59 = tpu.memref_slice %arg14[%add3A_39, %dma_start3A_58] : memref<10240x80xf32, #tpu.memory_space<vmem_shared>> -> memref<128x80xf32, #tpu.memory_space<vmem_shared>>
      tpu.enqueue_dma source(%dma_start3A_59 : memref<128x80xf32, #tpu.memory_space<vmem_shared>>) target(%dma_start3A_57 : memref<128x80xf32, #tpu.memory_space<hbm>>) target_semaphore(%run_scoped3A : memref<!tpu.dma_semaphore, #tpu.memory_space<semaphore_mem>>)
      %dma_wait3A = arith.constant 0 : i32
      %dma_wait3A_60 = tpu.memref_slice %arg7[%arg0, %add3A_39, %dma_wait3A] : memref<2x10240x80xf32, #tpu.memory_space<hbm>> -> memref<1x128x80xf32, #tpu.memory_space<hbm>>
      %dma_wait3A_61 = tpu.memref_squeeze %dma_wait3A_60 : memref<1x128x80xf32, #tpu.memory_space<hbm>> -> memref<128x80xf32, #tpu.memory_space<hbm>>
      %dma_wait3A_62 = arith.constant 0 : i32
      %dma_wait3A_63 = tpu.memref_slice %arg14[%add3A_39, %dma_wait3A_62] : memref<10240x80xf32, #tpu.memory_space<vmem_shared>> -> memref<128x80xf32, #tpu.memory_space<vmem_shared>>
      tpu.wait_dma2 semaphore(%run_scoped3A : memref<!tpu.dma_semaphore, #tpu.memory_space<semaphore_mem>>) src(%dma_wait3A_63 : memref<128x80xf32, #tpu.memory_space<vmem_shared>>) dst(%dma_wait3A_61 : memref<128x80xf32, #tpu.memory_space<hbm>>)
      tpu.yield
    }) : () -> ()
    %mul3A_40 = arith.constant 640 : i32
    %mul3A_41 = arith.muli %arg1, %mul3A_40 : i32
    %add3A_42 = arith.constant 128 : i32
    %add3A_43 = arith.addi %mul3A_41, %add3A_42 : i32
    "tpu.region"() ({
      %run_scoped3A = tpu.sem_alloc : memref<!tpu.dma_semaphore, #tpu.memory_space<semaphore_mem>>
      %dma_start3A = arith.constant 0 : i32
      %dma_start3A_56 = tpu.memref_slice %arg7[%arg0, %add3A_43, %dma_start3A] : memref<2x10240x80xf32, #tpu.memory_space<hbm>> -> memref<1x128x80xf32, #tpu.memory_space<hbm>>
      %dma_start3A_57 = tpu.memref_squeeze %dma_start3A_56 : memref<1x128x80xf32, #tpu.memory_space<hbm>> -> memref<128x80xf32, #tpu.memory_space<hbm>>
      %dma_start3A_58 = arith.constant 0 : i32
      %dma_start3A_59 = tpu.memref_slice %arg14[%add3A_43, %dma_start3A_58] : memref<10240x80xf32, #tpu.memory_space<vmem_shared>> -> memref<128x80xf32, #tpu.memory_space<vmem_shared>>
      tpu.enqueue_dma source(%dma_start3A_59 : memref<128x80xf32, #tpu.memory_space<vmem_shared>>) target(%dma_start3A_57 : memref<128x80xf32, #tpu.memory_space<hbm>>) target_semaphore(%run_scoped3A : memref<!tpu.dma_semaphore, #tpu.memory_space<semaphore_mem>>)
      %dma_wait3A = arith.constant 0 : i32
      %dma_wait3A_60 = tpu.memref_slice %arg7[%arg0, %add3A_43, %dma_wait3A] : memref<2x10240x80xf32, #tpu.memory_space<hbm>> -> memref<1x128x80xf32, #tpu.memory_space<hbm>>
      %dma_wait3A_61 = tpu.memref_squeeze %dma_wait3A_60 : memref<1x128x80xf32, #tpu.memory_space<hbm>> -> memref<128x80xf32, #tpu.memory_space<hbm>>
      %dma_wait3A_62 = arith.constant 0 : i32
      %dma_wait3A_63 = tpu.memref_slice %arg14[%add3A_43, %dma_wait3A_62] : memref<10240x80xf32, #tpu.memory_space<vmem_shared>> -> memref<128x80xf32, #tpu.memory_space<vmem_shared>>
      tpu.wait_dma2 semaphore(%run_scoped3A : memref<!tpu.dma_semaphore, #tpu.memory_space<semaphore_mem>>) src(%dma_wait3A_63 : memref<128x80xf32, #tpu.memory_space<vmem_shared>>) dst(%dma_wait3A_61 : memref<128x80xf32, #tpu.memory_space<hbm>>)
      tpu.yield
    }) : () -> ()
    %mul3A_44 = arith.constant 640 : i32
    %mul3A_45 = arith.muli %arg1, %mul3A_44 : i32
    %add3A_46 = arith.constant 256 : i32
    %add3A_47 = arith.addi %mul3A_45, %add3A_46 : i32
    "tpu.region"() ({
      %run_scoped3A = tpu.sem_alloc : memref<!tpu.dma_semaphore, #tpu.memory_space<semaphore_mem>>
      %dma_start3A = arith.constant 0 : i32
      %dma_start3A_56 = tpu.memref_slice %arg7[%arg0, %add3A_47, %dma_start3A] : memref<2x10240x80xf32, #tpu.memory_space<hbm>> -> memref<1x128x80xf32, #tpu.memory_space<hbm>>
      %dma_start3A_57 = tpu.memref_squeeze %dma_start3A_56 : memref<1x128x80xf32, #tpu.memory_space<hbm>> -> memref<128x80xf32, #tpu.memory_space<hbm>>
      %dma_start3A_58 = arith.constant 0 : i32
      %dma_start3A_59 = tpu.memref_slice %arg14[%add3A_47, %dma_start3A_58] : memref<10240x80xf32, #tpu.memory_space<vmem_shared>> -> memref<128x80xf32, #tpu.memory_space<vmem_shared>>
      tpu.enqueue_dma source(%dma_start3A_59 : memref<128x80xf32, #tpu.memory_space<vmem_shared>>) target(%dma_start3A_57 : memref<128x80xf32, #tpu.memory_space<hbm>>) target_semaphore(%run_scoped3A : memref<!tpu.dma_semaphore, #tpu.memory_space<semaphore_mem>>)
      %dma_wait3A = arith.constant 0 : i32
      %dma_wait3A_60 = tpu.memref_slice %arg7[%arg0, %add3A_47, %dma_wait3A] : memref<2x10240x80xf32, #tpu.memory_space<hbm>> -> memref<1x128x80xf32, #tpu.memory_space<hbm>>
      %dma_wait3A_61 = tpu.memref_squeeze %dma_wait3A_60 : memref<1x128x80xf32, #tpu.memory_space<hbm>> -> memref<128x80xf32, #tpu.memory_space<hbm>>
      %dma_wait3A_62 = arith.constant 0 : i32
      %dma_wait3A_63 = tpu.memref_slice %arg14[%add3A_47, %dma_wait3A_62] : memref<10240x80xf32, #tpu.memory_space<vmem_shared>> -> memref<128x80xf32, #tpu.memory_space<vmem_shared>>
      tpu.wait_dma2 semaphore(%run_scoped3A : memref<!tpu.dma_semaphore, #tpu.memory_space<semaphore_mem>>) src(%dma_wait3A_63 : memref<128x80xf32, #tpu.memory_space<vmem_shared>>) dst(%dma_wait3A_61 : memref<128x80xf32, #tpu.memory_space<hbm>>)
      tpu.yield
    }) : () -> ()
    %mul3A_48 = arith.constant 640 : i32
    %mul3A_49 = arith.muli %arg1, %mul3A_48 : i32
    %add3A_50 = arith.constant 384 : i32
    %add3A_51 = arith.addi %mul3A_49, %add3A_50 : i32
    "tpu.region"() ({
      %run_scoped3A = tpu.sem_alloc : memref<!tpu.dma_semaphore, #tpu.memory_space<semaphore_mem>>
      %dma_start3A = arith.constant 0 : i32
      %dma_start3A_56 = tpu.memref_slice %arg7[%arg0, %add3A_51, %dma_start3A] : memref<2x10240x80xf32, #tpu.memory_space<hbm>> -> memref<1x128x80xf32, #tpu.memory_space<hbm>>
      %dma_start3A_57 = tpu.memref_squeeze %dma_start3A_56 : memref<1x128x80xf32, #tpu.memory_space<hbm>> -> memref<128x80xf32, #tpu.memory_space<hbm>>
      %dma_start3A_58 = arith.constant 0 : i32
      %dma_start3A_59 = tpu.memref_slice %arg14[%add3A_51, %dma_start3A_58] : memref<10240x80xf32, #tpu.memory_space<vmem_shared>> -> memref<128x80xf32, #tpu.memory_space<vmem_shared>>
      tpu.enqueue_dma source(%dma_start3A_59 : memref<128x80xf32, #tpu.memory_space<vmem_shared>>) target(%dma_start3A_57 : memref<128x80xf32, #tpu.memory_space<hbm>>) target_semaphore(%run_scoped3A : memref<!tpu.dma_semaphore, #tpu.memory_space<semaphore_mem>>)
      %dma_wait3A = arith.constant 0 : i32
      %dma_wait3A_60 = tpu.memref_slice %arg7[%arg0, %add3A_51, %dma_wait3A] : memref<2x10240x80xf32, #tpu.memory_space<hbm>> -> memref<1x128x80xf32, #tpu.memory_space<hbm>>
      %dma_wait3A_61 = tpu.memref_squeeze %dma_wait3A_60 : memref<1x128x80xf32, #tpu.memory_space<hbm>> -> memref<128x80xf32, #tpu.memory_space<hbm>>
      %dma_wait3A_62 = arith.constant 0 : i32
      %dma_wait3A_63 = tpu.memref_slice %arg14[%add3A_51, %dma_wait3A_62] : memref<10240x80xf32, #tpu.memory_space<vmem_shared>> -> memref<128x80xf32, #tpu.memory_space<vmem_shared>>
      tpu.wait_dma2 semaphore(%run_scoped3A : memref<!tpu.dma_semaphore, #tpu.memory_space<semaphore_mem>>) src(%dma_wait3A_63 : memref<128x80xf32, #tpu.memory_space<vmem_shared>>) dst(%dma_wait3A_61 : memref<128x80xf32, #tpu.memory_space<hbm>>)
      tpu.yield
    }) : () -> ()
    %mul3A_52 = arith.constant 640 : i32
    %mul3A_53 = arith.muli %arg1, %mul3A_52 : i32
    %add3A_54 = arith.constant 512 : i32
    %add3A_55 = arith.addi %mul3A_53, %add3A_54 : i32
    "tpu.region"() ({
      %run_scoped3A = tpu.sem_alloc : memref<!tpu.dma_semaphore, #tpu.memory_space<semaphore_mem>>
      %dma_start3A = arith.constant 0 : i32
      %dma_start3A_56 = tpu.memref_slice %arg7[%arg0, %add3A_55, %dma_start3A] : memref<2x10240x80xf32, #tpu.memory_space<hbm>> -> memref<1x128x80xf32, #tpu.memory_space<hbm>>
      %dma_start3A_57 = tpu.memref_squeeze %dma_start3A_56 : memref<1x128x80xf32, #tpu.memory_space<hbm>> -> memref<128x80xf32, #tpu.memory_space<hbm>>
      %dma_start3A_58 = arith.constant 0 : i32
      %dma_start3A_59 = tpu.memref_slice %arg14[%add3A_55, %dma_start3A_58] : memref<10240x80xf32, #tpu.memory_space<vmem_shared>> -> memref<128x80xf32, #tpu.memory_space<vmem_shared>>
      tpu.enqueue_dma source(%dma_start3A_59 : memref<128x80xf32, #tpu.memory_space<vmem_shared>>) target(%dma_start3A_57 : memref<128x80xf32, #tpu.memory_space<hbm>>) target_semaphore(%run_scoped3A : memref<!tpu.dma_semaphore, #tpu.memory_space<semaphore_mem>>)
      %dma_wait3A = arith.constant 0 : i32
      %dma_wait3A_60 = tpu.memref_slice %arg7[%arg0, %add3A_55, %dma_wait3A] : memref<2x10240x80xf32, #tpu.memory_space<hbm>> -> memref<1x128x80xf32, #tpu.memory_space<hbm>>
      %dma_wait3A_61 = tpu.memref_squeeze %dma_wait3A_60 : memref<1x128x80xf32, #tpu.memory_space<hbm>> -> memref<128x80xf32, #tpu.memory_space<hbm>>
      %dma_wait3A_62 = arith.constant 0 : i32
      %dma_wait3A_63 = tpu.memref_slice %arg14[%add3A_55, %dma_wait3A_62] : memref<10240x80xf32, #tpu.memory_space<vmem_shared>> -> memref<128x80xf32, #tpu.memory_space<vmem_shared>>
      tpu.wait_dma2 semaphore(%run_scoped3A : memref<!tpu.dma_semaphore, #tpu.memory_space<semaphore_mem>>) src(%dma_wait3A_63 : memref<128x80xf32, #tpu.memory_space<vmem_shared>>) dst(%dma_wait3A_61 : memref<128x80xf32, #tpu.memory_space<hbm>>)
      tpu.yield
    }) : () -> ()
    return
  }
}

#map = affine_map<(d0, d1) -> (0, 0)>
#map1 = affine_map<(d0, d1) -> (0)>
module attributes {stable_mosaic.version = 14 : i64} {
  func.func @_pair_gather_body(%arg0: i32, %arg1: i32, %arg2: memref<20480x128xf32, #tpu.memory_space<hbm>>, %arg3: memref<102400xi32, #tpu.memory_space<hbm>>, %arg4: memref<102400xi32, #tpu.memory_space<hbm>>, %arg5: memref<102400x128xf32, #tpu.memory_space<hbm>>, %arg6: memref<102400x128xf32, #tpu.memory_space<hbm>>, %arg7: memref<128xi32, #tpu.memory_space<vmem>>, %arg8: memref<128xi32, #tpu.memory_space<vmem>>, %arg9: memref<128x128xf32, #tpu.memory_space<vmem>>, %arg10: memref<128x128xf32, #tpu.memory_space<vmem>>, %arg11: memref<!tpu.dma_semaphore, #tpu.memory_space<semaphore_mem>>, %arg12: memref<!tpu.dma_semaphore, #tpu.memory_space<semaphore_mem>>) attributes {dimension_semantics = [#tpu.dimension_semantics<core_parallel>, #tpu.dimension_semantics<subcore_parallel>], iteration_bounds = array<i64: 2, 16>, scalar_prefetch = 0 : i64, scratch_operands = 6 : i64, tpu.core_type = #tpu.core_type<sc_vector_subcore>, window_params = [{transform_indices = #map}, {transform_indices = #map1}, {transform_indices = #map1}, {transform_indices = #map}, {transform_indices = #map}]} {
    %mul3A = arith.constant 2 : i32
    %mul3A_0 = arith.muli %arg1, %mul3A : i32
    %add3A = arith.addi %mul3A_0, %arg0 : i32
    %mul3A_1 = arith.constant 3200 : i32
    %mul3A_2 = arith.muli %add3A, %mul3A_1 : i32
    %scan3A = arith.constant 0 : i32
    %scan3A_3 = arith.constant 0 : i32
    %scan3A_4 = arith.constant 25 : i32
    %scan3A_5 = arith.addi %scan3A_3, %scan3A_4 : i32
    %scan3A_6 = arith.constant 1 : i32
    %scan3A_7 = scf.for %scan3A_9 = %scan3A_3 to %scan3A_5 step %scan3A_6 iter_args(%scan3A_10 = %scan3A) -> (i32)  : i32 {
      %mul3A_11 = arith.constant 128 : i32
      %mul3A_12 = arith.muli %scan3A_9, %mul3A_11 : i32
      %add3A_13 = arith.addi %mul3A_2, %mul3A_12 : i32
      "tpu.region"() ({
        %run_scoped3A = tpu.sem_alloc : memref<!tpu.dma_semaphore, #tpu.memory_space<semaphore_mem>>
        %dma_start3A_25 = tpu.memref_slice %arg3[%add3A_13] : memref<102400xi32, #tpu.memory_space<hbm>> -> memref<128xi32, #tpu.memory_space<hbm>>
        %dma_start3A_26 = tpu.memref_slice %arg3[%add3A_13] : memref<102400xi32, #tpu.memory_space<hbm>> -> memref<128xi32, #tpu.memory_space<hbm>>
        tpu.enqueue_dma source(%dma_start3A_26 : memref<128xi32, #tpu.memory_space<hbm>>) target(%arg7 : memref<128xi32, #tpu.memory_space<vmem>>) target_semaphore(%run_scoped3A : memref<!tpu.dma_semaphore, #tpu.memory_space<semaphore_mem>>)
        %dma_wait3A_27 = tpu.memref_slice %arg3[%add3A_13] : memref<102400xi32, #tpu.memory_space<hbm>> -> memref<128xi32, #tpu.memory_space<hbm>>
        %dma_wait3A_28 = tpu.memref_slice %arg3[%add3A_13] : memref<102400xi32, #tpu.memory_space<hbm>> -> memref<128xi32, #tpu.memory_space<hbm>>
        tpu.wait_dma2 semaphore(%run_scoped3A : memref<!tpu.dma_semaphore, #tpu.memory_space<semaphore_mem>>) src(%dma_wait3A_28 : memref<128xi32, #tpu.memory_space<hbm>>) dst(%arg7 : memref<128xi32, #tpu.memory_space<vmem>>)
        tpu.yield
      }) : () -> ()
      "tpu.region"() ({
        %run_scoped3A = tpu.sem_alloc : memref<!tpu.dma_semaphore, #tpu.memory_space<semaphore_mem>>
        %dma_start3A_25 = tpu.memref_slice %arg4[%add3A_13] : memref<102400xi32, #tpu.memory_space<hbm>> -> memref<128xi32, #tpu.memory_space<hbm>>
        %dma_start3A_26 = tpu.memref_slice %arg4[%add3A_13] : memref<102400xi32, #tpu.memory_space<hbm>> -> memref<128xi32, #tpu.memory_space<hbm>>
        tpu.enqueue_dma source(%dma_start3A_26 : memref<128xi32, #tpu.memory_space<hbm>>) target(%arg8 : memref<128xi32, #tpu.memory_space<vmem>>) target_semaphore(%run_scoped3A : memref<!tpu.dma_semaphore, #tpu.memory_space<semaphore_mem>>)
        %dma_wait3A_27 = tpu.memref_slice %arg4[%add3A_13] : memref<102400xi32, #tpu.memory_space<hbm>> -> memref<128xi32, #tpu.memory_space<hbm>>
        %dma_wait3A_28 = tpu.memref_slice %arg4[%add3A_13] : memref<102400xi32, #tpu.memory_space<hbm>> -> memref<128xi32, #tpu.memory_space<hbm>>
        tpu.wait_dma2 semaphore(%run_scoped3A : memref<!tpu.dma_semaphore, #tpu.memory_space<semaphore_mem>>) src(%dma_wait3A_28 : memref<128xi32, #tpu.memory_space<hbm>>) dst(%arg8 : memref<128xi32, #tpu.memory_space<vmem>>)
        tpu.yield
      }) : () -> ()
      %dma_start3A = arith.constant 0 : i32
      %dma_start3A_14 = arith.constant 0 : i32
      %dma_start3A_15 = tpu.memref_slice %arg2[%dma_start3A, %dma_start3A_14] : memref<20480x128xf32, #tpu.memory_space<hbm>> -> memref<20480x128xf32, #tpu.memory_space<hbm>>
      tpu.enqueue_indirect_dma source(%dma_start3A_15 : memref<20480x128xf32, #tpu.memory_space<hbm>>) target(%arg9 : memref<128x128xf32, #tpu.memory_space<vmem>>) offsets(%arg7 : memref<128xi32, #tpu.memory_space<vmem>>) semaphore(%arg11 : memref<!tpu.dma_semaphore, #tpu.memory_space<semaphore_mem>>)
      %dma_start3A_16 = arith.constant 0 : i32
      %dma_start3A_17 = arith.constant 0 : i32
      %dma_start3A_18 = tpu.memref_slice %arg2[%dma_start3A_16, %dma_start3A_17] : memref<20480x128xf32, #tpu.memory_space<hbm>> -> memref<20480x128xf32, #tpu.memory_space<hbm>>
      tpu.enqueue_indirect_dma source(%dma_start3A_18 : memref<20480x128xf32, #tpu.memory_space<hbm>>) target(%arg10 : memref<128x128xf32, #tpu.memory_space<vmem>>) offsets(%arg8 : memref<128xi32, #tpu.memory_space<vmem>>) semaphore(%arg12 : memref<!tpu.dma_semaphore, #tpu.memory_space<semaphore_mem>>)
      %dma_wait3A = arith.constant 0 : i32
      %dma_wait3A_19 = arith.constant 0 : i32
      %dma_wait3A_20 = tpu.memref_slice %arg2[%dma_wait3A, %dma_wait3A_19] : memref<20480x128xf32, #tpu.memory_space<hbm>> -> memref<20480x128xf32, #tpu.memory_space<hbm>>
      tpu.wait_indirect_dma semaphore(%arg11 : memref<!tpu.dma_semaphore, #tpu.memory_space<semaphore_mem>>) src(%dma_wait3A_20 : memref<20480x128xf32, #tpu.memory_space<hbm>>) dst(%arg9 : memref<128x128xf32, #tpu.memory_space<vmem>>)
      %dma_wait3A_21 = arith.constant 0 : i32
      %dma_wait3A_22 = arith.constant 0 : i32
      %dma_wait3A_23 = tpu.memref_slice %arg2[%dma_wait3A_21, %dma_wait3A_22] : memref<20480x128xf32, #tpu.memory_space<hbm>> -> memref<20480x128xf32, #tpu.memory_space<hbm>>
      tpu.wait_indirect_dma semaphore(%arg12 : memref<!tpu.dma_semaphore, #tpu.memory_space<semaphore_mem>>) src(%dma_wait3A_23 : memref<20480x128xf32, #tpu.memory_space<hbm>>) dst(%arg10 : memref<128x128xf32, #tpu.memory_space<vmem>>)
      "tpu.region"() ({
        %run_scoped3A = tpu.sem_alloc : memref<!tpu.dma_semaphore, #tpu.memory_space<semaphore_mem>>
        %dma_start3A_25 = arith.constant 0 : i32
        %dma_start3A_26 = tpu.memref_slice %arg5[%add3A_13, %dma_start3A_25] : memref<102400x128xf32, #tpu.memory_space<hbm>> -> memref<128x128xf32, #tpu.memory_space<hbm>>
        %dma_start3A_27 = arith.constant 0 : i32
        %dma_start3A_28 = tpu.memref_slice %arg5[%add3A_13, %dma_start3A_27] : memref<102400x128xf32, #tpu.memory_space<hbm>> -> memref<128x128xf32, #tpu.memory_space<hbm>>
        tpu.enqueue_dma source(%arg9 : memref<128x128xf32, #tpu.memory_space<vmem>>) target(%dma_start3A_28 : memref<128x128xf32, #tpu.memory_space<hbm>>) target_semaphore(%run_scoped3A : memref<!tpu.dma_semaphore, #tpu.memory_space<semaphore_mem>>)
        %dma_wait3A_29 = arith.constant 0 : i32
        %dma_wait3A_30 = tpu.memref_slice %arg5[%add3A_13, %dma_wait3A_29] : memref<102400x128xf32, #tpu.memory_space<hbm>> -> memref<128x128xf32, #tpu.memory_space<hbm>>
        %dma_wait3A_31 = arith.constant 0 : i32
        %dma_wait3A_32 = tpu.memref_slice %arg5[%add3A_13, %dma_wait3A_31] : memref<102400x128xf32, #tpu.memory_space<hbm>> -> memref<128x128xf32, #tpu.memory_space<hbm>>
        tpu.wait_dma2 semaphore(%run_scoped3A : memref<!tpu.dma_semaphore, #tpu.memory_space<semaphore_mem>>) src(%arg9 : memref<128x128xf32, #tpu.memory_space<vmem>>) dst(%dma_wait3A_32 : memref<128x128xf32, #tpu.memory_space<hbm>>)
        tpu.yield
      }) : () -> ()
      "tpu.region"() ({
        %run_scoped3A = tpu.sem_alloc : memref<!tpu.dma_semaphore, #tpu.memory_space<semaphore_mem>>
        %dma_start3A_25 = arith.constant 0 : i32
        %dma_start3A_26 = tpu.memref_slice %arg6[%add3A_13, %dma_start3A_25] : memref<102400x128xf32, #tpu.memory_space<hbm>> -> memref<128x128xf32, #tpu.memory_space<hbm>>
        %dma_start3A_27 = arith.constant 0 : i32
        %dma_start3A_28 = tpu.memref_slice %arg6[%add3A_13, %dma_start3A_27] : memref<102400x128xf32, #tpu.memory_space<hbm>> -> memref<128x128xf32, #tpu.memory_space<hbm>>
        tpu.enqueue_dma source(%arg10 : memref<128x128xf32, #tpu.memory_space<vmem>>) target(%dma_start3A_28 : memref<128x128xf32, #tpu.memory_space<hbm>>) target_semaphore(%run_scoped3A : memref<!tpu.dma_semaphore, #tpu.memory_space<semaphore_mem>>)
        %dma_wait3A_29 = arith.constant 0 : i32
        %dma_wait3A_30 = tpu.memref_slice %arg6[%add3A_13, %dma_wait3A_29] : memref<102400x128xf32, #tpu.memory_space<hbm>> -> memref<128x128xf32, #tpu.memory_space<hbm>>
        %dma_wait3A_31 = arith.constant 0 : i32
        %dma_wait3A_32 = tpu.memref_slice %arg6[%add3A_13, %dma_wait3A_31] : memref<102400x128xf32, #tpu.memory_space<hbm>> -> memref<128x128xf32, #tpu.memory_space<hbm>>
        tpu.wait_dma2 semaphore(%run_scoped3A : memref<!tpu.dma_semaphore, #tpu.memory_space<semaphore_mem>>) src(%arg10 : memref<128x128xf32, #tpu.memory_space<vmem>>) dst(%dma_wait3A_32 : memref<128x128xf32, #tpu.memory_space<hbm>>)
        tpu.yield
      }) : () -> ()
      %scan3A_24 = arith.constant 0 : i32
      scf.yield %scan3A_24 : i32
    }
    %scan3A_8 = arith.constant 25 : i32
    return
  }
}

module attributes {stable_mosaic.version = 14 : i64} {
  func.func @_mlp2_body(%arg0: i32, %arg1: memref<512x700xf32, #tpu.memory_space<vmem>>, %arg2: memref<700x256xf32, #tpu.memory_space<vmem>>, %arg3: memref<1x256xf32, #tpu.memory_space<vmem>>, %arg4: memref<256x128xf32, #tpu.memory_space<vmem>>, %arg5: memref<1x128xf32, #tpu.memory_space<vmem>>, %arg6: memref<512x128xf32, #tpu.memory_space<vmem>>) attributes {dimension_semantics = [#tpu.dimension_semantics<arbitrary>], iteration_bounds = array<i64: 40>, scalar_prefetch = 0 : i64, scratch_operands = 0 : i64, tpu.core_type = #tpu.core_type<tc>, window_params = [{transform_indices = @transform_0, window_bounds = array<i64: 512, 700>}, {pipeline_mode = #tpu.pipeline_mode<synchronous>, transform_indices = @transform_1, window_bounds = array<i64: 700, 256>}, {pipeline_mode = #tpu.pipeline_mode<synchronous>, transform_indices = @transform_2, window_bounds = array<i64: 1, 256>}, {pipeline_mode = #tpu.pipeline_mode<synchronous>, transform_indices = @transform_3, window_bounds = array<i64: 256, 128>}, {pipeline_mode = #tpu.pipeline_mode<synchronous>, transform_indices = @transform_4, window_bounds = array<i64: 1, 128>}, {transform_indices = @transform_5, window_bounds = array<i64: 512, 128>}]} {
    %get3A = arith.constant 0 : index
    %get3A_0 = arith.constant 0 : index
    %get3A_1 = vector.load %arg1[%get3A, %get3A_0] : memref<512x700xf32, #tpu.memory_space<vmem>>, vector<512x700xf32>
    %get3A_2 = arith.constant 0 : index
    %get3A_3 = arith.constant 0 : index
    %get3A_4 = vector.load %arg2[%get3A_2, %get3A_3] : memref<700x256xf32, #tpu.memory_space<vmem>>, vector<700x256xf32>
    %dot_general3A = arith.constant dense<0.000000e+00> : vector<512x256xf32>
    %dot_general3A_5 = tpu.matmul %get3A_1, %get3A_4, %dot_general3A {dimension_numbers = #tpu.dot_dimension_numbers<[1], [0], [0], [1], [0, 0, 1, 1], [], []>, transpose_lhs_hint = false} : vector<512x700xf32>, vector<700x256xf32>, vector<512x256xf32> -> vector<512x256xf32>
    %get3A_6 = arith.constant 0 : index
    %get3A_7 = arith.constant 0 : index
    %get3A_8 = vector.load %arg3[%get3A_6, %get3A_7] : memref<1x256xf32, #tpu.memory_space<vmem>>, vector<1x256xf32>
    %add3A = vector.broadcast %get3A_8 : vector<1x256xf32> to vector<512x256xf32>
    %add3A_9 = arith.addf %dot_general3A_5, %add3A : vector<512x256xf32>
    %max3A = arith.constant 0.000000e+00 : f32
    %max3A_10 = vector.broadcast %max3A : f32 to vector<512x256xf32>
    %max3A_11 = arith.maximumf %add3A_9, %max3A_10 : vector<512x256xf32>
    %get3A_12 = arith.constant 0 : index
    %get3A_13 = arith.constant 0 : index
    %get3A_14 = vector.load %arg4[%get3A_12, %get3A_13] : memref<256x128xf32, #tpu.memory_space<vmem>>, vector<256x128xf32>
    %dot_general3A_15 = arith.constant dense<0.000000e+00> : vector<512x128xf32>
    %dot_general3A_16 = tpu.matmul %max3A_11, %get3A_14, %dot_general3A_15 {dimension_numbers = #tpu.dot_dimension_numbers<[1], [0], [0], [1], [0, 0, 1, 1], [], []>, transpose_lhs_hint = false} : vector<512x256xf32>, vector<256x128xf32>, vector<512x128xf32> -> vector<512x128xf32>
    %get3A_17 = arith.constant 0 : index
    %get3A_18 = arith.constant 0 : index
    %get3A_19 = vector.load %arg5[%get3A_17, %get3A_18] : memref<1x128xf32, #tpu.memory_space<vmem>>, vector<1x128xf32>
    %add3A_20 = vector.broadcast %get3A_19 : vector<1x128xf32> to vector<512x128xf32>
    %add3A_21 = arith.addf %dot_general3A_16, %add3A_20 : vector<512x128xf32>
    %swap3A = arith.constant 0 : index
    %swap3A_22 = arith.constant 0 : index
    %swap3A_23 = vector.load %arg6[%swap3A, %swap3A_22] : memref<512x128xf32, #tpu.memory_space<vmem>>, vector<512x128xf32>
    tpu.vector_store %arg6[%swap3A, %swap3A_22], %add3A_21 {strides = array<i32>} : memref<512x128xf32, #tpu.memory_space<vmem>>, vector<512x128xf32>,
    return
  }
  func.func @transform_0(%arg0: i32) -> (i32, i32) {
    %c0_i32 = arith.constant 0 : i32
    %c0_i32_0 = arith.constant 0 : i32
    return %arg0, %c0_i32 : i32, i32
  }
  func.func @transform_1(%arg0: i32) -> (i32, i32) {
    %c0_i32 = arith.constant 0 : i32
    %c0_i32_0 = arith.constant 0 : i32
    %c0_i32_1 = arith.constant 0 : i32
    return %c0_i32, %c0_i32_0 : i32, i32
  }
  func.func @transform_2(%arg0: i32) -> (i32, i32) {
    %c0_i32 = arith.constant 0 : i32
    %c0_i32_0 = arith.constant 0 : i32
    %c0_i32_1 = arith.constant 0 : i32
    return %c0_i32, %c0_i32_0 : i32, i32
  }
  func.func @transform_3(%arg0: i32) -> (i32, i32) {
    %c0_i32 = arith.constant 0 : i32
    %c0_i32_0 = arith.constant 0 : i32
    %c0_i32_1 = arith.constant 0 : i32
    return %c0_i32, %c0_i32_0 : i32, i32
  }
  func.func @transform_4(%arg0: i32) -> (i32, i32) {
    %c0_i32 = arith.constant 0 : i32
    %c0_i32_0 = arith.constant 0 : i32
    %c0_i32_1 = arith.constant 0 : i32
    return %c0_i32, %c0_i32_0 : i32, i32
  }
  func.func @transform_5(%arg0: i32) -> (i32, i32) {
    %c0_i32 = arith.constant 0 : i32
    %c0_i32_0 = arith.constant 0 : i32
    return %arg0, %c0_i32 : i32, i32
  }
}

module attributes {stable_mosaic.version = 14 : i64} {
  func.func @_proj_body(%arg0: i32, %arg1: memref<512x128xf32, #tpu.memory_space<vmem>>, %arg2: memref<128x128xf32, #tpu.memory_space<vmem>>, %arg3: memref<128x128xf32, #tpu.memory_space<vmem>>, %arg4: memref<512x64xf32, #tpu.memory_space<vmem>>, %arg5: memref<512x64xf32, #tpu.memory_space<vmem>>, %arg6: memref<512x64xf32, #tpu.memory_space<vmem>>, %arg7: memref<512x64xf32, #tpu.memory_space<vmem>>) attributes {dimension_semantics = [#tpu.dimension_semantics<arbitrary>], iteration_bounds = array<i64: 40>, scalar_prefetch = 0 : i64, scratch_operands = 0 : i64, tpu.core_type = #tpu.core_type<tc>, window_params = [{transform_indices = @transform_0, window_bounds = array<i64: 512, 128>}, {pipeline_mode = #tpu.pipeline_mode<synchronous>, transform_indices = @transform_1, window_bounds = array<i64: 128, 128>}, {pipeline_mode = #tpu.pipeline_mode<synchronous>, transform_indices = @transform_2, window_bounds = array<i64: 128, 128>}, {transform_indices = @transform_3, window_bounds = array<i64: 512, 64>}, {transform_indices = @transform_4, window_bounds = array<i64: 512, 64>}, {transform_indices = @transform_5, window_bounds = array<i64: 512, 64>}, {transform_indices = @transform_6, window_bounds = array<i64: 512, 64>}]} {
    %get3A = arith.constant 0 : index
    %get3A_0 = arith.constant 0 : index
    %get3A_1 = vector.load %arg1[%get3A, %get3A_0] : memref<512x128xf32, #tpu.memory_space<vmem>>, vector<512x128xf32>
    %get3A_2 = arith.constant 0 : index
    %get3A_3 = arith.constant 0 : index
    %get3A_4 = vector.load %arg2[%get3A_2, %get3A_3] : memref<128x128xf32, #tpu.memory_space<vmem>>, vector<128x128xf32>
    %dot_general3A = arith.constant dense<0.000000e+00> : vector<512x128xf32>
    %dot_general3A_5 = tpu.matmul %get3A_1, %get3A_4, %dot_general3A {dimension_numbers = #tpu.dot_dimension_numbers<[1], [0], [0], [1], [0, 0, 1, 1], [], []>, transpose_lhs_hint = false} : vector<512x128xf32>, vector<128x128xf32>, vector<512x128xf32> -> vector<512x128xf32>
    %get3A_6 = arith.constant 0 : index
    %get3A_7 = arith.constant 0 : index
    %get3A_8 = vector.load %arg3[%get3A_6, %get3A_7] : memref<128x128xf32, #tpu.memory_space<vmem>>, vector<128x128xf32>
    %dot_general3A_9 = arith.constant dense<0.000000e+00> : vector<512x128xf32>
    %dot_general3A_10 = tpu.matmul %get3A_1, %get3A_8, %dot_general3A_9 {dimension_numbers = #tpu.dot_dimension_numbers<[1], [0], [0], [1], [0, 0, 1, 1], [], []>, transpose_lhs_hint = false} : vector<512x128xf32>, vector<128x128xf32>, vector<512x128xf32> -> vector<512x128xf32>
    %slice3A = vector.extract_strided_slice %dot_general3A_5 {offsets = [0, 0], sizes = [512, 64], strides = [1, 1]} : vector<512x128xf32> to vector<512x64xf32>
    %swap3A = arith.constant 0 : index
    %swap3A_11 = arith.constant 0 : index
    %swap3A_12 = vector.load %arg4[%swap3A, %swap3A_11] : memref<512x64xf32, #tpu.memory_space<vmem>>, vector<512x64xf32>
    tpu.vector_store %arg4[%swap3A, %swap3A_11], %slice3A {strides = array<i32>} : memref<512x64xf32, #tpu.memory_space<vmem>>, vector<512x64xf32>,
    %slice3A_13 = vector.extract_strided_slice %dot_general3A_5 {offsets = [0, 64], sizes = [512, 64], strides = [1, 1]} : vector<512x128xf32> to vector<512x64xf32>
    %swap3A_14 = arith.constant 0 : index
    %swap3A_15 = arith.constant 0 : index
    %swap3A_16 = vector.load %arg5[%swap3A_14, %swap3A_15] : memref<512x64xf32, #tpu.memory_space<vmem>>, vector<512x64xf32>
    tpu.vector_store %arg5[%swap3A_14, %swap3A_15], %slice3A_13 {strides = array<i32>} : memref<512x64xf32, #tpu.memory_space<vmem>>, vector<512x64xf32>,
    %slice3A_17 = vector.extract_strided_slice %dot_general3A_10 {offsets = [0, 0], sizes = [512, 64], strides = [1, 1]} : vector<512x128xf32> to vector<512x64xf32>
    %swap3A_18 = arith.constant 0 : index
    %swap3A_19 = arith.constant 0 : index
    %swap3A_20 = vector.load %arg6[%swap3A_18, %swap3A_19] : memref<512x64xf32, #tpu.memory_space<vmem>>, vector<512x64xf32>
    tpu.vector_store %arg6[%swap3A_18, %swap3A_19], %slice3A_17 {strides = array<i32>} : memref<512x64xf32, #tpu.memory_space<vmem>>, vector<512x64xf32>,
    %slice3A_21 = vector.extract_strided_slice %dot_general3A_10 {offsets = [0, 64], sizes = [512, 64], strides = [1, 1]} : vector<512x128xf32> to vector<512x64xf32>
    %swap3A_22 = arith.constant 0 : index
    %swap3A_23 = arith.constant 0 : index
    %swap3A_24 = vector.load %arg7[%swap3A_22, %swap3A_23] : memref<512x64xf32, #tpu.memory_space<vmem>>, vector<512x64xf32>
    tpu.vector_store %arg7[%swap3A_22, %swap3A_23], %slice3A_21 {strides = array<i32>} : memref<512x64xf32, #tpu.memory_space<vmem>>, vector<512x64xf32>,
    return
  }
  func.func @transform_0(%arg0: i32) -> (i32, i32) {
    %c0_i32 = arith.constant 0 : i32
    %c0_i32_0 = arith.constant 0 : i32
    return %arg0, %c0_i32 : i32, i32
  }
  func.func @transform_1(%arg0: i32) -> (i32, i32) {
    %c0_i32 = arith.constant 0 : i32
    %c0_i32_0 = arith.constant 0 : i32
    %c0_i32_1 = arith.constant 0 : i32
    return %c0_i32, %c0_i32_0 : i32, i32
  }
  func.func @transform_2(%arg0: i32) -> (i32, i32) {
    %c0_i32 = arith.constant 0 : i32
    %c0_i32_0 = arith.constant 0 : i32
    %c0_i32_1 = arith.constant 0 : i32
    return %c0_i32, %c0_i32_0 : i32, i32
  }
  func.func @transform_3(%arg0: i32) -> (i32, i32) {
    %c0_i32 = arith.constant 0 : i32
    %c0_i32_0 = arith.constant 0 : i32
    return %arg0, %c0_i32 : i32, i32
  }
  func.func @transform_4(%arg0: i32) -> (i32, i32) {
    %c0_i32 = arith.constant 0 : i32
    %c0_i32_0 = arith.constant 0 : i32
    return %arg0, %c0_i32 : i32, i32
  }
  func.func @transform_5(%arg0: i32) -> (i32, i32) {
    %c0_i32 = arith.constant 0 : i32
    %c0_i32_0 = arith.constant 0 : i32
    return %arg0, %c0_i32 : i32, i32
  }
  func.func @transform_6(%arg0: i32) -> (i32, i32) {
    %c0_i32 = arith.constant 0 : i32
    %c0_i32_0 = arith.constant 0 : i32
    return %arg0, %c0_i32 : i32, i32
  }
}

module attributes {stable_mosaic.version = 14 : i64} {
  func.func @_norm_body_bn(%arg0: i32, %arg1: memref<1x10240x80xf32, #tpu.memory_space<vmem>>, %arg2: memref<1x10240x80xf32, #tpu.memory_space<vmem>>, %arg3: memref<4x64xf32, #tpu.memory_space<vmem>>, %arg4: memref<1x128xf32, #tpu.memory_space<vmem>>, %arg5: memref<1x128xf32, #tpu.memory_space<vmem>>, %arg6: memref<1x128xf32, #tpu.memory_space<vmem>>, %arg7: memref<1x10240x128xf32, #tpu.memory_space<vmem>>) attributes {dimension_semantics = [#tpu.dimension_semantics<arbitrary>], iteration_bounds = array<i64: 2>, scalar_prefetch = 0 : i64, scratch_operands = 0 : i64, tpu.core_type = #tpu.core_type<tc>, window_params = [{transform_indices = @transform_0, window_bounds = array<i64: 1, 10240, 80>}, {transform_indices = @transform_1, window_bounds = array<i64: 1, 10240, 80>}, {pipeline_mode = #tpu.pipeline_mode<synchronous>, transform_indices = @transform_2, window_bounds = array<i64: 4, 64>}, {pipeline_mode = #tpu.pipeline_mode<synchronous>, transform_indices = @transform_3, window_bounds = array<i64: 1, 128>}, {pipeline_mode = #tpu.pipeline_mode<synchronous>, transform_indices = @transform_4, window_bounds = array<i64: 1, 128>}, {pipeline_mode = #tpu.pipeline_mode<synchronous>, transform_indices = @transform_5, window_bounds = array<i64: 1, 128>}, {transform_indices = @transform_6, window_bounds = array<i64: 1, 10240, 128>}]} {
    %get3A = arith.constant 0 : index
    %get3A_0 = arith.constant 0 : index
    %get3A_1 = arith.constant 0 : index
    %get3A_2 = vector.load %arg1[%get3A, %get3A_0, %get3A_1] : memref<1x10240x80xf32, #tpu.memory_space<vmem>>, vector<1x10240x80xf32>
    %get3A_3 = vector.shape_cast %get3A_2 : vector<1x10240x80xf32> to vector<10240x80xf32>
    %slice3A = vector.extract_strided_slice %get3A_3 {offsets = [0, 0], sizes = [10240, 64], strides = [1, 1]} : vector<10240x80xf32> to vector<10240x64xf32>
    %slice3A_4 = vector.extract_strided_slice %get3A_3 {offsets = [0, 64], sizes = [10240, 4], strides = [1, 1]} : vector<10240x80xf32> to vector<10240x4xf32>
    %get3A_5 = arith.constant 0 : index
    %get3A_6 = arith.constant 0 : index
    %get3A_7 = vector.load %arg3[%get3A_5, %get3A_6] : memref<4x64xf32, #tpu.memory_space<vmem>>, vector<4x64xf32>
    %dot_general3A = arith.constant dense<0.000000e+00> : vector<10240x64xf32>
    %dot_general3A_8 = tpu.matmul %slice3A_4, %get3A_7, %dot_general3A {dimension_numbers = #tpu.dot_dimension_numbers<[1], [0], [0], [1], [0, 0, 1, 1], [], []>, transpose_lhs_hint = false} : vector<10240x4xf32>, vector<4x64xf32>, vector<10240x64xf32> -> vector<10240x64xf32>
    %add3A = arith.constant 1.000000e-16 : f32
    %add3A_9 = vector.broadcast %add3A : f32 to vector<10240x64xf32>
    %add3A_10 = arith.addf %dot_general3A_8, %add3A_9 : vector<10240x64xf32>
    %div3A = arith.divf %slice3A, %add3A_10 : vector<10240x64xf32>
    %get3A_11 = arith.constant 0 : index
    %get3A_12 = arith.constant 0 : index
    %get3A_13 = vector.load %arg4[%get3A_11, %get3A_12] : memref<1x128xf32, #tpu.memory_space<vmem>>, vector<1x64xf32>
    %get3A_14 = vector.shape_cast %get3A_13 : vector<1x64xf32> to vector<64xf32>
    %broadcast_in_dim3A = vector.shape_cast %get3A_14 : vector<64xf32> to vector<1x64xf32>
    %add3A_15 = vector.broadcast %broadcast_in_dim3A : vector<1x64xf32> to vector<10240x64xf32>
    %add3A_16 = arith.addf %div3A, %add3A_15 : vector<10240x64xf32>
    %slice3A_17 = vector.extract_strided_slice %add3A_16 {offsets = [0, 0], sizes = [10000, 64], strides = [1, 1]} : vector<10240x64xf32> to vector<10000x64xf32>
    %reduce_sum3A = arith.constant dense<0.000000e+00> : vector<64xf32>
    %reduce_sum3A_18 = vector.multi_reduction <add>, %slice3A_17, %reduce_sum3A [0] : vector<10000x64xf32> to vector<64xf32>
    %broadcast_in_dim3A_19 = vector.shape_cast %reduce_sum3A_18 : vector<64xf32> to vector<1x64xf32>
    %div3A_20 = arith.constant 1.000000e+04 : f32
    %div3A_21 = vector.broadcast %div3A_20 : f32 to vector<1x64xf32>
    %div3A_22 = arith.divf %broadcast_in_dim3A_19, %div3A_21 : vector<1x64xf32>
    %mul3A = arith.mulf %slice3A_17, %slice3A_17 : vector<10000x64xf32>
    %reduce_sum3A_23 = arith.constant dense<0.000000e+00> : vector<64xf32>
    %reduce_sum3A_24 = vector.multi_reduction <add>, %mul3A, %reduce_sum3A_23 [0] : vector<10000x64xf32> to vector<64xf32>
    %broadcast_in_dim3A_25 = vector.shape_cast %reduce_sum3A_24 : vector<64xf32> to vector<1x64xf32>
    %div3A_26 = arith.constant 1.000000e+04 : f32
    %div3A_27 = vector.broadcast %div3A_26 : f32 to vector<1x64xf32>
    %div3A_28 = arith.divf %broadcast_in_dim3A_25, %div3A_27 : vector<1x64xf32>
    %mul3A_29 = arith.mulf %div3A_22, %div3A_22 : vector<1x64xf32>
    %sub3A = arith.subf %div3A_28, %mul3A_29 : vector<1x64xf32>
    %sub3A_30 = vector.broadcast %div3A_22 : vector<1x64xf32> to vector<10000x64xf32>
    %sub3A_31 = arith.subf %slice3A_17, %sub3A_30 : vector<10000x64xf32>
    %add3A_32 = arith.constant 9.99999974E-6 : f32
    %add3A_33 = vector.broadcast %add3A_32 : f32 to vector<1x64xf32>
    %add3A_34 = arith.addf %sub3A, %add3A_33 : vector<1x64xf32>
    %sqrt3A = math.sqrt %add3A_34 : vector<1x64xf32>
    %div3A_35 = vector.broadcast %sqrt3A : vector<1x64xf32> to vector<10000x64xf32>
    %div3A_36 = arith.divf %sub3A_31, %div3A_35 : vector<10000x64xf32>
    %get3A_37 = arith.constant 0 : index
    %get3A_38 = arith.constant 0 : index
    %get3A_39 = vector.load %arg5[%get3A_37, %get3A_38] : memref<1x128xf32, #tpu.memory_space<vmem>>, vector<1x64xf32>
    %get3A_40 = vector.shape_cast %get3A_39 : vector<1x64xf32> to vector<64xf32>
    %broadcast_in_dim3A_41 = vector.shape_cast %get3A_40 : vector<64xf32> to vector<1x64xf32>
    %mul3A_42 = vector.broadcast %broadcast_in_dim3A_41 : vector<1x64xf32> to vector<10000x64xf32>
    %mul3A_43 = arith.mulf %div3A_36, %mul3A_42 : vector<10000x64xf32>
    %get3A_44 = arith.constant 0 : index
    %get3A_45 = arith.constant 0 : index
    %get3A_46 = vector.load %arg6[%get3A_44, %get3A_45] : memref<1x128xf32, #tpu.memory_space<vmem>>, vector<1x64xf32>
    %get3A_47 = vector.shape_cast %get3A_46 : vector<1x64xf32> to vector<64xf32>
    %broadcast_in_dim3A_48 = vector.shape_cast %get3A_47 : vector<64xf32> to vector<1x64xf32>
    %add3A_49 = vector.broadcast %broadcast_in_dim3A_48 : vector<1x64xf32> to vector<10000x64xf32>
    %add3A_50 = arith.addf %mul3A_43, %add3A_49 : vector<10000x64xf32>
    %gt3A = arith.constant 0.000000e+00 : f32
    %gt3A_51 = vector.broadcast %gt3A : f32 to vector<10000x64xf32>
    %gt3A_52 = arith.cmpf ogt, %add3A_50, %gt3A_51 : vector<10000x64xf32>
    %min3A = arith.constant 0.000000e+00 : f32
    %min3A_53 = vector.broadcast %min3A : f32 to vector<10000x64xf32>
    %min3A_54 = arith.minimumf %add3A_50, %min3A_53 : vector<10000x64xf32>
    %exp3A = math.exp %min3A_54 : vector<10000x64xf32>
    %sub3A_55 = arith.constant 1.000000e+00 : f32
    %sub3A_56 = vector.broadcast %sub3A_55 : f32 to vector<10000x64xf32>
    %sub3A_57 = arith.subf %exp3A, %sub3A_56 : vector<10000x64xf32>
    %select_n3A = arith.select %gt3A_52, %add3A_50, %sub3A_57 : vector<10000x64xi1>, vector<10000x64xf32>
    %swap3A = arith.constant 0 : index
    %swap3A_58 = arith.constant 0 : index
    %swap3A_59 = arith.constant 0 : index
    %swap3A_60 = vector.load %arg7[%swap3A, %swap3A_58, %swap3A_59] : memref<1x10240x128xf32, #tpu.memory_space<vmem>>, vector<1x10000x64xf32>
    %swap3A_61 = vector.shape_cast %swap3A_60 : vector<1x10000x64xf32> to vector<10000x64xf32>
    %swap3A_62 = vector.shape_cast %select_n3A : vector<10000x64xf32> to vector<1x10000x64xf32>
    tpu.vector_store %arg7[%swap3A, %swap3A_58, %swap3A_59], %swap3A_62 {strides = array<i32>} : memref<1x10240x128xf32, #tpu.memory_space<vmem>>, vector<1x10000x64xf32>,
    %broadcast_in_dim3A_63 = arith.constant 0.000000e+00 : f32
    %broadcast_in_dim3A_64 = vector.broadcast %broadcast_in_dim3A_63 : f32 to vector<240x64xf32>
    %swap3A_65 = arith.constant 0 : index
    %swap3A_66 = arith.constant 10000 : index
    %swap3A_67 = arith.constant 0 : index
    %swap3A_68 = vector.load %arg7[%swap3A_65, %swap3A_66, %swap3A_67] : memref<1x10240x128xf32, #tpu.memory_space<vmem>>, vector<1x240x64xf32>
    %swap3A_69 = vector.shape_cast %swap3A_68 : vector<1x240x64xf32> to vector<240x64xf32>
    %swap3A_70 = vector.shape_cast %broadcast_in_dim3A_64 : vector<240x64xf32> to vector<1x240x64xf32>
    tpu.vector_store %arg7[%swap3A_65, %swap3A_66, %swap3A_67], %swap3A_70 {strides = array<i32>} : memref<1x10240x128xf32, #tpu.memory_space<vmem>>, vector<1x240x64xf32>,
    %get3A_71 = arith.constant 0 : index
    %get3A_72 = arith.constant 0 : index
    %get3A_73 = arith.constant 0 : index
    %get3A_74 = vector.load %arg2[%get3A_71, %get3A_72, %get3A_73] : memref<1x10240x80xf32, #tpu.memory_space<vmem>>, vector<1x10240x80xf32>
    %get3A_75 = vector.shape_cast %get3A_74 : vector<1x10240x80xf32> to vector<10240x80xf32>
    %slice3A_76 = vector.extract_strided_slice %get3A_75 {offsets = [0, 0], sizes = [10240, 64], strides = [1, 1]} : vector<10240x80xf32> to vector<10240x64xf32>
    %slice3A_77 = vector.extract_strided_slice %get3A_75 {offsets = [0, 64], sizes = [10240, 4], strides = [1, 1]} : vector<10240x80xf32> to vector<10240x4xf32>
    %get3A_78 = arith.constant 0 : index
    %get3A_79 = arith.constant 0 : index
    %get3A_80 = vector.load %arg3[%get3A_78, %get3A_79] : memref<4x64xf32, #tpu.memory_space<vmem>>, vector<4x64xf32>
    %dot_general3A_81 = arith.constant dense<0.000000e+00> : vector<10240x64xf32>
    %dot_general3A_82 = tpu.matmul %slice3A_77, %get3A_80, %dot_general3A_81 {dimension_numbers = #tpu.dot_dimension_numbers<[1], [0], [0], [1], [0, 0, 1, 1], [], []>, transpose_lhs_hint = false} : vector<10240x4xf32>, vector<4x64xf32>, vector<10240x64xf32> -> vector<10240x64xf32>
    %add3A_83 = arith.constant 1.000000e-16 : f32
    %add3A_84 = vector.broadcast %add3A_83 : f32 to vector<10240x64xf32>
    %add3A_85 = arith.addf %dot_general3A_82, %add3A_84 : vector<10240x64xf32>
    %div3A_86 = arith.divf %slice3A_76, %add3A_85 : vector<10240x64xf32>
    %get3A_87 = arith.constant 0 : index
    %get3A_88 = arith.constant 64 : index
    %get3A_89 = vector.load %arg4[%get3A_87, %get3A_88] : memref<1x128xf32, #tpu.memory_space<vmem>>, vector<1x64xf32>
    %get3A_90 = vector.shape_cast %get3A_89 : vector<1x64xf32> to vector<64xf32>
    %broadcast_in_dim3A_91 = vector.shape_cast %get3A_90 : vector<64xf32> to vector<1x64xf32>
    %add3A_92 = vector.broadcast %broadcast_in_dim3A_91 : vector<1x64xf32> to vector<10240x64xf32>
    %add3A_93 = arith.addf %div3A_86, %add3A_92 : vector<10240x64xf32>
    %slice3A_94 = vector.extract_strided_slice %add3A_93 {offsets = [0, 0], sizes = [10000, 64], strides = [1, 1]} : vector<10240x64xf32> to vector<10000x64xf32>
    %reduce_sum3A_95 = arith.constant dense<0.000000e+00> : vector<64xf32>
    %reduce_sum3A_96 = vector.multi_reduction <add>, %slice3A_94, %reduce_sum3A_95 [0] : vector<10000x64xf32> to vector<64xf32>
    %broadcast_in_dim3A_97 = vector.shape_cast %reduce_sum3A_96 : vector<64xf32> to vector<1x64xf32>
    %div3A_98 = arith.constant 1.000000e+04 : f32
    %div3A_99 = vector.broadcast %div3A_98 : f32 to vector<1x64xf32>
    %div3A_100 = arith.divf %broadcast_in_dim3A_97, %div3A_99 : vector<1x64xf32>
    %mul3A_101 = arith.mulf %slice3A_94, %slice3A_94 : vector<10000x64xf32>
    %reduce_sum3A_102 = arith.constant dense<0.000000e+00> : vector<64xf32>
    %reduce_sum3A_103 = vector.multi_reduction <add>, %mul3A_101, %reduce_sum3A_102 [0] : vector<10000x64xf32> to vector<64xf32>
    %broadcast_in_dim3A_104 = vector.shape_cast %reduce_sum3A_103 : vector<64xf32> to vector<1x64xf32>
    %div3A_105 = arith.constant 1.000000e+04 : f32
    %div3A_106 = vector.broadcast %div3A_105 : f32 to vector<1x64xf32>
    %div3A_107 = arith.divf %broadcast_in_dim3A_104, %div3A_106 : vector<1x64xf32>
    %mul3A_108 = arith.mulf %div3A_100, %div3A_100 : vector<1x64xf32>
    %sub3A_109 = arith.subf %div3A_107, %mul3A_108 : vector<1x64xf32>
    %sub3A_110 = vector.broadcast %div3A_100 : vector<1x64xf32> to vector<10000x64xf32>
    %sub3A_111 = arith.subf %slice3A_94, %sub3A_110 : vector<10000x64xf32>
    %add3A_112 = arith.constant 9.99999974E-6 : f32
    %add3A_113 = vector.broadcast %add3A_112 : f32 to vector<1x64xf32>
    %add3A_114 = arith.addf %sub3A_109, %add3A_113 : vector<1x64xf32>
    %sqrt3A_115 = math.sqrt %add3A_114 : vector<1x64xf32>
    %div3A_116 = vector.broadcast %sqrt3A_115 : vector<1x64xf32> to vector<10000x64xf32>
    %div3A_117 = arith.divf %sub3A_111, %div3A_116 : vector<10000x64xf32>
    %get3A_118 = arith.constant 0 : index
    %get3A_119 = arith.constant 64 : index
    %get3A_120 = vector.load %arg5[%get3A_118, %get3A_119] : memref<1x128xf32, #tpu.memory_space<vmem>>, vector<1x64xf32>
    %get3A_121 = vector.shape_cast %get3A_120 : vector<1x64xf32> to vector<64xf32>
    %broadcast_in_dim3A_122 = vector.shape_cast %get3A_121 : vector<64xf32> to vector<1x64xf32>
    %mul3A_123 = vector.broadcast %broadcast_in_dim3A_122 : vector<1x64xf32> to vector<10000x64xf32>
    %mul3A_124 = arith.mulf %div3A_117, %mul3A_123 : vector<10000x64xf32>
    %get3A_125 = arith.constant 0 : index
    %get3A_126 = arith.constant 64 : index
    %get3A_127 = vector.load %arg6[%get3A_125, %get3A_126] : memref<1x128xf32, #tpu.memory_space<vmem>>, vector<1x64xf32>
    %get3A_128 = vector.shape_cast %get3A_127 : vector<1x64xf32> to vector<64xf32>
    %broadcast_in_dim3A_129 = vector.shape_cast %get3A_128 : vector<64xf32> to vector<1x64xf32>
    %add3A_130 = vector.broadcast %broadcast_in_dim3A_129 : vector<1x64xf32> to vector<10000x64xf32>
    %add3A_131 = arith.addf %mul3A_124, %add3A_130 : vector<10000x64xf32>
    %gt3A_132 = arith.constant 0.000000e+00 : f32
    %gt3A_133 = vector.broadcast %gt3A_132 : f32 to vector<10000x64xf32>
    %gt3A_134 = arith.cmpf ogt, %add3A_131, %gt3A_133 : vector<10000x64xf32>
    %min3A_135 = arith.constant 0.000000e+00 : f32
    %min3A_136 = vector.broadcast %min3A_135 : f32 to vector<10000x64xf32>
    %min3A_137 = arith.minimumf %add3A_131, %min3A_136 : vector<10000x64xf32>
    %exp3A_138 = math.exp %min3A_137 : vector<10000x64xf32>
    %sub3A_139 = arith.constant 1.000000e+00 : f32
    %sub3A_140 = vector.broadcast %sub3A_139 : f32 to vector<10000x64xf32>
    %sub3A_141 = arith.subf %exp3A_138, %sub3A_140 : vector<10000x64xf32>
    %select_n3A_142 = arith.select %gt3A_134, %add3A_131, %sub3A_141 : vector<10000x64xi1>, vector<10000x64xf32>
    %swap3A_143 = arith.constant 0 : index
    %swap3A_144 = arith.constant 0 : index
    %swap3A_145 = arith.constant 64 : index
    %swap3A_146 = vector.load %arg7[%swap3A_143, %swap3A_144, %swap3A_145] : memref<1x10240x128xf32, #tpu.memory_space<vmem>>, vector<1x10000x64xf32>
    %swap3A_147 = vector.shape_cast %swap3A_146 : vector<1x10000x64xf32> to vector<10000x64xf32>
    %swap3A_148 = vector.shape_cast %select_n3A_142 : vector<10000x64xf32> to vector<1x10000x64xf32>
    tpu.vector_store %arg7[%swap3A_143, %swap3A_144, %swap3A_145], %swap3A_148 {strides = array<i32>} : memref<1x10240x128xf32, #tpu.memory_space<vmem>>, vector<1x10000x64xf32>,
    %broadcast_in_dim3A_149 = arith.constant 0.000000e+00 : f32
    %broadcast_in_dim3A_150 = vector.broadcast %broadcast_in_dim3A_149 : f32 to vector<240x64xf32>
    %swap3A_151 = arith.constant 0 : index
    %swap3A_152 = arith.constant 10000 : index
    %swap3A_153 = arith.constant 64 : index
    %swap3A_154 = vector.load %arg7[%swap3A_151, %swap3A_152, %swap3A_153] : memref<1x10240x128xf32, #tpu.memory_space<vmem>>, vector<1x240x64xf32>
    %swap3A_155 = vector.shape_cast %swap3A_154 : vector<1x240x64xf32> to vector<240x64xf32>
    %swap3A_156 = vector.shape_cast %broadcast_in_dim3A_150 : vector<240x64xf32> to vector<1x240x64xf32>
    tpu.vector_store %arg7[%swap3A_151, %swap3A_152, %swap3A_153], %swap3A_156 {strides = array<i32>} : memref<1x10240x128xf32, #tpu.memory_space<vmem>>, vector<1x240x64xf32>,
    return
  }
  func.func @transform_0(%arg0: i32) -> (i32, i32, i32) {
    %c0_i32 = arith.constant 0 : i32
    %c0_i32_0 = arith.constant 0 : i32
    %c0_i32_1 = arith.constant 0 : i32
    return %arg0, %c0_i32, %c0_i32_0 : i32, i32, i32
  }
  func.func @transform_1(%arg0: i32) -> (i32, i32, i32) {
    %c0_i32 = arith.constant 0 : i32
    %c0_i32_0 = arith.constant 0 : i32
    %c0_i32_1 = arith.constant 0 : i32
    return %arg0, %c0_i32, %c0_i32_0 : i32, i32, i32
  }
  func.func @transform_2(%arg0: i32) -> (i32, i32) {
    %c0_i32 = arith.constant 0 : i32
    %c0_i32_0 = arith.constant 0 : i32
    %c0_i32_1 = arith.constant 0 : i32
    return %c0_i32, %c0_i32_0 : i32, i32
  }
  func.func @transform_3(%arg0: i32) -> (i32, i32) {
    %c0_i32 = arith.constant 0 : i32
    %c0_i32_0 = arith.constant 0 : i32
    %c0_i32_1 = arith.constant 0 : i32
    return %c0_i32, %c0_i32_0 : i32, i32
  }
  func.func @transform_4(%arg0: i32) -> (i32, i32) {
    %c0_i32 = arith.constant 0 : i32
    %c0_i32_0 = arith.constant 0 : i32
    %c0_i32_1 = arith.constant 0 : i32
    return %c0_i32, %c0_i32_0 : i32, i32
  }
  func.func @transform_5(%arg0: i32) -> (i32, i32) {
    %c0_i32 = arith.constant 0 : i32
    %c0_i32_0 = arith.constant 0 : i32
    %c0_i32_1 = arith.constant 0 : i32
    return %c0_i32, %c0_i32_0 : i32, i32
  }
  func.func @transform_6(%arg0: i32) -> (i32, i32, i32) {
    %c0_i32 = arith.constant 0 : i32
    %c0_i32_0 = arith.constant 0 : i32
    %c0_i32_1 = arith.constant 0 : i32
    return %arg0, %c0_i32, %c0_i32_0 : i32, i32, i32
  }
}

module attributes {stable_mosaic.version = 14 : i64} {
  func.func @_norm_body(%arg0: i32, %arg1: memref<1x10240x80xf32, #tpu.memory_space<vmem>>, %arg2: memref<1x10240x80xf32, #tpu.memory_space<vmem>>, %arg3: memref<4x64xf32, #tpu.memory_space<vmem>>, %arg4: memref<1x128xf32, #tpu.memory_space<vmem>>, %arg5: memref<1x10240x128xf32, #tpu.memory_space<vmem>>) attributes {dimension_semantics = [#tpu.dimension_semantics<arbitrary>], iteration_bounds = array<i64: 2>, scalar_prefetch = 0 : i64, scratch_operands = 0 : i64, tpu.core_type = #tpu.core_type<tc>, window_params = [{transform_indices = @transform_0, window_bounds = array<i64: 1, 10240, 80>}, {transform_indices = @transform_1, window_bounds = array<i64: 1, 10240, 80>}, {pipeline_mode = #tpu.pipeline_mode<synchronous>, transform_indices = @transform_2, window_bounds = array<i64: 4, 64>}, {pipeline_mode = #tpu.pipeline_mode<synchronous>, transform_indices = @transform_3, window_bounds = array<i64: 1, 128>}, {transform_indices = @transform_4, window_bounds = array<i64: 1, 10240, 128>}]} {
    %get3A = arith.constant 0 : index
    %get3A_0 = arith.constant 0 : index
    %get3A_1 = arith.constant 0 : index
    %get3A_2 = vector.load %arg1[%get3A, %get3A_0, %get3A_1] : memref<1x10240x80xf32, #tpu.memory_space<vmem>>, vector<1x10240x80xf32>
    %get3A_3 = vector.shape_cast %get3A_2 : vector<1x10240x80xf32> to vector<10240x80xf32>
    %slice3A = vector.extract_strided_slice %get3A_3 {offsets = [0, 0], sizes = [10240, 64], strides = [1, 1]} : vector<10240x80xf32> to vector<10240x64xf32>
    %slice3A_4 = vector.extract_strided_slice %get3A_3 {offsets = [0, 64], sizes = [10240, 4], strides = [1, 1]} : vector<10240x80xf32> to vector<10240x4xf32>
    %get3A_5 = arith.constant 0 : index
    %get3A_6 = arith.constant 0 : index
    %get3A_7 = vector.load %arg3[%get3A_5, %get3A_6] : memref<4x64xf32, #tpu.memory_space<vmem>>, vector<4x64xf32>
    %dot_general3A = arith.constant dense<0.000000e+00> : vector<10240x64xf32>
    %dot_general3A_8 = tpu.matmul %slice3A_4, %get3A_7, %dot_general3A {dimension_numbers = #tpu.dot_dimension_numbers<[1], [0], [0], [1], [0, 0, 1, 1], [], []>, transpose_lhs_hint = false} : vector<10240x4xf32>, vector<4x64xf32>, vector<10240x64xf32> -> vector<10240x64xf32>
    %add3A = arith.constant 1.000000e-16 : f32
    %add3A_9 = vector.broadcast %add3A : f32 to vector<10240x64xf32>
    %add3A_10 = arith.addf %dot_general3A_8, %add3A_9 : vector<10240x64xf32>
    %div3A = arith.divf %slice3A, %add3A_10 : vector<10240x64xf32>
    %get3A_11 = arith.constant 0 : index
    %get3A_12 = arith.constant 0 : index
    %get3A_13 = vector.load %arg4[%get3A_11, %get3A_12] : memref<1x128xf32, #tpu.memory_space<vmem>>, vector<1x64xf32>
    %get3A_14 = vector.shape_cast %get3A_13 : vector<1x64xf32> to vector<64xf32>
    %broadcast_in_dim3A = vector.shape_cast %get3A_14 : vector<64xf32> to vector<1x64xf32>
    %add3A_15 = vector.broadcast %broadcast_in_dim3A : vector<1x64xf32> to vector<10240x64xf32>
    %add3A_16 = arith.addf %div3A, %add3A_15 : vector<10240x64xf32>
    %slice3A_17 = vector.extract_strided_slice %add3A_16 {offsets = [0, 0], sizes = [10000, 64], strides = [1, 1]} : vector<10240x64xf32> to vector<10000x64xf32>
    %swap3A = arith.constant 0 : index
    %swap3A_18 = arith.constant 0 : index
    %swap3A_19 = arith.constant 0 : index
    %swap3A_20 = vector.load %arg5[%swap3A, %swap3A_18, %swap3A_19] : memref<1x10240x128xf32, #tpu.memory_space<vmem>>, vector<1x10000x64xf32>
    %swap3A_21 = vector.shape_cast %swap3A_20 : vector<1x10000x64xf32> to vector<10000x64xf32>
    %swap3A_22 = vector.shape_cast %slice3A_17 : vector<10000x64xf32> to vector<1x10000x64xf32>
    tpu.vector_store %arg5[%swap3A, %swap3A_18, %swap3A_19], %swap3A_22 {strides = array<i32>} : memref<1x10240x128xf32, #tpu.memory_space<vmem>>, vector<1x10000x64xf32>,
    %broadcast_in_dim3A_23 = arith.constant 0.000000e+00 : f32
    %broadcast_in_dim3A_24 = vector.broadcast %broadcast_in_dim3A_23 : f32 to vector<240x64xf32>
    %swap3A_25 = arith.constant 0 : index
    %swap3A_26 = arith.constant 10000 : index
    %swap3A_27 = arith.constant 0 : index
    %swap3A_28 = vector.load %arg5[%swap3A_25, %swap3A_26, %swap3A_27] : memref<1x10240x128xf32, #tpu.memory_space<vmem>>, vector<1x240x64xf32>
    %swap3A_29 = vector.shape_cast %swap3A_28 : vector<1x240x64xf32> to vector<240x64xf32>
    %swap3A_30 = vector.shape_cast %broadcast_in_dim3A_24 : vector<240x64xf32> to vector<1x240x64xf32>
    tpu.vector_store %arg5[%swap3A_25, %swap3A_26, %swap3A_27], %swap3A_30 {strides = array<i32>} : memref<1x10240x128xf32, #tpu.memory_space<vmem>>, vector<1x240x64xf32>,
    %get3A_31 = arith.constant 0 : index
    %get3A_32 = arith.constant 0 : index
    %get3A_33 = arith.constant 0 : index
    %get3A_34 = vector.load %arg2[%get3A_31, %get3A_32, %get3A_33] : memref<1x10240x80xf32, #tpu.memory_space<vmem>>, vector<1x10240x80xf32>
    %get3A_35 = vector.shape_cast %get3A_34 : vector<1x10240x80xf32> to vector<10240x80xf32>
    %slice3A_36 = vector.extract_strided_slice %get3A_35 {offsets = [0, 0], sizes = [10240, 64], strides = [1, 1]} : vector<10240x80xf32> to vector<10240x64xf32>
    %slice3A_37 = vector.extract_strided_slice %get3A_35 {offsets = [0, 64], sizes = [10240, 4], strides = [1, 1]} : vector<10240x80xf32> to vector<10240x4xf32>
    %get3A_38 = arith.constant 0 : index
    %get3A_39 = arith.constant 0 : index
    %get3A_40 = vector.load %arg3[%get3A_38, %get3A_39] : memref<4x64xf32, #tpu.memory_space<vmem>>, vector<4x64xf32>
    %dot_general3A_41 = arith.constant dense<0.000000e+00> : vector<10240x64xf32>
    %dot_general3A_42 = tpu.matmul %slice3A_37, %get3A_40, %dot_general3A_41 {dimension_numbers = #tpu.dot_dimension_numbers<[1], [0], [0], [1], [0, 0, 1, 1], [], []>, transpose_lhs_hint = false} : vector<10240x4xf32>, vector<4x64xf32>, vector<10240x64xf32> -> vector<10240x64xf32>
    %add3A_43 = arith.constant 1.000000e-16 : f32
    %add3A_44 = vector.broadcast %add3A_43 : f32 to vector<10240x64xf32>
    %add3A_45 = arith.addf %dot_general3A_42, %add3A_44 : vector<10240x64xf32>
    %div3A_46 = arith.divf %slice3A_36, %add3A_45 : vector<10240x64xf32>
    %get3A_47 = arith.constant 0 : index
    %get3A_48 = arith.constant 64 : index
    %get3A_49 = vector.load %arg4[%get3A_47, %get3A_48] : memref<1x128xf32, #tpu.memory_space<vmem>>, vector<1x64xf32>
    %get3A_50 = vector.shape_cast %get3A_49 : vector<1x64xf32> to vector<64xf32>
    %broadcast_in_dim3A_51 = vector.shape_cast %get3A_50 : vector<64xf32> to vector<1x64xf32>
    %add3A_52 = vector.broadcast %broadcast_in_dim3A_51 : vector<1x64xf32> to vector<10240x64xf32>
    %add3A_53 = arith.addf %div3A_46, %add3A_52 : vector<10240x64xf32>
    %slice3A_54 = vector.extract_strided_slice %add3A_53 {offsets = [0, 0], sizes = [10000, 64], strides = [1, 1]} : vector<10240x64xf32> to vector<10000x64xf32>
    %swap3A_55 = arith.constant 0 : index
    %swap3A_56 = arith.constant 0 : index
    %swap3A_57 = arith.constant 64 : index
    %swap3A_58 = vector.load %arg5[%swap3A_55, %swap3A_56, %swap3A_57] : memref<1x10240x128xf32, #tpu.memory_space<vmem>>, vector<1x10000x64xf32>
    %swap3A_59 = vector.shape_cast %swap3A_58 : vector<1x10000x64xf32> to vector<10000x64xf32>
    %swap3A_60 = vector.shape_cast %slice3A_54 : vector<10000x64xf32> to vector<1x10000x64xf32>
    tpu.vector_store %arg5[%swap3A_55, %swap3A_56, %swap3A_57], %swap3A_60 {strides = array<i32>} : memref<1x10240x128xf32, #tpu.memory_space<vmem>>, vector<1x10000x64xf32>,
    %broadcast_in_dim3A_61 = arith.constant 0.000000e+00 : f32
    %broadcast_in_dim3A_62 = vector.broadcast %broadcast_in_dim3A_61 : f32 to vector<240x64xf32>
    %swap3A_63 = arith.constant 0 : index
    %swap3A_64 = arith.constant 10000 : index
    %swap3A_65 = arith.constant 64 : index
    %swap3A_66 = vector.load %arg5[%swap3A_63, %swap3A_64, %swap3A_65] : memref<1x10240x128xf32, #tpu.memory_space<vmem>>, vector<1x240x64xf32>
    %swap3A_67 = vector.shape_cast %swap3A_66 : vector<1x240x64xf32> to vector<240x64xf32>
    %swap3A_68 = vector.shape_cast %broadcast_in_dim3A_62 : vector<240x64xf32> to vector<1x240x64xf32>
    tpu.vector_store %arg5[%swap3A_63, %swap3A_64, %swap3A_65], %swap3A_68 {strides = array<i32>} : memref<1x10240x128xf32, #tpu.memory_space<vmem>>, vector<1x240x64xf32>,
    return
  }
  func.func @transform_0(%arg0: i32) -> (i32, i32, i32) {
    %c0_i32 = arith.constant 0 : i32
    %c0_i32_0 = arith.constant 0 : i32
    %c0_i32_1 = arith.constant 0 : i32
    return %arg0, %c0_i32, %c0_i32_0 : i32, i32, i32
  }
  func.func @transform_1(%arg0: i32) -> (i32, i32, i32) {
    %c0_i32 = arith.constant 0 : i32
    %c0_i32_0 = arith.constant 0 : i32
    %c0_i32_1 = arith.constant 0 : i32
    return %arg0, %c0_i32, %c0_i32_0 : i32, i32, i32
  }
  func.func @transform_2(%arg0: i32) -> (i32, i32) {
    %c0_i32 = arith.constant 0 : i32
    %c0_i32_0 = arith.constant 0 : i32
    %c0_i32_1 = arith.constant 0 : i32
    return %c0_i32, %c0_i32_0 : i32, i32
  }
  func.func @transform_3(%arg0: i32) -> (i32, i32) {
    %c0_i32 = arith.constant 0 : i32
    %c0_i32_0 = arith.constant 0 : i32
    %c0_i32_1 = arith.constant 0 : i32
    return %c0_i32, %c0_i32_0 : i32, i32
  }
  func.func @transform_4(%arg0: i32) -> (i32, i32, i32) {
    %c0_i32 = arith.constant 0 : i32
    %c0_i32_0 = arith.constant 0 : i32
    %c0_i32_1 = arith.constant 0 : i32
    return %arg0, %c0_i32, %c0_i32_0 : i32, i32, i32
  }
}

module attributes {stable_mosaic.version = 14 : i64} {
  func.func @_pair_body(%arg0: i32, %arg1: memref<1024x128xf32, #tpu.memory_space<vmem>>, %arg2: memref<1024x128xf32, #tpu.memory_space<vmem>>, %arg3: memref<128x128xf32, #tpu.memory_space<vmem>>, %arg4: memref<128x128xf32, #tpu.memory_space<vmem>>, %arg5: memref<1x128xf32, #tpu.memory_space<vmem>>, %arg6: memref<128x128xf32, #tpu.memory_space<vmem>>, %arg7: memref<1x128xf32, #tpu.memory_space<vmem>>, %arg8: memref<128x1xf32, #tpu.memory_space<vmem>>, %arg9: memref<1x1xf32, #tpu.memory_space<vmem>>, %arg10: memref<1024x1xf32, #tpu.memory_space<vmem>>) attributes {dimension_semantics = [#tpu.dimension_semantics<arbitrary>], iteration_bounds = array<i64: 100>, scalar_prefetch = 0 : i64, scratch_operands = 0 : i64, tpu.core_type = #tpu.core_type<tc>, window_params = [{transform_indices = @transform_0, window_bounds = array<i64: 1024, 128>}, {transform_indices = @transform_1, window_bounds = array<i64: 1024, 128>}, {pipeline_mode = #tpu.pipeline_mode<synchronous>, transform_indices = @transform_2, window_bounds = array<i64: 128, 128>}, {pipeline_mode = #tpu.pipeline_mode<synchronous>, transform_indices = @transform_3, window_bounds = array<i64: 128, 128>}, {pipeline_mode = #tpu.pipeline_mode<synchronous>, transform_indices = @transform_4, window_bounds = array<i64: 1, 128>}, {pipeline_mode = #tpu.pipeline_mode<synchronous>, transform_indices = @transform_5, window_bounds = array<i64: 128, 128>}, {pipeline_mode = #tpu.pipeline_mode<synchronous>, transform_indices = @transform_6, window_bounds = array<i64: 1, 128>}, {pipeline_mode = #tpu.pipeline_mode<synchronous>, transform_indices = @transform_7, window_bounds = array<i64: 128, 1>}, {pipeline_mode = #tpu.pipeline_mode<synchronous>, transform_indices = @transform_8, window_bounds = array<i64: 1, 1>}, {transform_indices = @transform_9, window_bounds = array<i64: 1024, 1>}]} {
    %get3A = arith.constant 0 : index
    %get3A_0 = arith.constant 0 : index
    %get3A_1 = vector.load %arg1[%get3A, %get3A_0] : memref<1024x128xf32, #tpu.memory_space<vmem>>, vector<1024x128xf32>
    %get3A_2 = arith.constant 0 : index
    %get3A_3 = arith.constant 0 : index
    %get3A_4 = vector.load %arg3[%get3A_2, %get3A_3] : memref<128x128xf32, #tpu.memory_space<vmem>>, vector<128x128xf32>
    %dot_general3A = arith.constant dense<0.000000e+00> : vector<1024x128xf32>
    %dot_general3A_5 = tpu.matmul %get3A_1, %get3A_4, %dot_general3A {dimension_numbers = #tpu.dot_dimension_numbers<[1], [0], [0], [1], [0, 0, 1, 1], [], []>, transpose_lhs_hint = false} : vector<1024x128xf32>, vector<128x128xf32>, vector<1024x128xf32> -> vector<1024x128xf32>
    %get3A_6 = arith.constant 0 : index
    %get3A_7 = arith.constant 0 : index
    %get3A_8 = vector.load %arg2[%get3A_6, %get3A_7] : memref<1024x128xf32, #tpu.memory_space<vmem>>, vector<1024x128xf32>
    %get3A_9 = arith.constant 0 : index
    %get3A_10 = arith.constant 0 : index
    %get3A_11 = vector.load %arg4[%get3A_9, %get3A_10] : memref<128x128xf32, #tpu.memory_space<vmem>>, vector<128x128xf32>
    %dot_general3A_12 = arith.constant dense<0.000000e+00> : vector<1024x128xf32>
    %dot_general3A_13 = tpu.matmul %get3A_8, %get3A_11, %dot_general3A_12 {dimension_numbers = #tpu.dot_dimension_numbers<[1], [0], [0], [1], [0, 0, 1, 1], [], []>, transpose_lhs_hint = false} : vector<1024x128xf32>, vector<128x128xf32>, vector<1024x128xf32> -> vector<1024x128xf32>
    %add3A = arith.addf %dot_general3A_5, %dot_general3A_13 : vector<1024x128xf32>
    %get3A_14 = arith.constant 0 : index
    %get3A_15 = arith.constant 0 : index
    %get3A_16 = vector.load %arg5[%get3A_14, %get3A_15] : memref<1x128xf32, #tpu.memory_space<vmem>>, vector<1x128xf32>
    %add3A_17 = vector.broadcast %get3A_16 : vector<1x128xf32> to vector<1024x128xf32>
    %add3A_18 = arith.addf %add3A, %add3A_17 : vector<1024x128xf32>
    %max3A = arith.constant 0.000000e+00 : f32
    %max3A_19 = vector.broadcast %max3A : f32 to vector<1024x128xf32>
    %max3A_20 = arith.maximumf %add3A_18, %max3A_19 : vector<1024x128xf32>
    %get3A_21 = arith.constant 0 : index
    %get3A_22 = arith.constant 0 : index
    %get3A_23 = vector.load %arg6[%get3A_21, %get3A_22] : memref<128x128xf32, #tpu.memory_space<vmem>>, vector<128x128xf32>
    %dot_general3A_24 = arith.constant dense<0.000000e+00> : vector<1024x128xf32>
    %dot_general3A_25 = tpu.matmul %max3A_20, %get3A_23, %dot_general3A_24 {dimension_numbers = #tpu.dot_dimension_numbers<[1], [0], [0], [1], [0, 0, 1, 1], [], []>, transpose_lhs_hint = false} : vector<1024x128xf32>, vector<128x128xf32>, vector<1024x128xf32> -> vector<1024x128xf32>
    %get3A_26 = arith.constant 0 : index
    %get3A_27 = arith.constant 0 : index
    %get3A_28 = vector.load %arg7[%get3A_26, %get3A_27] : memref<1x128xf32, #tpu.memory_space<vmem>>, vector<1x128xf32>
    %add3A_29 = vector.broadcast %get3A_28 : vector<1x128xf32> to vector<1024x128xf32>
    %add3A_30 = arith.addf %dot_general3A_25, %add3A_29 : vector<1024x128xf32>
    %max3A_31 = arith.constant 0.000000e+00 : f32
    %max3A_32 = vector.broadcast %max3A_31 : f32 to vector<1024x128xf32>
    %max3A_33 = arith.maximumf %add3A_30, %max3A_32 : vector<1024x128xf32>
    %get3A_34 = arith.constant 0 : index
    %get3A_35 = arith.constant 0 : index
    %get3A_36 = vector.load %arg8[%get3A_34, %get3A_35] : memref<128x1xf32, #tpu.memory_space<vmem>>, vector<128x1xf32>
    %dot_general3A_37 = arith.constant dense<0.000000e+00> : vector<1024x1xf32>
    %dot_general3A_38 = tpu.matmul %max3A_33, %get3A_36, %dot_general3A_37 {dimension_numbers = #tpu.dot_dimension_numbers<[1], [0], [0], [1], [0, 0, 1, 1], [], []>, transpose_lhs_hint = false} : vector<1024x128xf32>, vector<128x1xf32>, vector<1024x1xf32> -> vector<1024x1xf32>
    %get3A_39 = arith.constant 0 : index
    %get3A_40 = arith.constant 0 : index
    %get3A_41 = vector.load %arg9[%get3A_39, %get3A_40] : memref<1x1xf32, #tpu.memory_space<vmem>>, vector<1x1xf32>
    %add3A_42 = vector.broadcast %get3A_41 : vector<1x1xf32> to vector<1024x1xf32>
    %add3A_43 = arith.addf %dot_general3A_38, %add3A_42 : vector<1024x1xf32>
    %swap3A = arith.constant 0 : index
    %swap3A_44 = arith.constant 0 : index
    %swap3A_45 = vector.load %arg10[%swap3A, %swap3A_44] : memref<1024x1xf32, #tpu.memory_space<vmem>>, vector<1024x1xf32>
    tpu.vector_store %arg10[%swap3A, %swap3A_44], %add3A_43 {strides = array<i32>} : memref<1024x1xf32, #tpu.memory_space<vmem>>, vector<1024x1xf32>,
    return
  }
  func.func @transform_0(%arg0: i32) -> (i32, i32) {
    %c0_i32 = arith.constant 0 : i32
    %c0_i32_0 = arith.constant 0 : i32
    return %arg0, %c0_i32 : i32, i32
  }
  func.func @transform_1(%arg0: i32) -> (i32, i32) {
    %c0_i32 = arith.constant 0 : i32
    %c0_i32_0 = arith.constant 0 : i32
    return %arg0, %c0_i32 : i32, i32
  }
  func.func @transform_2(%arg0: i32) -> (i32, i32) {
    %c0_i32 = arith.constant 0 : i32
    %c0_i32_0 = arith.constant 0 : i32
    %c0_i32_1 = arith.constant 0 : i32
    return %c0_i32, %c0_i32_0 : i32, i32
  }
  func.func @transform_3(%arg0: i32) -> (i32, i32) {
    %c0_i32 = arith.constant 0 : i32
    %c0_i32_0 = arith.constant 0 : i32
    %c0_i32_1 = arith.constant 0 : i32
    return %c0_i32, %c0_i32_0 : i32, i32
  }
  func.func @transform_4(%arg0: i32) -> (i32, i32) {
    %c0_i32 = arith.constant 0 : i32
    %c0_i32_0 = arith.constant 0 : i32
    %c0_i32_1 = arith.constant 0 : i32
    return %c0_i32, %c0_i32_0 : i32, i32
  }
  func.func @transform_5(%arg0: i32) -> (i32, i32) {
    %c0_i32 = arith.constant 0 : i32
    %c0_i32_0 = arith.constant 0 : i32
    %c0_i32_1 = arith.constant 0 : i32
    return %c0_i32, %c0_i32_0 : i32, i32
  }
  func.func @transform_6(%arg0: i32) -> (i32, i32) {
    %c0_i32 = arith.constant 0 : i32
    %c0_i32_0 = arith.constant 0 : i32
    %c0_i32_1 = arith.constant 0 : i32
    return %c0_i32, %c0_i32_0 : i32, i32
  }
  func.func @transform_7(%arg0: i32) -> (i32, i32) {
    %c0_i32 = arith.constant 0 : i32
    %c0_i32_0 = arith.constant 0 : i32
    %c0_i32_1 = arith.constant 0 : i32
    return %c0_i32, %c0_i32_0 : i32, i32
  }
  func.func @transform_8(%arg0: i32) -> (i32, i32) {
    %c0_i32 = arith.constant 0 : i32
    %c0_i32_0 = arith.constant 0 : i32
    %c0_i32_1 = arith.constant 0 : i32
    return %c0_i32, %c0_i32_0 : i32, i32
  }
  func.func @transform_9(%arg0: i32) -> (i32, i32) {
    %c0_i32 = arith.constant 0 : i32
    %c0_i32_0 = arith.constant 0 : i32
    return %arg0, %c0_i32 : i32, i32
  }
}

</mosaic_0001>

<sc_bundles>
// kernel: kernel.13.cloned.1.call-start
scs
__scs_entry_jumppad:
0x0: {  	(pc) =	sbr.rel $0x88, $3  }
0x1: {  	(tag) =	ssettag $0x0;
	lr =	simm.s32 $0x1  }
0x2: {  	[smem:$0x3F84] =	sst lr;
	_ =	strace $0xD0000000  }
0x3: {  	_ = 	snop  }
0x4: {  	_ = 	snop  }
0x5: {  	_ = 	snop  }
0x6: {  	_ = 	snop  }
0x7: {  	_ = 	snop  }
__scs_overlays_trampoline_lowered:
0x8: {  	[smem:$0x3F93] =	sst s0  }
0x9: {  	[smem:$0x3F94] =	sst s1  }
0xa: {  	[smem:$0x3F95] =	sst s2  }
0xb: {  	[smem:$0x3F96] =	sst s3  }
0xc: {  	[smem:$0x3F97] =	sst s4  }
0xd: {  	[smem:$0x3F98] =	sst s5  }
0xe: {  	[smem:$0x3F99] =	sst s6  }
0xf: {  	[smem:$0x3F9A] =	sst s7  }
0x10: {  	[smem:$0x3F9B] =	sst s8  }
0x11: {  	[smem:$0x3F9C] =	sst s9;
	s0 =	simm.s32 @!p0 $0x0  }
0x12: {  	s1 =	sld [smem:$0x3F82];
	s0 =	simm.s32 @p0 $0x1  }
0x13: {  	[smem:$0x3F9D] =	sst s0;
	s0 =	simm.s32 @!p1 $0x0  }
0x14: {  	s2 =	sld [smem:$0x3F81];
	s0 =	simm.s32 @p1 $0x1  }
0x15: {  	[smem:$0x3F9E] =	sst s0;
	s0 =	simm.s32 @!p2 $0x0  }
0x16: {  	s3 =	sld [smem:$0x3FDB];
	s0 =	simm.s32 @p2 $0x1  }
0x17: {  	s4 =	simm.s32 $0x1BF5;
	[smem:$0x3FA0] =	sst s0  }
0x18: {  	s0 =	sld [smem:$0x3F83];
	_ =	swait.ge [sflag:s4], $0x0  }
0x19: {  	s7 =	sld [smem:$0x3F84]  }
0x1a: {  	s8 =	sadd.s32 $0xFFFFE003, lr  }
0x1b: {  	s9 =	sadd.s32 $0xFFFFFEF7, lr;
	s5 =	simm.s32 $0xFFFFFFFF;
	p2 =	slt.u32 s8, $0xFFFFF086  }
0x1c: {  	p1 =	slt.u32 s9, $0xF7A;
	s5 =	simm.s32 @!p2 $0x0  }
0x1d: {  	s5 =	simm.s32 @p1 $0x1;
	p0 =	seq.s32 s7, s2  }
0x1e: {  	s7 =	smul.u32 @!p0 $0xF7A, s2;
	p2 =	seq.s32 @!p0 s5, $0x0  }
0x1f: {  	s9 =	smul.u32 $0xF7A, s1;
	s8 =	simm.s32 @!p0 $0x1BF5;
	p2 =	por !p2, p0  }
0x20: {  	[sflag:s8] =	ssyncset.s32 @!p0 $0xFFFFF086;
	s6 =	sadd.s32 @!p0 s3, s7;
	s7 =	simm.s32 @!p0 $0x108  }
0x21: {  	s3 =	sadd.s32 s3, s9;
	s6 =	sadd.s32 @!p0 $0x88, s6;
	s7 =	simm.s32 @p2 $0x1082  }
0x22: {  	[simem:s7], [sflag:s8] =	dma.local @!p0 [hbm:s6], $0xF7A  }
0x23: {  	s9 =	sor.u32 $0xD0000000, s2;
	s6 =	simm.s32 $0x108;
	_ =	swait.ge @!p0 [sflag:s8], $0x0  }
0x24: {  	s3 =	sadd.s32 $0x88, s3;
	s6 =	simm.s32 @!p1 $0x1082;
	[sflag:s4] =	ssyncset.s32 $0xFFFFF086  }
0x25: {  	[simem:s6], [sflag:s4] =	dma.local [hbm:s3], $0xF7A  }
0x26: {  	[smem:$0x3F84] =	sst s1;
	(tag) =	ssettag s2;
	_ =	strace s9  }
0x27: {  	s1 =	sld [smem:$0x3F94]  }
0x28: {  	s2 =	sld [smem:$0x3F95]  }
0x29: {  	s4 =	sld [smem:$0x3F97]  }
0x2a: {  	p0 =	seq.s32 s5, $0x0;
	s5 =	sld [smem:$0x3F98]  }
0x2b: {  	s6 =	sld [smem:$0x3F99]  }
0x2c: {  	s7 =	sld [smem:$0x3F9A]  }
0x2d: {  	s3 =	simm.s32 $0x108;
	s8 =	sld [smem:$0x3F9B]  }
0x2e: {  	s3 =	simm.s32 @!p0 $0x1082;
	s9 =	sld [smem:$0x3F9C]  }
0x2f: {  	lr =	sadd.s32 s0, s3;
	s0 =	sld [smem:$0x3F93]  }
0x30: {  	s3 =	sld [smem:$0x3F96]  }
0x31: {  	[smem:$0x3F9F] =	sst s10  }
0x32: {  	s10 =	sld [smem:$0x3F9D];
	_ =	sdelay $0x3  }
0x33: {  	p0 =	seq.s32 s10, $0x1;
	s10 =	sld [smem:$0x3F9F];
	_ =	sdelay $0x3  }
0x34: {  	[smem:$0x3F9F] =	sst s10  }
0x35: {  	s10 =	sld [smem:$0x3F9E];
	_ =	sdelay $0x3  }
0x36: {  	p1 =	seq.s32 s10, $0x1;
	s10 =	sld [smem:$0x3F9F];
	_ =	sdelay $0x3  }
0x37: {  	[smem:$0x3F9F] =	sst s10  }
0x38: {  	s10 =	sld [smem:$0x3FA0]  }
0x39: {  	_ = 	snop;
	(pc) =	sbr.ind lr, $3  }
0x3a: {  	_ = 	snop  }
0x3b: {  	_ = 	snop  }
0x3c: {  	p2 =	seq.s32 s10, $0x1;
	s10 =	sld [smem:$0x3F9F]  }
0x3d: {  	_ =	shalt  }
0x3e: {  	_ =	shalt  }
0x3f: {  	_ =	shalt  }
0x40: {  	_ =	shalt  }
0x41: {  	_ =	shalt  }
0x42: {  	_ =	shalt  }
0x43: {  	_ =	shalt  }
0x44: {  	_ =	shalt  }
0x45: {  	_ =	shalt  }
0x46: {  	_ =	shalt  }
0x47: {  	_ =	shalt  }
0x48: {  	_ =	shalt  }
0x49: {  	_ =	shalt  }
0x4a: {  	_ =	shalt  }
0x4b: {  	_ =	shalt  }
0x4c: {  	_ =	shalt  }
0x4d: {  	_ =	shalt  }
0x4e: {  	_ =	shalt  }
0x4f: {  	_ =	shalt  }
0x50: {  	_ =	shalt  }
0x51: {  	_ =	shalt  }
0x52: {  	_ =	shalt  }
0x53: {  	_ =	shalt  }
0x54: {  	_ =	shalt  }
0x55: {  	_ =	shalt  }
0x56: {  	_ =	shalt  }
0x57: {  	_ =	shalt  }
0x58: {  	_ =	shalt  }
0x59: {  	_ =	shalt  }
0x5a: {  	_ =	shalt  }
0x5b: {  	_ =	shalt  }
0x5c: {  	_ =	shalt  }
0x5d: {  	_ =	shalt  }
0x5e: {  	_ =	shalt  }
0x5f: {  	_ =	shalt  }
0x60: {  	_ =	shalt  }
0x61: {  	_ =	shalt  }
0x62: {  	_ =	shalt  }
0x63: {  	_ =	shalt  }
0x64: {  	_ =	shalt  }
0x65: {  	_ =	shalt  }
0x66: {  	_ =	shalt  }
0x67: {  	_ =	shalt  }
0x68: {  	_ =	shalt  }
0x69: {  	_ =	shalt  }
0x6a: {  	_ =	shalt  }
0x6b: {  	_ =	shalt  }
0x6c: {  	_ =	shalt  }
0x6d: {  	_ =	shalt  }
0x6e: {  	_ =	shalt  }
0x6f: {  	_ =	shalt  }
0x70: {  	_ =	shalt  }
0x71: {  	_ =	shalt  }
0x72: {  	_ =	shalt  }
0x73: {  	_ =	shalt  }
0x74: {  	_ =	shalt  }
0x75: {  	_ =	shalt  }
0x76: {  	_ =	shalt  }
0x77: {  	_ =	shalt  }
0x78: {  	_ =	shalt  }
0x79: {  	_ =	shalt  }
0x7a: {  	_ =	shalt  }
0x7b: {  	_ =	shalt  }
0x7c: {  	_ =	shalt  }
0x7d: {  	_ =	shalt  }
0x7e: {  	_ =	shalt  }
0x7f: {  	_ =	shalt  }
0x80: {  	_ =	shalt  }
0x81: {  	_ =	shalt  }
0x82: {  	_ =	shalt  }
0x83: {  	_ =	shalt  }
0x84: {  	_ =	shalt  }
0x85: {  	_ =	shalt  }
0x86: {  	_ =	shalt  }
0x87: {  	_ =	shalt  }
.Lfunc_end0:
.L_simem_size_0:
called_computation_lowered:
.L_overlay_start_0:
0x88: {  	s2 =	sld [smem:$0x3FD9]  }
0x89: {  	s3 =	sld [smem:$0x3FFE];
	_ =	sdelay $0x1  }
0x8a: {  	s1 =	srdreg.scid  }
0x8b: {  	s0 =	sand.u32 $0x1, s1  }
0x8c: {  	s17 =	sshll.u32 s0, $0xA;
	s2 =	sadd.s32 s3, s2  }
0x8d: {  	s2 =	sadd.s32 s2, s17  }
0x8e: {  	[smem:$0x3FAB] =	sst s2  }
0x8f: {  	_ = 	snop  }
0x90: {  	s18 =	sld [smem:$0x3FD0];
	(tm) =	ssettm $0x1  }
0x91: {  	s19 =	sld [smem:$0x3FFB];
	_ =	sdelay $0x3  }
0x92: {  	_ =	strace s19  }
0x93: {  	s2 =	sld [smem:$0x3FFC];
	_ =	sdelay $0x3  }
0x94: {  	_ =	strace s2  }
0x95: {  	s2 =	sld [smem:$0x3FFD];
	_ =	sdelay $0x3  }
0x96: {  	_ =	strace s2  }
0x97: {  	_ =	strace $0x8FFFFFFF  }
0x98: {  	s20 =	sld [smem:$0x3FDB];
	_ =	sdelay $0x1  }
0x99: {  	s4 =	simm.s32 $_scs_section_size  }
0x9a: {  	s5 =	simm.s32 $_size__tile_overlayer_lowered;
	s6 =	simm.s32 $_tile_overlayer_lowered  }
0x9b: {  	s7 =	simm.s32 $0x1BFF;
	s21 =	sshll.u32 s6, $0x1;
	s4 =	sadd.s32 s4, s20  }
0x9c: {  	s22 =	simm.s32 $0x0;
	s5 =	sshll.u32 s5, $0x1;
	s6 =	sadd.s32 s21, s4  }
0x9d: {  	[timem:s22], [sflag:s7] =	dma.local [hbm:s6], s5  }
0x9e: {  	_ =	swait.ge [sflag:s7], s5  }
0x9f: {  	s5 =	ssub.s32 $0x0, s5;
	[sflag:s7] =	ssyncset.done $0x0  }
0xa0: {  	[sflag:s7] =	ssyncadd.s32 s5;
	_ =	sdelay $0x1  }
0xa1: {  	s23 =	simm.s32 $0x1B8B  }
0xa2: {  	_ =	swait.ge [sflag:s23], $0x1  }
0xa3: {  	[sflag:s23] =	ssyncset.done $0x0  }
0xa4: {  	[sflag:s23] =	ssyncadd.s32 $0xFFFFFFFF  }
0xa5: {  	s5 =	sld [smem:$0x0]  }
0xa6: {  	s6 =	sand.u32 $0xFFFFFFFE, s1  }
0xa7: {  	p0 =	sne.s32 s1, s6  }
0xa8: {  	s6 =	sshll.u32 @p0 s6, $0xE  }
0xa9: {  	s6 =	sadd.s32 @p0 $0x11B8D, s6;
	s7 =	sshll.u32 @p0 s5, $0x11  }
0xaa: {  	s6 =	sor.u32 @p0 s7, s6  }
0xab: {  	[sflag:s6] =	ssyncadd.remote.s32 @p0 $0x1;
	_ =	sdelay $0x1  }
0xac: {  	s6 =	simm.s32 @p0 $0x1B8D  }
0xad: {  	_ =	swait.eq @p0 [sflag:s6], $0x1  }
0xae: {  	[sflag:s6] =	ssyncadd.s32 @p0 $0xFFFFFFFF  }
0xaf: {  	s7 =	sshll.u32 @!p0 s1, $0xE  }
0xb0: {  	s7 =	sor.u32 @!p0 $0x4000, s7;
	s6 =	simm.s32 @!p0 $0x1B8D  }
0xb1: {  	s5 =	sshll.u32 @!p0 s5, $0x11;
	s7 =	sadd.s32 @!p0 $0x11B8D, s7;
	_ =	swait.eq @!p0 [sflag:s6], $0x1  }
0xb2: {  	s5 =	sor.u32 @!p0 s5, s7;
	[sflag:s6] =	ssyncadd.s32 @!p0 $0xFFFFFFFF  }
0xb3: {  	s25 =	simm.s32 $0x1B8E;
	s24 =	sld [smem:$0x3FFE];
	[sflag:s5] =	ssyncadd.remote.s32 @!p0 $0x1  }
0xb4: {  	s26 =	simm.s32 $execute0_lowered;
	[smem:$0x3FD2] =	sst s25  }
0xb5: {  	s6 =	sshll.u32 s26, $0x1;
	_ =	strace $0x80000049;
	[dreg:$0x1] =	wrdreg $0xFFFFFFFF  }
0xb6: {  	s28 =	simm.s32 $_size_execute0_lowered;
	s4 =	sadd.s32 s4, s6;
	[dreg:$0x0] =	wrdreg $0x0  }
0xb7: {  	s6 =	sshll.u32 s28, $0x1;
	[dreg:$0x2] =	wrdreg s4  }
0xb8: {  	[dreg:$0x3] =	wrdreg s6  }
0xb9: {  	[dreg:$0x4] =	wrdreg $0xC0  }
0xba: {  	_ =	task [dreg:s22], $0x5FFFF  }
0xbb: {  	[dreg:$0x1] =	wrdreg $0xFFFFFFFF  }
0xbc: {  	[dreg:$0x0] =	wrdreg $0x60  }
0xbd: {  	[dreg:$0x2] =	wrdreg s24  }
0xbe: {  	[dreg:$0x3] =	wrdreg s18  }
0xbf: {  	[dreg:$0x4] =	wrdreg $0x69400  }
0xc0: {  	[dreg:$0x5] =	wrdreg $0x9  }
0xc1: {  	_ =	task.clear_ibuf [dreg:s22], $0x6FFFF;
	_ =	strace $0x90000049  }
0xc2: {  	s29 =	simm.s32 $0x9;
	_ =	strace $0x8000004B  }
0xc3: {  	_ =	swait.ge [sflag:s29], $0x1  }
0xc4: {  	[sflag:s29] =	ssyncadd.s32 $0xFFFFFFFF  }
0xc5: {  	_ =	strace $0x9000004B  }
0xc6: {  	_ =	sfence  }
0xc7: {  	s30 =	sld [smem:$0x0];
	_ =	sdelay $0x2  }
0xc8: {  	s31 =	sshll.u32 s1, $0xD;
	s1 =	sshrl.u32 s1, $0x2  }
0xc9: {  	s4 =	sand.u32 $0x4000, s31;
	s1 =	sadd.s32 s1, s30  }
0xca: {  	s0 =	sor.u32 s4, s0;
	s1 =	sshll.u32 s1, $0x11  }
0xcb: {  	s0 =	sor.u32 s1, s0  }
0xcc: {  	s0 =	sadd.s32 $0x8F2B, s0  }
0xcd: {  	[sflag:s0] =	ssyncadd.remote.s32 $0x1  }
0xce: {  	_ =	sfence.sel $0xFFFF  }
0xcf: {  	[dreg:$0x0] =	wrdreg $0xFFFFFFFF;
	(pc) =	sbr.abs _section_cstart, $3  }
0xd0: {  	[dreg:$0x1] =	wrdreg $0xFFFFFFFF  }
0xd1: {  	_ =	task.clear_ibuf [dreg:s22], $0x2FFFF;
	_ =	strace $0x9FFFFFFF  }
0xd2: {  	(tm) =	ssettm $0x7FFFFFFF  }
0xd3: {  	_ =	shalt  }
tec
execute0_lowered:
.L_overlay_start_1:
0x0: {  	(tag) =	ssettag $0x1  }
0x1: {  	s0 =	rddreg [dreg:$0x0]  }
0x2: {  	s2 =	rddreg [dreg:$0x2]  }
0x3: {  	s1 =	simm.s32 $0x0;
	s3 =	srdreg.scid;
	s10 =	stileid.u32  }
0x4: {  	s28 =	simm.s32 $0x1;
	s29 =	simm.s32 $0x2;
	s30 =	simm.s32 $0x0  }
0x5: {  	s31 =	simm.s32 $0x0;
	[smem:$0x7FF] =	sst s1;
	s4 =	smul.u32 $0xC800, s10  }
0x6: {  	s5 =	sadd.s32 $0x11E800, s0;
	s1 =	sand.u32 $0x1, s3;
	s14 =	smul.u32 $0x5100, s10  }
0x7: {  	s6 =	sadd.s32 $0xB0800, s0;
	s7 =	sadd.s32 $0x1A400, s0;
	s21 =	smul.u32 $0x2800, s1  }
0x8: {  	s8 =	sadd.s32 $0x6000, s0;
	s0 =	sadd.s32 $0xD8800, s0;
	s19 =	smul.u32 $0xC8000, s1  }
0x9: {  	_ =	strace $0x8000004A;
	s3 =	ssub.s32 $0x2, s1;
	s1 =	smul.u32 $0x51000, s1  }
0xa: {  	s9 =	sshrl.u32 s3, $0x1;
	s15 =	sadd.s32 $0x2800, s4;
	s17 =	sadd.s32 $0x5000, s4  }
0xb: {  	s18 =	sadd.s32 $0x7800, s4;
	s20 =	sadd.s32 $0xA000, s4;
	s3 =	ssub.s32 s3, s9  }
0xc: {  	s9 =	sadd.s32 s4, s2;
	s10 =	sadd.s32 s15, s2;
	s11 =	sadd.s32 s17, s2  }
0xd: {  	s12 =	sadd.s32 s18, s2;
	s13 =	sadd.s32 s20, s2;
	s4 =	sadd.s32 s4, s19  }
0xe: {  	s15 =	sadd.s32 s19, s15;
	s14 =	sadd.s32 s14, s1;
	s22 =	sadd.s32 s19, s17  }
0xf: {  	s23 =	sadd.s32 s19, s18;
	s24 =	sadd.s32 s19, s20;
	s4 =	sshrl.u32 s4, $0x3  }
0x10: {  	s16 =	sshrl.u32 s15, $0x3;
	s1 =	sshrl.u32 s22, $0x3;
	s25 =	sshrl.u32 s23, $0x3  }
0x11: {  	s26 =	sshrl.u32 s24, $0x3;
	s20 =	smax.u32 s3, $0x1;
	s22 =	simm.s32 $0x3  }
0x12: {  	s23 =	simm.s32 $0x4100;
	s24 =	simm.s32 $0x80;
	s15 =	sadd.s32 s0, s4  }
0x13: {  	v1 =	vimm.f32 $0.0e+00;
	vm0 =	vmmov $0x1;
	vm1 =	vcmask $0x310;
	s16 =	sadd.s32 s0, s16;
	s17 =	sadd.s32 s0, s1;
	s18 =	sadd.s32 s0, s25  }
0x14: {  	vm2 =	vcmask $0x710;
	vm3 =	vcmask $0xB10;
	v0 =	vmov s21;
	s19 =	sadd.s32 s0, s26;
	s25 =	simm.s32 $0x100;
	s26 =	simm.s32 $0x2100  }
.LBB2_1:
0x15: {  	s0 =	rddreg [dreg:$0x1];
	s1 =	simm.s32 $0x0;
	s3 =	simm.s32 $0x6900  }
0x16: {  	[tilespmem:s3], [sflag:$0x3] =	stream.linear.gather [hbm4b:s0+s1], $0x40, $0x38;
	[tilespmem:$0x13140] =	vst v63  }
0x17: {  	_ =	swait.ge [sflag:s22], $0x40  }
0x18: {  	[sflag:s22] =	ssyncset.done $0x0  }
0x19: {  	s1 =	simm.s32 $0x140;
	s0 =	simm.s32 $0x0;
	[sflag:s22] =	ssyncadd.s32 $0xFFFFFFC0  }
.LBB2_2:
0x1a: {  	p0 =	sne.s32 s1, $0x9EC0;
	[tilespmem:s0+$0x4140] =	vst v1;
	s3 =	smov.u32 s1;
	s1 =	sadd.s32 $0x140, s1  }
.Ltmp0:
0x1b: {  	[tilespmem:s0+$0x4130] =	vst v1;
	(pc) =	sbr.rel @p0 .LBB2_2-.Ltmp0, $4  }
0x1c: {  	[tilespmem:s0+$0x4120] =	vst v1  }
0x1d: {  	[tilespmem:s0+$0x4100] =	vst v1  }
0x1e: {  	[tilespmem:s0+$0x4110] =	vst v1  }
0x1f: {  	s0 =	sshra.s32 s3, $0x2  }
0x20: {  	[tilespmem:s0+$0x4140] =	vst v1  }
0x21: {  	[tilespmem:s0+$0x4130] =	vst v1  }
0x22: {  	[tilespmem:s0+$0x4120] =	vst v1  }
0x23: {  	[tilespmem:s0+$0x4100] =	vst v1  }
0x24: {  	[tilespmem:s0+$0x4110] =	vst v1  }
0x25: {  	[spmem:s9] =	stream.linear.scatter [tilespmem:s23], [sflag:$0x3], $0x2800, $0x38;
	[tilespmem:$0x13140] =	vst v63  }
0x26: {  	_ =	swait.ge [sflag:s22], $0x2800  }
0x27: {  	[sflag:s22] =	ssyncset.done $0x0  }
0x28: {  	[sflag:s22] =	ssyncadd.s32 $0xFFFFD800  }
0x29: {  	[spmem:s10] =	stream.linear.scatter [tilespmem:s23], [sflag:$0x3], $0x2800, $0x38;
	[tilespmem:$0x13140] =	vst v63  }
0x2a: {  	_ =	swait.ge [sflag:s22], $0x2800  }
0x2b: {  	[sflag:s22] =	ssyncset.done $0x0  }
0x2c: {  	[sflag:s22] =	ssyncadd.s32 $0xFFFFD800  }
0x2d: {  	[spmem:s11] =	stream.linear.scatter [tilespmem:s23], [sflag:$0x3], $0x2800, $0x38;
	[tilespmem:$0x13140] =	vst v63  }
0x2e: {  	_ =	swait.ge [sflag:s22], $0x2800  }
0x2f: {  	[sflag:s22] =	ssyncset.done $0x0  }
0x30: {  	[sflag:s22] =	ssyncadd.s32 $0xFFFFD800  }
0x31: {  	[spmem:s12] =	stream.linear.scatter [tilespmem:s23], [sflag:$0x3], $0x2800, $0x38;
	[tilespmem:$0x13140] =	vst v63  }
0x32: {  	_ =	swait.ge [sflag:s22], $0x2800  }
0x33: {  	[sflag:s22] =	ssyncset.done $0x0  }
0x34: {  	[sflag:s22] =	ssyncadd.s32 $0xFFFFD800  }
0x35: {  	[spmem:s13] =	stream.linear.scatter [tilespmem:s23], [sflag:$0x3], $0x2800, $0x38;
	[tilespmem:$0x13140] =	vst v63  }
0x36: {  	_ =	swait.ge [sflag:s22], $0x2800  }
0x37: {  	[sflag:s22] =	ssyncset.done $0x0  }
0x38: {  	[sflag:s22] =	ssyncadd.s32 $0xFFFFD800  }
0x39: {  	s0 =	simm.s32 $0x0;
	[bflag:$0x0] =	sbarrier.arrive $0xFFFF  }
.LBB2_4:
0x3a: {  	s1 =	sshll.u32 s0, $0x7  }
0x3b: {  	s1 =	sadd.s32 s1, s14  }
0x3c: {  	s1 =	sshrl.u32 s1, $0x3  }
0x3d: {  	s3 =	sadd.s32 s7, s1  }
0x3e: {  	[tilespmem:s31], [sflag:$0x3] =	stream.linear.gather [hbm4b:s3+s31], $0x80, $0x38;
	[tilespmem:$0x13140] =	vst v63  }
0x3f: {  	_ =	swait.ge [sflag:s22], $0x80  }
0x40: {  	[sflag:s22] =	ssyncset.done $0x0  }
0x41: {  	s1 =	sadd.s32 s8, s1;
	[sflag:s22] =	ssyncadd.s32 $0xFFFFFF80  }
0x42: {  	[tilespmem:s24], [sflag:$0x3] =	stream.linear.gather [hbm4b:s1+s31], $0x80, $0x38;
	[tilespmem:$0x13140] =	vst v63  }
0x43: {  	_ =	swait.ge [sflag:s22], $0x80  }
0x44: {  	[sflag:s22] =	ssyncset.done $0x0  }
0x45: {  	[sflag:s22] =	ssyncadd.s32 $0xFFFFFF80  }
0x46: {  	[tilespmem:s25], [sflag:$0x1] =	stream.indirect.gather [hbm4b:s5+s24], $0x40, s31, s24, $0xb8;
	[tilespmem:$0x13140] =	vst v63  }
0x47: {  	_ = 	snop  }
0x48: {  	[tilespmem:s26], [sflag:$0x2] =	stream.indirect.gather [hbm4b:s6+s24], $0x40, s24, s24, $0xb8;
	[tilespmem:$0x13140] =	vst v63  }
0x49: {  	_ =	swait.ge [sflag:s28], $0x2000  }
0x4a: {  	[sflag:s28] =	ssyncset.done $0x0  }
0x4b: {  	[sflag:s28] =	ssyncadd.s32 $0xFFFFE000  }
0x4c: {  	_ =	swait.ge [sflag:s29], $0x2000  }
0x4d: {  	[sflag:s29] =	ssyncset.done $0x0  }
0x4e: {  	s21 =	simm.s32 $0x0;
	[sflag:s29] =	ssyncadd.s32 $0xFFFFE000  }
0x4f: {  	v2 =	vld [tilespmem:s21+$0x100]  }
0x50: {  	v3 =	vld [tilespmem:s21+$0x2100];
	_ =	sdelay $0x4  }
0x51: {  	v4 =	vld [tilespmem:$0x6900];
	v3 =	vadd.f32 v3, v2;
	_ =	sdelay $0x1  }
0x52: {  	v5 =	vmul.f32 $2.000000030e-01, v3  }
0x53: {  	vm4 =	vgt.f32 v3, $0.0e+00  }
0x54: {  	v3 =	vsel vm4, v3, v5  }
0x55: {  	v3 =	vmul.f32 v3, v4;
	_ =	sdelay $0x1  }
0x56: {  	(xrf2) =	vadd.scan.msk.f32 $0xffff, v3;
	_ =	sdelay $0x9  }
0x57: {  	v3, _, _ =	vpop (xrf2)  }
0x58: {  	v3 =	vmul.f32 $1.442695020e+00, v3;
	_ =	sdelay $0x1  }
0x59: {  	v3 =	vbroadcast v3, $0xF;
	_ =	sdelay $0x1  }
0x5a: {  	(erf) = vpow2.f32 v3;
	_ =	sdelay $0x8  }
0x5b: {  	v4 =	vpop (erf)  }
0x5c: {  	v2 =	vmul.f32 v4, v2  }
0x5d: {  	s1 =	simm.s32 $0x4120  }
0x5e: {  	[tilespmem:s1+$0xFFFFFFE0] =	vst v2  }
0x5f: {  	v2 =	vld [tilespmem:s21+$0x110]  }
0x60: {  	v3 =	vld [tilespmem:s21+$0x2110];
	_ =	sdelay $0x4  }
0x61: {  	v5 =	vld [tilespmem:$0x6910];
	v3 =	vadd.f32 v3, v2;
	_ =	sdelay $0x1  }
0x62: {  	v6 =	vmul.f32 $2.000000030e-01, v3  }
0x63: {  	vm4 =	vgt.f32 v3, $0.0e+00  }
0x64: {  	v3 =	vsel vm4, v3, v6  }
0x65: {  	v3 =	vmul.f32 v3, v5;
	_ =	sdelay $0x1  }
0x66: {  	(xrf2) =	vadd.scan.msk.f32 $0xffff, v3;
	_ =	sdelay $0x9  }
0x67: {  	v3, _, _ =	vpop (xrf2)  }
0x68: {  	v3 =	vmul.f32 $1.442695020e+00, v3;
	_ =	sdelay $0x1  }
0x69: {  	v3 =	vbroadcast v3, $0xF;
	_ =	sdelay $0x1  }
0x6a: {  	(erf) = vpow2.f32 v3;
	_ =	sdelay $0x8  }
0x6b: {  	v5 =	vpop (erf)  }
0x6c: {  	v2 =	vmul.f32 v5, v2;
	_ =	sdelay $0x1  }
0x6d: {  	[tilespmem:s1+$0xFFFFFFF0] =	vst v2  }
0x6e: {  	v2 =	vld [tilespmem:s21+$0x120]  }
0x6f: {  	v3 =	vld [tilespmem:s21+$0x2120];
	_ =	sdelay $0x4  }
0x70: {  	v61 =	vld [tilespmem:$0x6920];
	v3 =	vadd.f32 v3, v2;
	_ =	sdelay $0x1  }
0x71: {  	v7 =	vmul.f32 $2.000000030e-01, v3  }
0x72: {  	vm4 =	vgt.f32 v3, $0.0e+00  }
0x73: {  	v3 =	vsel vm4, v3, v7  }
0x74: {  	v3 =	vmul.f32 v3, v61;
	_ =	sdelay $0x1  }
0x75: {  	(xrf2) =	vadd.scan.msk.f32 $0xffff, v3;
	_ =	sdelay $0x9  }
0x76: {  	v3, _, _ =	vpop (xrf2)  }
0x77: {  	v3 =	vmul.f32 $1.442695020e+00, v3;
	_ =	sdelay $0x1  }
0x78: {  	v3 =	vbroadcast v3, $0xF;
	_ =	sdelay $0x1  }
0x79: {  	(erf) = vpow2.f32 v3;
	_ =	sdelay $0x8  }
0x7a: {  	v62 =	vpop (erf)  }
0x7b: {  	v2 =	vmul.f32 v62, v2;
	_ =	sdelay $0x1  }
0x7c: {  	[tilespmem:s1+$0x0] =	vst v2  }
0x7d: {  	v3 =	vld [tilespmem:s21+$0x130]  }
0x7e: {  	v2 =	vld [tilespmem:s21+$0x2130];
	_ =	sdelay $0x4  }
0x7f: {  	v63 =	vld [tilespmem:$0x6930];
	v2 =	vadd.f32 v2, v3;
	_ =	sdelay $0x1  }
0x80: {  	v8 =	vmul.f32 $2.000000030e-01, v2  }
0x81: {  	vm4 =	vgt.f32 v2, $0.0e+00  }
0x82: {  	v2 =	vsel vm4, v2, v8  }
0x83: {  	v2 =	vmul.f32 v2, v63;
	_ =	sdelay $0x1  }
0x84: {  	(xrf2) =	vadd.scan.msk.f32 $0xffff, v2;
	_ =	sdelay $0x9  }
0x85: {  	v2, _, _ =	vpop (xrf2)  }
0x86: {  	v2 =	vmul.f32 $1.442695020e+00, v2;
	_ =	sdelay $0x1  }
0x87: {  	v2 =	vbroadcast v2, $0xF;
	_ =	sdelay $0x1  }
0x88: {  	(erf) = vpow2.f32 v2;
	_ =	sdelay $0x3  }
0x89: {  	v4 =	vnsel vm0, $0x0, v4  }
0x8a: {  	v4 =	vsel vm1, v4, v5  }
0x8b: {  	s3 =	simm.s32 $0x4120;
	s21 =	simm.s32 $0x100;
	v2 =	vsel vm2, v4, v62  }
.LBB2_5:
0x8c: {  	p0 =	sne.s32 s21, $0x7F00  }
0x8d: {  	s1 =	sadd.s32 $0x50, s1;
	s4 =	smov.u32 s21;
	s21 =	sadd.s32 $0x100, s21  }
0x8e: {  	v4 =	vpop (erf)  }
0x8f: {  	v3 =	vmul.f32 v4, v3;
	v2 =	vsel vm3, v2, v4  }
0x90: {  	[tilespmem:s3+$0x20] =	vst v2  }
0x91: {  	s4 =	sshra.s32 s4, $0x2;
	[tilespmem:s3+$0x10] =	vst v3;
	s3 =	smov.u32 s1  }
0x92: {  	v3 =	vld [tilespmem:s4+$0x100]  }
0x93: {  	v2 =	vld [tilespmem:s4+$0x2100];
	_ =	sdelay $0x3  }
0x94: {  	v4 =	vld [tilespmem:$0x6900]  }
0x95: {  	v2 =	vadd.f32 v2, v3;
	_ =	sdelay $0x1  }
0x96: {  	vm4 =	vgt.f32 v2, $0.0e+00;
	v5 =	vmul.f32 $2.000000030e-01, v2;
	_ =	sdelay $0x1  }
0x97: {  	v2 =	vsel vm4, v2, v5  }
0x98: {  	v2 =	vmul.f32 v2, v4;
	_ =	sdelay $0x1  }
0x99: {  	(xrf2) =	vadd.scan.msk.f32 $0xffff, v2;
	_ =	sdelay $0x9  }
0x9a: {  	v2, _, _ =	vpop (xrf2)  }
0x9b: {  	v2 =	vmul.f32 $1.442695020e+00, v2;
	_ =	sdelay $0x1  }
0x9c: {  	v2 =	vbroadcast v2, $0xF;
	_ =	sdelay $0x1  }
0x9d: {  	(erf) = vpow2.f32 v2;
	_ =	sdelay $0x8  }
0x9e: {  	v2 =	vpop (erf)  }
0x9f: {  	v3 =	vmul.f32 v2, v3;
	_ =	sdelay $0x1  }
0xa0: {  	[tilespmem:s1+$0xFFFFFFE0] =	vst v3  }
0xa1: {  	v3 =	vld [tilespmem:s4+$0x110]  }
0xa2: {  	v4 =	vld [tilespmem:s4+$0x2110];
	_ =	sdelay $0x2  }
0xa3: {  	v5 =	vld [tilespmem:$0x6910];
	_ =	sdelay $0x1  }
0xa4: {  	v4 =	vadd.f32 v4, v3;
	_ =	sdelay $0x1  }
0xa5: {  	vm4 =	vgt.f32 v4, $0.0e+00;
	v6 =	vmul.f32 $2.000000030e-01, v4;
	_ =	sdelay $0x1  }
0xa6: {  	v4 =	vsel vm4, v4, v6  }
0xa7: {  	v4 =	vmul.f32 v4, v5;
	_ =	sdelay $0x1  }
0xa8: {  	(xrf2) =	vadd.scan.msk.f32 $0xffff, v4;
	_ =	sdelay $0x9  }
0xa9: {  	v4, _, _ =	vpop (xrf2)  }
0xaa: {  	v4 =	vmul.f32 $1.442695020e+00, v4;
	_ =	sdelay $0x1  }
0xab: {  	v4 =	vbroadcast v4, $0xF;
	_ =	sdelay $0x1  }
0xac: {  	(erf) = vpow2.f32 v4;
	_ =	sdelay $0x8  }
0xad: {  	v4 =	vpop (erf)  }
0xae: {  	v3 =	vmul.f32 v4, v3;
	_ =	sdelay $0x1  }
0xaf: {  	[tilespmem:s1+$0xFFFFFFF0] =	vst v3  }
0xb0: {  	v3 =	vld [tilespmem:s4+$0x120]  }
0xb1: {  	v5 =	vld [tilespmem:s4+$0x2120];
	_ =	sdelay $0x1  }
0xb2: {  	v6 =	vld [tilespmem:$0x6920];
	_ =	sdelay $0x2  }
0xb3: {  	v5 =	vadd.f32 v5, v3;
	_ =	sdelay $0x1  }
0xb4: {  	vm4 =	vgt.f32 v5, $0.0e+00;
	v7 =	vmul.f32 $2.000000030e-01, v5;
	_ =	sdelay $0x1  }
0xb5: {  	v5 =	vsel vm4, v5, v7  }
0xb6: {  	v5 =	vmul.f32 v5, v6;
	_ =	sdelay $0x1  }
0xb7: {  	(xrf2) =	vadd.scan.msk.f32 $0xffff, v5;
	_ =	sdelay $0x9  }
0xb8: {  	v5, _, _ =	vpop (xrf2)  }
0xb9: {  	v5 =	vmul.f32 $1.442695020e+00, v5;
	_ =	sdelay $0x1  }
0xba: {  	v5 =	vbroadcast v5, $0xF;
	_ =	sdelay $0x1  }
0xbb: {  	(erf) = vpow2.f32 v5;
	_ =	sdelay $0x8  }
0xbc: {  	v5 =	vpop (erf)  }
0xbd: {  	v3 =	vmul.f32 v5, v3;
	_ =	sdelay $0x1  }
0xbe: {  	[tilespmem:s1+$0x0] =	vst v3  }
0xbf: {  	v3 =	vld [tilespmem:s4+$0x130]  }
0xc0: {  	v6 =	vld [tilespmem:s4+$0x2130]  }
0xc1: {  	v7 =	vld [tilespmem:$0x6930];
	_ =	sdelay $0x3  }
0xc2: {  	v6 =	vadd.f32 v6, v3;
	_ =	sdelay $0x1  }
0xc3: {  	vm4 =	vgt.f32 v6, $0.0e+00;
	v8 =	vmul.f32 $2.000000030e-01, v6;
	_ =	sdelay $0x1  }
0xc4: {  	v6 =	vsel vm4, v6, v8  }
0xc5: {  	v6 =	vmul.f32 v6, v7;
	_ =	sdelay $0x1  }
0xc6: {  	(xrf2) =	vadd.scan.msk.f32 $0xffff, v6;
	_ =	sdelay $0x9  }
0xc7: {  	v6, _, _ =	vpop (xrf2)  }
0xc8: {  	v6 =	vmul.f32 $1.442695020e+00, v6;
	_ =	sdelay $0x1  }
0xc9: {  	v6 =	vbroadcast v6, $0xF;
	_ =	sdelay $0x1  }
0xca: {  	(erf) = vpow2.f32 v6;
	_ =	sdelay $0x1  }
.Ltmp1:
0xcb: {  	(pc) =	sbr.rel @p0 .LBB2_5-.Ltmp1, $4  }
0xcc: {  	_ = 	snop  }
0xcd: {  	v2 =	vnsel vm0, $0x0, v2  }
0xce: {  	v2 =	vsel vm1, v2, v4  }
0xcf: {  	v2 =	vsel vm2, v2, v5  }
0xd0: {  	_ =	sdelay $0x1  }
0xd1: {  	v4 =	vpop (erf)  }
0xd2: {  	v3 =	vmul.f32 v4, v3;
	v2 =	vsel vm3, v2, v4  }
0xd3: {  	[tilespmem:s3+$0x20] =	vst v2  }
0xd4: {  	[tilespmem:s3+$0x10] =	vst v3  }
0xd5: {  	v2 =	vld [tilespmem:$0x80]  }
0xd6: {  	v3 =	vld [tilespmem:$0x90]  }
0xd7: {  	v62 =	vld [tilespmem:$0xA0]  }
0xd8: {  	v5 =	vld [tilespmem:$0xB0]  }
0xd9: {  	v6 =	vld [tilespmem:$0xC0]  }
0xda: {  	v7 =	vld [tilespmem:$0xD0];
	v2 =	vsub.s32 v2, v0  }
0xdb: {  	[tilespmem:$0x80] =	vst v2;
	v2 =	vsub.s32 v3, v0;
	v3 =	vld [tilespmem:$0xE0]  }
0xdc: {  	v63 =	vld [tilespmem:$0xF0];
	[tilespmem:$0x90] =	vst v2;
	v2 =	vsub.s32 v62, v0  }
0xdd: {  	[tilespmem:$0xA0] =	vst v2;
	v2 =	vsub.s32 v5, v0  }
0xde: {  	[tilespmem:$0xB0] =	vst v2;
	v2 =	vsub.s32 v6, v0  }
0xdf: {  	[tilespmem:$0xC0] =	vst v2;
	v2 =	vsub.s32 v7, v0  }
0xe0: {  	s0 =	sadd.s32 $0x1, s0;
	[tilespmem:$0xD0] =	vst v2;
	v2 =	vsub.s32 v3, v0  }
0xe1: {  	p0 =	sne.s32 s0, $0xA2;
	[tilespmem:$0xE0] =	vst v2;
	v2 =	vsub.s32 v63, v0  }
.Ltmp2:
0xe2: {  	[tilespmem:$0xF0] =	vst v2;
	(pc) =	sbr.rel @p0 .LBB2_4-.Ltmp2, $4  }
0xe3: {  	[spmem:s2] =	stream.indirect.scatter.add.f32 [tilespmem:s23], [sflag:$0x3], $0x50, s24, s24, $0xb8;
	[tilespmem:$0x13140] =	vst v63  }
0xe4: {  	_ =	swait.ge [sflag:s22], $0x2800  }
0xe5: {  	[sflag:s22] =	ssyncset.done $0x0  }
0xe6: {  	[sflag:s22] =	ssyncadd.s32 $0xFFFFD800  }
0xe7: {  	s0 =	stileid.u32  }
0xe8: {  	s0 =	sshll.u32 s0, $0x6  }
0xe9: {  	[bflag:$0x0] =	sbarrier.arrive $0xFFFF;
	s1 =	sshrl.u32 s9, $0x3;
	s0 =	sor.u32 $0x1C03, s0  }
0xea: {  	[hbm:s15], [sflag:s0] =	dma.local [spmem:s1], $0x500  }
0xeb: {  	_ =	swait.ge [sflag:s22], $0x500  }
0xec: {  	[sflag:s22] =	ssyncset.done $0x0  }
0xed: {  	s21 =	sshrl.u32 s10, $0x3;
	[sflag:s22] =	ssyncadd.s32 $0xFFFFFB00  }
0xee: {  	[hbm:s16], [sflag:s0] =	dma.local [spmem:s21], $0x500  }
0xef: {  	_ =	swait.ge [sflag:s22], $0x500  }
0xf0: {  	[sflag:s22] =	ssyncset.done $0x0  }
0xf1: {  	s3 =	sshrl.u32 s11, $0x3;
	[sflag:s22] =	ssyncadd.s32 $0xFFFFFB00  }
0xf2: {  	[hbm:s17], [sflag:s0] =	dma.local [spmem:s3], $0x500  }
0xf3: {  	_ =	swait.ge [sflag:s22], $0x500  }
0xf4: {  	[sflag:s22] =	ssyncset.done $0x0  }
0xf5: {  	s4 =	sshrl.u32 s12, $0x3;
	[sflag:s22] =	ssyncadd.s32 $0xFFFFFB00  }
0xf6: {  	[hbm:s18], [sflag:s0] =	dma.local [spmem:s4], $0x500  }
0xf7: {  	s30 =	sadd.s32 $0x1, s30;
	_ =	swait.ge [sflag:s22], $0x500  }
0xf8: {  	p0 =	sne.s32 s30, s20;
	[sflag:s22] =	ssyncset.done $0x0  }
.Ltmp3:
0xf9: {  	s21 =	sshrl.u32 s13, $0x3;
	[sflag:s22] =	ssyncadd.s32 $0xFFFFFB00;
	(pc) =	sbr.rel @p0 .LBB2_1-.Ltmp3, $4  }
0xfa: {  	[hbm:s19], [sflag:s0] =	dma.local [spmem:s21], $0x500  }
0xfb: {  	_ =	swait.ge [sflag:s22], $0x500  }
0xfc: {  	[sflag:s22] =	ssyncset.done $0x0  }
0xfd: {  	[sflag:s22] =	ssyncadd.s32 $0xFFFFFB00  }
0xfe: {  	_ =	sfence.sel $0x180000  }
0xff: {  	[bflag:$0x0] =	sbarrier.arrive $0xFFFF  }
0x100: {  	_ =	strace $0x9000004A  }
0x101: {  	s0 =	stileid.u32;
	[bflag:$0x2] =	sbarrier.arrive $0xFFFF  }
0x102: {  	p0 =	sne.s32 s0, $0x0;
	s0 =	rddreg [dreg:$0x3]  }
0x103: {  	s0 =	sadd.s32 @!p0 $0x100000, s0  }
0x104: {  	[sflag:s0] =	ssyncadd.tile.s32 @!p0 $0x1;
	_ =	shalt  }
.Lfunc_end2:
_tile_overlayer_lowered:
.L_overlay_start_2:
0x105: {  	(tag) =	ssettag $0x2  }
0x106: {  	s0 =	rddreg [dreg:$0x0];
	s2 =	stileid.u32  }
0x107: {  	s1 =	rddreg [dreg:$0x1];
	p0 =	sne.s32 s2, $0x0  }
0x108: {  	s3 =	rddreg [dreg:$0x2];
	[bflag:$0x3] =	sbarrier.arrive $0xFFFF;
	s2 =	simm.s32 @!p0 $0x1C03  }
0x109: {  	[timem:s3], [sflag:s2] =	dma.local @!p0 [hbm:s0], s1  }
0x10a: {  	s0 =	simm.s32 @!p0 $0x3  }
0x10b: {  	_ =	swait.ge @!p0 [sflag:s0], s1  }
0x10c: {  	s1 =	ssub.s32 @!p0 $0x0, s1;
	[sflag:s0] =	ssyncset.done @!p0 $0x0  }
0x10d: {  	[sflag:s0] =	ssyncadd.s32 @!p0 s1  }
0x10e: {  	[bflag:$0x3] =	sbarrier.arrive $0xFFFF  }
0x10f: {  	_ =	shalt  }

// kernel: kernel.16.cloned.1.call-start
scs
__scs_entry_jumppad:
0x0: {  	(pc) =	sbr.rel $0x88, $3  }
0x1: {  	(tag) =	ssettag $0x0;
	lr =	simm.s32 $0x1  }
0x2: {  	[smem:$0x3F84] =	sst lr;
	_ =	strace $0xD0000000  }
0x3: {  	_ = 	snop  }
0x4: {  	_ = 	snop  }
0x5: {  	_ = 	snop  }
0x6: {  	_ = 	snop  }
0x7: {  	_ = 	snop  }
__scs_overlays_trampoline_lowered:
0x8: {  	[smem:$0x3F93] =	sst s0  }
0x9: {  	[smem:$0x3F94] =	sst s1  }
0xa: {  	[smem:$0x3F95] =	sst s2  }
0xb: {  	[smem:$0x3F96] =	sst s3  }
0xc: {  	[smem:$0x3F97] =	sst s4  }
0xd: {  	[smem:$0x3F98] =	sst s5  }
0xe: {  	[smem:$0x3F99] =	sst s6  }
0xf: {  	[smem:$0x3F9A] =	sst s7  }
0x10: {  	[smem:$0x3F9B] =	sst s8  }
0x11: {  	[smem:$0x3F9C] =	sst s9;
	s0 =	simm.s32 @!p0 $0x0  }
0x12: {  	s1 =	sld [smem:$0x3F82];
	s0 =	simm.s32 @p0 $0x1  }
0x13: {  	[smem:$0x3F9D] =	sst s0;
	s0 =	simm.s32 @!p1 $0x0  }
0x14: {  	s2 =	sld [smem:$0x3F81];
	s0 =	simm.s32 @p1 $0x1  }
0x15: {  	[smem:$0x3F9E] =	sst s0;
	s0 =	simm.s32 @!p2 $0x0  }
0x16: {  	s3 =	sld [smem:$0x3FDB];
	s0 =	simm.s32 @p2 $0x1  }
0x17: {  	s4 =	simm.s32 $0x1BF5;
	[smem:$0x3FA0] =	sst s0  }
0x18: {  	s0 =	sld [smem:$0x3F83];
	_ =	swait.ge [sflag:s4], $0x0  }
0x19: {  	s7 =	sld [smem:$0x3F84]  }
0x1a: {  	s8 =	sadd.s32 $0xFFFFE003, lr  }
0x1b: {  	s9 =	sadd.s32 $0xFFFFFEF7, lr;
	s5 =	simm.s32 $0xFFFFFFFF;
	p2 =	slt.u32 s8, $0xFFFFF086  }
0x1c: {  	p1 =	slt.u32 s9, $0xF7A;
	s5 =	simm.s32 @!p2 $0x0  }
0x1d: {  	s5 =	simm.s32 @p1 $0x1;
	p0 =	seq.s32 s7, s2  }
0x1e: {  	s7 =	smul.u32 @!p0 $0xF7A, s2;
	p2 =	seq.s32 @!p0 s5, $0x0  }
0x1f: {  	s9 =	smul.u32 $0xF7A, s1;
	s8 =	simm.s32 @!p0 $0x1BF5;
	p2 =	por !p2, p0  }
0x20: {  	[sflag:s8] =	ssyncset.s32 @!p0 $0xFFFFF086;
	s6 =	sadd.s32 @!p0 s3, s7;
	s7 =	simm.s32 @!p0 $0x108  }
0x21: {  	s3 =	sadd.s32 s3, s9;
	s6 =	sadd.s32 @!p0 $0x88, s6;
	s7 =	simm.s32 @p2 $0x1082  }
0x22: {  	[simem:s7], [sflag:s8] =	dma.local @!p0 [hbm:s6], $0xF7A  }
0x23: {  	s9 =	sor.u32 $0xD0000000, s2;
	s6 =	simm.s32 $0x108;
	_ =	swait.ge @!p0 [sflag:s8], $0x0  }
0x24: {  	s3 =	sadd.s32 $0x88, s3;
	s6 =	simm.s32 @!p1 $0x1082;
	[sflag:s4] =	ssyncset.s32 $0xFFFFF086  }
0x25: {  	[simem:s6], [sflag:s4] =	dma.local [hbm:s3], $0xF7A  }
0x26: {  	[smem:$0x3F84] =	sst s1;
	(tag) =	ssettag s2;
	_ =	strace s9  }
0x27: {  	s1 =	sld [smem:$0x3F94]  }
0x28: {  	s2 =	sld [smem:$0x3F95]  }
0x29: {  	s4 =	sld [smem:$0x3F97]  }
0x2a: {  	p0 =	seq.s32 s5, $0x0;
	s5 =	sld [smem:$0x3F98]  }
0x2b: {  	s6 =	sld [smem:$0x3F99]  }
0x2c: {  	s7 =	sld [smem:$0x3F9A]  }
0x2d: {  	s3 =	simm.s32 $0x108;
	s8 =	sld [smem:$0x3F9B]  }
0x2e: {  	s3 =	simm.s32 @!p0 $0x1082;
	s9 =	sld [smem:$0x3F9C]  }
0x2f: {  	lr =	sadd.s32 s0, s3;
	s0 =	sld [smem:$0x3F93]  }
0x30: {  	s3 =	sld [smem:$0x3F96]  }
0x31: {  	[smem:$0x3F9F] =	sst s10  }
0x32: {  	s10 =	sld [smem:$0x3F9D];
	_ =	sdelay $0x3  }
0x33: {  	p0 =	seq.s32 s10, $0x1;
	s10 =	sld [smem:$0x3F9F];
	_ =	sdelay $0x3  }
0x34: {  	[smem:$0x3F9F] =	sst s10  }
0x35: {  	s10 =	sld [smem:$0x3F9E];
	_ =	sdelay $0x3  }
0x36: {  	p1 =	seq.s32 s10, $0x1;
	s10 =	sld [smem:$0x3F9F];
	_ =	sdelay $0x3  }
0x37: {  	[smem:$0x3F9F] =	sst s10  }
0x38: {  	s10 =	sld [smem:$0x3FA0]  }
0x39: {  	_ = 	snop;
	(pc) =	sbr.ind lr, $3  }
0x3a: {  	_ = 	snop  }
0x3b: {  	_ = 	snop  }
0x3c: {  	p2 =	seq.s32 s10, $0x1;
	s10 =	sld [smem:$0x3F9F]  }
0x3d: {  	_ =	shalt  }
0x3e: {  	_ =	shalt  }
0x3f: {  	_ =	shalt  }
0x40: {  	_ =	shalt  }
0x41: {  	_ =	shalt  }
0x42: {  	_ =	shalt  }
0x43: {  	_ =	shalt  }
0x44: {  	_ =	shalt  }
0x45: {  	_ =	shalt  }
0x46: {  	_ =	shalt  }
0x47: {  	_ =	shalt  }
0x48: {  	_ =	shalt  }
0x49: {  	_ =	shalt  }
0x4a: {  	_ =	shalt  }
0x4b: {  	_ =	shalt  }
0x4c: {  	_ =	shalt  }
0x4d: {  	_ =	shalt  }
0x4e: {  	_ =	shalt  }
0x4f: {  	_ =	shalt  }
0x50: {  	_ =	shalt  }
0x51: {  	_ =	shalt  }
0x52: {  	_ =	shalt  }
0x53: {  	_ =	shalt  }
0x54: {  	_ =	shalt  }
0x55: {  	_ =	shalt  }
0x56: {  	_ =	shalt  }
0x57: {  	_ =	shalt  }
0x58: {  	_ =	shalt  }
0x59: {  	_ =	shalt  }
0x5a: {  	_ =	shalt  }
0x5b: {  	_ =	shalt  }
0x5c: {  	_ =	shalt  }
0x5d: {  	_ =	shalt  }
0x5e: {  	_ =	shalt  }
0x5f: {  	_ =	shalt  }
0x60: {  	_ =	shalt  }
0x61: {  	_ =	shalt  }
0x62: {  	_ =	shalt  }
0x63: {  	_ =	shalt  }
0x64: {  	_ =	shalt  }
0x65: {  	_ =	shalt  }
0x66: {  	_ =	shalt  }
0x67: {  	_ =	shalt  }
0x68: {  	_ =	shalt  }
0x69: {  	_ =	shalt  }
0x6a: {  	_ =	shalt  }
0x6b: {  	_ =	shalt  }
0x6c: {  	_ =	shalt  }
0x6d: {  	_ =	shalt  }
0x6e: {  	_ =	shalt  }
0x6f: {  	_ =	shalt  }
0x70: {  	_ =	shalt  }
0x71: {  	_ =	shalt  }
0x72: {  	_ =	shalt  }
0x73: {  	_ =	shalt  }
0x74: {  	_ =	shalt  }
0x75: {  	_ =	shalt  }
0x76: {  	_ =	shalt  }
0x77: {  	_ =	shalt  }
0x78: {  	_ =	shalt  }
0x79: {  	_ =	shalt  }
0x7a: {  	_ =	shalt  }
0x7b: {  	_ =	shalt  }
0x7c: {  	_ =	shalt  }
0x7d: {  	_ =	shalt  }
0x7e: {  	_ =	shalt  }
0x7f: {  	_ =	shalt  }
0x80: {  	_ =	shalt  }
0x81: {  	_ =	shalt  }
0x82: {  	_ =	shalt  }
0x83: {  	_ =	shalt  }
0x84: {  	_ =	shalt  }
0x85: {  	_ =	shalt  }
0x86: {  	_ =	shalt  }
0x87: {  	_ =	shalt  }
.Lfunc_end0:
.L_simem_size_0:
called_computation.1_lowered:
.L_overlay_start_0:
0x88: {  	s2 =	sld [smem:$0x3FD9]  }
0x89: {  	s3 =	sld [smem:$0x3FFE];
	_ =	sdelay $0x1  }
0x8a: {  	s1 =	srdreg.scid  }
0x8b: {  	s0 =	sand.u32 $0x1, s1  }
0x8c: {  	s16 =	sshll.u32 s0, $0xA;
	s2 =	sadd.s32 s3, s2  }
0x8d: {  	s2 =	sadd.s32 s2, s16  }
0x8e: {  	[smem:$0x3FAB] =	sst s2  }
0x8f: {  	_ = 	snop  }
0x90: {  	(tm) =	ssettm $0x1  }
0x91: {  	s17 =	sld [smem:$0x3FFB];
	_ =	sdelay $0x3  }
0x92: {  	_ =	strace s17  }
0x93: {  	s2 =	sld [smem:$0x3FFC];
	_ =	sdelay $0x3  }
0x94: {  	_ =	strace s2  }
0x95: {  	s2 =	sld [smem:$0x3FFD];
	_ =	sdelay $0x3  }
0x96: {  	_ =	strace s2  }
0x97: {  	_ =	strace $0x8FFFFFFF  }
0x98: {  	s18 =	sld [smem:$0x3FDB];
	_ =	sdelay $0x1  }
0x99: {  	s19 =	simm.s32 $_scs_section_size  }
0x9a: {  	s4 =	simm.s32 $_size__tile_overlayer_lowered;
	s5 =	simm.s32 $_tile_overlayer_lowered  }
0x9b: {  	s22 =	simm.s32 $0x1BFF;
	s21 =	sshll.u32 s5, $0x1;
	s2 =	sadd.s32 s19, s18  }
0x9c: {  	s6 =	simm.s32 $0x0;
	s20 =	sshll.u32 s4, $0x1;
	s4 =	sadd.s32 s21, s2  }
0x9d: {  	[timem:s6], [sflag:s22] =	dma.local [hbm:s4], s20  }
0x9e: {  	_ =	swait.ge [sflag:s22], s20  }
0x9f: {  	s3 =	ssub.s32 $0x0, s20;
	[sflag:s22] =	ssyncset.done $0x0  }
0xa0: {  	[sflag:s22] =	ssyncadd.s32 s3;
	_ =	sdelay $0x1  }
0xa1: {  	s23 =	simm.s32 $0x1B8B  }
0xa2: {  	_ =	swait.ge [sflag:s23], $0x1  }
0xa3: {  	[sflag:s23] =	ssyncset.done $0x0  }
0xa4: {  	s25 =	simm.s32 $0x1B8E;
	s24 =	sld [smem:$0x3FFE];
	[sflag:s23] =	ssyncadd.s32 $0xFFFFFFFF  }
0xa5: {  	s26 =	simm.s32 $execute0_lowered;
	[smem:$0x3FD2] =	sst s25  }
0xa6: {  	s4 =	sshll.u32 s26, $0x1;
	_ =	strace $0x80000046;
	[dreg:$0x1] =	wrdreg $0xFFFFFFFF  }
0xa7: {  	s28 =	simm.s32 $_size_execute0_lowered;
	s2 =	sadd.s32 s2, s4;
	[dreg:$0x0] =	wrdreg $0x0  }
0xa8: {  	s4 =	sshll.u32 s28, $0x1;
	[dreg:$0x2] =	wrdreg s2  }
0xa9: {  	[dreg:$0x3] =	wrdreg s4  }
0xaa: {  	[dreg:$0x4] =	wrdreg $0xC0  }
0xab: {  	_ =	task [dreg:s6], $0x5FFFF  }
0xac: {  	[dreg:$0x1] =	wrdreg $0xFFFFFFFF  }
0xad: {  	[dreg:$0x0] =	wrdreg $0x60  }
0xae: {  	[dreg:$0x2] =	wrdreg s24  }
0xaf: {  	[dreg:$0x3] =	wrdreg $0x69400  }
0xb0: {  	[dreg:$0x4] =	wrdreg $0xA  }
0xb1: {  	_ =	task.clear_ibuf [dreg:s6], $0x5FFFF;
	_ =	strace $0x90000046  }
0xb2: {  	s29 =	simm.s32 $0xA;
	_ =	strace $0x80000048  }
0xb3: {  	_ =	swait.ge [sflag:s29], $0x1  }
0xb4: {  	[sflag:s29] =	ssyncadd.s32 $0xFFFFFFFF  }
0xb5: {  	_ =	strace $0x90000048  }
0xb6: {  	_ =	sfence  }
0xb7: {  	s30 =	sld [smem:$0x0];
	_ =	sdelay $0x2  }
0xb8: {  	s31 =	sshll.u32 s1, $0xD;
	s1 =	sshrl.u32 s1, $0x2  }
0xb9: {  	s3 =	sand.u32 $0x4000, s31;
	s1 =	sadd.s32 s1, s30  }
0xba: {  	s0 =	sor.u32 s3, s0;
	s1 =	sshll.u32 s1, $0x11  }
0xbb: {  	s0 =	sor.u32 s1, s0  }
0xbc: {  	s0 =	sadd.s32 $0x8F2B, s0  }
0xbd: {  	[sflag:s0] =	ssyncadd.remote.s32 $0x1  }
0xbe: {  	_ =	sfence.sel $0xFFFF  }
0xbf: {  	[dreg:$0x0] =	wrdreg $0xFFFFFFFF;
	(pc) =	sbr.abs _section_cstart, $3  }
0xc0: {  	[dreg:$0x1] =	wrdreg $0xFFFFFFFF  }
0xc1: {  	_ =	task.clear_ibuf [dreg:s6], $0x2FFFF;
	_ =	strace $0x9FFFFFFF  }
0xc2: {  	(tm) =	ssettm $0x7FFFFFFF  }
0xc3: {  	_ =	shalt  }
tec
execute0_lowered:
.L_overlay_start_1:
0x0: {  	(tag) =	ssettag $0x1  }
0x1: {  	s0 =	rddreg [dreg:$0x0]  }
0x2: {  	s1 =	rddreg [dreg:$0x1];
	s2 =	simm.s32 $0x0;
	s25 =	srdreg.scid  }
0x3: {  	s10 =	stileid.u32;
	s28 =	simm.s32 $0x1;
	s29 =	simm.s32 $0x2  }
0x4: {  	s30 =	simm.s32 $0x0;
	s31 =	simm.s32 $0x0;
	[smem:$0x7FF] =	sst s2  }
0x5: {  	s3 =	sadd.s32 $0x2E800, s0;
	s5 =	sadd.s32 $0x56800, s0;
	s8 =	smul.u32 $0xC800, s10  }
0x6: {  	s6 =	sadd.s32 $0x1A400, s0;
	s2 =	sand.u32 $0x1, s25;
	s14 =	smul.u32 $0x5100, s10  }
0x7: {  	s7 =	sadd.s32 $0x6000, s0;
	s4 =	sadd.s32 $0x5E00, s0;
	s21 =	smul.u32 $0x2800, s2  }
0x8: {  	s0 =	sadd.s32 $0x7E800, s0;
	_ =	strace $0x80000047;
	s19 =	smul.u32 $0xC8000, s2  }
0x9: {  	[dreg:$0x3] =	wrdreg s4;
	s26 =	ssub.s32 $0x2, s2;
	s2 =	smul.u32 $0x51000, s2  }
0xa: {  	s9 =	sshrl.u32 s26, $0x1;
	s15 =	sadd.s32 $0x2800, s8;
	s17 =	sadd.s32 $0x5000, s8  }
0xb: {  	s18 =	sadd.s32 $0x7800, s8;
	s20 =	sadd.s32 $0xA000, s8;
	s4 =	ssub.s32 s26, s9  }
0xc: {  	s9 =	sadd.s32 s8, s1;
	s10 =	sadd.s32 s15, s1;
	s11 =	sadd.s32 s17, s1  }
0xd: {  	s12 =	sadd.s32 s18, s1;
	s13 =	sadd.s32 s20, s1;
	s8 =	sadd.s32 s8, s19  }
0xe: {  	s15 =	sadd.s32 s19, s15;
	s14 =	sadd.s32 s14, s2;
	s22 =	sadd.s32 s19, s17  }
0xf: {  	s23 =	sadd.s32 s19, s18;
	s24 =	sadd.s32 s19, s20;
	s8 =	sshrl.u32 s8, $0x3  }
0x10: {  	s16 =	sshrl.u32 s15, $0x3;
	s2 =	sshrl.u32 s22, $0x3;
	s25 =	sshrl.u32 s23, $0x3  }
0x11: {  	s26 =	sshrl.u32 s24, $0x3;
	s20 =	smax.u32 s4, $0x1;
	s22 =	simm.s32 $0x3  }
0x12: {  	s23 =	simm.s32 $0x4100;
	s24 =	simm.s32 $0x80;
	s15 =	sadd.s32 s0, s8  }
0x13: {  	v1 =	vimm.f32 $0.0e+00;
	vm0 =	vmmov $0x1;
	vm1 =	vcmask $0x310;
	s16 =	sadd.s32 s0, s16;
	s17 =	sadd.s32 s0, s2;
	s18 =	sadd.s32 s0, s25  }
0x14: {  	vm2 =	vcmask $0x710;
	vm3 =	vcmask $0xB10;
	v0 =	vmov s21;
	s19 =	sadd.s32 s0, s26;
	s25 =	simm.s32 $0x100;
	s26 =	simm.s32 $0x2100  }
.LBB2_1:
0x15: {  	s0 =	simm.s32 $0x0;
	s2 =	rddreg [dreg:$0x3];
	s4 =	simm.s32 $0x6900  }
0x16: {  	[tilespmem:s4], [sflag:$0x3] =	stream.linear.gather [hbm4b:s2+s0], $0x40, $0x38;
	[tilespmem:$0x13140] =	vst v63  }
0x17: {  	_ =	swait.ge [sflag:s22], $0x40  }
0x18: {  	[sflag:s22] =	ssyncset.done $0x0  }
0x19: {  	s2 =	simm.s32 $0x140;
	s0 =	simm.s32 $0x0;
	[sflag:s22] =	ssyncadd.s32 $0xFFFFFFC0  }
.LBB2_2:
0x1a: {  	p0 =	sne.s32 s2, $0x9EC0;
	[tilespmem:s0+$0x4140] =	vst v1;
	s4 =	smov.u32 s2;
	s2 =	sadd.s32 $0x140, s2  }
.Ltmp0:
0x1b: {  	[tilespmem:s0+$0x4130] =	vst v1;
	(pc) =	sbr.rel @p0 .LBB2_2-.Ltmp0, $4  }
0x1c: {  	[tilespmem:s0+$0x4120] =	vst v1  }
0x1d: {  	[tilespmem:s0+$0x4100] =	vst v1  }
0x1e: {  	[tilespmem:s0+$0x4110] =	vst v1  }
0x1f: {  	s0 =	sshra.s32 s4, $0x2  }
0x20: {  	[tilespmem:s0+$0x4140] =	vst v1  }
0x21: {  	[tilespmem:s0+$0x4130] =	vst v1  }
0x22: {  	[tilespmem:s0+$0x4120] =	vst v1  }
0x23: {  	[tilespmem:s0+$0x4100] =	vst v1  }
0x24: {  	[tilespmem:s0+$0x4110] =	vst v1  }
0x25: {  	[spmem:s9] =	stream.linear.scatter [tilespmem:s23], [sflag:$0x3], $0x2800, $0x38;
	[tilespmem:$0x13140] =	vst v63  }
0x26: {  	_ =	swait.ge [sflag:s22], $0x2800  }
0x27: {  	[sflag:s22] =	ssyncset.done $0x0  }
0x28: {  	[sflag:s22] =	ssyncadd.s32 $0xFFFFD800  }
0x29: {  	[spmem:s10] =	stream.linear.scatter [tilespmem:s23], [sflag:$0x3], $0x2800, $0x38;
	[tilespmem:$0x13140] =	vst v63  }
0x2a: {  	_ =	swait.ge [sflag:s22], $0x2800  }
0x2b: {  	[sflag:s22] =	ssyncset.done $0x0  }
0x2c: {  	[sflag:s22] =	ssyncadd.s32 $0xFFFFD800  }
0x2d: {  	[spmem:s11] =	stream.linear.scatter [tilespmem:s23], [sflag:$0x3], $0x2800, $0x38;
	[tilespmem:$0x13140] =	vst v63  }
0x2e: {  	_ =	swait.ge [sflag:s22], $0x2800  }
0x2f: {  	[sflag:s22] =	ssyncset.done $0x0  }
0x30: {  	[sflag:s22] =	ssyncadd.s32 $0xFFFFD800  }
0x31: {  	[spmem:s12] =	stream.linear.scatter [tilespmem:s23], [sflag:$0x3], $0x2800, $0x38;
	[tilespmem:$0x13140] =	vst v63  }
0x32: {  	_ =	swait.ge [sflag:s22], $0x2800  }
0x33: {  	[sflag:s22] =	ssyncset.done $0x0  }
0x34: {  	[sflag:s22] =	ssyncadd.s32 $0xFFFFD800  }
0x35: {  	[spmem:s13] =	stream.linear.scatter [tilespmem:s23], [sflag:$0x3], $0x2800, $0x38;
	[tilespmem:$0x13140] =	vst v63  }
0x36: {  	_ =	swait.ge [sflag:s22], $0x2800  }
0x37: {  	[sflag:s22] =	ssyncset.done $0x0  }
0x38: {  	[sflag:s22] =	ssyncadd.s32 $0xFFFFD800  }
0x39: {  	s0 =	simm.s32 $0x0;
	[bflag:$0x0] =	sbarrier.arrive $0xFFFF  }
.LBB2_4:
0x3a: {  	s2 =	sshll.u32 s0, $0x7  }
0x3b: {  	s2 =	sadd.s32 s2, s14  }
0x3c: {  	s2 =	sshrl.u32 s2, $0x3  }
0x3d: {  	s4 =	sadd.s32 s6, s2  }
0x3e: {  	[tilespmem:s31], [sflag:$0x3] =	stream.linear.gather [hbm4b:s4+s31], $0x80, $0x38;
	[tilespmem:$0x13140] =	vst v63  }
0x3f: {  	_ =	swait.ge [sflag:s22], $0x80  }
0x40: {  	[sflag:s22] =	ssyncset.done $0x0  }
0x41: {  	s2 =	sadd.s32 s7, s2;
	[sflag:s22] =	ssyncadd.s32 $0xFFFFFF80  }
0x42: {  	[tilespmem:s24], [sflag:$0x3] =	stream.linear.gather [hbm4b:s2+s31], $0x80, $0x38;
	[tilespmem:$0x13140] =	vst v63  }
0x43: {  	_ =	swait.ge [sflag:s22], $0x80  }
0x44: {  	[sflag:s22] =	ssyncset.done $0x0  }
0x45: {  	[sflag:s22] =	ssyncadd.s32 $0xFFFFFF80  }
0x46: {  	[tilespmem:s25], [sflag:$0x1] =	stream.indirect.gather [hbm4b:s3+s24], $0x40, s31, s24, $0xb8;
	[tilespmem:$0x13140] =	vst v63  }
0x47: {  	_ = 	snop  }
0x48: {  	[tilespmem:s26], [sflag:$0x2] =	stream.indirect.gather [hbm4b:s5+s24], $0x40, s24, s24, $0xb8;
	[tilespmem:$0x13140] =	vst v63  }
0x49: {  	_ =	swait.ge [sflag:s28], $0x2000  }
0x4a: {  	[sflag:s28] =	ssyncset.done $0x0  }
0x4b: {  	[sflag:s28] =	ssyncadd.s32 $0xFFFFE000  }
0x4c: {  	_ =	swait.ge [sflag:s29], $0x2000  }
0x4d: {  	[sflag:s29] =	ssyncset.done $0x0  }
0x4e: {  	s21 =	simm.s32 $0x0;
	[sflag:s29] =	ssyncadd.s32 $0xFFFFE000  }
0x4f: {  	v2 =	vld [tilespmem:s21+$0x100]  }
0x50: {  	v3 =	vld [tilespmem:s21+$0x2100];
	_ =	sdelay $0x4  }
0x51: {  	v4 =	vld [tilespmem:$0x6900];
	v3 =	vadd.f32 v3, v2;
	_ =	sdelay $0x1  }
0x52: {  	v5 =	vmul.f32 $2.000000030e-01, v3  }
0x53: {  	vm4 =	vgt.f32 v3, $0.0e+00  }
0x54: {  	v3 =	vsel vm4, v3, v5  }
0x55: {  	v3 =	vmul.f32 v3, v4;
	_ =	sdelay $0x1  }
0x56: {  	(xrf2) =	vadd.scan.msk.f32 $0xffff, v3;
	_ =	sdelay $0x9  }
0x57: {  	v3, _, _ =	vpop (xrf2)  }
0x58: {  	v3 =	vmul.f32 $1.442695020e+00, v3;
	_ =	sdelay $0x1  }
0x59: {  	v3 =	vbroadcast v3, $0xF;
	_ =	sdelay $0x1  }
0x5a: {  	(erf) = vpow2.f32 v3;
	_ =	sdelay $0x8  }
0x5b: {  	v4 =	vpop (erf)  }
0x5c: {  	v2 =	vmul.f32 v4, v2  }
0x5d: {  	s2 =	simm.s32 $0x4120  }
0x5e: {  	[tilespmem:s2+$0xFFFFFFE0] =	vst v2  }
0x5f: {  	v2 =	vld [tilespmem:s21+$0x110]  }
0x60: {  	v3 =	vld [tilespmem:s21+$0x2110];
	_ =	sdelay $0x4  }
0x61: {  	v5 =	vld [tilespmem:$0x6910];
	v3 =	vadd.f32 v3, v2;
	_ =	sdelay $0x1  }
0x62: {  	v6 =	vmul.f32 $2.000000030e-01, v3  }
0x63: {  	vm4 =	vgt.f32 v3, $0.0e+00  }
0x64: {  	v3 =	vsel vm4, v3, v6  }
0x65: {  	v3 =	vmul.f32 v3, v5;
	_ =	sdelay $0x1  }
0x66: {  	(xrf2) =	vadd.scan.msk.f32 $0xffff, v3;
	_ =	sdelay $0x9  }
0x67: {  	v3, _, _ =	vpop (xrf2)  }
0x68: {  	v3 =	vmul.f32 $1.442695020e+00, v3;
	_ =	sdelay $0x1  }
0x69: {  	v3 =	vbroadcast v3, $0xF;
	_ =	sdelay $0x1  }
0x6a: {  	(erf) = vpow2.f32 v3;
	_ =	sdelay $0x8  }
0x6b: {  	v5 =	vpop (erf)  }
0x6c: {  	v2 =	vmul.f32 v5, v2;
	_ =	sdelay $0x1  }
0x6d: {  	[tilespmem:s2+$0xFFFFFFF0] =	vst v2  }
0x6e: {  	v2 =	vld [tilespmem:s21+$0x120]  }
0x6f: {  	v3 =	vld [tilespmem:s21+$0x2120];
	_ =	sdelay $0x4  }
0x70: {  	v61 =	vld [tilespmem:$0x6920];
	v3 =	vadd.f32 v3, v2;
	_ =	sdelay $0x1  }
0x71: {  	v7 =	vmul.f32 $2.000000030e-01, v3  }
0x72: {  	vm4 =	vgt.f32 v3, $0.0e+00  }
0x73: {  	v3 =	vsel vm4, v3, v7  }
0x74: {  	v3 =	vmul.f32 v3, v61;
	_ =	sdelay $0x1  }
0x75: {  	(xrf2) =	vadd.scan.msk.f32 $0xffff, v3;
	_ =	sdelay $0x9  }
0x76: {  	v3, _, _ =	vpop (xrf2)  }
0x77: {  	v3 =	vmul.f32 $1.442695020e+00, v3;
	_ =	sdelay $0x1  }
0x78: {  	v3 =	vbroadcast v3, $0xF;
	_ =	sdelay $0x1  }
0x79: {  	(erf) = vpow2.f32 v3;
	_ =	sdelay $0x8  }
0x7a: {  	v62 =	vpop (erf)  }
0x7b: {  	v2 =	vmul.f32 v62, v2;
	_ =	sdelay $0x1  }
0x7c: {  	[tilespmem:s2+$0x0] =	vst v2  }
0x7d: {  	v3 =	vld [tilespmem:s21+$0x130]  }
0x7e: {  	v2 =	vld [tilespmem:s21+$0x2130];
	_ =	sdelay $0x4  }
0x7f: {  	v63 =	vld [tilespmem:$0x6930];
	v2 =	vadd.f32 v2, v3;
	_ =	sdelay $0x1  }
0x80: {  	v8 =	vmul.f32 $2.000000030e-01, v2  }
0x81: {  	vm4 =	vgt.f32 v2, $0.0e+00  }
0x82: {  	v2 =	vsel vm4, v2, v8  }
0x83: {  	v2 =	vmul.f32 v2, v63;
	_ =	sdelay $0x1  }
0x84: {  	(xrf2) =	vadd.scan.msk.f32 $0xffff, v2;
	_ =	sdelay $0x9  }
0x85: {  	v2, _, _ =	vpop (xrf2)  }
0x86: {  	v2 =	vmul.f32 $1.442695020e+00, v2;
	_ =	sdelay $0x1  }
0x87: {  	v2 =	vbroadcast v2, $0xF;
	_ =	sdelay $0x1  }
0x88: {  	(erf) = vpow2.f32 v2;
	_ =	sdelay $0x3  }
0x89: {  	v4 =	vnsel vm0, $0x0, v4  }
0x8a: {  	v4 =	vsel vm1, v4, v5  }
0x8b: {  	s4 =	simm.s32 $0x100;
	s21 =	simm.s32 $0x4120;
	v2 =	vsel vm2, v4, v62  }
.LBB2_5:
0x8c: {  	p0 =	sne.s32 s4, $0x7F00  }
0x8d: {  	s2 =	sadd.s32 $0x50, s2;
	s8 =	smov.u32 s4;
	s4 =	sadd.s32 $0x100, s4  }
0x8e: {  	v4 =	vpop (erf)  }
0x8f: {  	v3 =	vmul.f32 v4, v3;
	v2 =	vsel vm3, v2, v4  }
0x90: {  	[tilespmem:s21+$0x20] =	vst v2  }
0x91: {  	s8 =	sshra.s32 s8, $0x2;
	[tilespmem:s21+$0x10] =	vst v3;
	s21 =	smov.u32 s2  }
0x92: {  	v3 =	vld [tilespmem:s8+$0x100]  }
0x93: {  	v2 =	vld [tilespmem:s8+$0x2100];
	_ =	sdelay $0x3  }
0x94: {  	v4 =	vld [tilespmem:$0x6900]  }
0x95: {  	v2 =	vadd.f32 v2, v3;
	_ =	sdelay $0x1  }
0x96: {  	vm4 =	vgt.f32 v2, $0.0e+00;
	v5 =	vmul.f32 $2.000000030e-01, v2;
	_ =	sdelay $0x1  }
0x97: {  	v2 =	vsel vm4, v2, v5  }
0x98: {  	v2 =	vmul.f32 v2, v4;
	_ =	sdelay $0x1  }
0x99: {  	(xrf2) =	vadd.scan.msk.f32 $0xffff, v2;
	_ =	sdelay $0x9  }
0x9a: {  	v2, _, _ =	vpop (xrf2)  }
0x9b: {  	v2 =	vmul.f32 $1.442695020e+00, v2;
	_ =	sdelay $0x1  }
0x9c: {  	v2 =	vbroadcast v2, $0xF;
	_ =	sdelay $0x1  }
0x9d: {  	(erf) = vpow2.f32 v2;
	_ =	sdelay $0x8  }
0x9e: {  	v2 =	vpop (erf)  }
0x9f: {  	v3 =	vmul.f32 v2, v3;
	_ =	sdelay $0x1  }
0xa0: {  	[tilespmem:s2+$0xFFFFFFE0] =	vst v3  }
0xa1: {  	v3 =	vld [tilespmem:s8+$0x110]  }
0xa2: {  	v4 =	vld [tilespmem:s8+$0x2110];
	_ =	sdelay $0x2  }
0xa3: {  	v5 =	vld [tilespmem:$0x6910];
	_ =	sdelay $0x1  }
0xa4: {  	v4 =	vadd.f32 v4, v3;
	_ =	sdelay $0x1  }
0xa5: {  	vm4 =	vgt.f32 v4, $0.0e+00;
	v6 =	vmul.f32 $2.000000030e-01, v4;
	_ =	sdelay $0x1  }
0xa6: {  	v4 =	vsel vm4, v4, v6  }
0xa7: {  	v4 =	vmul.f32 v4, v5;
	_ =	sdelay $0x1  }
0xa8: {  	(xrf2) =	vadd.scan.msk.f32 $0xffff, v4;
	_ =	sdelay $0x9  }
0xa9: {  	v4, _, _ =	vpop (xrf2)  }
0xaa: {  	v4 =	vmul.f32 $1.442695020e+00, v4;
	_ =	sdelay $0x1  }
0xab: {  	v4 =	vbroadcast v4, $0xF;
	_ =	sdelay $0x1  }
0xac: {  	(erf) = vpow2.f32 v4;
	_ =	sdelay $0x8  }
0xad: {  	v4 =	vpop (erf)  }
0xae: {  	v3 =	vmul.f32 v4, v3;
	_ =	sdelay $0x1  }
0xaf: {  	[tilespmem:s2+$0xFFFFFFF0] =	vst v3  }
0xb0: {  	v3 =	vld [tilespmem:s8+$0x120]  }
0xb1: {  	v5 =	vld [tilespmem:s8+$0x2120];
	_ =	sdelay $0x1  }
0xb2: {  	v6 =	vld [tilespmem:$0x6920];
	_ =	sdelay $0x2  }
0xb3: {  	v5 =	vadd.f32 v5, v3;
	_ =	sdelay $0x1  }
0xb4: {  	vm4 =	vgt.f32 v5, $0.0e+00;
	v7 =	vmul.f32 $2.000000030e-01, v5;
	_ =	sdelay $0x1  }
0xb5: {  	v5 =	vsel vm4, v5, v7  }
0xb6: {  	v5 =	vmul.f32 v5, v6;
	_ =	sdelay $0x1  }
0xb7: {  	(xrf2) =	vadd.scan.msk.f32 $0xffff, v5;
	_ =	sdelay $0x9  }
0xb8: {  	v5, _, _ =	vpop (xrf2)  }
0xb9: {  	v5 =	vmul.f32 $1.442695020e+00, v5;
	_ =	sdelay $0x1  }
0xba: {  	v5 =	vbroadcast v5, $0xF;
	_ =	sdelay $0x1  }
0xbb: {  	(erf) = vpow2.f32 v5;
	_ =	sdelay $0x8  }
0xbc: {  	v5 =	vpop (erf)  }
0xbd: {  	v3 =	vmul.f32 v5, v3;
	_ =	sdelay $0x1  }
0xbe: {  	[tilespmem:s2+$0x0] =	vst v3  }
0xbf: {  	v3 =	vld [tilespmem:s8+$0x130]  }
0xc0: {  	v6 =	vld [tilespmem:s8+$0x2130]  }
0xc1: {  	v7 =	vld [tilespmem:$0x6930];
	_ =	sdelay $0x3  }
0xc2: {  	v6 =	vadd.f32 v6, v3;
	_ =	sdelay $0x1  }
0xc3: {  	vm4 =	vgt.f32 v6, $0.0e+00;
	v8 =	vmul.f32 $2.000000030e-01, v6;
	_ =	sdelay $0x1  }
0xc4: {  	v6 =	vsel vm4, v6, v8  }
0xc5: {  	v6 =	vmul.f32 v6, v7;
	_ =	sdelay $0x1  }
0xc6: {  	(xrf2) =	vadd.scan.msk.f32 $0xffff, v6;
	_ =	sdelay $0x9  }
0xc7: {  	v6, _, _ =	vpop (xrf2)  }
0xc8: {  	v6 =	vmul.f32 $1.442695020e+00, v6;
	_ =	sdelay $0x1  }
0xc9: {  	v6 =	vbroadcast v6, $0xF;
	_ =	sdelay $0x1  }
0xca: {  	(erf) = vpow2.f32 v6;
	_ =	sdelay $0x1  }
.Ltmp1:
0xcb: {  	(pc) =	sbr.rel @p0 .LBB2_5-.Ltmp1, $4  }
0xcc: {  	_ = 	snop  }
0xcd: {  	v2 =	vnsel vm0, $0x0, v2  }
0xce: {  	v2 =	vsel vm1, v2, v4  }
0xcf: {  	v2 =	vsel vm2, v2, v5  }
0xd0: {  	_ =	sdelay $0x1  }
0xd1: {  	v4 =	vpop (erf)  }
0xd2: {  	v3 =	vmul.f32 v4, v3;
	v2 =	vsel vm3, v2, v4  }
0xd3: {  	[tilespmem:s21+$0x20] =	vst v2  }
0xd4: {  	[tilespmem:s21+$0x10] =	vst v3  }
0xd5: {  	v2 =	vld [tilespmem:$0x80]  }
0xd6: {  	v3 =	vld [tilespmem:$0x90]  }
0xd7: {  	v62 =	vld [tilespmem:$0xA0]  }
0xd8: {  	v5 =	vld [tilespmem:$0xB0]  }
0xd9: {  	v6 =	vld [tilespmem:$0xC0]  }
0xda: {  	v7 =	vld [tilespmem:$0xD0];
	v2 =	vsub.s32 v2, v0  }
0xdb: {  	[tilespmem:$0x80] =	vst v2;
	v2 =	vsub.s32 v3, v0;
	v3 =	vld [tilespmem:$0xE0]  }
0xdc: {  	v63 =	vld [tilespmem:$0xF0];
	[tilespmem:$0x90] =	vst v2;
	v2 =	vsub.s32 v62, v0  }
0xdd: {  	[tilespmem:$0xA0] =	vst v2;
	v2 =	vsub.s32 v5, v0  }
0xde: {  	[tilespmem:$0xB0] =	vst v2;
	v2 =	vsub.s32 v6, v0  }
0xdf: {  	[tilespmem:$0xC0] =	vst v2;
	v2 =	vsub.s32 v7, v0  }
0xe0: {  	s0 =	sadd.s32 $0x1, s0;
	[tilespmem:$0xD0] =	vst v2;
	v2 =	vsub.s32 v3, v0  }
0xe1: {  	p0 =	sne.s32 s0, $0xA2;
	[tilespmem:$0xE0] =	vst v2;
	v2 =	vsub.s32 v63, v0  }
.Ltmp2:
0xe2: {  	[tilespmem:$0xF0] =	vst v2;
	(pc) =	sbr.rel @p0 .LBB2_4-.Ltmp2, $4  }
0xe3: {  	[spmem:s1] =	stream.indirect.scatter.add.f32 [tilespmem:s23], [sflag:$0x3], $0x50, s24, s24, $0xb8;
	[tilespmem:$0x13140] =	vst v63  }
0xe4: {  	_ =	swait.ge [sflag:s22], $0x2800  }
0xe5: {  	[sflag:s22] =	ssyncset.done $0x0  }
0xe6: {  	[sflag:s22] =	ssyncadd.s32 $0xFFFFD800  }
0xe7: {  	s0 =	stileid.u32  }
0xe8: {  	s0 =	sshll.u32 s0, $0x6  }
0xe9: {  	[bflag:$0x0] =	sbarrier.arrive $0xFFFF;
	s2 =	sshrl.u32 s9, $0x3;
	s0 =	sor.u32 $0x1C03, s0  }
0xea: {  	[hbm:s15], [sflag:s0] =	dma.local [spmem:s2], $0x500  }
0xeb: {  	_ =	swait.ge [sflag:s22], $0x500  }
0xec: {  	[sflag:s22] =	ssyncset.done $0x0  }
0xed: {  	s21 =	sshrl.u32 s10, $0x3;
	[sflag:s22] =	ssyncadd.s32 $0xFFFFFB00  }
0xee: {  	[hbm:s16], [sflag:s0] =	dma.local [spmem:s21], $0x500  }
0xef: {  	_ =	swait.ge [sflag:s22], $0x500  }
0xf0: {  	[sflag:s22] =	ssyncset.done $0x0  }
0xf1: {  	s4 =	sshrl.u32 s11, $0x3;
	[sflag:s22] =	ssyncadd.s32 $0xFFFFFB00  }
0xf2: {  	[hbm:s17], [sflag:s0] =	dma.local [spmem:s4], $0x500  }
0xf3: {  	_ =	swait.ge [sflag:s22], $0x500  }
0xf4: {  	[sflag:s22] =	ssyncset.done $0x0  }
0xf5: {  	s8 =	sshrl.u32 s12, $0x3;
	[sflag:s22] =	ssyncadd.s32 $0xFFFFFB00  }
0xf6: {  	[hbm:s18], [sflag:s0] =	dma.local [spmem:s8], $0x500  }
0xf7: {  	s30 =	sadd.s32 $0x1, s30;
	_ =	swait.ge [sflag:s22], $0x500  }
0xf8: {  	p0 =	sne.s32 s30, s20;
	[sflag:s22] =	ssyncset.done $0x0  }
.Ltmp3:
0xf9: {  	s21 =	sshrl.u32 s13, $0x3;
	[sflag:s22] =	ssyncadd.s32 $0xFFFFFB00;
	(pc) =	sbr.rel @p0 .LBB2_1-.Ltmp3, $4  }
0xfa: {  	[hbm:s19], [sflag:s0] =	dma.local [spmem:s21], $0x500  }
0xfb: {  	_ =	swait.ge [sflag:s22], $0x500  }
0xfc: {  	[sflag:s22] =	ssyncset.done $0x0  }
0xfd: {  	[sflag:s22] =	ssyncadd.s32 $0xFFFFFB00  }
0xfe: {  	_ =	sfence.sel $0x180000  }
0xff: {  	[bflag:$0x0] =	sbarrier.arrive $0xFFFF  }
0x100: {  	_ =	strace $0x90000047  }
0x101: {  	s0 =	stileid.u32;
	[bflag:$0x2] =	sbarrier.arrive $0xFFFF  }
0x102: {  	p0 =	sne.s32 s0, $0x0;
	s0 =	rddreg [dreg:$0x2]  }
0x103: {  	s0 =	sadd.s32 @!p0 $0x100000, s0  }
0x104: {  	[sflag:s0] =	ssyncadd.tile.s32 @!p0 $0x1;
	_ =	shalt  }
.Lfunc_end2:
_tile_overlayer_lowered:
.L_overlay_start_2:
0x105: {  	(tag) =	ssettag $0x2  }
0x106: {  	s0 =	rddreg [dreg:$0x0];
	s2 =	stileid.u32  }
0x107: {  	s1 =	rddreg [dreg:$0x1];
	p0 =	sne.s32 s2, $0x0  }
0x108: {  	s3 =	rddreg [dreg:$0x2];
	[bflag:$0x3] =	sbarrier.arrive $0xFFFF;
	s2 =	simm.s32 @!p0 $0x1C03  }
0x109: {  	[timem:s3], [sflag:s2] =	dma.local @!p0 [hbm:s0], s1  }
0x10a: {  	s0 =	simm.s32 @!p0 $0x3  }
0x10b: {  	_ =	swait.ge @!p0 [sflag:s0], s1  }
0x10c: {  	s1 =	ssub.s32 @!p0 $0x0, s1;
	[sflag:s0] =	ssyncset.done @!p0 $0x0  }
0x10d: {  	[sflag:s0] =	ssyncadd.s32 @!p0 s1  }
0x10e: {  	[bflag:$0x3] =	sbarrier.arrive $0xFFFF  }
0x10f: {  	_ =	shalt  }

// kernel: kernel.19.cloned.1.call-start
scs
__scs_entry_jumppad:
0x0: {  	(pc) =	sbr.rel $0x88, $3  }
0x1: {  	(tag) =	ssettag $0x0;
	lr =	simm.s32 $0x1  }
0x2: {  	[smem:$0x3F84] =	sst lr;
	_ =	strace $0xD0000000  }
0x3: {  	_ = 	snop  }
0x4: {  	_ = 	snop  }
0x5: {  	_ = 	snop  }
0x6: {  	_ = 	snop  }
0x7: {  	_ = 	snop  }
__scs_overlays_trampoline_lowered:
0x8: {  	[smem:$0x3F93] =	sst s0  }
0x9: {  	[smem:$0x3F94] =	sst s1  }
0xa: {  	[smem:$0x3F95] =	sst s2  }
0xb: {  	[smem:$0x3F96] =	sst s3  }
0xc: {  	[smem:$0x3F97] =	sst s4  }
0xd: {  	[smem:$0x3F98] =	sst s5  }
0xe: {  	[smem:$0x3F99] =	sst s6  }
0xf: {  	[smem:$0x3F9A] =	sst s7  }
0x10: {  	[smem:$0x3F9B] =	sst s8  }
0x11: {  	[smem:$0x3F9C] =	sst s9;
	s0 =	simm.s32 @!p0 $0x0  }
0x12: {  	s1 =	sld [smem:$0x3F82];
	s0 =	simm.s32 @p0 $0x1  }
0x13: {  	[smem:$0x3F9D] =	sst s0;
	s0 =	simm.s32 @!p1 $0x0  }
0x14: {  	s2 =	sld [smem:$0x3F81];
	s0 =	simm.s32 @p1 $0x1  }
0x15: {  	[smem:$0x3F9E] =	sst s0;
	s0 =	simm.s32 @!p2 $0x0  }
0x16: {  	s3 =	sld [smem:$0x3FDB];
	s0 =	simm.s32 @p2 $0x1  }
0x17: {  	s4 =	simm.s32 $0x1BF5;
	[smem:$0x3FA0] =	sst s0  }
0x18: {  	s0 =	sld [smem:$0x3F83];
	_ =	swait.ge [sflag:s4], $0x0  }
0x19: {  	s7 =	sld [smem:$0x3F84]  }
0x1a: {  	s8 =	sadd.s32 $0xFFFFE003, lr  }
0x1b: {  	s9 =	sadd.s32 $0xFFFFFEF7, lr;
	s5 =	simm.s32 $0xFFFFFFFF;
	p2 =	slt.u32 s8, $0xFFFFF086  }
0x1c: {  	p1 =	slt.u32 s9, $0xF7A;
	s5 =	simm.s32 @!p2 $0x0  }
0x1d: {  	s5 =	simm.s32 @p1 $0x1;
	p0 =	seq.s32 s7, s2  }
0x1e: {  	s7 =	smul.u32 @!p0 $0xF7A, s2;
	p2 =	seq.s32 @!p0 s5, $0x0  }
0x1f: {  	s9 =	smul.u32 $0xF7A, s1;
	s8 =	simm.s32 @!p0 $0x1BF5;
	p2 =	por !p2, p0  }
0x20: {  	[sflag:s8] =	ssyncset.s32 @!p0 $0xFFFFF086;
	s6 =	sadd.s32 @!p0 s3, s7;
	s7 =	simm.s32 @!p0 $0x108  }
0x21: {  	s3 =	sadd.s32 s3, s9;
	s6 =	sadd.s32 @!p0 $0x88, s6;
	s7 =	simm.s32 @p2 $0x1082  }
0x22: {  	[simem:s7], [sflag:s8] =	dma.local @!p0 [hbm:s6], $0xF7A  }
0x23: {  	s9 =	sor.u32 $0xD0000000, s2;
	s6 =	simm.s32 $0x108;
	_ =	swait.ge @!p0 [sflag:s8], $0x0  }
0x24: {  	s3 =	sadd.s32 $0x88, s3;
	s6 =	simm.s32 @!p1 $0x1082;
	[sflag:s4] =	ssyncset.s32 $0xFFFFF086  }
0x25: {  	[simem:s6], [sflag:s4] =	dma.local [hbm:s3], $0xF7A  }
0x26: {  	[smem:$0x3F84] =	sst s1;
	(tag) =	ssettag s2;
	_ =	strace s9  }
0x27: {  	s1 =	sld [smem:$0x3F94]  }
0x28: {  	s2 =	sld [smem:$0x3F95]  }
0x29: {  	s4 =	sld [smem:$0x3F97]  }
0x2a: {  	p0 =	seq.s32 s5, $0x0;
	s5 =	sld [smem:$0x3F98]  }
0x2b: {  	s6 =	sld [smem:$0x3F99]  }
0x2c: {  	s7 =	sld [smem:$0x3F9A]  }
0x2d: {  	s3 =	simm.s32 $0x108;
	s8 =	sld [smem:$0x3F9B]  }
0x2e: {  	s3 =	simm.s32 @!p0 $0x1082;
	s9 =	sld [smem:$0x3F9C]  }
0x2f: {  	lr =	sadd.s32 s0, s3;
	s0 =	sld [smem:$0x3F93]  }
0x30: {  	s3 =	sld [smem:$0x3F96]  }
0x31: {  	[smem:$0x3F9F] =	sst s10  }
0x32: {  	s10 =	sld [smem:$0x3F9D];
	_ =	sdelay $0x3  }
0x33: {  	p0 =	seq.s32 s10, $0x1;
	s10 =	sld [smem:$0x3F9F];
	_ =	sdelay $0x3  }
0x34: {  	[smem:$0x3F9F] =	sst s10  }
0x35: {  	s10 =	sld [smem:$0x3F9E];
	_ =	sdelay $0x3  }
0x36: {  	p1 =	seq.s32 s10, $0x1;
	s10 =	sld [smem:$0x3F9F];
	_ =	sdelay $0x3  }
0x37: {  	[smem:$0x3F9F] =	sst s10  }
0x38: {  	s10 =	sld [smem:$0x3FA0]  }
0x39: {  	_ = 	snop;
	(pc) =	sbr.ind lr, $3  }
0x3a: {  	_ = 	snop  }
0x3b: {  	_ = 	snop  }
0x3c: {  	p2 =	seq.s32 s10, $0x1;
	s10 =	sld [smem:$0x3F9F]  }
0x3d: {  	_ =	shalt  }
0x3e: {  	_ =	shalt  }
0x3f: {  	_ =	shalt  }
0x40: {  	_ =	shalt  }
0x41: {  	_ =	shalt  }
0x42: {  	_ =	shalt  }
0x43: {  	_ =	shalt  }
0x44: {  	_ =	shalt  }
0x45: {  	_ =	shalt  }
0x46: {  	_ =	shalt  }
0x47: {  	_ =	shalt  }
0x48: {  	_ =	shalt  }
0x49: {  	_ =	shalt  }
0x4a: {  	_ =	shalt  }
0x4b: {  	_ =	shalt  }
0x4c: {  	_ =	shalt  }
0x4d: {  	_ =	shalt  }
0x4e: {  	_ =	shalt  }
0x4f: {  	_ =	shalt  }
0x50: {  	_ =	shalt  }
0x51: {  	_ =	shalt  }
0x52: {  	_ =	shalt  }
0x53: {  	_ =	shalt  }
0x54: {  	_ =	shalt  }
0x55: {  	_ =	shalt  }
0x56: {  	_ =	shalt  }
0x57: {  	_ =	shalt  }
0x58: {  	_ =	shalt  }
0x59: {  	_ =	shalt  }
0x5a: {  	_ =	shalt  }
0x5b: {  	_ =	shalt  }
0x5c: {  	_ =	shalt  }
0x5d: {  	_ =	shalt  }
0x5e: {  	_ =	shalt  }
0x5f: {  	_ =	shalt  }
0x60: {  	_ =	shalt  }
0x61: {  	_ =	shalt  }
0x62: {  	_ =	shalt  }
0x63: {  	_ =	shalt  }
0x64: {  	_ =	shalt  }
0x65: {  	_ =	shalt  }
0x66: {  	_ =	shalt  }
0x67: {  	_ =	shalt  }
0x68: {  	_ =	shalt  }
0x69: {  	_ =	shalt  }
0x6a: {  	_ =	shalt  }
0x6b: {  	_ =	shalt  }
0x6c: {  	_ =	shalt  }
0x6d: {  	_ =	shalt  }
0x6e: {  	_ =	shalt  }
0x6f: {  	_ =	shalt  }
0x70: {  	_ =	shalt  }
0x71: {  	_ =	shalt  }
0x72: {  	_ =	shalt  }
0x73: {  	_ =	shalt  }
0x74: {  	_ =	shalt  }
0x75: {  	_ =	shalt  }
0x76: {  	_ =	shalt  }
0x77: {  	_ =	shalt  }
0x78: {  	_ =	shalt  }
0x79: {  	_ =	shalt  }
0x7a: {  	_ =	shalt  }
0x7b: {  	_ =	shalt  }
0x7c: {  	_ =	shalt  }
0x7d: {  	_ =	shalt  }
0x7e: {  	_ =	shalt  }
0x7f: {  	_ =	shalt  }
0x80: {  	_ =	shalt  }
0x81: {  	_ =	shalt  }
0x82: {  	_ =	shalt  }
0x83: {  	_ =	shalt  }
0x84: {  	_ =	shalt  }
0x85: {  	_ =	shalt  }
0x86: {  	_ =	shalt  }
0x87: {  	_ =	shalt  }
.Lfunc_end0:
.L_simem_size_0:
called_computation.2_lowered:
.L_overlay_start_0:
0x88: {  	s2 =	sld [smem:$0x3FD9]  }
0x89: {  	s3 =	sld [smem:$0x3FFE];
	_ =	sdelay $0x1  }
0x8a: {  	s1 =	srdreg.scid  }
0x8b: {  	s0 =	sand.u32 $0x1, s1  }
0x8c: {  	s17 =	sshll.u32 s0, $0xA;
	s2 =	sadd.s32 s3, s2  }
0x8d: {  	s2 =	sadd.s32 s2, s17  }
0x8e: {  	[smem:$0x3FAB] =	sst s2  }
0x8f: {  	_ = 	snop  }
0x90: {  	s18 =	sld [smem:$0x3FD0];
	(tm) =	ssettm $0x1  }
0x91: {  	s19 =	sld [smem:$0x3FFB];
	_ =	sdelay $0x3  }
0x92: {  	_ =	strace s19  }
0x93: {  	s2 =	sld [smem:$0x3FFC];
	_ =	sdelay $0x3  }
0x94: {  	_ =	strace s2  }
0x95: {  	s2 =	sld [smem:$0x3FFD];
	_ =	sdelay $0x3  }
0x96: {  	_ =	strace s2  }
0x97: {  	_ =	strace $0x8FFFFFFF  }
0x98: {  	s20 =	sld [smem:$0x3FDB];
	_ =	sdelay $0x1  }
0x99: {  	s4 =	simm.s32 $_scs_section_size  }
0x9a: {  	s5 =	simm.s32 $_size__tile_overlayer_lowered;
	s6 =	simm.s32 $_tile_overlayer_lowered  }
0x9b: {  	s7 =	simm.s32 $0x1BFF;
	s21 =	sshll.u32 s6, $0x1;
	s4 =	sadd.s32 s4, s20  }
0x9c: {  	s22 =	simm.s32 $0x0;
	s5 =	sshll.u32 s5, $0x1;
	s6 =	sadd.s32 s21, s4  }
0x9d: {  	[timem:s22], [sflag:s7] =	dma.local [hbm:s6], s5  }
0x9e: {  	_ =	swait.ge [sflag:s7], s5  }
0x9f: {  	s5 =	ssub.s32 $0x0, s5;
	[sflag:s7] =	ssyncset.done $0x0  }
0xa0: {  	[sflag:s7] =	ssyncadd.s32 s5;
	_ =	sdelay $0x1  }
0xa1: {  	s23 =	simm.s32 $0x1B8B  }
0xa2: {  	_ =	swait.ge [sflag:s23], $0x1  }
0xa3: {  	[sflag:s23] =	ssyncset.done $0x0  }
0xa4: {  	[sflag:s23] =	ssyncadd.s32 $0xFFFFFFFF  }
0xa5: {  	s5 =	sld [smem:$0x0]  }
0xa6: {  	s6 =	sand.u32 $0xFFFFFFFE, s1  }
0xa7: {  	p0 =	sne.s32 s1, s6  }
0xa8: {  	s6 =	sshll.u32 @p0 s6, $0xE  }
0xa9: {  	s6 =	sadd.s32 @p0 $0x11B8D, s6;
	s7 =	sshll.u32 @p0 s5, $0x11  }
0xaa: {  	s6 =	sor.u32 @p0 s7, s6  }
0xab: {  	[sflag:s6] =	ssyncadd.remote.s32 @p0 $0x1;
	_ =	sdelay $0x1  }
0xac: {  	s6 =	simm.s32 @p0 $0x1B8D  }
0xad: {  	_ =	swait.eq @p0 [sflag:s6], $0x1  }
0xae: {  	[sflag:s6] =	ssyncadd.s32 @p0 $0xFFFFFFFF  }
0xaf: {  	s7 =	sshll.u32 @!p0 s1, $0xE  }
0xb0: {  	s7 =	sor.u32 @!p0 $0x4000, s7;
	s6 =	simm.s32 @!p0 $0x1B8D  }
0xb1: {  	s5 =	sshll.u32 @!p0 s5, $0x11;
	s7 =	sadd.s32 @!p0 $0x11B8D, s7;
	_ =	swait.eq @!p0 [sflag:s6], $0x1  }
0xb2: {  	s5 =	sor.u32 @!p0 s5, s7;
	[sflag:s6] =	ssyncadd.s32 @!p0 $0xFFFFFFFF  }
0xb3: {  	s25 =	simm.s32 $0x1B8E;
	s24 =	sld [smem:$0x3FFE];
	[sflag:s5] =	ssyncadd.remote.s32 @!p0 $0x1  }
0xb4: {  	s26 =	simm.s32 $execute0_lowered;
	[smem:$0x3FD2] =	sst s25  }
0xb5: {  	s6 =	sshll.u32 s26, $0x1;
	_ =	strace $0x8000004F;
	[dreg:$0x1] =	wrdreg $0xFFFFFFFF  }
0xb6: {  	s28 =	simm.s32 $_size_execute0_lowered;
	s4 =	sadd.s32 s4, s6;
	[dreg:$0x0] =	wrdreg $0x0  }
0xb7: {  	s6 =	sshll.u32 s28, $0x1;
	[dreg:$0x2] =	wrdreg s4  }
0xb8: {  	[dreg:$0x3] =	wrdreg s6  }
0xb9: {  	[dreg:$0x4] =	wrdreg $0xC0  }
0xba: {  	_ =	task [dreg:s22], $0x5FFFF  }
0xbb: {  	[dreg:$0x1] =	wrdreg $0xFFFFFFFF  }
0xbc: {  	[dreg:$0x0] =	wrdreg $0x60  }
0xbd: {  	[dreg:$0x2] =	wrdreg s24  }
0xbe: {  	[dreg:$0x3] =	wrdreg s18  }
0xbf: {  	[dreg:$0x4] =	wrdreg $0x69400  }
0xc0: {  	[dreg:$0x5] =	wrdreg $0x9  }
0xc1: {  	_ =	task.clear_ibuf [dreg:s22], $0x6FFFF;
	_ =	strace $0x9000004F  }
0xc2: {  	s29 =	simm.s32 $0x9;
	_ =	strace $0x80000051  }
0xc3: {  	_ =	swait.ge [sflag:s29], $0x1  }
0xc4: {  	[sflag:s29] =	ssyncadd.s32 $0xFFFFFFFF  }
0xc5: {  	_ =	strace $0x90000051  }
0xc6: {  	_ =	sfence  }
0xc7: {  	s30 =	sld [smem:$0x0];
	_ =	sdelay $0x2  }
0xc8: {  	s31 =	sshll.u32 s1, $0xD;
	s1 =	sshrl.u32 s1, $0x2  }
0xc9: {  	s4 =	sand.u32 $0x4000, s31;
	s1 =	sadd.s32 s1, s30  }
0xca: {  	s0 =	sor.u32 s4, s0;
	s1 =	sshll.u32 s1, $0x11  }
0xcb: {  	s0 =	sor.u32 s1, s0  }
0xcc: {  	s0 =	sadd.s32 $0x8F2B, s0  }
0xcd: {  	[sflag:s0] =	ssyncadd.remote.s32 $0x1  }
0xce: {  	_ =	sfence.sel $0xFFFF  }
0xcf: {  	[dreg:$0x0] =	wrdreg $0xFFFFFFFF;
	(pc) =	sbr.abs _section_cstart, $3  }
0xd0: {  	[dreg:$0x1] =	wrdreg $0xFFFFFFFF  }
0xd1: {  	_ =	task.clear_ibuf [dreg:s22], $0x2FFFF;
	_ =	strace $0x9FFFFFFF  }
0xd2: {  	(tm) =	ssettm $0x7FFFFFFF  }
0xd3: {  	_ =	shalt  }
tec
execute0_lowered:
.L_overlay_start_1:
0x0: {  	(tag) =	ssettag $0x1  }
0x1: {  	s0 =	rddreg [dreg:$0x0]  }
0x2: {  	s2 =	rddreg [dreg:$0x2]  }
0x3: {  	s1 =	simm.s32 $0x0;
	s3 =	srdreg.scid;
	s10 =	stileid.u32  }
0x4: {  	s28 =	simm.s32 $0x1;
	s29 =	simm.s32 $0x2;
	s30 =	simm.s32 $0x0  }
0x5: {  	s31 =	simm.s32 $0x0;
	[smem:$0x7FF] =	sst s1;
	s4 =	smul.u32 $0xC800, s10  }
0x6: {  	s5 =	sadd.s32 $0x88800, s0;
	s1 =	sand.u32 $0x1, s3;
	s14 =	smul.u32 $0x5100, s10  }
0x7: {  	s6 =	sadd.s32 $0x10AA00, s0;
	s7 =	sadd.s32 $0x1A400, s0;
	s21 =	smul.u32 $0x2800, s1  }
0x8: {  	s8 =	sadd.s32 $0x6000, s0;
	s0 =	sadd.s32 $0x132A00, s0;
	s19 =	smul.u32 $0xC8000, s1  }
0x9: {  	_ =	strace $0x80000050;
	s3 =	ssub.s32 $0x2, s1;
	s1 =	smul.u32 $0x51000, s1  }
0xa: {  	s9 =	sshrl.u32 s3, $0x1;
	s15 =	sadd.s32 $0x2800, s4;
	s17 =	sadd.s32 $0x5000, s4  }
0xb: {  	s18 =	sadd.s32 $0x7800, s4;
	s20 =	sadd.s32 $0xA000, s4;
	s3 =	ssub.s32 s3, s9  }
0xc: {  	s9 =	sadd.s32 s4, s2;
	s10 =	sadd.s32 s15, s2;
	s11 =	sadd.s32 s17, s2  }
0xd: {  	s12 =	sadd.s32 s18, s2;
	s13 =	sadd.s32 s20, s2;
	s4 =	sadd.s32 s4, s19  }
0xe: {  	s15 =	sadd.s32 s19, s15;
	s14 =	sadd.s32 s14, s1;
	s22 =	sadd.s32 s19, s17  }
0xf: {  	s23 =	sadd.s32 s19, s18;
	s24 =	sadd.s32 s19, s20;
	s4 =	sshrl.u32 s4, $0x3  }
0x10: {  	s16 =	sshrl.u32 s15, $0x3;
	s1 =	sshrl.u32 s22, $0x3;
	s25 =	sshrl.u32 s23, $0x3  }
0x11: {  	s26 =	sshrl.u32 s24, $0x3;
	s20 =	smax.u32 s3, $0x1;
	s22 =	simm.s32 $0x3  }
0x12: {  	s23 =	simm.s32 $0x4100;
	s24 =	simm.s32 $0x80;
	s15 =	sadd.s32 s0, s4  }
0x13: {  	v1 =	vimm.f32 $0.0e+00;
	vm0 =	vmmov $0x1;
	vm1 =	vcmask $0x310;
	s16 =	sadd.s32 s0, s16;
	s17 =	sadd.s32 s0, s1;
	s18 =	sadd.s32 s0, s25  }
0x14: {  	vm2 =	vcmask $0x710;
	vm3 =	vcmask $0xB10;
	v0 =	vmov s21;
	s19 =	sadd.s32 s0, s26;
	s25 =	simm.s32 $0x100;
	s26 =	simm.s32 $0x2100  }
.LBB2_1:
0x15: {  	s0 =	rddreg [dreg:$0x1];
	s1 =	simm.s32 $0x0;
	s3 =	simm.s32 $0x6900  }
0x16: {  	[tilespmem:s3], [sflag:$0x3] =	stream.linear.gather [hbm4b:s0+s1], $0x40, $0x38;
	[tilespmem:$0x13140] =	vst v63  }
0x17: {  	_ =	swait.ge [sflag:s22], $0x40  }
0x18: {  	[sflag:s22] =	ssyncset.done $0x0  }
0x19: {  	s1 =	simm.s32 $0x140;
	s0 =	simm.s32 $0x0;
	[sflag:s22] =	ssyncadd.s32 $0xFFFFFFC0  }
.LBB2_2:
0x1a: {  	p0 =	sne.s32 s1, $0x9EC0;
	[tilespmem:s0+$0x4140] =	vst v1;
	s3 =	smov.u32 s1;
	s1 =	sadd.s32 $0x140, s1  }
.Ltmp0:
0x1b: {  	[tilespmem:s0+$0x4130] =	vst v1;
	(pc) =	sbr.rel @p0 .LBB2_2-.Ltmp0, $4  }
0x1c: {  	[tilespmem:s0+$0x4120] =	vst v1  }
0x1d: {  	[tilespmem:s0+$0x4100] =	vst v1  }
0x1e: {  	[tilespmem:s0+$0x4110] =	vst v1  }
0x1f: {  	s0 =	sshra.s32 s3, $0x2  }
0x20: {  	[tilespmem:s0+$0x4140] =	vst v1  }
0x21: {  	[tilespmem:s0+$0x4130] =	vst v1  }
0x22: {  	[tilespmem:s0+$0x4120] =	vst v1  }
0x23: {  	[tilespmem:s0+$0x4100] =	vst v1  }
0x24: {  	[tilespmem:s0+$0x4110] =	vst v1  }
0x25: {  	[spmem:s9] =	stream.linear.scatter [tilespmem:s23], [sflag:$0x3], $0x2800, $0x38;
	[tilespmem:$0x13140] =	vst v63  }
0x26: {  	_ =	swait.ge [sflag:s22], $0x2800  }
0x27: {  	[sflag:s22] =	ssyncset.done $0x0  }
0x28: {  	[sflag:s22] =	ssyncadd.s32 $0xFFFFD800  }
0x29: {  	[spmem:s10] =	stream.linear.scatter [tilespmem:s23], [sflag:$0x3], $0x2800, $0x38;
	[tilespmem:$0x13140] =	vst v63  }
0x2a: {  	_ =	swait.ge [sflag:s22], $0x2800  }
0x2b: {  	[sflag:s22] =	ssyncset.done $0x0  }
0x2c: {  	[sflag:s22] =	ssyncadd.s32 $0xFFFFD800  }
0x2d: {  	[spmem:s11] =	stream.linear.scatter [tilespmem:s23], [sflag:$0x3], $0x2800, $0x38;
	[tilespmem:$0x13140] =	vst v63  }
0x2e: {  	_ =	swait.ge [sflag:s22], $0x2800  }
0x2f: {  	[sflag:s22] =	ssyncset.done $0x0  }
0x30: {  	[sflag:s22] =	ssyncadd.s32 $0xFFFFD800  }
0x31: {  	[spmem:s12] =	stream.linear.scatter [tilespmem:s23], [sflag:$0x3], $0x2800, $0x38;
	[tilespmem:$0x13140] =	vst v63  }
0x32: {  	_ =	swait.ge [sflag:s22], $0x2800  }
0x33: {  	[sflag:s22] =	ssyncset.done $0x0  }
0x34: {  	[sflag:s22] =	ssyncadd.s32 $0xFFFFD800  }
0x35: {  	[spmem:s13] =	stream.linear.scatter [tilespmem:s23], [sflag:$0x3], $0x2800, $0x38;
	[tilespmem:$0x13140] =	vst v63  }
0x36: {  	_ =	swait.ge [sflag:s22], $0x2800  }
0x37: {  	[sflag:s22] =	ssyncset.done $0x0  }
0x38: {  	[sflag:s22] =	ssyncadd.s32 $0xFFFFD800  }
0x39: {  	s0 =	simm.s32 $0x0;
	[bflag:$0x0] =	sbarrier.arrive $0xFFFF  }
.LBB2_4:
0x3a: {  	s1 =	sshll.u32 s0, $0x7  }
0x3b: {  	s1 =	sadd.s32 s1, s14  }
0x3c: {  	s1 =	sshrl.u32 s1, $0x3  }
0x3d: {  	s3 =	sadd.s32 s7, s1  }
0x3e: {  	[tilespmem:s31], [sflag:$0x3] =	stream.linear.gather [hbm4b:s3+s31], $0x80, $0x38;
	[tilespmem:$0x13140] =	vst v63  }
0x3f: {  	_ =	swait.ge [sflag:s22], $0x80  }
0x40: {  	[sflag:s22] =	ssyncset.done $0x0  }
0x41: {  	s1 =	sadd.s32 s8, s1;
	[sflag:s22] =	ssyncadd.s32 $0xFFFFFF80  }
0x42: {  	[tilespmem:s24], [sflag:$0x3] =	stream.linear.gather [hbm4b:s1+s31], $0x80, $0x38;
	[tilespmem:$0x13140] =	vst v63  }
0x43: {  	_ =	swait.ge [sflag:s22], $0x80  }
0x44: {  	[sflag:s22] =	ssyncset.done $0x0  }
0x45: {  	[sflag:s22] =	ssyncadd.s32 $0xFFFFFF80  }
0x46: {  	[tilespmem:s25], [sflag:$0x1] =	stream.indirect.gather [hbm4b:s5+s24], $0x40, s31, s24, $0xb8;
	[tilespmem:$0x13140] =	vst v63  }
0x47: {  	_ = 	snop  }
0x48: {  	[tilespmem:s26], [sflag:$0x2] =	stream.indirect.gather [hbm4b:s6+s24], $0x40, s24, s24, $0xb8;
	[tilespmem:$0x13140] =	vst v63  }
0x49: {  	_ =	swait.ge [sflag:s28], $0x2000  }
0x4a: {  	[sflag:s28] =	ssyncset.done $0x0  }
0x4b: {  	[sflag:s28] =	ssyncadd.s32 $0xFFFFE000  }
0x4c: {  	_ =	swait.ge [sflag:s29], $0x2000  }
0x4d: {  	[sflag:s29] =	ssyncset.done $0x0  }
0x4e: {  	s21 =	simm.s32 $0x0;
	[sflag:s29] =	ssyncadd.s32 $0xFFFFE000  }
0x4f: {  	v2 =	vld [tilespmem:s21+$0x100]  }
0x50: {  	v3 =	vld [tilespmem:s21+$0x2100];
	_ =	sdelay $0x4  }
0x51: {  	v4 =	vld [tilespmem:$0x6900];
	v3 =	vadd.f32 v3, v2;
	_ =	sdelay $0x1  }
0x52: {  	v5 =	vmul.f32 $2.000000030e-01, v3  }
0x53: {  	vm4 =	vgt.f32 v3, $0.0e+00  }
0x54: {  	v3 =	vsel vm4, v3, v5  }
0x55: {  	v3 =	vmul.f32 v3, v4;
	_ =	sdelay $0x1  }
0x56: {  	(xrf2) =	vadd.scan.msk.f32 $0xffff, v3;
	_ =	sdelay $0x9  }
0x57: {  	v3, _, _ =	vpop (xrf2)  }
0x58: {  	v3 =	vmul.f32 $1.442695020e+00, v3;
	_ =	sdelay $0x1  }
0x59: {  	v3 =	vbroadcast v3, $0xF;
	_ =	sdelay $0x1  }
0x5a: {  	(erf) = vpow2.f32 v3;
	_ =	sdelay $0x8  }
0x5b: {  	v4 =	vpop (erf)  }
0x5c: {  	v2 =	vmul.f32 v4, v2  }
0x5d: {  	s1 =	simm.s32 $0x4120  }
0x5e: {  	[tilespmem:s1+$0xFFFFFFE0] =	vst v2  }
0x5f: {  	v2 =	vld [tilespmem:s21+$0x110]  }
0x60: {  	v3 =	vld [tilespmem:s21+$0x2110];
	_ =	sdelay $0x4  }
0x61: {  	v5 =	vld [tilespmem:$0x6910];
	v3 =	vadd.f32 v3, v2;
	_ =	sdelay $0x1  }
0x62: {  	v6 =	vmul.f32 $2.000000030e-01, v3  }
0x63: {  	vm4 =	vgt.f32 v3, $0.0e+00  }
0x64: {  	v3 =	vsel vm4, v3, v6  }
0x65: {  	v3 =	vmul.f32 v3, v5;
	_ =	sdelay $0x1  }
0x66: {  	(xrf2) =	vadd.scan.msk.f32 $0xffff, v3;
	_ =	sdelay $0x9  }
0x67: {  	v3, _, _ =	vpop (xrf2)  }
0x68: {  	v3 =	vmul.f32 $1.442695020e+00, v3;
	_ =	sdelay $0x1  }
0x69: {  	v3 =	vbroadcast v3, $0xF;
	_ =	sdelay $0x1  }
0x6a: {  	(erf) = vpow2.f32 v3;
	_ =	sdelay $0x8  }
0x6b: {  	v5 =	vpop (erf)  }
0x6c: {  	v2 =	vmul.f32 v5, v2;
	_ =	sdelay $0x1  }
0x6d: {  	[tilespmem:s1+$0xFFFFFFF0] =	vst v2  }
0x6e: {  	v2 =	vld [tilespmem:s21+$0x120]  }
0x6f: {  	v3 =	vld [tilespmem:s21+$0x2120];
	_ =	sdelay $0x4  }
0x70: {  	v61 =	vld [tilespmem:$0x6920];
	v3 =	vadd.f32 v3, v2;
	_ =	sdelay $0x1  }
0x71: {  	v7 =	vmul.f32 $2.000000030e-01, v3  }
0x72: {  	vm4 =	vgt.f32 v3, $0.0e+00  }
0x73: {  	v3 =	vsel vm4, v3, v7  }
0x74: {  	v3 =	vmul.f32 v3, v61;
	_ =	sdelay $0x1  }
0x75: {  	(xrf2) =	vadd.scan.msk.f32 $0xffff, v3;
	_ =	sdelay $0x9  }
0x76: {  	v3, _, _ =	vpop (xrf2)  }
0x77: {  	v3 =	vmul.f32 $1.442695020e+00, v3;
	_ =	sdelay $0x1  }
0x78: {  	v3 =	vbroadcast v3, $0xF;
	_ =	sdelay $0x1  }
0x79: {  	(erf) = vpow2.f32 v3;
	_ =	sdelay $0x8  }
0x7a: {  	v62 =	vpop (erf)  }
0x7b: {  	v2 =	vmul.f32 v62, v2;
	_ =	sdelay $0x1  }
0x7c: {  	[tilespmem:s1+$0x0] =	vst v2  }
0x7d: {  	v3 =	vld [tilespmem:s21+$0x130]  }
0x7e: {  	v2 =	vld [tilespmem:s21+$0x2130];
	_ =	sdelay $0x4  }
0x7f: {  	v63 =	vld [tilespmem:$0x6930];
	v2 =	vadd.f32 v2, v3;
	_ =	sdelay $0x1  }
0x80: {  	v8 =	vmul.f32 $2.000000030e-01, v2  }
0x81: {  	vm4 =	vgt.f32 v2, $0.0e+00  }
0x82: {  	v2 =	vsel vm4, v2, v8  }
0x83: {  	v2 =	vmul.f32 v2, v63;
	_ =	sdelay $0x1  }
0x84: {  	(xrf2) =	vadd.scan.msk.f32 $0xffff, v2;
	_ =	sdelay $0x9  }
0x85: {  	v2, _, _ =	vpop (xrf2)  }
0x86: {  	v2 =	vmul.f32 $1.442695020e+00, v2;
	_ =	sdelay $0x1  }
0x87: {  	v2 =	vbroadcast v2, $0xF;
	_ =	sdelay $0x1  }
0x88: {  	(erf) = vpow2.f32 v2;
	_ =	sdelay $0x3  }
0x89: {  	v4 =	vnsel vm0, $0x0, v4  }
0x8a: {  	v4 =	vsel vm1, v4, v5  }
0x8b: {  	s3 =	simm.s32 $0x4120;
	s21 =	simm.s32 $0x100;
	v2 =	vsel vm2, v4, v62  }
.LBB2_5:
0x8c: {  	p0 =	sne.s32 s21, $0x7F00  }
0x8d: {  	s1 =	sadd.s32 $0x50, s1;
	s4 =	smov.u32 s21;
	s21 =	sadd.s32 $0x100, s21  }
0x8e: {  	v4 =	vpop (erf)  }
0x8f: {  	v3 =	vmul.f32 v4, v3;
	v2 =	vsel vm3, v2, v4  }
0x90: {  	[tilespmem:s3+$0x20] =	vst v2  }
0x91: {  	s4 =	sshra.s32 s4, $0x2;
	[tilespmem:s3+$0x10] =	vst v3;
	s3 =	smov.u32 s1  }
0x92: {  	v3 =	vld [tilespmem:s4+$0x100]  }
0x93: {  	v2 =	vld [tilespmem:s4+$0x2100];
	_ =	sdelay $0x3  }
0x94: {  	v4 =	vld [tilespmem:$0x6900]  }
0x95: {  	v2 =	vadd.f32 v2, v3;
	_ =	sdelay $0x1  }
0x96: {  	vm4 =	vgt.f32 v2, $0.0e+00;
	v5 =	vmul.f32 $2.000000030e-01, v2;
	_ =	sdelay $0x1  }
0x97: {  	v2 =	vsel vm4, v2, v5  }
0x98: {  	v2 =	vmul.f32 v2, v4;
	_ =	sdelay $0x1  }
0x99: {  	(xrf2) =	vadd.scan.msk.f32 $0xffff, v2;
	_ =	sdelay $0x9  }
0x9a: {  	v2, _, _ =	vpop (xrf2)  }
0x9b: {  	v2 =	vmul.f32 $1.442695020e+00, v2;
	_ =	sdelay $0x1  }
0x9c: {  	v2 =	vbroadcast v2, $0xF;
	_ =	sdelay $0x1  }
0x9d: {  	(erf) = vpow2.f32 v2;
	_ =	sdelay $0x8  }
0x9e: {  	v2 =	vpop (erf)  }
0x9f: {  	v3 =	vmul.f32 v2, v3;
	_ =	sdelay $0x1  }
0xa0: {  	[tilespmem:s1+$0xFFFFFFE0] =	vst v3  }
0xa1: {  	v3 =	vld [tilespmem:s4+$0x110]  }
0xa2: {  	v4 =	vld [tilespmem:s4+$0x2110];
	_ =	sdelay $0x2  }
0xa3: {  	v5 =	vld [tilespmem:$0x6910];
	_ =	sdelay $0x1  }
0xa4: {  	v4 =	vadd.f32 v4, v3;
	_ =	sdelay $0x1  }
0xa5: {  	vm4 =	vgt.f32 v4, $0.0e+00;
	v6 =	vmul.f32 $2.000000030e-01, v4;
	_ =	sdelay $0x1  }
0xa6: {  	v4 =	vsel vm4, v4, v6  }
0xa7: {  	v4 =	vmul.f32 v4, v5;
	_ =	sdelay $0x1  }
0xa8: {  	(xrf2) =	vadd.scan.msk.f32 $0xffff, v4;
	_ =	sdelay $0x9  }
0xa9: {  	v4, _, _ =	vpop (xrf2)  }
0xaa: {  	v4 =	vmul.f32 $1.442695020e+00, v4;
	_ =	sdelay $0x1  }
0xab: {  	v4 =	vbroadcast v4, $0xF;
	_ =	sdelay $0x1  }
0xac: {  	(erf) = vpow2.f32 v4;
	_ =	sdelay $0x8  }
0xad: {  	v4 =	vpop (erf)  }
0xae: {  	v3 =	vmul.f32 v4, v3;
	_ =	sdelay $0x1  }
0xaf: {  	[tilespmem:s1+$0xFFFFFFF0] =	vst v3  }
0xb0: {  	v3 =	vld [tilespmem:s4+$0x120]  }
0xb1: {  	v5 =	vld [tilespmem:s4+$0x2120];
	_ =	sdelay $0x1  }
0xb2: {  	v6 =	vld [tilespmem:$0x6920];
	_ =	sdelay $0x2  }
0xb3: {  	v5 =	vadd.f32 v5, v3;
	_ =	sdelay $0x1  }
0xb4: {  	vm4 =	vgt.f32 v5, $0.0e+00;
	v7 =	vmul.f32 $2.000000030e-01, v5;
	_ =	sdelay $0x1  }
0xb5: {  	v5 =	vsel vm4, v5, v7  }
0xb6: {  	v5 =	vmul.f32 v5, v6;
	_ =	sdelay $0x1  }
0xb7: {  	(xrf2) =	vadd.scan.msk.f32 $0xffff, v5;
	_ =	sdelay $0x9  }
0xb8: {  	v5, _, _ =	vpop (xrf2)  }
0xb9: {  	v5 =	vmul.f32 $1.442695020e+00, v5;
	_ =	sdelay $0x1  }
0xba: {  	v5 =	vbroadcast v5, $0xF;
	_ =	sdelay $0x1  }
0xbb: {  	(erf) = vpow2.f32 v5;
	_ =	sdelay $0x8  }
0xbc: {  	v5 =	vpop (erf)  }
0xbd: {  	v3 =	vmul.f32 v5, v3;
	_ =	sdelay $0x1  }
0xbe: {  	[tilespmem:s1+$0x0] =	vst v3  }
0xbf: {  	v3 =	vld [tilespmem:s4+$0x130]  }
0xc0: {  	v6 =	vld [tilespmem:s4+$0x2130]  }
0xc1: {  	v7 =	vld [tilespmem:$0x6930];
	_ =	sdelay $0x3  }
0xc2: {  	v6 =	vadd.f32 v6, v3;
	_ =	sdelay $0x1  }
0xc3: {  	vm4 =	vgt.f32 v6, $0.0e+00;
	v8 =	vmul.f32 $2.000000030e-01, v6;
	_ =	sdelay $0x1  }
0xc4: {  	v6 =	vsel vm4, v6, v8  }
0xc5: {  	v6 =	vmul.f32 v6, v7;
	_ =	sdelay $0x1  }
0xc6: {  	(xrf2) =	vadd.scan.msk.f32 $0xffff, v6;
	_ =	sdelay $0x9  }
0xc7: {  	v6, _, _ =	vpop (xrf2)  }
0xc8: {  	v6 =	vmul.f32 $1.442695020e+00, v6;
	_ =	sdelay $0x1  }
0xc9: {  	v6 =	vbroadcast v6, $0xF;
	_ =	sdelay $0x1  }
0xca: {  	(erf) = vpow2.f32 v6;
	_ =	sdelay $0x1  }
.Ltmp1:
0xcb: {  	(pc) =	sbr.rel @p0 .LBB2_5-.Ltmp1, $4  }
0xcc: {  	_ = 	snop  }
0xcd: {  	v2 =	vnsel vm0, $0x0, v2  }
0xce: {  	v2 =	vsel vm1, v2, v4  }
0xcf: {  	v2 =	vsel vm2, v2, v5  }
0xd0: {  	_ =	sdelay $0x1  }
0xd1: {  	v4 =	vpop (erf)  }
0xd2: {  	v3 =	vmul.f32 v4, v3;
	v2 =	vsel vm3, v2, v4  }
0xd3: {  	[tilespmem:s3+$0x20] =	vst v2  }
0xd4: {  	[tilespmem:s3+$0x10] =	vst v3  }
0xd5: {  	v2 =	vld [tilespmem:$0x80]  }
0xd6: {  	v3 =	vld [tilespmem:$0x90]  }
0xd7: {  	v62 =	vld [tilespmem:$0xA0]  }
0xd8: {  	v5 =	vld [tilespmem:$0xB0]  }
0xd9: {  	v6 =	vld [tilespmem:$0xC0]  }
0xda: {  	v7 =	vld [tilespmem:$0xD0];
	v2 =	vsub.s32 v2, v0  }
0xdb: {  	[tilespmem:$0x80] =	vst v2;
	v2 =	vsub.s32 v3, v0;
	v3 =	vld [tilespmem:$0xE0]  }
0xdc: {  	v63 =	vld [tilespmem:$0xF0];
	[tilespmem:$0x90] =	vst v2;
	v2 =	vsub.s32 v62, v0  }
0xdd: {  	[tilespmem:$0xA0] =	vst v2;
	v2 =	vsub.s32 v5, v0  }
0xde: {  	[tilespmem:$0xB0] =	vst v2;
	v2 =	vsub.s32 v6, v0  }
0xdf: {  	[tilespmem:$0xC0] =	vst v2;
	v2 =	vsub.s32 v7, v0  }
0xe0: {  	s0 =	sadd.s32 $0x1, s0;
	[tilespmem:$0xD0] =	vst v2;
	v2 =	vsub.s32 v3, v0  }
0xe1: {  	p0 =	sne.s32 s0, $0xA2;
	[tilespmem:$0xE0] =	vst v2;
	v2 =	vsub.s32 v63, v0  }
.Ltmp2:
0xe2: {  	[tilespmem:$0xF0] =	vst v2;
	(pc) =	sbr.rel @p0 .LBB2_4-.Ltmp2, $4  }
0xe3: {  	[spmem:s2] =	stream.indirect.scatter.add.f32 [tilespmem:s23], [sflag:$0x3], $0x50, s24, s24, $0xb8;
	[tilespmem:$0x13140] =	vst v63  }
0xe4: {  	_ =	swait.ge [sflag:s22], $0x2800  }
0xe5: {  	[sflag:s22] =	ssyncset.done $0x0  }
0xe6: {  	[sflag:s22] =	ssyncadd.s32 $0xFFFFD800  }
0xe7: {  	s0 =	stileid.u32  }
0xe8: {  	s0 =	sshll.u32 s0, $0x6  }
0xe9: {  	[bflag:$0x0] =	sbarrier.arrive $0xFFFF;
	s1 =	sshrl.u32 s9, $0x3;
	s0 =	sor.u32 $0x1C03, s0  }
0xea: {  	[hbm:s15], [sflag:s0] =	dma.local [spmem:s1], $0x500  }
0xeb: {  	_ =	swait.ge [sflag:s22], $0x500  }
0xec: {  	[sflag:s22] =	ssyncset.done $0x0  }
0xed: {  	s21 =	sshrl.u32 s10, $0x3;
	[sflag:s22] =	ssyncadd.s32 $0xFFFFFB00  }
0xee: {  	[hbm:s16], [sflag:s0] =	dma.local [spmem:s21], $0x500  }
0xef: {  	_ =	swait.ge [sflag:s22], $0x500  }
0xf0: {  	[sflag:s22] =	ssyncset.done $0x0  }
0xf1: {  	s3 =	sshrl.u32 s11, $0x3;
	[sflag:s22] =	ssyncadd.s32 $0xFFFFFB00  }
0xf2: {  	[hbm:s17], [sflag:s0] =	dma.local [spmem:s3], $0x500  }
0xf3: {  	_ =	swait.ge [sflag:s22], $0x500  }
0xf4: {  	[sflag:s22] =	ssyncset.done $0x0  }
0xf5: {  	s4 =	sshrl.u32 s12, $0x3;
	[sflag:s22] =	ssyncadd.s32 $0xFFFFFB00  }
0xf6: {  	[hbm:s18], [sflag:s0] =	dma.local [spmem:s4], $0x500  }
0xf7: {  	s30 =	sadd.s32 $0x1, s30;
	_ =	swait.ge [sflag:s22], $0x500  }
0xf8: {  	p0 =	sne.s32 s30, s20;
	[sflag:s22] =	ssyncset.done $0x0  }
.Ltmp3:
0xf9: {  	s21 =	sshrl.u32 s13, $0x3;
	[sflag:s22] =	ssyncadd.s32 $0xFFFFFB00;
	(pc) =	sbr.rel @p0 .LBB2_1-.Ltmp3, $4  }
0xfa: {  	[hbm:s19], [sflag:s0] =	dma.local [spmem:s21], $0x500  }
0xfb: {  	_ =	swait.ge [sflag:s22], $0x500  }
0xfc: {  	[sflag:s22] =	ssyncset.done $0x0  }
0xfd: {  	[sflag:s22] =	ssyncadd.s32 $0xFFFFFB00  }
0xfe: {  	_ =	sfence.sel $0x180000  }
0xff: {  	[bflag:$0x0] =	sbarrier.arrive $0xFFFF  }
0x100: {  	_ =	strace $0x90000050  }
0x101: {  	s0 =	stileid.u32;
	[bflag:$0x2] =	sbarrier.arrive $0xFFFF  }
0x102: {  	p0 =	sne.s32 s0, $0x0;
	s0 =	rddreg [dreg:$0x3]  }
0x103: {  	s0 =	sadd.s32 @!p0 $0x100000, s0  }
0x104: {  	[sflag:s0] =	ssyncadd.tile.s32 @!p0 $0x1;
	_ =	shalt  }
.Lfunc_end2:
_tile_overlayer_lowered:
.L_overlay_start_2:
0x105: {  	(tag) =	ssettag $0x2  }
0x106: {  	s0 =	rddreg [dreg:$0x0];
	s2 =	stileid.u32  }
0x107: {  	s1 =	rddreg [dreg:$0x1];
	p0 =	sne.s32 s2, $0x0  }
0x108: {  	s3 =	rddreg [dreg:$0x2];
	[bflag:$0x3] =	sbarrier.arrive $0xFFFF;
	s2 =	simm.s32 @!p0 $0x1C03  }
0x109: {  	[timem:s3], [sflag:s2] =	dma.local @!p0 [hbm:s0], s1  }
0x10a: {  	s0 =	simm.s32 @!p0 $0x3  }
0x10b: {  	_ =	swait.ge @!p0 [sflag:s0], s1  }
0x10c: {  	s1 =	ssub.s32 @!p0 $0x0, s1;
	[sflag:s0] =	ssyncset.done @!p0 $0x0  }
0x10d: {  	[sflag:s0] =	ssyncadd.s32 @!p0 s1  }
0x10e: {  	[bflag:$0x3] =	sbarrier.arrive $0xFFFF  }
0x10f: {  	_ =	shalt  }

// kernel: kernel.22.cloned.1.call-start
scs
__scs_entry_jumppad:
0x0: {  	(pc) =	sbr.rel $0x88, $3  }
0x1: {  	(tag) =	ssettag $0x0;
	lr =	simm.s32 $0x1  }
0x2: {  	[smem:$0x3F84] =	sst lr;
	_ =	strace $0xD0000000  }
0x3: {  	_ = 	snop  }
0x4: {  	_ = 	snop  }
0x5: {  	_ = 	snop  }
0x6: {  	_ = 	snop  }
0x7: {  	_ = 	snop  }
__scs_overlays_trampoline_lowered:
0x8: {  	[smem:$0x3F93] =	sst s0  }
0x9: {  	[smem:$0x3F94] =	sst s1  }
0xa: {  	[smem:$0x3F95] =	sst s2  }
0xb: {  	[smem:$0x3F96] =	sst s3  }
0xc: {  	[smem:$0x3F97] =	sst s4  }
0xd: {  	[smem:$0x3F98] =	sst s5  }
0xe: {  	[smem:$0x3F99] =	sst s6  }
0xf: {  	[smem:$0x3F9A] =	sst s7  }
0x10: {  	[smem:$0x3F9B] =	sst s8  }
0x11: {  	[smem:$0x3F9C] =	sst s9;
	s0 =	simm.s32 @!p0 $0x0  }
0x12: {  	s1 =	sld [smem:$0x3F82];
	s0 =	simm.s32 @p0 $0x1  }
0x13: {  	[smem:$0x3F9D] =	sst s0;
	s0 =	simm.s32 @!p1 $0x0  }
0x14: {  	s2 =	sld [smem:$0x3F81];
	s0 =	simm.s32 @p1 $0x1  }
0x15: {  	[smem:$0x3F9E] =	sst s0;
	s0 =	simm.s32 @!p2 $0x0  }
0x16: {  	s3 =	sld [smem:$0x3FDB];
	s0 =	simm.s32 @p2 $0x1  }
0x17: {  	s4 =	simm.s32 $0x1BF5;
	[smem:$0x3FA0] =	sst s0  }
0x18: {  	s0 =	sld [smem:$0x3F83];
	_ =	swait.ge [sflag:s4], $0x0  }
0x19: {  	s7 =	sld [smem:$0x3F84]  }
0x1a: {  	s8 =	sadd.s32 $0xFFFFE003, lr  }
0x1b: {  	s9 =	sadd.s32 $0xFFFFFEF7, lr;
	s5 =	simm.s32 $0xFFFFFFFF;
	p2 =	slt.u32 s8, $0xFFFFF086  }
0x1c: {  	p1 =	slt.u32 s9, $0xF7A;
	s5 =	simm.s32 @!p2 $0x0  }
0x1d: {  	s5 =	simm.s32 @p1 $0x1;
	p0 =	seq.s32 s7, s2  }
0x1e: {  	s7 =	smul.u32 @!p0 $0xF7A, s2;
	p2 =	seq.s32 @!p0 s5, $0x0  }
0x1f: {  	s9 =	smul.u32 $0xF7A, s1;
	s8 =	simm.s32 @!p0 $0x1BF5;
	p2 =	por !p2, p0  }
0x20: {  	[sflag:s8] =	ssyncset.s32 @!p0 $0xFFFFF086;
	s6 =	sadd.s32 @!p0 s3, s7;
	s7 =	simm.s32 @!p0 $0x108  }
0x21: {  	s3 =	sadd.s32 s3, s9;
	s6 =	sadd.s32 @!p0 $0x88, s6;
	s7 =	simm.s32 @p2 $0x1082  }
0x22: {  	[simem:s7], [sflag:s8] =	dma.local @!p0 [hbm:s6], $0xF7A  }
0x23: {  	s9 =	sor.u32 $0xD0000000, s2;
	s6 =	simm.s32 $0x108;
	_ =	swait.ge @!p0 [sflag:s8], $0x0  }
0x24: {  	s3 =	sadd.s32 $0x88, s3;
	s6 =	simm.s32 @!p1 $0x1082;
	[sflag:s4] =	ssyncset.s32 $0xFFFFF086  }
0x25: {  	[simem:s6], [sflag:s4] =	dma.local [hbm:s3], $0xF7A  }
0x26: {  	[smem:$0x3F84] =	sst s1;
	(tag) =	ssettag s2;
	_ =	strace s9  }
0x27: {  	s1 =	sld [smem:$0x3F94]  }
0x28: {  	s2 =	sld [smem:$0x3F95]  }
0x29: {  	s4 =	sld [smem:$0x3F97]  }
0x2a: {  	p0 =	seq.s32 s5, $0x0;
	s5 =	sld [smem:$0x3F98]  }
0x2b: {  	s6 =	sld [smem:$0x3F99]  }
0x2c: {  	s7 =	sld [smem:$0x3F9A]  }
0x2d: {  	s3 =	simm.s32 $0x108;
	s8 =	sld [smem:$0x3F9B]  }
0x2e: {  	s3 =	simm.s32 @!p0 $0x1082;
	s9 =	sld [smem:$0x3F9C]  }
0x2f: {  	lr =	sadd.s32 s0, s3;
	s0 =	sld [smem:$0x3F93]  }
0x30: {  	s3 =	sld [smem:$0x3F96]  }
0x31: {  	[smem:$0x3F9F] =	sst s10  }
0x32: {  	s10 =	sld [smem:$0x3F9D];
	_ =	sdelay $0x3  }
0x33: {  	p0 =	seq.s32 s10, $0x1;
	s10 =	sld [smem:$0x3F9F];
	_ =	sdelay $0x3  }
0x34: {  	[smem:$0x3F9F] =	sst s10  }
0x35: {  	s10 =	sld [smem:$0x3F9E];
	_ =	sdelay $0x3  }
0x36: {  	p1 =	seq.s32 s10, $0x1;
	s10 =	sld [smem:$0x3F9F];
	_ =	sdelay $0x3  }
0x37: {  	[smem:$0x3F9F] =	sst s10  }
0x38: {  	s10 =	sld [smem:$0x3FA0]  }
0x39: {  	_ = 	snop;
	(pc) =	sbr.ind lr, $3  }
0x3a: {  	_ = 	snop  }
0x3b: {  	_ = 	snop  }
0x3c: {  	p2 =	seq.s32 s10, $0x1;
	s10 =	sld [smem:$0x3F9F]  }
0x3d: {  	_ =	shalt  }
0x3e: {  	_ =	shalt  }
0x3f: {  	_ =	shalt  }
0x40: {  	_ =	shalt  }
0x41: {  	_ =	shalt  }
0x42: {  	_ =	shalt  }
0x43: {  	_ =	shalt  }
0x44: {  	_ =	shalt  }
0x45: {  	_ =	shalt  }
0x46: {  	_ =	shalt  }
0x47: {  	_ =	shalt  }
0x48: {  	_ =	shalt  }
0x49: {  	_ =	shalt  }
0x4a: {  	_ =	shalt  }
0x4b: {  	_ =	shalt  }
0x4c: {  	_ =	shalt  }
0x4d: {  	_ =	shalt  }
0x4e: {  	_ =	shalt  }
0x4f: {  	_ =	shalt  }
0x50: {  	_ =	shalt  }
0x51: {  	_ =	shalt  }
0x52: {  	_ =	shalt  }
0x53: {  	_ =	shalt  }
0x54: {  	_ =	shalt  }
0x55: {  	_ =	shalt  }
0x56: {  	_ =	shalt  }
0x57: {  	_ =	shalt  }
0x58: {  	_ =	shalt  }
0x59: {  	_ =	shalt  }
0x5a: {  	_ =	shalt  }
0x5b: {  	_ =	shalt  }
0x5c: {  	_ =	shalt  }
0x5d: {  	_ =	shalt  }
0x5e: {  	_ =	shalt  }
0x5f: {  	_ =	shalt  }
0x60: {  	_ =	shalt  }
0x61: {  	_ =	shalt  }
0x62: {  	_ =	shalt  }
0x63: {  	_ =	shalt  }
0x64: {  	_ =	shalt  }
0x65: {  	_ =	shalt  }
0x66: {  	_ =	shalt  }
0x67: {  	_ =	shalt  }
0x68: {  	_ =	shalt  }
0x69: {  	_ =	shalt  }
0x6a: {  	_ =	shalt  }
0x6b: {  	_ =	shalt  }
0x6c: {  	_ =	shalt  }
0x6d: {  	_ =	shalt  }
0x6e: {  	_ =	shalt  }
0x6f: {  	_ =	shalt  }
0x70: {  	_ =	shalt  }
0x71: {  	_ =	shalt  }
0x72: {  	_ =	shalt  }
0x73: {  	_ =	shalt  }
0x74: {  	_ =	shalt  }
0x75: {  	_ =	shalt  }
0x76: {  	_ =	shalt  }
0x77: {  	_ =	shalt  }
0x78: {  	_ =	shalt  }
0x79: {  	_ =	shalt  }
0x7a: {  	_ =	shalt  }
0x7b: {  	_ =	shalt  }
0x7c: {  	_ =	shalt  }
0x7d: {  	_ =	shalt  }
0x7e: {  	_ =	shalt  }
0x7f: {  	_ =	shalt  }
0x80: {  	_ =	shalt  }
0x81: {  	_ =	shalt  }
0x82: {  	_ =	shalt  }
0x83: {  	_ =	shalt  }
0x84: {  	_ =	shalt  }
0x85: {  	_ =	shalt  }
0x86: {  	_ =	shalt  }
0x87: {  	_ =	shalt  }
.Lfunc_end0:
.L_simem_size_0:
called_computation.3_lowered:
.L_overlay_start_0:
0x88: {  	s2 =	sld [smem:$0x3FD9]  }
0x89: {  	s3 =	sld [smem:$0x3FFE];
	_ =	sdelay $0x1  }
0x8a: {  	s1 =	srdreg.scid  }
0x8b: {  	s0 =	sand.u32 $0x1, s1  }
0x8c: {  	s16 =	sshll.u32 s0, $0xA;
	s2 =	sadd.s32 s3, s2  }
0x8d: {  	s2 =	sadd.s32 s2, s16  }
0x8e: {  	[smem:$0x3FAB] =	sst s2  }
0x8f: {  	_ = 	snop  }
0x90: {  	(tm) =	ssettm $0x1  }
0x91: {  	s17 =	sld [smem:$0x3FFB];
	_ =	sdelay $0x3  }
0x92: {  	_ =	strace s17  }
0x93: {  	s2 =	sld [smem:$0x3FFC];
	_ =	sdelay $0x3  }
0x94: {  	_ =	strace s2  }
0x95: {  	s2 =	sld [smem:$0x3FFD];
	_ =	sdelay $0x3  }
0x96: {  	_ =	strace s2  }
0x97: {  	_ =	strace $0x8FFFFFFF  }
0x98: {  	s18 =	sld [smem:$0x3FDB];
	_ =	sdelay $0x1  }
0x99: {  	s19 =	simm.s32 $_scs_section_size  }
0x9a: {  	s4 =	simm.s32 $_size__tile_overlayer_lowered;
	s5 =	simm.s32 $_tile_overlayer_lowered  }
0x9b: {  	s22 =	simm.s32 $0x1BFF;
	s21 =	sshll.u32 s5, $0x1;
	s2 =	sadd.s32 s19, s18  }
0x9c: {  	s6 =	simm.s32 $0x0;
	s20 =	sshll.u32 s4, $0x1;
	s4 =	sadd.s32 s21, s2  }
0x9d: {  	[timem:s6], [sflag:s22] =	dma.local [hbm:s4], s20  }
0x9e: {  	_ =	swait.ge [sflag:s22], s20  }
0x9f: {  	s3 =	ssub.s32 $0x0, s20;
	[sflag:s22] =	ssyncset.done $0x0  }
0xa0: {  	[sflag:s22] =	ssyncadd.s32 s3;
	_ =	sdelay $0x1  }
0xa1: {  	s23 =	simm.s32 $0x1B8B  }
0xa2: {  	_ =	swait.ge [sflag:s23], $0x1  }
0xa3: {  	[sflag:s23] =	ssyncset.done $0x0  }
0xa4: {  	s25 =	simm.s32 $0x1B8E;
	s24 =	sld [smem:$0x3FFE];
	[sflag:s23] =	ssyncadd.s32 $0xFFFFFFFF  }
0xa5: {  	s26 =	simm.s32 $execute0_lowered;
	[smem:$0x3FD2] =	sst s25  }
0xa6: {  	s4 =	sshll.u32 s26, $0x1;
	_ =	strace $0x8000004C;
	[dreg:$0x1] =	wrdreg $0xFFFFFFFF  }
0xa7: {  	s28 =	simm.s32 $_size_execute0_lowered;
	s2 =	sadd.s32 s2, s4;
	[dreg:$0x0] =	wrdreg $0x0  }
0xa8: {  	s4 =	sshll.u32 s28, $0x1;
	[dreg:$0x2] =	wrdreg s2  }
0xa9: {  	[dreg:$0x3] =	wrdreg s4  }
0xaa: {  	[dreg:$0x4] =	wrdreg $0xC0  }
0xab: {  	_ =	task [dreg:s6], $0x5FFFF  }
0xac: {  	[dreg:$0x1] =	wrdreg $0xFFFFFFFF  }
0xad: {  	[dreg:$0x0] =	wrdreg $0x60  }
0xae: {  	[dreg:$0x2] =	wrdreg s24  }
0xaf: {  	[dreg:$0x3] =	wrdreg $0x69400  }
0xb0: {  	[dreg:$0x4] =	wrdreg $0xA  }
0xb1: {  	_ =	task.clear_ibuf [dreg:s6], $0x5FFFF;
	_ =	strace $0x9000004C  }
0xb2: {  	s29 =	simm.s32 $0xA;
	_ =	strace $0x8000004E  }
0xb3: {  	_ =	swait.ge [sflag:s29], $0x1  }
0xb4: {  	[sflag:s29] =	ssyncadd.s32 $0xFFFFFFFF  }
0xb5: {  	_ =	strace $0x9000004E  }
0xb6: {  	_ =	sfence  }
0xb7: {  	s30 =	sld [smem:$0x0];
	_ =	sdelay $0x2  }
0xb8: {  	s31 =	sshll.u32 s1, $0xD;
	s1 =	sshrl.u32 s1, $0x2  }
0xb9: {  	s3 =	sand.u32 $0x4000, s31;
	s1 =	sadd.s32 s1, s30  }
0xba: {  	s0 =	sor.u32 s3, s0;
	s1 =	sshll.u32 s1, $0x11  }
0xbb: {  	s0 =	sor.u32 s1, s0  }
0xbc: {  	s0 =	sadd.s32 $0x8F2B, s0  }
0xbd: {  	[sflag:s0] =	ssyncadd.remote.s32 $0x1  }
0xbe: {  	_ =	sfence.sel $0xFFFF  }
0xbf: {  	[dreg:$0x0] =	wrdreg $0xFFFFFFFF;
	(pc) =	sbr.abs _section_cstart, $3  }
0xc0: {  	[dreg:$0x1] =	wrdreg $0xFFFFFFFF  }
0xc1: {  	_ =	task.clear_ibuf [dreg:s6], $0x2FFFF;
	_ =	strace $0x9FFFFFFF  }
0xc2: {  	(tm) =	ssettm $0x7FFFFFFF  }
0xc3: {  	_ =	shalt  }
tec
execute0_lowered:
.L_overlay_start_1:
0x0: {  	(tag) =	ssettag $0x1  }
0x1: {  	s0 =	rddreg [dreg:$0x0]  }
0x2: {  	s1 =	rddreg [dreg:$0x1];
	s2 =	simm.s32 $0x0;
	s25 =	srdreg.scid  }
0x3: {  	s10 =	stileid.u32;
	s28 =	simm.s32 $0x1;
	s29 =	simm.s32 $0x2  }
0x4: {  	s30 =	simm.s32 $0x0;
	s31 =	simm.s32 $0x0;
	[smem:$0x7FF] =	sst s2  }
0x5: {  	s3 =	sadd.s32 $0xCE800, s0;
	s5 =	sadd.s32 $0x2E800, s0;
	s8 =	smul.u32 $0xC800, s10  }
0x6: {  	s6 =	sadd.s32 $0x1A400, s0;
	s2 =	sand.u32 $0x1, s25;
	s14 =	smul.u32 $0x5100, s10  }
0x7: {  	s7 =	sadd.s32 $0x6000, s0;
	s4 =	sadd.s32 $0x10A800, s0;
	s21 =	smul.u32 $0x2800, s2  }
0x8: {  	s0 =	sadd.s32 $0x56800, s0;
	_ =	strace $0x8000004D;
	s19 =	smul.u32 $0xC8000, s2  }
0x9: {  	[dreg:$0x3] =	wrdreg s4;
	s26 =	ssub.s32 $0x2, s2;
	s2 =	smul.u32 $0x51000, s2  }
0xa: {  	s9 =	sshrl.u32 s26, $0x1;
	s15 =	sadd.s32 $0x2800, s8;
	s17 =	sadd.s32 $0x5000, s8  }
0xb: {  	s18 =	sadd.s32 $0x7800, s8;
	s20 =	sadd.s32 $0xA000, s8;
	s4 =	ssub.s32 s26, s9  }
0xc: {  	s9 =	sadd.s32 s8, s1;
	s10 =	sadd.s32 s15, s1;
	s11 =	sadd.s32 s17, s1  }
0xd: {  	s12 =	sadd.s32 s18, s1;
	s13 =	sadd.s32 s20, s1;
	s8 =	sadd.s32 s8, s19  }
0xe: {  	s15 =	sadd.s32 s19, s15;
	s14 =	sadd.s32 s14, s2;
	s22 =	sadd.s32 s19, s17  }
0xf: {  	s23 =	sadd.s32 s19, s18;
	s24 =	sadd.s32 s19, s20;
	s8 =	sshrl.u32 s8, $0x3  }
0x10: {  	s16 =	sshrl.u32 s15, $0x3;
	s2 =	sshrl.u32 s22, $0x3;
	s25 =	sshrl.u32 s23, $0x3  }
0x11: {  	s26 =	sshrl.u32 s24, $0x3;
	s20 =	smax.u32 s4, $0x1;
	s22 =	simm.s32 $0x3  }
0x12: {  	s23 =	simm.s32 $0x4100;
	s24 =	simm.s32 $0x80;
	s15 =	sadd.s32 s0, s8  }
0x13: {  	v1 =	vimm.f32 $0.0e+00;
	vm0 =	vmmov $0x1;
	vm1 =	vcmask $0x310;
	s16 =	sadd.s32 s0, s16;
	s17 =	sadd.s32 s0, s2;
	s18 =	sadd.s32 s0, s25  }
0x14: {  	vm2 =	vcmask $0x710;
	vm3 =	vcmask $0xB10;
	v0 =	vmov s21;
	s19 =	sadd.s32 s0, s26;
	s25 =	simm.s32 $0x100;
	s26 =	simm.s32 $0x2100  }
.LBB2_1:
0x15: {  	s0 =	simm.s32 $0x0;
	s2 =	rddreg [dreg:$0x3];
	s4 =	simm.s32 $0x6900  }
0x16: {  	[tilespmem:s4], [sflag:$0x3] =	stream.linear.gather [hbm4b:s2+s0], $0x40, $0x38;
	[tilespmem:$0x13140] =	vst v63  }
0x17: {  	_ =	swait.ge [sflag:s22], $0x40  }
0x18: {  	[sflag:s22] =	ssyncset.done $0x0  }
0x19: {  	s2 =	simm.s32 $0x140;
	s0 =	simm.s32 $0x0;
	[sflag:s22] =	ssyncadd.s32 $0xFFFFFFC0  }
.LBB2_2:
0x1a: {  	p0 =	sne.s32 s2, $0x9EC0;
	[tilespmem:s0+$0x4140] =	vst v1;
	s4 =	smov.u32 s2;
	s2 =	sadd.s32 $0x140, s2  }
.Ltmp0:
0x1b: {  	[tilespmem:s0+$0x4130] =	vst v1;
	(pc) =	sbr.rel @p0 .LBB2_2-.Ltmp0, $4  }
0x1c: {  	[tilespmem:s0+$0x4120] =	vst v1  }
0x1d: {  	[tilespmem:s0+$0x4100] =	vst v1  }
0x1e: {  	[tilespmem:s0+$0x4110] =	vst v1  }
0x1f: {  	s0 =	sshra.s32 s4, $0x2  }
0x20: {  	[tilespmem:s0+$0x4140] =	vst v1  }
0x21: {  	[tilespmem:s0+$0x4130] =	vst v1  }
0x22: {  	[tilespmem:s0+$0x4120] =	vst v1  }
0x23: {  	[tilespmem:s0+$0x4100] =	vst v1  }
0x24: {  	[tilespmem:s0+$0x4110] =	vst v1  }
0x25: {  	[spmem:s9] =	stream.linear.scatter [tilespmem:s23], [sflag:$0x3], $0x2800, $0x38;
	[tilespmem:$0x13140] =	vst v63  }
0x26: {  	_ =	swait.ge [sflag:s22], $0x2800  }
0x27: {  	[sflag:s22] =	ssyncset.done $0x0  }
0x28: {  	[sflag:s22] =	ssyncadd.s32 $0xFFFFD800  }
0x29: {  	[spmem:s10] =	stream.linear.scatter [tilespmem:s23], [sflag:$0x3], $0x2800, $0x38;
	[tilespmem:$0x13140] =	vst v63  }
0x2a: {  	_ =	swait.ge [sflag:s22], $0x2800  }
0x2b: {  	[sflag:s22] =	ssyncset.done $0x0  }
0x2c: {  	[sflag:s22] =	ssyncadd.s32 $0xFFFFD800  }
0x2d: {  	[spmem:s11] =	stream.linear.scatter [tilespmem:s23], [sflag:$0x3], $0x2800, $0x38;
	[tilespmem:$0x13140] =	vst v63  }
0x2e: {  	_ =	swait.ge [sflag:s22], $0x2800  }
0x2f: {  	[sflag:s22] =	ssyncset.done $0x0  }
0x30: {  	[sflag:s22] =	ssyncadd.s32 $0xFFFFD800  }
0x31: {  	[spmem:s12] =	stream.linear.scatter [tilespmem:s23], [sflag:$0x3], $0x2800, $0x38;
	[tilespmem:$0x13140] =	vst v63  }
0x32: {  	_ =	swait.ge [sflag:s22], $0x2800  }
0x33: {  	[sflag:s22] =	ssyncset.done $0x0  }
0x34: {  	[sflag:s22] =	ssyncadd.s32 $0xFFFFD800  }
0x35: {  	[spmem:s13] =	stream.linear.scatter [tilespmem:s23], [sflag:$0x3], $0x2800, $0x38;
	[tilespmem:$0x13140] =	vst v63  }
0x36: {  	_ =	swait.ge [sflag:s22], $0x2800  }
0x37: {  	[sflag:s22] =	ssyncset.done $0x0  }
0x38: {  	[sflag:s22] =	ssyncadd.s32 $0xFFFFD800  }
0x39: {  	s0 =	simm.s32 $0x0;
	[bflag:$0x0] =	sbarrier.arrive $0xFFFF  }
.LBB2_4:
0x3a: {  	s2 =	sshll.u32 s0, $0x7  }
0x3b: {  	s2 =	sadd.s32 s2, s14  }
0x3c: {  	s2 =	sshrl.u32 s2, $0x3  }
0x3d: {  	s4 =	sadd.s32 s6, s2  }
0x3e: {  	[tilespmem:s31], [sflag:$0x3] =	stream.linear.gather [hbm4b:s4+s31], $0x80, $0x38;
	[tilespmem:$0x13140] =	vst v63  }
0x3f: {  	_ =	swait.ge [sflag:s22], $0x80  }
0x40: {  	[sflag:s22] =	ssyncset.done $0x0  }
0x41: {  	s2 =	sadd.s32 s7, s2;
	[sflag:s22] =	ssyncadd.s32 $0xFFFFFF80  }
0x42: {  	[tilespmem:s24], [sflag:$0x3] =	stream.linear.gather [hbm4b:s2+s31], $0x80, $0x38;
	[tilespmem:$0x13140] =	vst v63  }
0x43: {  	_ =	swait.ge [sflag:s22], $0x80  }
0x44: {  	[sflag:s22] =	ssyncset.done $0x0  }
0x45: {  	[sflag:s22] =	ssyncadd.s32 $0xFFFFFF80  }
0x46: {  	[tilespmem:s25], [sflag:$0x1] =	stream.indirect.gather [hbm4b:s3+s24], $0x40, s31, s24, $0xb8;
	[tilespmem:$0x13140] =	vst v63  }
0x47: {  	_ = 	snop  }
0x48: {  	[tilespmem:s26], [sflag:$0x2] =	stream.indirect.gather [hbm4b:s5+s24], $0x40, s24, s24, $0xb8;
	[tilespmem:$0x13140] =	vst v63  }
0x49: {  	_ =	swait.ge [sflag:s28], $0x2000  }
0x4a: {  	[sflag:s28] =	ssyncset.done $0x0  }
0x4b: {  	[sflag:s28] =	ssyncadd.s32 $0xFFFFE000  }
0x4c: {  	_ =	swait.ge [sflag:s29], $0x2000  }
0x4d: {  	[sflag:s29] =	ssyncset.done $0x0  }
0x4e: {  	s21 =	simm.s32 $0x0;
	[sflag:s29] =	ssyncadd.s32 $0xFFFFE000  }
0x4f: {  	v2 =	vld [tilespmem:s21+$0x100]  }
0x50: {  	v3 =	vld [tilespmem:s21+$0x2100];
	_ =	sdelay $0x4  }
0x51: {  	v4 =	vld [tilespmem:$0x6900];
	v3 =	vadd.f32 v3, v2;
	_ =	sdelay $0x1  }
0x52: {  	v5 =	vmul.f32 $2.000000030e-01, v3  }
0x53: {  	vm4 =	vgt.f32 v3, $0.0e+00  }
0x54: {  	v3 =	vsel vm4, v3, v5  }
0x55: {  	v3 =	vmul.f32 v3, v4;
	_ =	sdelay $0x1  }
0x56: {  	(xrf2) =	vadd.scan.msk.f32 $0xffff, v3;
	_ =	sdelay $0x9  }
0x57: {  	v3, _, _ =	vpop (xrf2)  }
0x58: {  	v3 =	vmul.f32 $1.442695020e+00, v3;
	_ =	sdelay $0x1  }
0x59: {  	v3 =	vbroadcast v3, $0xF;
	_ =	sdelay $0x1  }
0x5a: {  	(erf) = vpow2.f32 v3;
	_ =	sdelay $0x8  }
0x5b: {  	v4 =	vpop (erf)  }
0x5c: {  	v2 =	vmul.f32 v4, v2  }
0x5d: {  	s2 =	simm.s32 $0x4120  }
0x5e: {  	[tilespmem:s2+$0xFFFFFFE0] =	vst v2  }
0x5f: {  	v2 =	vld [tilespmem:s21+$0x110]  }
0x60: {  	v3 =	vld [tilespmem:s21+$0x2110];
	_ =	sdelay $0x4  }
0x61: {  	v5 =	vld [tilespmem:$0x6910];
	v3 =	vadd.f32 v3, v2;
	_ =	sdelay $0x1  }
0x62: {  	v6 =	vmul.f32 $2.000000030e-01, v3  }
0x63: {  	vm4 =	vgt.f32 v3, $0.0e+00  }
0x64: {  	v3 =	vsel vm4, v3, v6  }
0x65: {  	v3 =	vmul.f32 v3, v5;
	_ =	sdelay $0x1  }
0x66: {  	(xrf2) =	vadd.scan.msk.f32 $0xffff, v3;
	_ =	sdelay $0x9  }
0x67: {  	v3, _, _ =	vpop (xrf2)  }
0x68: {  	v3 =	vmul.f32 $1.442695020e+00, v3;
	_ =	sdelay $0x1  }
0x69: {  	v3 =	vbroadcast v3, $0xF;
	_ =	sdelay $0x1  }
0x6a: {  	(erf) = vpow2.f32 v3;
	_ =	sdelay $0x8  }
0x6b: {  	v5 =	vpop (erf)  }
0x6c: {  	v2 =	vmul.f32 v5, v2;
	_ =	sdelay $0x1  }
0x6d: {  	[tilespmem:s2+$0xFFFFFFF0] =	vst v2  }
0x6e: {  	v2 =	vld [tilespmem:s21+$0x120]  }
0x6f: {  	v3 =	vld [tilespmem:s21+$0x2120];
	_ =	sdelay $0x4  }
0x70: {  	v61 =	vld [tilespmem:$0x6920];
	v3 =	vadd.f32 v3, v2;
	_ =	sdelay $0x1  }
0x71: {  	v7 =	vmul.f32 $2.000000030e-01, v3  }
0x72: {  	vm4 =	vgt.f32 v3, $0.0e+00  }
0x73: {  	v3 =	vsel vm4, v3, v7  }
0x74: {  	v3 =	vmul.f32 v3, v61;
	_ =	sdelay $0x1  }
0x75: {  	(xrf2) =	vadd.scan.msk.f32 $0xffff, v3;
	_ =	sdelay $0x9  }
0x76: {  	v3, _, _ =	vpop (xrf2)  }
0x77: {  	v3 =	vmul.f32 $1.442695020e+00, v3;
	_ =	sdelay $0x1  }
0x78: {  	v3 =	vbroadcast v3, $0xF;
	_ =	sdelay $0x1  }
0x79: {  	(erf) = vpow2.f32 v3;
	_ =	sdelay $0x8  }
0x7a: {  	v62 =	vpop (erf)  }
0x7b: {  	v2 =	vmul.f32 v62, v2;
	_ =	sdelay $0x1  }
0x7c: {  	[tilespmem:s2+$0x0] =	vst v2  }
0x7d: {  	v3 =	vld [tilespmem:s21+$0x130]  }
0x7e: {  	v2 =	vld [tilespmem:s21+$0x2130];
	_ =	sdelay $0x4  }
0x7f: {  	v63 =	vld [tilespmem:$0x6930];
	v2 =	vadd.f32 v2, v3;
	_ =	sdelay $0x1  }
0x80: {  	v8 =	vmul.f32 $2.000000030e-01, v2  }
0x81: {  	vm4 =	vgt.f32 v2, $0.0e+00  }
0x82: {  	v2 =	vsel vm4, v2, v8  }
0x83: {  	v2 =	vmul.f32 v2, v63;
	_ =	sdelay $0x1  }
0x84: {  	(xrf2) =	vadd.scan.msk.f32 $0xffff, v2;
	_ =	sdelay $0x9  }
0x85: {  	v2, _, _ =	vpop (xrf2)  }
0x86: {  	v2 =	vmul.f32 $1.442695020e+00, v2;
	_ =	sdelay $0x1  }
0x87: {  	v2 =	vbroadcast v2, $0xF;
	_ =	sdelay $0x1  }
0x88: {  	(erf) = vpow2.f32 v2;
	_ =	sdelay $0x3  }
0x89: {  	v4 =	vnsel vm0, $0x0, v4  }
0x8a: {  	v4 =	vsel vm1, v4, v5  }
0x8b: {  	s4 =	simm.s32 $0x100;
	s21 =	simm.s32 $0x4120;
	v2 =	vsel vm2, v4, v62  }
.LBB2_5:
0x8c: {  	p0 =	sne.s32 s4, $0x7F00  }
0x8d: {  	s2 =	sadd.s32 $0x50, s2;
	s8 =	smov.u32 s4;
	s4 =	sadd.s32 $0x100, s4  }
0x8e: {  	v4 =	vpop (erf)  }
0x8f: {  	v3 =	vmul.f32 v4, v3;
	v2 =	vsel vm3, v2, v4  }
0x90: {  	[tilespmem:s21+$0x20] =	vst v2  }
0x91: {  	s8 =	sshra.s32 s8, $0x2;
	[tilespmem:s21+$0x10] =	vst v3;
	s21 =	smov.u32 s2  }
0x92: {  	v3 =	vld [tilespmem:s8+$0x100]  }
0x93: {  	v2 =	vld [tilespmem:s8+$0x2100];
	_ =	sdelay $0x3  }
0x94: {  	v4 =	vld [tilespmem:$0x6900]  }
0x95: {  	v2 =	vadd.f32 v2, v3;
	_ =	sdelay $0x1  }
0x96: {  	vm4 =	vgt.f32 v2, $0.0e+00;
	v5 =	vmul.f32 $2.000000030e-01, v2;
	_ =	sdelay $0x1  }
0x97: {  	v2 =	vsel vm4, v2, v5  }
0x98: {  	v2 =	vmul.f32 v2, v4;
	_ =	sdelay $0x1  }
0x99: {  	(xrf2) =	vadd.scan.msk.f32 $0xffff, v2;
	_ =	sdelay $0x9  }
0x9a: {  	v2, _, _ =	vpop (xrf2)  }
0x9b: {  	v2 =	vmul.f32 $1.442695020e+00, v2;
	_ =	sdelay $0x1  }
0x9c: {  	v2 =	vbroadcast v2, $0xF;
	_ =	sdelay $0x1  }
0x9d: {  	(erf) = vpow2.f32 v2;
	_ =	sdelay $0x8  }
0x9e: {  	v2 =	vpop (erf)  }
0x9f: {  	v3 =	vmul.f32 v2, v3;
	_ =	sdelay $0x1  }
0xa0: {  	[tilespmem:s2+$0xFFFFFFE0] =	vst v3  }
0xa1: {  	v3 =	vld [tilespmem:s8+$0x110]  }
0xa2: {  	v4 =	vld [tilespmem:s8+$0x2110];
	_ =	sdelay $0x2  }
0xa3: {  	v5 =	vld [tilespmem:$0x6910];
	_ =	sdelay $0x1  }
0xa4: {  	v4 =	vadd.f32 v4, v3;
	_ =	sdelay $0x1  }
0xa5: {  	vm4 =	vgt.f32 v4, $0.0e+00;
	v6 =	vmul.f32 $2.000000030e-01, v4;
	_ =	sdelay $0x1  }
0xa6: {  	v4 =	vsel vm4, v4, v6  }
0xa7: {  	v4 =	vmul.f32 v4, v5;
	_ =	sdelay $0x1  }
0xa8: {  	(xrf2) =	vadd.scan.msk.f32 $0xffff, v4;
	_ =	sdelay $0x9  }
0xa9: {  	v4, _, _ =	vpop (xrf2)  }
0xaa: {  	v4 =	vmul.f32 $1.442695020e+00, v4;
	_ =	sdelay $0x1  }
0xab: {  	v4 =	vbroadcast v4, $0xF;
	_ =	sdelay $0x1  }
0xac: {  	(erf) = vpow2.f32 v4;
	_ =	sdelay $0x8  }
0xad: {  	v4 =	vpop (erf)  }
0xae: {  	v3 =	vmul.f32 v4, v3;
	_ =	sdelay $0x1  }
0xaf: {  	[tilespmem:s2+$0xFFFFFFF0] =	vst v3  }
0xb0: {  	v3 =	vld [tilespmem:s8+$0x120]  }
0xb1: {  	v5 =	vld [tilespmem:s8+$0x2120];
	_ =	sdelay $0x1  }
0xb2: {  	v6 =	vld [tilespmem:$0x6920];
	_ =	sdelay $0x2  }
0xb3: {  	v5 =	vadd.f32 v5, v3;
	_ =	sdelay $0x1  }
0xb4: {  	vm4 =	vgt.f32 v5, $0.0e+00;
	v7 =	vmul.f32 $2.000000030e-01, v5;
	_ =	sdelay $0x1  }
0xb5: {  	v5 =	vsel vm4, v5, v7  }
0xb6: {  	v5 =	vmul.f32 v5, v6;
	_ =	sdelay $0x1  }
0xb7: {  	(xrf2) =	vadd.scan.msk.f32 $0xffff, v5;
	_ =	sdelay $0x9  }
0xb8: {  	v5, _, _ =	vpop (xrf2)  }
0xb9: {  	v5 =	vmul.f32 $1.442695020e+00, v5;
	_ =	sdelay $0x1  }
0xba: {  	v5 =	vbroadcast v5, $0xF;
	_ =	sdelay $0x1  }
0xbb: {  	(erf) = vpow2.f32 v5;
	_ =	sdelay $0x8  }
0xbc: {  	v5 =	vpop (erf)  }
0xbd: {  	v3 =	vmul.f32 v5, v3;
	_ =	sdelay $0x1  }
0xbe: {  	[tilespmem:s2+$0x0] =	vst v3  }
0xbf: {  	v3 =	vld [tilespmem:s8+$0x130]  }
0xc0: {  	v6 =	vld [tilespmem:s8+$0x2130]  }
0xc1: {  	v7 =	vld [tilespmem:$0x6930];
	_ =	sdelay $0x3  }
0xc2: {  	v6 =	vadd.f32 v6, v3;
	_ =	sdelay $0x1  }
0xc3: {  	vm4 =	vgt.f32 v6, $0.0e+00;
	v8 =	vmul.f32 $2.000000030e-01, v6;
	_ =	sdelay $0x1  }
0xc4: {  	v6 =	vsel vm4, v6, v8  }
0xc5: {  	v6 =	vmul.f32 v6, v7;
	_ =	sdelay $0x1  }
0xc6: {  	(xrf2) =	vadd.scan.msk.f32 $0xffff, v6;
	_ =	sdelay $0x9  }
0xc7: {  	v6, _, _ =	vpop (xrf2)  }
0xc8: {  	v6 =	vmul.f32 $1.442695020e+00, v6;
	_ =	sdelay $0x1  }
0xc9: {  	v6 =	vbroadcast v6, $0xF;
	_ =	sdelay $0x1  }
0xca: {  	(erf) = vpow2.f32 v6;
	_ =	sdelay $0x1  }
.Ltmp1:
0xcb: {  	(pc) =	sbr.rel @p0 .LBB2_5-.Ltmp1, $4  }
0xcc: {  	_ = 	snop  }
0xcd: {  	v2 =	vnsel vm0, $0x0, v2  }
0xce: {  	v2 =	vsel vm1, v2, v4  }
0xcf: {  	v2 =	vsel vm2, v2, v5  }
0xd0: {  	_ =	sdelay $0x1  }
0xd1: {  	v4 =	vpop (erf)  }
0xd2: {  	v3 =	vmul.f32 v4, v3;
	v2 =	vsel vm3, v2, v4  }
0xd3: {  	[tilespmem:s21+$0x20] =	vst v2  }
0xd4: {  	[tilespmem:s21+$0x10] =	vst v3  }
0xd5: {  	v2 =	vld [tilespmem:$0x80]  }
0xd6: {  	v3 =	vld [tilespmem:$0x90]  }
0xd7: {  	v62 =	vld [tilespmem:$0xA0]  }
0xd8: {  	v5 =	vld [tilespmem:$0xB0]  }
0xd9: {  	v6 =	vld [tilespmem:$0xC0]  }
0xda: {  	v7 =	vld [tilespmem:$0xD0];
	v2 =	vsub.s32 v2, v0  }
0xdb: {  	[tilespmem:$0x80] =	vst v2;
	v2 =	vsub.s32 v3, v0;
	v3 =	vld [tilespmem:$0xE0]  }
0xdc: {  	v63 =	vld [tilespmem:$0xF0];
	[tilespmem:$0x90] =	vst v2;
	v2 =	vsub.s32 v62, v0  }
0xdd: {  	[tilespmem:$0xA0] =	vst v2;
	v2 =	vsub.s32 v5, v0  }
0xde: {  	[tilespmem:$0xB0] =	vst v2;
	v2 =	vsub.s32 v6, v0  }
0xdf: {  	[tilespmem:$0xC0] =	vst v2;
	v2 =	vsub.s32 v7, v0  }
0xe0: {  	s0 =	sadd.s32 $0x1, s0;
	[tilespmem:$0xD0] =	vst v2;
	v2 =	vsub.s32 v3, v0  }
0xe1: {  	p0 =	sne.s32 s0, $0xA2;
	[tilespmem:$0xE0] =	vst v2;
	v2 =	vsub.s32 v63, v0  }
.Ltmp2:
0xe2: {  	[tilespmem:$0xF0] =	vst v2;
	(pc) =	sbr.rel @p0 .LBB2_4-.Ltmp2, $4  }
0xe3: {  	[spmem:s1] =	stream.indirect.scatter.add.f32 [tilespmem:s23], [sflag:$0x3], $0x50, s24, s24, $0xb8;
	[tilespmem:$0x13140] =	vst v63  }
0xe4: {  	_ =	swait.ge [sflag:s22], $0x2800  }
0xe5: {  	[sflag:s22] =	ssyncset.done $0x0  }
0xe6: {  	[sflag:s22] =	ssyncadd.s32 $0xFFFFD800  }
0xe7: {  	s0 =	stileid.u32  }
0xe8: {  	s0 =	sshll.u32 s0, $0x6  }
0xe9: {  	[bflag:$0x0] =	sbarrier.arrive $0xFFFF;
	s2 =	sshrl.u32 s9, $0x3;
	s0 =	sor.u32 $0x1C03, s0  }
0xea: {  	[hbm:s15], [sflag:s0] =	dma.local [spmem:s2], $0x500  }
0xeb: {  	_ =	swait.ge [sflag:s22], $0x500  }
0xec: {  	[sflag:s22] =	ssyncset.done $0x0  }
0xed: {  	s21 =	sshrl.u32 s10, $0x3;
	[sflag:s22] =	ssyncadd.s32 $0xFFFFFB00  }
0xee: {  	[hbm:s16], [sflag:s0] =	dma.local [spmem:s21], $0x500  }
0xef: {  	_ =	swait.ge [sflag:s22], $0x500  }
0xf0: {  	[sflag:s22] =	ssyncset.done $0x0  }
0xf1: {  	s4 =	sshrl.u32 s11, $0x3;
	[sflag:s22] =	ssyncadd.s32 $0xFFFFFB00  }
0xf2: {  	[hbm:s17], [sflag:s0] =	dma.local [spmem:s4], $0x500  }
0xf3: {  	_ =	swait.ge [sflag:s22], $0x500  }
0xf4: {  	[sflag:s22] =	ssyncset.done $0x0  }
0xf5: {  	s8 =	sshrl.u32 s12, $0x3;
	[sflag:s22] =	ssyncadd.s32 $0xFFFFFB00  }
0xf6: {  	[hbm:s18], [sflag:s0] =	dma.local [spmem:s8], $0x500  }
0xf7: {  	s30 =	sadd.s32 $0x1, s30;
	_ =	swait.ge [sflag:s22], $0x500  }
0xf8: {  	p0 =	sne.s32 s30, s20;
	[sflag:s22] =	ssyncset.done $0x0  }
.Ltmp3:
0xf9: {  	s21 =	sshrl.u32 s13, $0x3;
	[sflag:s22] =	ssyncadd.s32 $0xFFFFFB00;
	(pc) =	sbr.rel @p0 .LBB2_1-.Ltmp3, $4  }
0xfa: {  	[hbm:s19], [sflag:s0] =	dma.local [spmem:s21], $0x500  }
0xfb: {  	_ =	swait.ge [sflag:s22], $0x500  }
0xfc: {  	[sflag:s22] =	ssyncset.done $0x0  }
0xfd: {  	[sflag:s22] =	ssyncadd.s32 $0xFFFFFB00  }
0xfe: {  	_ =	sfence.sel $0x180000  }
0xff: {  	[bflag:$0x0] =	sbarrier.arrive $0xFFFF  }
0x100: {  	_ =	strace $0x9000004D  }
0x101: {  	s0 =	stileid.u32;
	[bflag:$0x2] =	sbarrier.arrive $0xFFFF  }
0x102: {  	p0 =	sne.s32 s0, $0x0;
	s0 =	rddreg [dreg:$0x2]  }
0x103: {  	s0 =	sadd.s32 @!p0 $0x100000, s0  }
0x104: {  	[sflag:s0] =	ssyncadd.tile.s32 @!p0 $0x1;
	_ =	shalt  }
.Lfunc_end2:
_tile_overlayer_lowered:
.L_overlay_start_2:
0x105: {  	(tag) =	ssettag $0x2  }
0x106: {  	s0 =	rddreg [dreg:$0x0];
	s2 =	stileid.u32  }
0x107: {  	s1 =	rddreg [dreg:$0x1];
	p0 =	sne.s32 s2, $0x0  }
0x108: {  	s3 =	rddreg [dreg:$0x2];
	[bflag:$0x3] =	sbarrier.arrive $0xFFFF;
	s2 =	simm.s32 @!p0 $0x1C03  }
0x109: {  	[timem:s3], [sflag:s2] =	dma.local @!p0 [hbm:s0], s1  }
0x10a: {  	s0 =	simm.s32 @!p0 $0x3  }
0x10b: {  	_ =	swait.ge @!p0 [sflag:s0], s1  }
0x10c: {  	s1 =	ssub.s32 @!p0 $0x0, s1;
	[sflag:s0] =	ssyncset.done @!p0 $0x0  }
0x10d: {  	[sflag:s0] =	ssyncadd.s32 @!p0 s1  }
0x10e: {  	[bflag:$0x3] =	sbarrier.arrive $0xFFFF  }
0x10f: {  	_ =	shalt  }

// kernel: kernel.25.cloned.1.call-start
scs
__scs_entry_jumppad:
0x0: {  	(pc) =	sbr.rel $0x88, $3  }
0x1: {  	(tag) =	ssettag $0x0;
	lr =	simm.s32 $0x1  }
0x2: {  	[smem:$0x3F84] =	sst lr;
	_ =	strace $0xD0000000  }
0x3: {  	_ = 	snop  }
0x4: {  	_ = 	snop  }
0x5: {  	_ = 	snop  }
0x6: {  	_ = 	snop  }
0x7: {  	_ = 	snop  }
__scs_overlays_trampoline_lowered:
0x8: {  	[smem:$0x3F93] =	sst s0  }
0x9: {  	[smem:$0x3F94] =	sst s1  }
0xa: {  	[smem:$0x3F95] =	sst s2  }
0xb: {  	[smem:$0x3F96] =	sst s3  }
0xc: {  	[smem:$0x3F97] =	sst s4  }
0xd: {  	[smem:$0x3F98] =	sst s5  }
0xe: {  	[smem:$0x3F99] =	sst s6  }
0xf: {  	[smem:$0x3F9A] =	sst s7  }
0x10: {  	[smem:$0x3F9B] =	sst s8  }
0x11: {  	[smem:$0x3F9C] =	sst s9;
	s0 =	simm.s32 @!p0 $0x0  }
0x12: {  	s1 =	sld [smem:$0x3F82];
	s0 =	simm.s32 @p0 $0x1  }
0x13: {  	[smem:$0x3F9D] =	sst s0;
	s0 =	simm.s32 @!p1 $0x0  }
0x14: {  	s2 =	sld [smem:$0x3F81];
	s0 =	simm.s32 @p1 $0x1  }
0x15: {  	[smem:$0x3F9E] =	sst s0;
	s0 =	simm.s32 @!p2 $0x0  }
0x16: {  	s3 =	sld [smem:$0x3FDB];
	s0 =	simm.s32 @p2 $0x1  }
0x17: {  	s4 =	simm.s32 $0x1BF5;
	[smem:$0x3FA0] =	sst s0  }
0x18: {  	s0 =	sld [smem:$0x3F83];
	_ =	swait.ge [sflag:s4], $0x0  }
0x19: {  	s7 =	sld [smem:$0x3F84]  }
0x1a: {  	s8 =	sadd.s32 $0xFFFFE003, lr  }
0x1b: {  	s9 =	sadd.s32 $0xFFFFFEF7, lr;
	s5 =	simm.s32 $0xFFFFFFFF;
	p2 =	slt.u32 s8, $0xFFFFF086  }
0x1c: {  	p1 =	slt.u32 s9, $0xF7A;
	s5 =	simm.s32 @!p2 $0x0  }
0x1d: {  	s5 =	simm.s32 @p1 $0x1;
	p0 =	seq.s32 s7, s2  }
0x1e: {  	s7 =	smul.u32 @!p0 $0xF7A, s2;
	p2 =	seq.s32 @!p0 s5, $0x0  }
0x1f: {  	s9 =	smul.u32 $0xF7A, s1;
	s8 =	simm.s32 @!p0 $0x1BF5;
	p2 =	por !p2, p0  }
0x20: {  	[sflag:s8] =	ssyncset.s32 @!p0 $0xFFFFF086;
	s6 =	sadd.s32 @!p0 s3, s7;
	s7 =	simm.s32 @!p0 $0x108  }
0x21: {  	s3 =	sadd.s32 s3, s9;
	s6 =	sadd.s32 @!p0 $0x88, s6;
	s7 =	simm.s32 @p2 $0x1082  }
0x22: {  	[simem:s7], [sflag:s8] =	dma.local @!p0 [hbm:s6], $0xF7A  }
0x23: {  	s9 =	sor.u32 $0xD0000000, s2;
	s6 =	simm.s32 $0x108;
	_ =	swait.ge @!p0 [sflag:s8], $0x0  }
0x24: {  	s3 =	sadd.s32 $0x88, s3;
	s6 =	simm.s32 @!p1 $0x1082;
	[sflag:s4] =	ssyncset.s32 $0xFFFFF086  }
0x25: {  	[simem:s6], [sflag:s4] =	dma.local [hbm:s3], $0xF7A  }
0x26: {  	[smem:$0x3F84] =	sst s1;
	(tag) =	ssettag s2;
	_ =	strace s9  }
0x27: {  	s1 =	sld [smem:$0x3F94]  }
0x28: {  	s2 =	sld [smem:$0x3F95]  }
0x29: {  	s4 =	sld [smem:$0x3F97]  }
0x2a: {  	p0 =	seq.s32 s5, $0x0;
	s5 =	sld [smem:$0x3F98]  }
0x2b: {  	s6 =	sld [smem:$0x3F99]  }
0x2c: {  	s7 =	sld [smem:$0x3F9A]  }
0x2d: {  	s3 =	simm.s32 $0x108;
	s8 =	sld [smem:$0x3F9B]  }
0x2e: {  	s3 =	simm.s32 @!p0 $0x1082;
	s9 =	sld [smem:$0x3F9C]  }
0x2f: {  	lr =	sadd.s32 s0, s3;
	s0 =	sld [smem:$0x3F93]  }
0x30: {  	s3 =	sld [smem:$0x3F96]  }
0x31: {  	[smem:$0x3F9F] =	sst s10  }
0x32: {  	s10 =	sld [smem:$0x3F9D];
	_ =	sdelay $0x3  }
0x33: {  	p0 =	seq.s32 s10, $0x1;
	s10 =	sld [smem:$0x3F9F];
	_ =	sdelay $0x3  }
0x34: {  	[smem:$0x3F9F] =	sst s10  }
0x35: {  	s10 =	sld [smem:$0x3F9E];
	_ =	sdelay $0x3  }
0x36: {  	p1 =	seq.s32 s10, $0x1;
	s10 =	sld [smem:$0x3F9F];
	_ =	sdelay $0x3  }
0x37: {  	[smem:$0x3F9F] =	sst s10  }
0x38: {  	s10 =	sld [smem:$0x3FA0]  }
0x39: {  	_ = 	snop;
	(pc) =	sbr.ind lr, $3  }
0x3a: {  	_ = 	snop  }
0x3b: {  	_ = 	snop  }
0x3c: {  	p2 =	seq.s32 s10, $0x1;
	s10 =	sld [smem:$0x3F9F]  }
0x3d: {  	_ =	shalt  }
0x3e: {  	_ =	shalt  }
0x3f: {  	_ =	shalt  }
0x40: {  	_ =	shalt  }
0x41: {  	_ =	shalt  }
0x42: {  	_ =	shalt  }
0x43: {  	_ =	shalt  }
0x44: {  	_ =	shalt  }
0x45: {  	_ =	shalt  }
0x46: {  	_ =	shalt  }
0x47: {  	_ =	shalt  }
0x48: {  	_ =	shalt  }
0x49: {  	_ =	shalt  }
0x4a: {  	_ =	shalt  }
0x4b: {  	_ =	shalt  }
0x4c: {  	_ =	shalt  }
0x4d: {  	_ =	shalt  }
0x4e: {  	_ =	shalt  }
0x4f: {  	_ =	shalt  }
0x50: {  	_ =	shalt  }
0x51: {  	_ =	shalt  }
0x52: {  	_ =	shalt  }
0x53: {  	_ =	shalt  }
0x54: {  	_ =	shalt  }
0x55: {  	_ =	shalt  }
0x56: {  	_ =	shalt  }
0x57: {  	_ =	shalt  }
0x58: {  	_ =	shalt  }
0x59: {  	_ =	shalt  }
0x5a: {  	_ =	shalt  }
0x5b: {  	_ =	shalt  }
0x5c: {  	_ =	shalt  }
0x5d: {  	_ =	shalt  }
0x5e: {  	_ =	shalt  }
0x5f: {  	_ =	shalt  }
0x60: {  	_ =	shalt  }
0x61: {  	_ =	shalt  }
0x62: {  	_ =	shalt  }
0x63: {  	_ =	shalt  }
0x64: {  	_ =	shalt  }
0x65: {  	_ =	shalt  }
0x66: {  	_ =	shalt  }
0x67: {  	_ =	shalt  }
0x68: {  	_ =	shalt  }
0x69: {  	_ =	shalt  }
0x6a: {  	_ =	shalt  }
0x6b: {  	_ =	shalt  }
0x6c: {  	_ =	shalt  }
0x6d: {  	_ =	shalt  }
0x6e: {  	_ =	shalt  }
0x6f: {  	_ =	shalt  }
0x70: {  	_ =	shalt  }
0x71: {  	_ =	shalt  }
0x72: {  	_ =	shalt  }
0x73: {  	_ =	shalt  }
0x74: {  	_ =	shalt  }
0x75: {  	_ =	shalt  }
0x76: {  	_ =	shalt  }
0x77: {  	_ =	shalt  }
0x78: {  	_ =	shalt  }
0x79: {  	_ =	shalt  }
0x7a: {  	_ =	shalt  }
0x7b: {  	_ =	shalt  }
0x7c: {  	_ =	shalt  }
0x7d: {  	_ =	shalt  }
0x7e: {  	_ =	shalt  }
0x7f: {  	_ =	shalt  }
0x80: {  	_ =	shalt  }
0x81: {  	_ =	shalt  }
0x82: {  	_ =	shalt  }
0x83: {  	_ =	shalt  }
0x84: {  	_ =	shalt  }
0x85: {  	_ =	shalt  }
0x86: {  	_ =	shalt  }
0x87: {  	_ =	shalt  }
.Lfunc_end0:
.L_simem_size_0:
called_computation.4_lowered:
.L_overlay_start_0:
0x88: {  	s2 =	sld [smem:$0x3FD9]  }
0x89: {  	s3 =	sld [smem:$0x3FFE];
	_ =	sdelay $0x1  }
0x8a: {  	s1 =	srdreg.scid  }
0x8b: {  	s0 =	sand.u32 $0x1, s1  }
0x8c: {  	s16 =	sshll.u32 s0, $0xA;
	s2 =	sadd.s32 s3, s2  }
0x8d: {  	s2 =	sadd.s32 s2, s16  }
0x8e: {  	[smem:$0x3FAB] =	sst s2  }
0x8f: {  	_ = 	snop  }
0x90: {  	(tm) =	ssettm $0x1  }
0x91: {  	s17 =	sld [smem:$0x3FFB];
	_ =	sdelay $0x3  }
0x92: {  	_ =	strace s17  }
0x93: {  	s2 =	sld [smem:$0x3FFC];
	_ =	sdelay $0x3  }
0x94: {  	_ =	strace s2  }
0x95: {  	s2 =	sld [smem:$0x3FFD];
	_ =	sdelay $0x3  }
0x96: {  	_ =	strace s2  }
0x97: {  	_ =	strace $0x8FFFFFFF  }
0x98: {  	s18 =	sld [smem:$0x3FDB];
	_ =	sdelay $0x1  }
0x99: {  	s19 =	simm.s32 $_scs_section_size  }
0x9a: {  	s4 =	simm.s32 $_size__tile_overlayer_lowered;
	s5 =	simm.s32 $_tile_overlayer_lowered  }
0x9b: {  	s22 =	simm.s32 $0x1BFF;
	s21 =	sshll.u32 s5, $0x1;
	s2 =	sadd.s32 s19, s18  }
0x9c: {  	s6 =	simm.s32 $0x0;
	s20 =	sshll.u32 s4, $0x1;
	s4 =	sadd.s32 s21, s2  }
0x9d: {  	[timem:s6], [sflag:s22] =	dma.local [hbm:s4], s20  }
0x9e: {  	_ =	swait.ge [sflag:s22], s20  }
0x9f: {  	s3 =	ssub.s32 $0x0, s20;
	[sflag:s22] =	ssyncset.done $0x0  }
0xa0: {  	[sflag:s22] =	ssyncadd.s32 s3;
	_ =	sdelay $0x1  }
0xa1: {  	s23 =	simm.s32 $0x1B8B  }
0xa2: {  	_ =	swait.ge [sflag:s23], $0x1  }
0xa3: {  	[sflag:s23] =	ssyncset.done $0x0  }
0xa4: {  	s25 =	simm.s32 $0x1B8E;
	s24 =	sld [smem:$0x3FFE];
	[sflag:s23] =	ssyncadd.s32 $0xFFFFFFFF  }
0xa5: {  	s26 =	simm.s32 $execute0_lowered;
	[smem:$0x3FD2] =	sst s25  }
0xa6: {  	s4 =	sshll.u32 s26, $0x1;
	_ =	strace $0x80000052;
	[dreg:$0x1] =	wrdreg $0xFFFFFFFF  }
0xa7: {  	s28 =	simm.s32 $_size_execute0_lowered;
	s2 =	sadd.s32 s2, s4;
	[dreg:$0x0] =	wrdreg $0x0  }
0xa8: {  	s4 =	sshll.u32 s28, $0x1;
	[dreg:$0x2] =	wrdreg s2  }
0xa9: {  	[dreg:$0x3] =	wrdreg s4  }
0xaa: {  	[dreg:$0x4] =	wrdreg $0xC0  }
0xab: {  	_ =	task [dreg:s6], $0x5FFFF  }
0xac: {  	[dreg:$0x1] =	wrdreg $0xFFFFFFFF  }
0xad: {  	[dreg:$0x0] =	wrdreg $0x60  }
0xae: {  	[dreg:$0x2] =	wrdreg s24  }
0xaf: {  	[dreg:$0x3] =	wrdreg $0x9  }
0xb0: {  	_ =	task.clear_ibuf [dreg:s6], $0x4FFFF;
	_ =	strace $0x90000052  }
0xb1: {  	s29 =	simm.s32 $0x9;
	_ =	strace $0x80000054  }
0xb2: {  	_ =	swait.ge [sflag:s29], $0x1  }
0xb3: {  	[sflag:s29] =	ssyncadd.s32 $0xFFFFFFFF  }
0xb4: {  	_ =	strace $0x90000054  }
0xb5: {  	_ =	sfence  }
0xb6: {  	s30 =	sld [smem:$0x0];
	_ =	sdelay $0x2  }
0xb7: {  	s31 =	sshll.u32 s1, $0xD;
	s1 =	sshrl.u32 s1, $0x2  }
0xb8: {  	s3 =	sand.u32 $0x4000, s31;
	s1 =	sadd.s32 s1, s30  }
0xb9: {  	s0 =	sor.u32 s3, s0;
	s1 =	sshll.u32 s1, $0x11  }
0xba: {  	s0 =	sor.u32 s1, s0  }
0xbb: {  	s0 =	sadd.s32 $0x8F2B, s0  }
0xbc: {  	[sflag:s0] =	ssyncadd.remote.s32 $0x1  }
0xbd: {  	_ =	sfence.sel $0xFFFF  }
0xbe: {  	[dreg:$0x0] =	wrdreg $0xFFFFFFFF;
	(pc) =	sbr.abs _section_cstart, $3  }
0xbf: {  	[dreg:$0x1] =	wrdreg $0xFFFFFFFF  }
0xc0: {  	_ =	task.clear_ibuf [dreg:s6], $0x2FFFF;
	_ =	strace $0x9FFFFFFF  }
0xc1: {  	(tm) =	ssettm $0x7FFFFFFF  }
tec
execute0_lowered:
.L_overlay_start_1:
0x0: {  	(tag) =	ssettag $0x1  }
0x1: {  	s4 =	rddreg [dreg:$0x0]  }
0x2: {  	s0 =	rddreg [dreg:$0x1];
	s3 =	srdreg.scid  }
0x3: {  	s1 =	stileid.u32;
	s2 =	simm.s32 $0x0;
	s11 =	simm.s32 $0x100  }
0x4: {  	s12 =	simm.s32 $0x4100;
	s13 =	simm.s32 $0x1;
	s6 =	smul.u32 $0x1900, s1  }
0x5: {  	s14 =	simm.s32 $0x2;
	s5 =	sand.u32 $0x1, s3;
	s8 =	smul.u32 $0x19000, s1  }
0x6: {  	s15 =	simm.s32 $0x0;
	[smem:$0x7FF] =	sst s2;
	s7 =	smul.u32 $0xC80, s5  }
0x7: {  	s3 =	sadd.s32 $0x5E00, s4;
	s29 =	ssub.s32 $0x2, s5;
	s5 =	smul.u32 $0xC800, s5  }
0x8: {  	_ =	strace $0x80000053;
	s8 =	sadd.s32 s8, s4;
	s9 =	sshrl.u32 s29, $0x1  }
0x9: {  	s6 =	sadd.s32 s7, s6;
	s30 =	ssub.s32 s29, s9;
	s31 =	sadd.s32 s5, s8  }
0xa: {  	s9 =	simm.s32 $0x3;
	s6 =	sshrl.u32 s6, $0x3;
	s5 =	sadd.s32 $0x28CC00, s31  }
0xb: {  	s10 =	sadd.s32 s6, s4;
	s4 =	smax.u32 s30, $0x1;
	s6 =	sadd.s32 $0xFCC00, s31  }
0xc: {  	s7 =	sadd.s32 $0xF6800, s10;
	s8 =	sadd.s32 $0xF9A00, s10;
	s10 =	simm.s32 $0x80  }
.LBB2_1:
0xd: {  	s16 =	sadd.s32 $0x0, s8  }
0xe: {  	[tilespmem:s2], [sflag:$0x3] =	stream.linear.gather [hbm4b:s16+s2], $0x80, $0x38;
	[tilespmem:$0x8100] =	vst v63  }
0xf: {  	_ =	swait.ge [sflag:s9], $0x80  }
0x10: {  	[sflag:s9] =	ssyncset.done $0x0  }
0x11: {  	s31 =	sadd.s32 $0x0, s7;
	[sflag:s9] =	ssyncadd.s32 $0xFFFFFF80  }
0x12: {  	[tilespmem:s10], [sflag:$0x3] =	stream.linear.gather [hbm4b:s31+s2], $0x80, $0x38;
	[tilespmem:$0x8100] =	vst v63  }
0x13: {  	_ =	swait.ge [sflag:s9], $0x80  }
0x14: {  	[sflag:s9] =	ssyncset.done $0x0  }
0x15: {  	[sflag:s9] =	ssyncadd.s32 $0xFFFFFF80  }
0x16: {  	[tilespmem:s11], [sflag:$0x1] =	stream.indirect.gather [hbm4b:s3+s10], $0x80, s2, s10, $0xb8;
	[tilespmem:$0x8100] =	vst v63  }
0x17: {  	_ = 	snop  }
0x18: {  	[tilespmem:s12], [sflag:$0x2] =	stream.indirect.gather [hbm4b:s3+s10], $0x80, s10, s10, $0xb8;
	[tilespmem:$0x8100] =	vst v63  }
0x19: {  	_ =	swait.ge [sflag:s13], $0x4000  }
0x1a: {  	[sflag:s13] =	ssyncset.done $0x0  }
0x1b: {  	[sflag:s13] =	ssyncadd.s32 $0xFFFFC000  }
0x1c: {  	_ =	swait.ge [sflag:s14], $0x4000  }
0x1d: {  	[sflag:s14] =	ssyncset.done $0x0  }
0x1e: {  	[sflag:s14] =	ssyncadd.s32 $0xFFFFC000  }
0x1f: {  	[hbm4b:s6+s2] =	stream.linear.scatter [tilespmem:s11], [sflag:$0x3], $0x4000, $0x38;
	[tilespmem:$0x8100] =	vst v63  }
0x20: {  	_ =	swait.ge [sflag:s9], $0x4000  }
0x21: {  	[sflag:s9] =	ssyncset.done $0x0  }
0x22: {  	[sflag:s9] =	ssyncadd.s32 $0xFFFFC000  }
0x23: {  	[hbm4b:s5+s2] =	stream.linear.scatter [tilespmem:s12], [sflag:$0x3], $0x4000, $0x38;
	[tilespmem:$0x8100] =	vst v63  }
0x24: {  	s18 =	simm.s32 $0x10;
	s19 =	simm.s32 $0x20;
	_ =	swait.ge [sflag:s9], $0x4000  }
0x25: {  	s17 =	sadd.s32 $0x800, s6;
	s16 =	sadd.s32 $0x800, s5;
	[sflag:s9] =	ssyncset.done $0x0  }
.LBB2_2:
0x26: {  	s20 =	sadd.s32 s18, s8  }
0x27: {  	[sflag:s9] =	ssyncadd.s32 $0xFFFFC000;
	s21 =	smov.u32 s19;
	s22 =	sadd.s32 $0x10, s19  }
0x28: {  	[tilespmem:s2], [sflag:$0x3] =	stream.linear.gather [hbm4b:s20+s2], $0x80, $0x38;
	[tilespmem:$0x8100] =	vst v63  }
0x29: {  	p0 =	sne.s32 s19, $0x180;
	_ =	swait.ge [sflag:s9], $0x80  }
0x2a: {  	[sflag:s9] =	ssyncset.done $0x0  }
0x2b: {  	s19 =	sadd.s32 s18, s7;
	s18 =	smov.u32 s21;
	[sflag:s9] =	ssyncadd.s32 $0xFFFFFF80  }
0x2c: {  	[tilespmem:s10], [sflag:$0x3] =	stream.linear.gather [hbm4b:s19+s2], $0x80, $0x38;
	[tilespmem:$0x8100] =	vst v63  }
0x2d: {  	_ =	swait.ge [sflag:s9], $0x80  }
0x2e: {  	[sflag:s9] =	ssyncset.done $0x0  }
0x2f: {  	[sflag:s9] =	ssyncadd.s32 $0xFFFFFF80  }
0x30: {  	[tilespmem:s11], [sflag:$0x1] =	stream.indirect.gather [hbm4b:s3+s10], $0x80, s2, s10, $0xb8;
	[tilespmem:$0x8100] =	vst v63  }
0x31: {  	_ = 	snop  }
0x32: {  	[tilespmem:s12], [sflag:$0x2] =	stream.indirect.gather [hbm4b:s3+s10], $0x80, s10, s10, $0xb8;
	[tilespmem:$0x8100] =	vst v63  }
0x33: {  	_ =	swait.ge [sflag:s13], $0x4000  }
0x34: {  	[sflag:s13] =	ssyncset.done $0x0  }
0x35: {  	[sflag:s13] =	ssyncadd.s32 $0xFFFFC000  }
0x36: {  	_ =	swait.ge [sflag:s14], $0x4000  }
0x37: {  	[sflag:s14] =	ssyncset.done $0x0  }
0x38: {  	[sflag:s14] =	ssyncadd.s32 $0xFFFFC000  }
0x39: {  	[hbm4b:s17+s2] =	stream.linear.scatter [tilespmem:s11], [sflag:$0x3], $0x4000, $0x38;
	[tilespmem:$0x8100] =	vst v63  }
0x3a: {  	_ =	swait.ge [sflag:s9], $0x4000  }
.Ltmp0:
0x3b: {  	[sflag:s9] =	ssyncset.done $0x0;
	(pc) =	sbr.rel @p0 .LBB2_2-.Ltmp0, $4  }
0x3c: {  	[sflag:s9] =	ssyncadd.s32 $0xFFFFC000  }
0x3d: {  	[hbm4b:s16+s2] =	stream.linear.scatter [tilespmem:s12], [sflag:$0x3], $0x4000, $0x38;
	[tilespmem:$0x8100] =	vst v63  }
0x3e: {  	s19 =	smov.u32 s22;
	_ =	swait.ge [sflag:s9], $0x4000  }
0x3f: {  	s17 =	sadd.s32 $0x800, s17;
	s16 =	sadd.s32 $0x800, s16;
	[sflag:s9] =	ssyncset.done $0x0  }
0x40: {  	s19 =	sadd.s32 s18, s8;
	[sflag:s9] =	ssyncadd.s32 $0xFFFFC000  }
0x41: {  	[tilespmem:s2], [sflag:$0x3] =	stream.linear.gather [hbm4b:s19+s2], $0x80, $0x38;
	[tilespmem:$0x8100] =	vst v63  }
0x42: {  	_ =	swait.ge [sflag:s9], $0x80  }
0x43: {  	[sflag:s9] =	ssyncset.done $0x0  }
0x44: {  	s31 =	sadd.s32 s18, s7;
	[sflag:s9] =	ssyncadd.s32 $0xFFFFFF80  }
0x45: {  	[tilespmem:s10], [sflag:$0x3] =	stream.linear.gather [hbm4b:s31+s2], $0x80, $0x38;
	[tilespmem:$0x8100] =	vst v63  }
0x46: {  	_ =	swait.ge [sflag:s9], $0x80  }
0x47: {  	[sflag:s9] =	ssyncset.done $0x0  }
0x48: {  	[sflag:s9] =	ssyncadd.s32 $0xFFFFFF80  }
0x49: {  	[tilespmem:s11], [sflag:$0x1] =	stream.indirect.gather [hbm4b:s3+s10], $0x80, s2, s10, $0xb8;
	[tilespmem:$0x8100] =	vst v63  }
0x4a: {  	_ = 	snop  }
0x4b: {  	[tilespmem:s12], [sflag:$0x2] =	stream.indirect.gather [hbm4b:s3+s10], $0x80, s10, s10, $0xb8;
	[tilespmem:$0x8100] =	vst v63  }
0x4c: {  	_ =	swait.ge [sflag:s13], $0x4000  }
0x4d: {  	[sflag:s13] =	ssyncset.done $0x0  }
0x4e: {  	[sflag:s13] =	ssyncadd.s32 $0xFFFFC000  }
0x4f: {  	_ =	swait.ge [sflag:s14], $0x4000  }
0x50: {  	[sflag:s14] =	ssyncset.done $0x0  }
0x51: {  	[sflag:s14] =	ssyncadd.s32 $0xFFFFC000  }
0x52: {  	[hbm4b:s17+s2] =	stream.linear.scatter [tilespmem:s11], [sflag:$0x3], $0x4000, $0x38;
	[tilespmem:$0x8100] =	vst v63  }
0x53: {  	s15 =	sadd.s32 $0x1, s15;
	_ =	swait.ge [sflag:s9], $0x4000  }
0x54: {  	p0 =	sne.s32 s15, s4;
	[sflag:s9] =	ssyncset.done $0x0  }
.Ltmp1:
0x55: {  	[sflag:s9] =	ssyncadd.s32 $0xFFFFC000;
	(pc) =	sbr.rel @p0 .LBB2_1-.Ltmp1, $4  }
0x56: {  	[hbm4b:s16+s2] =	stream.linear.scatter [tilespmem:s12], [sflag:$0x3], $0x4000, $0x38;
	[tilespmem:$0x8100] =	vst v63  }
0x57: {  	_ =	swait.ge [sflag:s9], $0x4000  }
0x58: {  	[sflag:s9] =	ssyncset.done $0x0  }
0x59: {  	[sflag:s9] =	ssyncadd.s32 $0xFFFFC000  }
0x5a: {  	_ =	sfence.sel $0x180000  }
0x5b: {  	[bflag:$0x0] =	sbarrier.arrive $0xFFFF  }
0x5c: {  	p0 =	sne.s32 s1, $0x0;
	_ =	strace $0x90000053  }
0x5d: {  	s0 =	sadd.s32 @!p0 $0x100000, s0;
	[bflag:$0x2] =	sbarrier.arrive $0xFFFF  }
0x5e: {  	[sflag:s0] =	ssyncadd.tile.s32 @!p0 $0x1;
	_ =	shalt  }
.Lfunc_end2:
_tile_overlayer_lowered:
.L_overlay_start_2:
0x5f: {  	(tag) =	ssettag $0x2  }
0x60: {  	s0 =	rddreg [dreg:$0x0];
	s2 =	stileid.u32  }
0x61: {  	s1 =	rddreg [dreg:$0x1];
	p0 =	sne.s32 s2, $0x0  }
0x62: {  	s3 =	rddreg [dreg:$0x2];
	[bflag:$0x3] =	sbarrier.arrive $0xFFFF;
	s2 =	simm.s32 @!p0 $0x1C03  }
0x63: {  	[timem:s3], [sflag:s2] =	dma.local @!p0 [hbm:s0], s1  }
0x64: {  	s0 =	simm.s32 @!p0 $0x3  }
0x65: {  	_ =	swait.ge @!p0 [sflag:s0], s1  }
0x66: {  	s1 =	ssub.s32 @!p0 $0x0, s1;
	[sflag:s0] =	ssyncset.done @!p0 $0x0  }
0x67: {  	[sflag:s0] =	ssyncadd.s32 @!p0 s1  }
0x68: {  	[bflag:$0x3] =	sbarrier.arrive $0xFFFF  }
0x69: {  	_ =	shalt  }

</sc_bundles>
